<compile_context>
chip_gen: v7x
topology: tpu7x:2x2x1
jax: 0.10.2.dev20260603
libtpu: 0.0.44.dev20260713+nightly
codegen_flags: <defaults>
</compile_context>

<pallas_src>
import jax
import jax.numpy as jnp
import numpy as np
from jax import lax
from jax.experimental import pallas as pl
from jax.experimental.pallas import tpu as pltpu
from jax.experimental.pallas import tpu_sc as plsc

_FEATURE_DIMS = [100000] * 26
_F = 26
_D = 32
_B = 4096
_NC, _NS = 2, 16
_NW = _NC * _NS
_BPW = _B // _NW
_RPW = _BPW * _F
_CW = 104
_EPS = 8
_SROWS = _EPS * _F
_NSTAGE = _BPW // _EPS

_OFFSETS_NP = np.concatenate([[0], np.cumsum(_FEATURE_DIMS)[:-1]]).astype(np.int32)

_P = np.arange(_RPW)
_OFFPAT_NP = _OFFSETS_NP[_P % _F]
_LT_NP = ((_P % _F) * _BPW + _P // _F).astype(np.int32)


def _body_a(x_hbm, off_hbm, lt_hbm, lin_hbm, idx_out, lsum_out,
            idx_v, off_v, lt_v, lidx_v, lin_v, lsum_v, sem_in, sem_l):
    c = lax.axis_index("c")
    s = lax.axis_index("s")
    wid = s * _NC + c

    d0 = pltpu.async_copy(x_hbm.at[pl.ds(wid * _RPW, _RPW)], idx_v, sem_in)
    d1 = pltpu.async_copy(off_hbm, off_v, sem_in)
    d2 = pltpu.async_copy(lt_hbm, lt_v, sem_in)
    d0.wait()
    d1.wait()
    d2.wait()

    def idx_body(i, carry):
        sl = pl.ds(i * 16, 16)
        v = idx_v[sl] + off_v[sl]
        idx_v[sl] = v
        plsc.store_scatter(lidx_v, [lt_v[sl]], v)
        return carry

    lax.fori_loop(0, _RPW // 16, idx_body, 0)

    out_d = pltpu.async_copy(idx_v, idx_out.at[pl.ds(wid * _RPW, _RPW)], sem_in)

    lin_descs = [
        pltpu.async_copy(lin_hbm.at[lidx_v.at[pl.ds(f * _BPW, _BPW)]],
                         lin_v.at[pl.ds(f * _BPW, _BPW)], sem_l)
        for f in range(_F)
    ]
    for d in lin_descs:
        d.wait()

    for g in range(_BPW // 16):
        acc = jnp.zeros((16,), jnp.float32)
        for f in range(_F):
            acc = acc + lin_v[pl.ds(f * _BPW + g * 16, 16)]
        lsum_v[pl.ds(g * 16, 16)] = acc

    out_d.wait()
    pltpu.sync_copy(lsum_v, lsum_out.at[pl.ds(wid * _BPW, _BPW)])


def _body_b(emb_hbm, idx_hbm, lsum_hbm, bias_hbm, out_hbm,
            idx_v, buf, lins_v, t_v, out_v, bias_v,
            sem_in, sem):
    c = lax.axis_index("c")
    s = lax.axis_index("s")
    wid = s * _NC + c

    d0 = pltpu.async_copy(idx_hbm.at[pl.ds(wid * _RPW, _RPW)], idx_v, sem_in)
    d1 = pltpu.async_copy(lsum_hbm.at[pl.ds(wid * _BPW, _BPW)], lins_v, sem_in)
    d2 = pltpu.async_copy(bias_hbm, bias_v, sem_in)
    d0.wait()
    d1.wait()
    d2.wait()

    iota = lax.iota(jnp.int32, 16)
    zeros_f = jnp.zeros((16,), jnp.float32)
    bias_vec = bias_v[:]

    def fire_stage(st):
        par = lax.rem(st, 2)
        halfoff = par * _SROWS

        def vec_body(i, carry):
            v = idx_v[pl.ds(st * _SROWS + i * 16, 16)]
            for l in range(16):
                r = v[l]
                pltpu.async_copy(
                    emb_hbm.at[pl.ds(r, 1), :],
                    buf.at[pl.ds(halfoff + i * 16 + l, 1), :],
                    sem.at[par],
                )
            return carry

        lax.fori_loop(0, _SROWS // 16, vec_body, 0)

    def prologue(st, carry):
        fire_stage(st)
        return carry

    lax.fori_loop(0, 2, prologue, 0)

    def stage_body(st, carry):
        par = lax.rem(st, 2)
        halfoff = par * _SROWS
        pltpu.make_async_copy(
            emb_hbm.at[pl.ds(0, _SROWS)],
            buf.at[pl.ds(halfoff, _SROWS)], sem.at[par]).wait()

        def elem_body(e, carry2):
            s0 = s1 = ss0 = ss1 = zeros_f
            for f in range(_F):
                j = halfoff + e * _F + f
                v0 = buf[j, pl.ds(0, 16)]
                v1 = buf[j, pl.ds(16, 16)]
                s0 = s0 + v0
                ss0 = ss0 + v0 * v0
                s1 = s1 + v1
                ss1 = ss1 + v1 * v1
            t = s0 * s0 + s1 * s1 - ss0 - ss1
            t_v[pl.ds((par * 8 + e) * 16, 16)] = t
            return carry2

        lax.fori_loop(0, _EPS, elem_body, 0)

        @pl.when(par == 1)
        def _epilogue():
            grp = st // 2
            fm = zeros_f
            for l in range(16):
                fm = fm + plsc.load_gather(t_v, [iota * 16 + l])
            r = lins_v[pl.ds(grp * 16, 16)] + bias_vec + 0.5 * fm
            out_v[pl.ds(grp * 16, 16)] = 1.0 / (1.0 + jnp.exp(-r))

        @pl.when(st + 2 < _NSTAGE)
        def _fire_next():
            fire_stage(st + 2)

        return carry

    lax.fori_loop(0, _NSTAGE, stage_body, 0)

    pltpu.sync_copy(out_v, out_hbm.at[pl.ds(wid * _BPW, _BPW)])


@jax.jit
def kernel(x, emb_table, lin_table, bias):
    mesh = plsc.VectorSubcoreMesh(core_axis_name="c", subcore_axis_name="s",
                                  num_cores=_NC, num_subcores=_NS)
    sc_params = pltpu.CompilerParams(
        needs_layout_passes=False,
        use_tc_tiling_on_sc=False,
    )
    kfn_a = pl.kernel(
        _body_a,
        out_type=(
            jax.ShapeDtypeStruct((_B * _F,), jnp.int32),
            jax.ShapeDtypeStruct((_B,), jnp.float32),
        ),
        mesh=mesh,
        compiler_params=sc_params,
        scratch_types=[
            pltpu.VMEM((_RPW,), jnp.int32),
            pltpu.VMEM((_RPW,), jnp.int32),
            pltpu.VMEM((_RPW,), jnp.int32),
            pltpu.VMEM((_RPW,), jnp.int32),
            pltpu.VMEM((_RPW,), jnp.float32),
            pltpu.VMEM((_BPW,), jnp.float32),
            pltpu.SemaphoreType.DMA,
            pltpu.SemaphoreType.DMA,
        ],
    )
    idx_all, lsum = kfn_a(x.reshape(-1), jnp.asarray(_OFFPAT_NP),
                          jnp.asarray(_LT_NP), lin_table.reshape(-1))

    kfn_b = pl.kernel(
        _body_b,
        out_type=jax.ShapeDtypeStruct((_B,), jnp.float32),
        mesh=mesh,
        compiler_params=pltpu.CompilerParams(needs_layout_passes=False),
        scratch_types=[
            pltpu.VMEM((_RPW,), jnp.int32),
            pltpu.VMEM((2 * _SROWS, _D), jnp.float32),
            pltpu.VMEM((_BPW,), jnp.float32),
            pltpu.VMEM((256,), jnp.float32),
            pltpu.VMEM((_BPW,), jnp.float32),
            pltpu.VMEM((16,), jnp.float32),
            pltpu.SemaphoreType.DMA,
            pltpu.SemaphoreType.DMA((2,)),
        ],
    )
    return kfn_b(emb_table, idx_all, lsum, jnp.broadcast_to(bias, (16,)))

# --- scband reference (transcript-rebuilt; emitter-appended) ---
"""Pipeline reference for scband-factorization-machine-1082331758813 (READ-ONLY COPY).

The authoritative reference and input builder live on the scoring server;
editing this copy changes nothing except your own understanding.
"""

import jax, jax.numpy as jnp
import numpy as np

FEATURE_DIMS = [100000] * 26
EMBED_DIM = 32
BATCH = 4096
N_FIELDS = len(FEATURE_DIMS)
TOTAL_ROWS = int(np.sum(FEATURE_DIMS))
OFFSETS = jnp.asarray(np.concatenate([[0], np.cumsum(FEATURE_DIMS)[:-1]]).astype(np.int32))


def setup_inputs(seed: int = 0) -> dict:
    key = jax.random.key(seed)
    k1, k2, k3 = jax.random.split(key, 3)
    # per-field indices, each in [0, field_dim); offsets applied inside reference
    x = jax.random.randint(k1, (BATCH, N_FIELDS), 0, FEATURE_DIMS[0], dtype=jnp.int32)
    emb_table = jax.random.normal(k2, (TOTAL_ROWS, EMBED_DIM), dtype=jnp.float32) * 0.01
    lin_table = jax.random.normal(k3, (TOTAL_ROWS, 1), dtype=jnp.float32) * 0.01
    bias = jnp.zeros((1,), dtype=jnp.float32)
    return {"x": x, "emb_table": emb_table, "lin_table": lin_table, "bias": bias}


def reference(x, emb_table, lin_table, bias):
    # FeaturesEmbedding: add per-field offsets, gather rows from the shared table
    idx = x + OFFSETS[None, :]                      # [B, F]
    e = jnp.take(emb_table, idx, axis=0)            # [B, F, D]
    # FactorizationMachineLayer (reduce_sum=True)
    square_of_sum = jnp.sum(e, axis=1) ** 2         # [B, D]
    sum_of_square = jnp.sum(e ** 2, axis=1)         # [B, D]
    fm = 0.5 * jnp.sum(square_of_sum - sum_of_square, axis=1, keepdims=True)  # [B, 1]
    # LinearLayer: 1-dim embedding + bias
    linear = jnp.sum(jnp.take(lin_table, idx, axis=0), axis=1) + bias         # [B, 1]
    out = jax.nn.sigmoid(jnp.squeeze(linear + fm, axis=1))                    # [B]
    return out

if __name__ == "__main__":
    import jax
    _d = setup_inputs()
    print(jax.jit(kernel)(*tuple(_d.values())))

</pallas_src>

<mosaic_0001>
#map = affine_map<(d0, d1) -> (0)>
module attributes {stable_mosaic.version = 14 : i64} {
  func.func @_body_a(%arg0: i32, %arg1: i32, %arg2: memref<106496xi32, #tpu.memory_space<hbm>>, %arg3: memref<3328xi32, #tpu.memory_space<hbm>>, %arg4: memref<3328xi32, #tpu.memory_space<hbm>>, %arg5: memref<2600000xf32, #tpu.memory_space<hbm>>, %arg6: memref<106496xi32, #tpu.memory_space<hbm>>, %arg7: memref<4096xf32, #tpu.memory_space<hbm>>, %arg8: memref<3328xi32, #tpu.memory_space<vmem>>, %arg9: memref<3328xi32, #tpu.memory_space<vmem>>, %arg10: memref<3328xi32, #tpu.memory_space<vmem>>, %arg11: memref<3328xi32, #tpu.memory_space<vmem>>, %arg12: memref<3328xf32, #tpu.memory_space<vmem>>, %arg13: memref<128xf32, #tpu.memory_space<vmem>>, %arg14: memref<!tpu.dma_semaphore, #tpu.memory_space<semaphore_mem>>, %arg15: memref<!tpu.dma_semaphore, #tpu.memory_space<semaphore_mem>>) attributes {dimension_semantics = [#tpu.dimension_semantics<core_parallel>, #tpu.dimension_semantics<subcore_parallel>], iteration_bounds = array<i64: 2, 16>, scalar_prefetch = 0 : i64, scratch_operands = 8 : i64, tpu.core_type = #tpu.core_type<sc_vector_subcore>, window_params = [{transform_indices = #map}, {transform_indices = #map}, {transform_indices = #map}, {transform_indices = #map}, {transform_indices = #map}, {transform_indices = #map}]} {
    %mul3A = arith.constant 2 : i32
    %mul3A_0 = arith.muli %arg1, %mul3A : i32
    %add3A = arith.addi %mul3A_0, %arg0 : i32
    %mul3A_1 = arith.constant 3328 : i32
    %mul3A_2 = arith.muli %add3A, %mul3A_1 : i32
    %dma_start3A = tpu.memref_slice %arg2[%mul3A_2] : memref<106496xi32, #tpu.memory_space<hbm>> -> memref<3328xi32, #tpu.memory_space<hbm>>
    %dma_start3A_3 = tpu.memref_slice %arg2[%mul3A_2] : memref<106496xi32, #tpu.memory_space<hbm>> -> memref<3328xi32, #tpu.memory_space<hbm>>
    tpu.enqueue_dma source(%dma_start3A_3 : memref<3328xi32, #tpu.memory_space<hbm>>) target(%arg8 : memref<3328xi32, #tpu.memory_space<vmem>>) target_semaphore(%arg14 : memref<!tpu.dma_semaphore, #tpu.memory_space<semaphore_mem>>)
    tpu.enqueue_dma source(%arg3 : memref<3328xi32, #tpu.memory_space<hbm>>) target(%arg9 : memref<3328xi32, #tpu.memory_space<vmem>>) target_semaphore(%arg14 : memref<!tpu.dma_semaphore, #tpu.memory_space<semaphore_mem>>)
    tpu.enqueue_dma source(%arg4 : memref<3328xi32, #tpu.memory_space<hbm>>) target(%arg10 : memref<3328xi32, #tpu.memory_space<vmem>>) target_semaphore(%arg14 : memref<!tpu.dma_semaphore, #tpu.memory_space<semaphore_mem>>)
    %dma_wait3A = tpu.memref_slice %arg2[%mul3A_2] : memref<106496xi32, #tpu.memory_space<hbm>> -> memref<3328xi32, #tpu.memory_space<hbm>>
    %dma_wait3A_4 = tpu.memref_slice %arg2[%mul3A_2] : memref<106496xi32, #tpu.memory_space<hbm>> -> memref<3328xi32, #tpu.memory_space<hbm>>
    tpu.wait_dma2 semaphore(%arg14 : memref<!tpu.dma_semaphore, #tpu.memory_space<semaphore_mem>>) src(%dma_wait3A_4 : memref<3328xi32, #tpu.memory_space<hbm>>) dst(%arg8 : memref<3328xi32, #tpu.memory_space<vmem>>)
    tpu.wait_dma2 semaphore(%arg14 : memref<!tpu.dma_semaphore, #tpu.memory_space<semaphore_mem>>) src(%arg3 : memref<3328xi32, #tpu.memory_space<hbm>>) dst(%arg9 : memref<3328xi32, #tpu.memory_space<vmem>>)
    tpu.wait_dma2 semaphore(%arg14 : memref<!tpu.dma_semaphore, #tpu.memory_space<semaphore_mem>>) src(%arg4 : memref<3328xi32, #tpu.memory_space<hbm>>) dst(%arg10 : memref<3328xi32, #tpu.memory_space<vmem>>)
    %scan3A = arith.constant 0 : i32
    %scan3A_5 = arith.constant 0 : i32
    %scan3A_6 = arith.constant 208 : i32
    %scan3A_7 = arith.addi %scan3A_5, %scan3A_6 : i32
    %scan3A_8 = arith.constant 1 : i32
    scf.for %scan3A_983 = %scan3A_5 to %scan3A_7 step %scan3A_8  : i32 {
      %mul3A_984 = arith.constant 16 : i32
      %mul3A_985 = arith.muli %scan3A_983, %mul3A_984 : i32
      %get3A_986 = arith.index_cast %mul3A_985 : i32 to index
      %get3A_987 = tpu.vector_load %arg8[%get3A_986] {strides = array<i32>} : memref<3328xi32, #tpu.memory_space<vmem>>, vector<16xi32>,
      %get3A_988 = arith.index_cast %mul3A_985 : i32 to index
      %get3A_989 = tpu.vector_load %arg9[%get3A_988] {strides = array<i32>} : memref<3328xi32, #tpu.memory_space<vmem>>, vector<16xi32>,
      %add3A_990 = arith.addi %get3A_987, %get3A_989 : vector<16xi32>
      %swap3A_991 = arith.index_cast %mul3A_985 : i32 to index
      %swap3A_992 = tpu.vector_load %arg8[%swap3A_991] {strides = array<i32>} : memref<3328xi32, #tpu.memory_space<vmem>>, vector<16xi32>,
      tpu.vector_store %arg8[%swap3A_991], %add3A_990 {strides = array<i32>} : memref<3328xi32, #tpu.memory_space<vmem>>, vector<16xi32>,
      %get3A_993 = arith.index_cast %mul3A_985 : i32 to index
      %get3A_994 = tpu.vector_load %arg10[%get3A_993] {strides = array<i32>} : memref<3328xi32, #tpu.memory_space<vmem>>, vector<16xi32>,
      tpu.vector_store_idx %arg11[%get3A_994], %add3A_990 : memref<3328xi32, #tpu.memory_space<vmem>>[vector<16xi32>], vector<16xi32>,
    }
    %scan3A_9 = arith.constant 208 : i32
    %mul3A_10 = arith.constant 3328 : i32
    %mul3A_11 = arith.muli %add3A, %mul3A_10 : i32
    %dma_start3A_12 = tpu.memref_slice %arg6[%mul3A_11] : memref<106496xi32, #tpu.memory_space<hbm>> -> memref<3328xi32, #tpu.memory_space<hbm>>
    %dma_start3A_13 = tpu.memref_slice %arg6[%mul3A_11] : memref<106496xi32, #tpu.memory_space<hbm>> -> memref<3328xi32, #tpu.memory_space<hbm>>
    tpu.enqueue_dma source(%arg8 : memref<3328xi32, #tpu.memory_space<vmem>>) target(%dma_start3A_13 : memref<3328xi32, #tpu.memory_space<hbm>>) target_semaphore(%arg14 : memref<!tpu.dma_semaphore, #tpu.memory_space<semaphore_mem>>)
    %dma_start3A_14 = arith.constant 0 : i32
    %dma_start3A_15 = tpu.memref_slice %arg12[%dma_start3A_14] : memref<3328xf32, #tpu.memory_space<vmem>> -> memref<128xf32, #tpu.memory_space<vmem>>
    %dma_start3A_16 = arith.constant 0 : i32
    %dma_start3A_17 = tpu.memref_slice %arg11[%dma_start3A_16] : memref<3328xi32, #tpu.memory_space<vmem>> -> memref<128xi32, #tpu.memory_space<vmem>>
    %dma_start3A_18 = arith.constant 0 : i32
    %dma_start3A_19 = tpu.memref_slice %arg5[%dma_start3A_18] : memref<2600000xf32, #tpu.memory_space<hbm>> -> memref<2600000xf32, #tpu.memory_space<hbm>>
    tpu.enqueue_indirect_dma source(%dma_start3A_19 : memref<2600000xf32, #tpu.memory_space<hbm>>) target(%dma_start3A_15 : memref<128xf32, #tpu.memory_space<vmem>>) offsets(%dma_start3A_17 : memref<128xi32, #tpu.memory_space<vmem>>) semaphore(%arg15 : memref<!tpu.dma_semaphore, #tpu.memory_space<semaphore_mem>>)
    %dma_start3A_20 = arith.constant 128 : i32
    %dma_start3A_21 = tpu.memref_slice %arg12[%dma_start3A_20] : memref<3328xf32, #tpu.memory_space<vmem>> -> memref<128xf32, #tpu.memory_space<vmem>>
    %dma_start3A_22 = arith.constant 128 : i32
    %dma_start3A_23 = tpu.memref_slice %arg11[%dma_start3A_22] : memref<3328xi32, #tpu.memory_space<vmem>> -> memref<128xi32, #tpu.memory_space<vmem>>
    %dma_start3A_24 = arith.constant 0 : i32
    %dma_start3A_25 = tpu.memref_slice %arg5[%dma_start3A_24] : memref<2600000xf32, #tpu.memory_space<hbm>> -> memref<2600000xf32, #tpu.memory_space<hbm>>
    tpu.enqueue_indirect_dma source(%dma_start3A_25 : memref<2600000xf32, #tpu.memory_space<hbm>>) target(%dma_start3A_21 : memref<128xf32, #tpu.memory_space<vmem>>) offsets(%dma_start3A_23 : memref<128xi32, #tpu.memory_space<vmem>>) semaphore(%arg15 : memref<!tpu.dma_semaphore, #tpu.memory_space<semaphore_mem>>)
    %dma_start3A_26 = arith.constant 256 : i32
    %dma_start3A_27 = tpu.memref_slice %arg12[%dma_start3A_26] : memref<3328xf32, #tpu.memory_space<vmem>> -> memref<128xf32, #tpu.memory_space<vmem>>
    %dma_start3A_28 = arith.constant 256 : i32
    %dma_start3A_29 = tpu.memref_slice %arg11[%dma_start3A_28] : memref<3328xi32, #tpu.memory_space<vmem>> -> memref<128xi32, #tpu.memory_space<vmem>>
    %dma_start3A_30 = arith.constant 0 : i32
    %dma_start3A_31 = tpu.memref_slice %arg5[%dma_start3A_30] : memref<2600000xf32, #tpu.memory_space<hbm>> -> memref<2600000xf32, #tpu.memory_space<hbm>>
    tpu.enqueue_indirect_dma source(%dma_start3A_31 : memref<2600000xf32, #tpu.memory_space<hbm>>) target(%dma_start3A_27 : memref<128xf32, #tpu.memory_space<vmem>>) offsets(%dma_start3A_29 : memref<128xi32, #tpu.memory_space<vmem>>) semaphore(%arg15 : memref<!tpu.dma_semaphore, #tpu.memory_space<semaphore_mem>>)
    %dma_start3A_32 = arith.constant 384 : i32
    %dma_start3A_33 = tpu.memref_slice %arg12[%dma_start3A_32] : memref<3328xf32, #tpu.memory_space<vmem>> -> memref<128xf32, #tpu.memory_space<vmem>>
    %dma_start3A_34 = arith.constant 384 : i32
    %dma_start3A_35 = tpu.memref_slice %arg11[%dma_start3A_34] : memref<3328xi32, #tpu.memory_space<vmem>> -> memref<128xi32, #tpu.memory_space<vmem>>
    %dma_start3A_36 = arith.constant 0 : i32
    %dma_start3A_37 = tpu.memref_slice %arg5[%dma_start3A_36] : memref<2600000xf32, #tpu.memory_space<hbm>> -> memref<2600000xf32, #tpu.memory_space<hbm>>
    tpu.enqueue_indirect_dma source(%dma_start3A_37 : memref<2600000xf32, #tpu.memory_space<hbm>>) target(%dma_start3A_33 : memref<128xf32, #tpu.memory_space<vmem>>) offsets(%dma_start3A_35 : memref<128xi32, #tpu.memory_space<vmem>>) semaphore(%arg15 : memref<!tpu.dma_semaphore, #tpu.memory_space<semaphore_mem>>)
    %dma_start3A_38 = arith.constant 512 : i32
    %dma_start3A_39 = tpu.memref_slice %arg12[%dma_start3A_38] : memref<3328xf32, #tpu.memory_space<vmem>> -> memref<128xf32, #tpu.memory_space<vmem>>
    %dma_start3A_40 = arith.constant 512 : i32
    %dma_start3A_41 = tpu.memref_slice %arg11[%dma_start3A_40] : memref<3328xi32, #tpu.memory_space<vmem>> -> memref<128xi32, #tpu.memory_space<vmem>>
    %dma_start3A_42 = arith.constant 0 : i32
    %dma_start3A_43 = tpu.memref_slice %arg5[%dma_start3A_42] : memref<2600000xf32, #tpu.memory_space<hbm>> -> memref<2600000xf32, #tpu.memory_space<hbm>>
    tpu.enqueue_indirect_dma source(%dma_start3A_43 : memref<2600000xf32, #tpu.memory_space<hbm>>) target(%dma_start3A_39 : memref<128xf32, #tpu.memory_space<vmem>>) offsets(%dma_start3A_41 : memref<128xi32, #tpu.memory_space<vmem>>) semaphore(%arg15 : memref<!tpu.dma_semaphore, #tpu.memory_space<semaphore_mem>>)
    %dma_start3A_44 = arith.constant 640 : i32
    %dma_start3A_45 = tpu.memref_slice %arg12[%dma_start3A_44] : memref<3328xf32, #tpu.memory_space<vmem>> -> memref<128xf32, #tpu.memory_space<vmem>>
    %dma_start3A_46 = arith.constant 640 : i32
    %dma_start3A_47 = tpu.memref_slice %arg11[%dma_start3A_46] : memref<3328xi32, #tpu.memory_space<vmem>> -> memref<128xi32, #tpu.memory_space<vmem>>
    %dma_start3A_48 = arith.constant 0 : i32
    %dma_start3A_49 = tpu.memref_slice %arg5[%dma_start3A_48] : memref<2600000xf32, #tpu.memory_space<hbm>> -> memref<2600000xf32, #tpu.memory_space<hbm>>
    tpu.enqueue_indirect_dma source(%dma_start3A_49 : memref<2600000xf32, #tpu.memory_space<hbm>>) target(%dma_start3A_45 : memref<128xf32, #tpu.memory_space<vmem>>) offsets(%dma_start3A_47 : memref<128xi32, #tpu.memory_space<vmem>>) semaphore(%arg15 : memref<!tpu.dma_semaphore, #tpu.memory_space<semaphore_mem>>)
    %dma_start3A_50 = arith.constant 768 : i32
    %dma_start3A_51 = tpu.memref_slice %arg12[%dma_start3A_50] : memref<3328xf32, #tpu.memory_space<vmem>> -> memref<128xf32, #tpu.memory_space<vmem>>
    %dma_start3A_52 = arith.constant 768 : i32
    %dma_start3A_53 = tpu.memref_slice %arg11[%dma_start3A_52] : memref<3328xi32, #tpu.memory_space<vmem>> -> memref<128xi32, #tpu.memory_space<vmem>>
    %dma_start3A_54 = arith.constant 0 : i32
    %dma_start3A_55 = tpu.memref_slice %arg5[%dma_start3A_54] : memref<2600000xf32, #tpu.memory_space<hbm>> -> memref<2600000xf32, #tpu.memory_space<hbm>>
    tpu.enqueue_indirect_dma source(%dma_start3A_55 : memref<2600000xf32, #tpu.memory_space<hbm>>) target(%dma_start3A_51 : memref<128xf32, #tpu.memory_space<vmem>>) offsets(%dma_start3A_53 : memref<128xi32, #tpu.memory_space<vmem>>) semaphore(%arg15 : memref<!tpu.dma_semaphore, #tpu.memory_space<semaphore_mem>>)
    %dma_start3A_56 = arith.constant 896 : i32
    %dma_start3A_57 = tpu.memref_slice %arg12[%dma_start3A_56] : memref<3328xf32, #tpu.memory_space<vmem>> -> memref<128xf32, #tpu.memory_space<vmem>>
    %dma_start3A_58 = arith.constant 896 : i32
    %dma_start3A_59 = tpu.memref_slice %arg11[%dma_start3A_58] : memref<3328xi32, #tpu.memory_space<vmem>> -> memref<128xi32, #tpu.memory_space<vmem>>
    %dma_start3A_60 = arith.constant 0 : i32
    %dma_start3A_61 = tpu.memref_slice %arg5[%dma_start3A_60] : memref<2600000xf32, #tpu.memory_space<hbm>> -> memref<2600000xf32, #tpu.memory_space<hbm>>
    tpu.enqueue_indirect_dma source(%dma_start3A_61 : memref<2600000xf32, #tpu.memory_space<hbm>>) target(%dma_start3A_57 : memref<128xf32, #tpu.memory_space<vmem>>) offsets(%dma_start3A_59 : memref<128xi32, #tpu.memory_space<vmem>>) semaphore(%arg15 : memref<!tpu.dma_semaphore, #tpu.memory_space<semaphore_mem>>)
    %dma_start3A_62 = arith.constant 1024 : i32
    %dma_start3A_63 = tpu.memref_slice %arg12[%dma_start3A_62] : memref<3328xf32, #tpu.memory_space<vmem>> -> memref<128xf32, #tpu.memory_space<vmem>>
    %dma_start3A_64 = arith.constant 1024 : i32
    %dma_start3A_65 = tpu.memref_slice %arg11[%dma_start3A_64] : memref<3328xi32, #tpu.memory_space<vmem>> -> memref<128xi32, #tpu.memory_space<vmem>>
    %dma_start3A_66 = arith.constant 0 : i32
    %dma_start3A_67 = tpu.memref_slice %arg5[%dma_start3A_66] : memref<2600000xf32, #tpu.memory_space<hbm>> -> memref<2600000xf32, #tpu.memory_space<hbm>>
    tpu.enqueue_indirect_dma source(%dma_start3A_67 : memref<2600000xf32, #tpu.memory_space<hbm>>) target(%dma_start3A_63 : memref<128xf32, #tpu.memory_space<vmem>>) offsets(%dma_start3A_65 : memref<128xi32, #tpu.memory_space<vmem>>) semaphore(%arg15 : memref<!tpu.dma_semaphore, #tpu.memory_space<semaphore_mem>>)
    %dma_start3A_68 = arith.constant 1152 : i32
    %dma_start3A_69 = tpu.memref_slice %arg12[%dma_start3A_68] : memref<3328xf32, #tpu.memory_space<vmem>> -> memref<128xf32, #tpu.memory_space<vmem>>
    %dma_start3A_70 = arith.constant 1152 : i32
    %dma_start3A_71 = tpu.memref_slice %arg11[%dma_start3A_70] : memref<3328xi32, #tpu.memory_space<vmem>> -> memref<128xi32, #tpu.memory_space<vmem>>
    %dma_start3A_72 = arith.constant 0 : i32
    %dma_start3A_73 = tpu.memref_slice %arg5[%dma_start3A_72] : memref<2600000xf32, #tpu.memory_space<hbm>> -> memref<2600000xf32, #tpu.memory_space<hbm>>
    tpu.enqueue_indirect_dma source(%dma_start3A_73 : memref<2600000xf32, #tpu.memory_space<hbm>>) target(%dma_start3A_69 : memref<128xf32, #tpu.memory_space<vmem>>) offsets(%dma_start3A_71 : memref<128xi32, #tpu.memory_space<vmem>>) semaphore(%arg15 : memref<!tpu.dma_semaphore, #tpu.memory_space<semaphore_mem>>)
    %dma_start3A_74 = arith.constant 1280 : i32
    %dma_start3A_75 = tpu.memref_slice %arg12[%dma_start3A_74] : memref<3328xf32, #tpu.memory_space<vmem>> -> memref<128xf32, #tpu.memory_space<vmem>>
    %dma_start3A_76 = arith.constant 1280 : i32
    %dma_start3A_77 = tpu.memref_slice %arg11[%dma_start3A_76] : memref<3328xi32, #tpu.memory_space<vmem>> -> memref<128xi32, #tpu.memory_space<vmem>>
    %dma_start3A_78 = arith.constant 0 : i32
    %dma_start3A_79 = tpu.memref_slice %arg5[%dma_start3A_78] : memref<2600000xf32, #tpu.memory_space<hbm>> -> memref<2600000xf32, #tpu.memory_space<hbm>>
    tpu.enqueue_indirect_dma source(%dma_start3A_79 : memref<2600000xf32, #tpu.memory_space<hbm>>) target(%dma_start3A_75 : memref<128xf32, #tpu.memory_space<vmem>>) offsets(%dma_start3A_77 : memref<128xi32, #tpu.memory_space<vmem>>) semaphore(%arg15 : memref<!tpu.dma_semaphore, #tpu.memory_space<semaphore_mem>>)
    %dma_start3A_80 = arith.constant 1408 : i32
    %dma_start3A_81 = tpu.memref_slice %arg12[%dma_start3A_80] : memref<3328xf32, #tpu.memory_space<vmem>> -> memref<128xf32, #tpu.memory_space<vmem>>
    %dma_start3A_82 = arith.constant 1408 : i32
    %dma_start3A_83 = tpu.memref_slice %arg11[%dma_start3A_82] : memref<3328xi32, #tpu.memory_space<vmem>> -> memref<128xi32, #tpu.memory_space<vmem>>
    %dma_start3A_84 = arith.constant 0 : i32
    %dma_start3A_85 = tpu.memref_slice %arg5[%dma_start3A_84] : memref<2600000xf32, #tpu.memory_space<hbm>> -> memref<2600000xf32, #tpu.memory_space<hbm>>
    tpu.enqueue_indirect_dma source(%dma_start3A_85 : memref<2600000xf32, #tpu.memory_space<hbm>>) target(%dma_start3A_81 : memref<128xf32, #tpu.memory_space<vmem>>) offsets(%dma_start3A_83 : memref<128xi32, #tpu.memory_space<vmem>>) semaphore(%arg15 : memref<!tpu.dma_semaphore, #tpu.memory_space<semaphore_mem>>)
    %dma_start3A_86 = arith.constant 1536 : i32
    %dma_start3A_87 = tpu.memref_slice %arg12[%dma_start3A_86] : memref<3328xf32, #tpu.memory_space<vmem>> -> memref<128xf32, #tpu.memory_space<vmem>>
    %dma_start3A_88 = arith.constant 1536 : i32
    %dma_start3A_89 = tpu.memref_slice %arg11[%dma_start3A_88] : memref<3328xi32, #tpu.memory_space<vmem>> -> memref<128xi32, #tpu.memory_space<vmem>>
    %dma_start3A_90 = arith.constant 0 : i32
    %dma_start3A_91 = tpu.memref_slice %arg5[%dma_start3A_90] : memref<2600000xf32, #tpu.memory_space<hbm>> -> memref<2600000xf32, #tpu.memory_space<hbm>>
    tpu.enqueue_indirect_dma source(%dma_start3A_91 : memref<2600000xf32, #tpu.memory_space<hbm>>) target(%dma_start3A_87 : memref<128xf32, #tpu.memory_space<vmem>>) offsets(%dma_start3A_89 : memref<128xi32, #tpu.memory_space<vmem>>) semaphore(%arg15 : memref<!tpu.dma_semaphore, #tpu.memory_space<semaphore_mem>>)
    %dma_start3A_92 = arith.constant 1664 : i32
    %dma_start3A_93 = tpu.memref_slice %arg12[%dma_start3A_92] : memref<3328xf32, #tpu.memory_space<vmem>> -> memref<128xf32, #tpu.memory_space<vmem>>
    %dma_start3A_94 = arith.constant 1664 : i32
    %dma_start3A_95 = tpu.memref_slice %arg11[%dma_start3A_94] : memref<3328xi32, #tpu.memory_space<vmem>> -> memref<128xi32, #tpu.memory_space<vmem>>
    %dma_start3A_96 = arith.constant 0 : i32
    %dma_start3A_97 = tpu.memref_slice %arg5[%dma_start3A_96] : memref<2600000xf32, #tpu.memory_space<hbm>> -> memref<2600000xf32, #tpu.memory_space<hbm>>
    tpu.enqueue_indirect_dma source(%dma_start3A_97 : memref<2600000xf32, #tpu.memory_space<hbm>>) target(%dma_start3A_93 : memref<128xf32, #tpu.memory_space<vmem>>) offsets(%dma_start3A_95 : memref<128xi32, #tpu.memory_space<vmem>>) semaphore(%arg15 : memref<!tpu.dma_semaphore, #tpu.memory_space<semaphore_mem>>)
    %dma_start3A_98 = arith.constant 1792 : i32
    %dma_start3A_99 = tpu.memref_slice %arg12[%dma_start3A_98] : memref<3328xf32, #tpu.memory_space<vmem>> -> memref<128xf32, #tpu.memory_space<vmem>>
    %dma_start3A_100 = arith.constant 1792 : i32
    %dma_start3A_101 = tpu.memref_slice %arg11[%dma_start3A_100] : memref<3328xi32, #tpu.memory_space<vmem>> -> memref<128xi32, #tpu.memory_space<vmem>>
    %dma_start3A_102 = arith.constant 0 : i32
    %dma_start3A_103 = tpu.memref_slice %arg5[%dma_start3A_102] : memref<2600000xf32, #tpu.memory_space<hbm>> -> memref<2600000xf32, #tpu.memory_space<hbm>>
    tpu.enqueue_indirect_dma source(%dma_start3A_103 : memref<2600000xf32, #tpu.memory_space<hbm>>) target(%dma_start3A_99 : memref<128xf32, #tpu.memory_space<vmem>>) offsets(%dma_start3A_101 : memref<128xi32, #tpu.memory_space<vmem>>) semaphore(%arg15 : memref<!tpu.dma_semaphore, #tpu.memory_space<semaphore_mem>>)
    %dma_start3A_104 = arith.constant 1920 : i32
    %dma_start3A_105 = tpu.memref_slice %arg12[%dma_start3A_104] : memref<3328xf32, #tpu.memory_space<vmem>> -> memref<128xf32, #tpu.memory_space<vmem>>
    %dma_start3A_106 = arith.constant 1920 : i32
    %dma_start3A_107 = tpu.memref_slice %arg11[%dma_start3A_106] : memref<3328xi32, #tpu.memory_space<vmem>> -> memref<128xi32, #tpu.memory_space<vmem>>
    %dma_start3A_108 = arith.constant 0 : i32
    %dma_start3A_109 = tpu.memref_slice %arg5[%dma_start3A_108] : memref<2600000xf32, #tpu.memory_space<hbm>> -> memref<2600000xf32, #tpu.memory_space<hbm>>
    tpu.enqueue_indirect_dma source(%dma_start3A_109 : memref<2600000xf32, #tpu.memory_space<hbm>>) target(%dma_start3A_105 : memref<128xf32, #tpu.memory_space<vmem>>) offsets(%dma_start3A_107 : memref<128xi32, #tpu.memory_space<vmem>>) semaphore(%arg15 : memref<!tpu.dma_semaphore, #tpu.memory_space<semaphore_mem>>)
    %dma_start3A_110 = arith.constant 2048 : i32
    %dma_start3A_111 = tpu.memref_slice %arg12[%dma_start3A_110] : memref<3328xf32, #tpu.memory_space<vmem>> -> memref<128xf32, #tpu.memory_space<vmem>>
    %dma_start3A_112 = arith.constant 2048 : i32
    %dma_start3A_113 = tpu.memref_slice %arg11[%dma_start3A_112] : memref<3328xi32, #tpu.memory_space<vmem>> -> memref<128xi32, #tpu.memory_space<vmem>>
    %dma_start3A_114 = arith.constant 0 : i32
    %dma_start3A_115 = tpu.memref_slice %arg5[%dma_start3A_114] : memref<2600000xf32, #tpu.memory_space<hbm>> -> memref<2600000xf32, #tpu.memory_space<hbm>>
    tpu.enqueue_indirect_dma source(%dma_start3A_115 : memref<2600000xf32, #tpu.memory_space<hbm>>) target(%dma_start3A_111 : memref<128xf32, #tpu.memory_space<vmem>>) offsets(%dma_start3A_113 : memref<128xi32, #tpu.memory_space<vmem>>) semaphore(%arg15 : memref<!tpu.dma_semaphore, #tpu.memory_space<semaphore_mem>>)
    %dma_start3A_116 = arith.constant 2176 : i32
    %dma_start3A_117 = tpu.memref_slice %arg12[%dma_start3A_116] : memref<3328xf32, #tpu.memory_space<vmem>> -> memref<128xf32, #tpu.memory_space<vmem>>
    %dma_start3A_118 = arith.constant 2176 : i32
    %dma_start3A_119 = tpu.memref_slice %arg11[%dma_start3A_118] : memref<3328xi32, #tpu.memory_space<vmem>> -> memref<128xi32, #tpu.memory_space<vmem>>
    %dma_start3A_120 = arith.constant 0 : i32
    %dma_start3A_121 = tpu.memref_slice %arg5[%dma_start3A_120] : memref<2600000xf32, #tpu.memory_space<hbm>> -> memref<2600000xf32, #tpu.memory_space<hbm>>
    tpu.enqueue_indirect_dma source(%dma_start3A_121 : memref<2600000xf32, #tpu.memory_space<hbm>>) target(%dma_start3A_117 : memref<128xf32, #tpu.memory_space<vmem>>) offsets(%dma_start3A_119 : memref<128xi32, #tpu.memory_space<vmem>>) semaphore(%arg15 : memref<!tpu.dma_semaphore, #tpu.memory_space<semaphore_mem>>)
    %dma_start3A_122 = arith.constant 2304 : i32
    %dma_start3A_123 = tpu.memref_slice %arg12[%dma_start3A_122] : memref<3328xf32, #tpu.memory_space<vmem>> -> memref<128xf32, #tpu.memory_space<vmem>>
    %dma_start3A_124 = arith.constant 2304 : i32
    %dma_start3A_125 = tpu.memref_slice %arg11[%dma_start3A_124] : memref<3328xi32, #tpu.memory_space<vmem>> -> memref<128xi32, #tpu.memory_space<vmem>>
    %dma_start3A_126 = arith.constant 0 : i32
    %dma_start3A_127 = tpu.memref_slice %arg5[%dma_start3A_126] : memref<2600000xf32, #tpu.memory_space<hbm>> -> memref<2600000xf32, #tpu.memory_space<hbm>>
    tpu.enqueue_indirect_dma source(%dma_start3A_127 : memref<2600000xf32, #tpu.memory_space<hbm>>) target(%dma_start3A_123 : memref<128xf32, #tpu.memory_space<vmem>>) offsets(%dma_start3A_125 : memref<128xi32, #tpu.memory_space<vmem>>) semaphore(%arg15 : memref<!tpu.dma_semaphore, #tpu.memory_space<semaphore_mem>>)
    %dma_start3A_128 = arith.constant 2432 : i32
    %dma_start3A_129 = tpu.memref_slice %arg12[%dma_start3A_128] : memref<3328xf32, #tpu.memory_space<vmem>> -> memref<128xf32, #tpu.memory_space<vmem>>
    %dma_start3A_130 = arith.constant 2432 : i32
    %dma_start3A_131 = tpu.memref_slice %arg11[%dma_start3A_130] : memref<3328xi32, #tpu.memory_space<vmem>> -> memref<128xi32, #tpu.memory_space<vmem>>
    %dma_start3A_132 = arith.constant 0 : i32
    %dma_start3A_133 = tpu.memref_slice %arg5[%dma_start3A_132] : memref<2600000xf32, #tpu.memory_space<hbm>> -> memref<2600000xf32, #tpu.memory_space<hbm>>
    tpu.enqueue_indirect_dma source(%dma_start3A_133 : memref<2600000xf32, #tpu.memory_space<hbm>>) target(%dma_start3A_129 : memref<128xf32, #tpu.memory_space<vmem>>) offsets(%dma_start3A_131 : memref<128xi32, #tpu.memory_space<vmem>>) semaphore(%arg15 : memref<!tpu.dma_semaphore, #tpu.memory_space<semaphore_mem>>)
    %dma_start3A_134 = arith.constant 2560 : i32
    %dma_start3A_135 = tpu.memref_slice %arg12[%dma_start3A_134] : memref<3328xf32, #tpu.memory_space<vmem>> -> memref<128xf32, #tpu.memory_space<vmem>>
    %dma_start3A_136 = arith.constant 2560 : i32
    %dma_start3A_137 = tpu.memref_slice %arg11[%dma_start3A_136] : memref<3328xi32, #tpu.memory_space<vmem>> -> memref<128xi32, #tpu.memory_space<vmem>>
    %dma_start3A_138 = arith.constant 0 : i32
    %dma_start3A_139 = tpu.memref_slice %arg5[%dma_start3A_138] : memref<2600000xf32, #tpu.memory_space<hbm>> -> memref<2600000xf32, #tpu.memory_space<hbm>>
    tpu.enqueue_indirect_dma source(%dma_start3A_139 : memref<2600000xf32, #tpu.memory_space<hbm>>) target(%dma_start3A_135 : memref<128xf32, #tpu.memory_space<vmem>>) offsets(%dma_start3A_137 : memref<128xi32, #tpu.memory_space<vmem>>) semaphore(%arg15 : memref<!tpu.dma_semaphore, #tpu.memory_space<semaphore_mem>>)
    %dma_start3A_140 = arith.constant 2688 : i32
    %dma_start3A_141 = tpu.memref_slice %arg12[%dma_start3A_140] : memref<3328xf32, #tpu.memory_space<vmem>> -> memref<128xf32, #tpu.memory_space<vmem>>
    %dma_start3A_142 = arith.constant 2688 : i32
    %dma_start3A_143 = tpu.memref_slice %arg11[%dma_start3A_142] : memref<3328xi32, #tpu.memory_space<vmem>> -> memref<128xi32, #tpu.memory_space<vmem>>
    %dma_start3A_144 = arith.constant 0 : i32
    %dma_start3A_145 = tpu.memref_slice %arg5[%dma_start3A_144] : memref<2600000xf32, #tpu.memory_space<hbm>> -> memref<2600000xf32, #tpu.memory_space<hbm>>
    tpu.enqueue_indirect_dma source(%dma_start3A_145 : memref<2600000xf32, #tpu.memory_space<hbm>>) target(%dma_start3A_141 : memref<128xf32, #tpu.memory_space<vmem>>) offsets(%dma_start3A_143 : memref<128xi32, #tpu.memory_space<vmem>>) semaphore(%arg15 : memref<!tpu.dma_semaphore, #tpu.memory_space<semaphore_mem>>)
    %dma_start3A_146 = arith.constant 2816 : i32
    %dma_start3A_147 = tpu.memref_slice %arg12[%dma_start3A_146] : memref<3328xf32, #tpu.memory_space<vmem>> -> memref<128xf32, #tpu.memory_space<vmem>>
    %dma_start3A_148 = arith.constant 2816 : i32
    %dma_start3A_149 = tpu.memref_slice %arg11[%dma_start3A_148] : memref<3328xi32, #tpu.memory_space<vmem>> -> memref<128xi32, #tpu.memory_space<vmem>>
    %dma_start3A_150 = arith.constant 0 : i32
    %dma_start3A_151 = tpu.memref_slice %arg5[%dma_start3A_150] : memref<2600000xf32, #tpu.memory_space<hbm>> -> memref<2600000xf32, #tpu.memory_space<hbm>>
    tpu.enqueue_indirect_dma source(%dma_start3A_151 : memref<2600000xf32, #tpu.memory_space<hbm>>) target(%dma_start3A_147 : memref<128xf32, #tpu.memory_space<vmem>>) offsets(%dma_start3A_149 : memref<128xi32, #tpu.memory_space<vmem>>) semaphore(%arg15 : memref<!tpu.dma_semaphore, #tpu.memory_space<semaphore_mem>>)
    %dma_start3A_152 = arith.constant 2944 : i32
    %dma_start3A_153 = tpu.memref_slice %arg12[%dma_start3A_152] : memref<3328xf32, #tpu.memory_space<vmem>> -> memref<128xf32, #tpu.memory_space<vmem>>
    %dma_start3A_154 = arith.constant 2944 : i32
    %dma_start3A_155 = tpu.memref_slice %arg11[%dma_start3A_154] : memref<3328xi32, #tpu.memory_space<vmem>> -> memref<128xi32, #tpu.memory_space<vmem>>
    %dma_start3A_156 = arith.constant 0 : i32
    %dma_start3A_157 = tpu.memref_slice %arg5[%dma_start3A_156] : memref<2600000xf32, #tpu.memory_space<hbm>> -> memref<2600000xf32, #tpu.memory_space<hbm>>
    tpu.enqueue_indirect_dma source(%dma_start3A_157 : memref<2600000xf32, #tpu.memory_space<hbm>>) target(%dma_start3A_153 : memref<128xf32, #tpu.memory_space<vmem>>) offsets(%dma_start3A_155 : memref<128xi32, #tpu.memory_space<vmem>>) semaphore(%arg15 : memref<!tpu.dma_semaphore, #tpu.memory_space<semaphore_mem>>)
    %dma_start3A_158 = arith.constant 3072 : i32
    %dma_start3A_159 = tpu.memref_slice %arg12[%dma_start3A_158] : memref<3328xf32, #tpu.memory_space<vmem>> -> memref<128xf32, #tpu.memory_space<vmem>>
    %dma_start3A_160 = arith.constant 3072 : i32
    %dma_start3A_161 = tpu.memref_slice %arg11[%dma_start3A_160] : memref<3328xi32, #tpu.memory_space<vmem>> -> memref<128xi32, #tpu.memory_space<vmem>>
    %dma_start3A_162 = arith.constant 0 : i32
    %dma_start3A_163 = tpu.memref_slice %arg5[%dma_start3A_162] : memref<2600000xf32, #tpu.memory_space<hbm>> -> memref<2600000xf32, #tpu.memory_space<hbm>>
    tpu.enqueue_indirect_dma source(%dma_start3A_163 : memref<2600000xf32, #tpu.memory_space<hbm>>) target(%dma_start3A_159 : memref<128xf32, #tpu.memory_space<vmem>>) offsets(%dma_start3A_161 : memref<128xi32, #tpu.memory_space<vmem>>) semaphore(%arg15 : memref<!tpu.dma_semaphore, #tpu.memory_space<semaphore_mem>>)
    %dma_start3A_164 = arith.constant 3200 : i32
    %dma_start3A_165 = tpu.memref_slice %arg12[%dma_start3A_164] : memref<3328xf32, #tpu.memory_space<vmem>> -> memref<128xf32, #tpu.memory_space<vmem>>
    %dma_start3A_166 = arith.constant 3200 : i32
    %dma_start3A_167 = tpu.memref_slice %arg11[%dma_start3A_166] : memref<3328xi32, #tpu.memory_space<vmem>> -> memref<128xi32, #tpu.memory_space<vmem>>
    %dma_start3A_168 = arith.constant 0 : i32
    %dma_start3A_169 = tpu.memref_slice %arg5[%dma_start3A_168] : memref<2600000xf32, #tpu.memory_space<hbm>> -> memref<2600000xf32, #tpu.memory_space<hbm>>
    tpu.enqueue_indirect_dma source(%dma_start3A_169 : memref<2600000xf32, #tpu.memory_space<hbm>>) target(%dma_start3A_165 : memref<128xf32, #tpu.memory_space<vmem>>) offsets(%dma_start3A_167 : memref<128xi32, #tpu.memory_space<vmem>>) semaphore(%arg15 : memref<!tpu.dma_semaphore, #tpu.memory_space<semaphore_mem>>)
    %dma_wait3A_170 = arith.constant 0 : i32
    %dma_wait3A_171 = tpu.memref_slice %arg12[%dma_wait3A_170] : memref<3328xf32, #tpu.memory_space<vmem>> -> memref<128xf32, #tpu.memory_space<vmem>>
    %dma_wait3A_172 = arith.constant 0 : i32
    %dma_wait3A_173 = tpu.memref_slice %arg11[%dma_wait3A_172] : memref<3328xi32, #tpu.memory_space<vmem>> -> memref<128xi32, #tpu.memory_space<vmem>>
    %dma_wait3A_174 = arith.constant 0 : i32
    %dma_wait3A_175 = tpu.memref_slice %arg5[%dma_wait3A_174] : memref<2600000xf32, #tpu.memory_space<hbm>> -> memref<2600000xf32, #tpu.memory_space<hbm>>
    tpu.wait_indirect_dma semaphore(%arg15 : memref<!tpu.dma_semaphore, #tpu.memory_space<semaphore_mem>>) src(%dma_wait3A_175 : memref<2600000xf32, #tpu.memory_space<hbm>>) dst(%dma_wait3A_171 : memref<128xf32, #tpu.memory_space<vmem>>)
    %dma_wait3A_176 = arith.constant 128 : i32
    %dma_wait3A_177 = tpu.memref_slice %arg12[%dma_wait3A_176] : memref<3328xf32, #tpu.memory_space<vmem>> -> memref<128xf32, #tpu.memory_space<vmem>>
    %dma_wait3A_178 = arith.constant 128 : i32
    %dma_wait3A_179 = tpu.memref_slice %arg11[%dma_wait3A_178] : memref<3328xi32, #tpu.memory_space<vmem>> -> memref<128xi32, #tpu.memory_space<vmem>>
    %dma_wait3A_180 = arith.constant 0 : i32
    %dma_wait3A_181 = tpu.memref_slice %arg5[%dma_wait3A_180] : memref<2600000xf32, #tpu.memory_space<hbm>> -> memref<2600000xf32, #tpu.memory_space<hbm>>
    tpu.wait_indirect_dma semaphore(%arg15 : memref<!tpu.dma_semaphore, #tpu.memory_space<semaphore_mem>>) src(%dma_wait3A_181 : memref<2600000xf32, #tpu.memory_space<hbm>>) dst(%dma_wait3A_177 : memref<128xf32, #tpu.memory_space<vmem>>)
    %dma_wait3A_182 = arith.constant 256 : i32
    %dma_wait3A_183 = tpu.memref_slice %arg12[%dma_wait3A_182] : memref<3328xf32, #tpu.memory_space<vmem>> -> memref<128xf32, #tpu.memory_space<vmem>>
    %dma_wait3A_184 = arith.constant 256 : i32
    %dma_wait3A_185 = tpu.memref_slice %arg11[%dma_wait3A_184] : memref<3328xi32, #tpu.memory_space<vmem>> -> memref<128xi32, #tpu.memory_space<vmem>>
    %dma_wait3A_186 = arith.constant 0 : i32
    %dma_wait3A_187 = tpu.memref_slice %arg5[%dma_wait3A_186] : memref<2600000xf32, #tpu.memory_space<hbm>> -> memref<2600000xf32, #tpu.memory_space<hbm>>
    tpu.wait_indirect_dma semaphore(%arg15 : memref<!tpu.dma_semaphore, #tpu.memory_space<semaphore_mem>>) src(%dma_wait3A_187 : memref<2600000xf32, #tpu.memory_space<hbm>>) dst(%dma_wait3A_183 : memref<128xf32, #tpu.memory_space<vmem>>)
    %dma_wait3A_188 = arith.constant 384 : i32
    %dma_wait3A_189 = tpu.memref_slice %arg12[%dma_wait3A_188] : memref<3328xf32, #tpu.memory_space<vmem>> -> memref<128xf32, #tpu.memory_space<vmem>>
    %dma_wait3A_190 = arith.constant 384 : i32
    %dma_wait3A_191 = tpu.memref_slice %arg11[%dma_wait3A_190] : memref<3328xi32, #tpu.memory_space<vmem>> -> memref<128xi32, #tpu.memory_space<vmem>>
    %dma_wait3A_192 = arith.constant 0 : i32
    %dma_wait3A_193 = tpu.memref_slice %arg5[%dma_wait3A_192] : memref<2600000xf32, #tpu.memory_space<hbm>> -> memref<2600000xf32, #tpu.memory_space<hbm>>
    tpu.wait_indirect_dma semaphore(%arg15 : memref<!tpu.dma_semaphore, #tpu.memory_space<semaphore_mem>>) src(%dma_wait3A_193 : memref<2600000xf32, #tpu.memory_space<hbm>>) dst(%dma_wait3A_189 : memref<128xf32, #tpu.memory_space<vmem>>)
    %dma_wait3A_194 = arith.constant 512 : i32
    %dma_wait3A_195 = tpu.memref_slice %arg12[%dma_wait3A_194] : memref<3328xf32, #tpu.memory_space<vmem>> -> memref<128xf32, #tpu.memory_space<vmem>>
    %dma_wait3A_196 = arith.constant 512 : i32
    %dma_wait3A_197 = tpu.memref_slice %arg11[%dma_wait3A_196] : memref<3328xi32, #tpu.memory_space<vmem>> -> memref<128xi32, #tpu.memory_space<vmem>>
    %dma_wait3A_198 = arith.constant 0 : i32
    %dma_wait3A_199 = tpu.memref_slice %arg5[%dma_wait3A_198] : memref<2600000xf32, #tpu.memory_space<hbm>> -> memref<2600000xf32, #tpu.memory_space<hbm>>
    tpu.wait_indirect_dma semaphore(%arg15 : memref<!tpu.dma_semaphore, #tpu.memory_space<semaphore_mem>>) src(%dma_wait3A_199 : memref<2600000xf32, #tpu.memory_space<hbm>>) dst(%dma_wait3A_195 : memref<128xf32, #tpu.memory_space<vmem>>)
    %dma_wait3A_200 = arith.constant 640 : i32
    %dma_wait3A_201 = tpu.memref_slice %arg12[%dma_wait3A_200] : memref<3328xf32, #tpu.memory_space<vmem>> -> memref<128xf32, #tpu.memory_space<vmem>>
    %dma_wait3A_202 = arith.constant 640 : i32
    %dma_wait3A_203 = tpu.memref_slice %arg11[%dma_wait3A_202] : memref<3328xi32, #tpu.memory_space<vmem>> -> memref<128xi32, #tpu.memory_space<vmem>>
    %dma_wait3A_204 = arith.constant 0 : i32
    %dma_wait3A_205 = tpu.memref_slice %arg5[%dma_wait3A_204] : memref<2600000xf32, #tpu.memory_space<hbm>> -> memref<2600000xf32, #tpu.memory_space<hbm>>
    tpu.wait_indirect_dma semaphore(%arg15 : memref<!tpu.dma_semaphore, #tpu.memory_space<semaphore_mem>>) src(%dma_wait3A_205 : memref<2600000xf32, #tpu.memory_space<hbm>>) dst(%dma_wait3A_201 : memref<128xf32, #tpu.memory_space<vmem>>)
    %dma_wait3A_206 = arith.constant 768 : i32
    %dma_wait3A_207 = tpu.memref_slice %arg12[%dma_wait3A_206] : memref<3328xf32, #tpu.memory_space<vmem>> -> memref<128xf32, #tpu.memory_space<vmem>>
    %dma_wait3A_208 = arith.constant 768 : i32
    %dma_wait3A_209 = tpu.memref_slice %arg11[%dma_wait3A_208] : memref<3328xi32, #tpu.memory_space<vmem>> -> memref<128xi32, #tpu.memory_space<vmem>>
    %dma_wait3A_210 = arith.constant 0 : i32
    %dma_wait3A_211 = tpu.memref_slice %arg5[%dma_wait3A_210] : memref<2600000xf32, #tpu.memory_space<hbm>> -> memref<2600000xf32, #tpu.memory_space<hbm>>
    tpu.wait_indirect_dma semaphore(%arg15 : memref<!tpu.dma_semaphore, #tpu.memory_space<semaphore_mem>>) src(%dma_wait3A_211 : memref<2600000xf32, #tpu.memory_space<hbm>>) dst(%dma_wait3A_207 : memref<128xf32, #tpu.memory_space<vmem>>)
    %dma_wait3A_212 = arith.constant 896 : i32
    %dma_wait3A_213 = tpu.memref_slice %arg12[%dma_wait3A_212] : memref<3328xf32, #tpu.memory_space<vmem>> -> memref<128xf32, #tpu.memory_space<vmem>>
    %dma_wait3A_214 = arith.constant 896 : i32
    %dma_wait3A_215 = tpu.memref_slice %arg11[%dma_wait3A_214] : memref<3328xi32, #tpu.memory_space<vmem>> -> memref<128xi32, #tpu.memory_space<vmem>>
    %dma_wait3A_216 = arith.constant 0 : i32
    %dma_wait3A_217 = tpu.memref_slice %arg5[%dma_wait3A_216] : memref<2600000xf32, #tpu.memory_space<hbm>> -> memref<2600000xf32, #tpu.memory_space<hbm>>
    tpu.wait_indirect_dma semaphore(%arg15 : memref<!tpu.dma_semaphore, #tpu.memory_space<semaphore_mem>>) src(%dma_wait3A_217 : memref<2600000xf32, #tpu.memory_space<hbm>>) dst(%dma_wait3A_213 : memref<128xf32, #tpu.memory_space<vmem>>)
    %dma_wait3A_218 = arith.constant 1024 : i32
    %dma_wait3A_219 = tpu.memref_slice %arg12[%dma_wait3A_218] : memref<3328xf32, #tpu.memory_space<vmem>> -> memref<128xf32, #tpu.memory_space<vmem>>
    %dma_wait3A_220 = arith.constant 1024 : i32
    %dma_wait3A_221 = tpu.memref_slice %arg11[%dma_wait3A_220] : memref<3328xi32, #tpu.memory_space<vmem>> -> memref<128xi32, #tpu.memory_space<vmem>>
    %dma_wait3A_222 = arith.constant 0 : i32
    %dma_wait3A_223 = tpu.memref_slice %arg5[%dma_wait3A_222] : memref<2600000xf32, #tpu.memory_space<hbm>> -> memref<2600000xf32, #tpu.memory_space<hbm>>
    tpu.wait_indirect_dma semaphore(%arg15 : memref<!tpu.dma_semaphore, #tpu.memory_space<semaphore_mem>>) src(%dma_wait3A_223 : memref<2600000xf32, #tpu.memory_space<hbm>>) dst(%dma_wait3A_219 : memref<128xf32, #tpu.memory_space<vmem>>)
    %dma_wait3A_224 = arith.constant 1152 : i32
    %dma_wait3A_225 = tpu.memref_slice %arg12[%dma_wait3A_224] : memref<3328xf32, #tpu.memory_space<vmem>> -> memref<128xf32, #tpu.memory_space<vmem>>
    %dma_wait3A_226 = arith.constant 1152 : i32
    %dma_wait3A_227 = tpu.memref_slice %arg11[%dma_wait3A_226] : memref<3328xi32, #tpu.memory_space<vmem>> -> memref<128xi32, #tpu.memory_space<vmem>>
    %dma_wait3A_228 = arith.constant 0 : i32
    %dma_wait3A_229 = tpu.memref_slice %arg5[%dma_wait3A_228] : memref<2600000xf32, #tpu.memory_space<hbm>> -> memref<2600000xf32, #tpu.memory_space<hbm>>
    tpu.wait_indirect_dma semaphore(%arg15 : memref<!tpu.dma_semaphore, #tpu.memory_space<semaphore_mem>>) src(%dma_wait3A_229 : memref<2600000xf32, #tpu.memory_space<hbm>>) dst(%dma_wait3A_225 : memref<128xf32, #tpu.memory_space<vmem>>)
    %dma_wait3A_230 = arith.constant 1280 : i32
    %dma_wait3A_231 = tpu.memref_slice %arg12[%dma_wait3A_230] : memref<3328xf32, #tpu.memory_space<vmem>> -> memref<128xf32, #tpu.memory_space<vmem>>
    %dma_wait3A_232 = arith.constant 1280 : i32
    %dma_wait3A_233 = tpu.memref_slice %arg11[%dma_wait3A_232] : memref<3328xi32, #tpu.memory_space<vmem>> -> memref<128xi32, #tpu.memory_space<vmem>>
    %dma_wait3A_234 = arith.constant 0 : i32
    %dma_wait3A_235 = tpu.memref_slice %arg5[%dma_wait3A_234] : memref<2600000xf32, #tpu.memory_space<hbm>> -> memref<2600000xf32, #tpu.memory_space<hbm>>
    tpu.wait_indirect_dma semaphore(%arg15 : memref<!tpu.dma_semaphore, #tpu.memory_space<semaphore_mem>>) src(%dma_wait3A_235 : memref<2600000xf32, #tpu.memory_space<hbm>>) dst(%dma_wait3A_231 : memref<128xf32, #tpu.memory_space<vmem>>)
    %dma_wait3A_236 = arith.constant 1408 : i32
    %dma_wait3A_237 = tpu.memref_slice %arg12[%dma_wait3A_236] : memref<3328xf32, #tpu.memory_space<vmem>> -> memref<128xf32, #tpu.memory_space<vmem>>
    %dma_wait3A_238 = arith.constant 1408 : i32
    %dma_wait3A_239 = tpu.memref_slice %arg11[%dma_wait3A_238] : memref<3328xi32, #tpu.memory_space<vmem>> -> memref<128xi32, #tpu.memory_space<vmem>>
    %dma_wait3A_240 = arith.constant 0 : i32
    %dma_wait3A_241 = tpu.memref_slice %arg5[%dma_wait3A_240] : memref<2600000xf32, #tpu.memory_space<hbm>> -> memref<2600000xf32, #tpu.memory_space<hbm>>
    tpu.wait_indirect_dma semaphore(%arg15 : memref<!tpu.dma_semaphore, #tpu.memory_space<semaphore_mem>>) src(%dma_wait3A_241 : memref<2600000xf32, #tpu.memory_space<hbm>>) dst(%dma_wait3A_237 : memref<128xf32, #tpu.memory_space<vmem>>)
    %dma_wait3A_242 = arith.constant 1536 : i32
    %dma_wait3A_243 = tpu.memref_slice %arg12[%dma_wait3A_242] : memref<3328xf32, #tpu.memory_space<vmem>> -> memref<128xf32, #tpu.memory_space<vmem>>
    %dma_wait3A_244 = arith.constant 1536 : i32
    %dma_wait3A_245 = tpu.memref_slice %arg11[%dma_wait3A_244] : memref<3328xi32, #tpu.memory_space<vmem>> -> memref<128xi32, #tpu.memory_space<vmem>>
    %dma_wait3A_246 = arith.constant 0 : i32
    %dma_wait3A_247 = tpu.memref_slice %arg5[%dma_wait3A_246] : memref<2600000xf32, #tpu.memory_space<hbm>> -> memref<2600000xf32, #tpu.memory_space<hbm>>
    tpu.wait_indirect_dma semaphore(%arg15 : memref<!tpu.dma_semaphore, #tpu.memory_space<semaphore_mem>>) src(%dma_wait3A_247 : memref<2600000xf32, #tpu.memory_space<hbm>>) dst(%dma_wait3A_243 : memref<128xf32, #tpu.memory_space<vmem>>)
    %dma_wait3A_248 = arith.constant 1664 : i32
    %dma_wait3A_249 = tpu.memref_slice %arg12[%dma_wait3A_248] : memref<3328xf32, #tpu.memory_space<vmem>> -> memref<128xf32, #tpu.memory_space<vmem>>
    %dma_wait3A_250 = arith.constant 1664 : i32
    %dma_wait3A_251 = tpu.memref_slice %arg11[%dma_wait3A_250] : memref<3328xi32, #tpu.memory_space<vmem>> -> memref<128xi32, #tpu.memory_space<vmem>>
    %dma_wait3A_252 = arith.constant 0 : i32
    %dma_wait3A_253 = tpu.memref_slice %arg5[%dma_wait3A_252] : memref<2600000xf32, #tpu.memory_space<hbm>> -> memref<2600000xf32, #tpu.memory_space<hbm>>
    tpu.wait_indirect_dma semaphore(%arg15 : memref<!tpu.dma_semaphore, #tpu.memory_space<semaphore_mem>>) src(%dma_wait3A_253 : memref<2600000xf32, #tpu.memory_space<hbm>>) dst(%dma_wait3A_249 : memref<128xf32, #tpu.memory_space<vmem>>)
    %dma_wait3A_254 = arith.constant 1792 : i32
    %dma_wait3A_255 = tpu.memref_slice %arg12[%dma_wait3A_254] : memref<3328xf32, #tpu.memory_space<vmem>> -> memref<128xf32, #tpu.memory_space<vmem>>
    %dma_wait3A_256 = arith.constant 1792 : i32
    %dma_wait3A_257 = tpu.memref_slice %arg11[%dma_wait3A_256] : memref<3328xi32, #tpu.memory_space<vmem>> -> memref<128xi32, #tpu.memory_space<vmem>>
    %dma_wait3A_258 = arith.constant 0 : i32
    %dma_wait3A_259 = tpu.memref_slice %arg5[%dma_wait3A_258] : memref<2600000xf32, #tpu.memory_space<hbm>> -> memref<2600000xf32, #tpu.memory_space<hbm>>
    tpu.wait_indirect_dma semaphore(%arg15 : memref<!tpu.dma_semaphore, #tpu.memory_space<semaphore_mem>>) src(%dma_wait3A_259 : memref<2600000xf32, #tpu.memory_space<hbm>>) dst(%dma_wait3A_255 : memref<128xf32, #tpu.memory_space<vmem>>)
    %dma_wait3A_260 = arith.constant 1920 : i32
    %dma_wait3A_261 = tpu.memref_slice %arg12[%dma_wait3A_260] : memref<3328xf32, #tpu.memory_space<vmem>> -> memref<128xf32, #tpu.memory_space<vmem>>
    %dma_wait3A_262 = arith.constant 1920 : i32
    %dma_wait3A_263 = tpu.memref_slice %arg11[%dma_wait3A_262] : memref<3328xi32, #tpu.memory_space<vmem>> -> memref<128xi32, #tpu.memory_space<vmem>>
    %dma_wait3A_264 = arith.constant 0 : i32
    %dma_wait3A_265 = tpu.memref_slice %arg5[%dma_wait3A_264] : memref<2600000xf32, #tpu.memory_space<hbm>> -> memref<2600000xf32, #tpu.memory_space<hbm>>
    tpu.wait_indirect_dma semaphore(%arg15 : memref<!tpu.dma_semaphore, #tpu.memory_space<semaphore_mem>>) src(%dma_wait3A_265 : memref<2600000xf32, #tpu.memory_space<hbm>>) dst(%dma_wait3A_261 : memref<128xf32, #tpu.memory_space<vmem>>)
    %dma_wait3A_266 = arith.constant 2048 : i32
    %dma_wait3A_267 = tpu.memref_slice %arg12[%dma_wait3A_266] : memref<3328xf32, #tpu.memory_space<vmem>> -> memref<128xf32, #tpu.memory_space<vmem>>
    %dma_wait3A_268 = arith.constant 2048 : i32
    %dma_wait3A_269 = tpu.memref_slice %arg11[%dma_wait3A_268] : memref<3328xi32, #tpu.memory_space<vmem>> -> memref<128xi32, #tpu.memory_space<vmem>>
    %dma_wait3A_270 = arith.constant 0 : i32
    %dma_wait3A_271 = tpu.memref_slice %arg5[%dma_wait3A_270] : memref<2600000xf32, #tpu.memory_space<hbm>> -> memref<2600000xf32, #tpu.memory_space<hbm>>
    tpu.wait_indirect_dma semaphore(%arg15 : memref<!tpu.dma_semaphore, #tpu.memory_space<semaphore_mem>>) src(%dma_wait3A_271 : memref<2600000xf32, #tpu.memory_space<hbm>>) dst(%dma_wait3A_267 : memref<128xf32, #tpu.memory_space<vmem>>)
    %dma_wait3A_272 = arith.constant 2176 : i32
    %dma_wait3A_273 = tpu.memref_slice %arg12[%dma_wait3A_272] : memref<3328xf32, #tpu.memory_space<vmem>> -> memref<128xf32, #tpu.memory_space<vmem>>
    %dma_wait3A_274 = arith.constant 2176 : i32
    %dma_wait3A_275 = tpu.memref_slice %arg11[%dma_wait3A_274] : memref<3328xi32, #tpu.memory_space<vmem>> -> memref<128xi32, #tpu.memory_space<vmem>>
    %dma_wait3A_276 = arith.constant 0 : i32
    %dma_wait3A_277 = tpu.memref_slice %arg5[%dma_wait3A_276] : memref<2600000xf32, #tpu.memory_space<hbm>> -> memref<2600000xf32, #tpu.memory_space<hbm>>
    tpu.wait_indirect_dma semaphore(%arg15 : memref<!tpu.dma_semaphore, #tpu.memory_space<semaphore_mem>>) src(%dma_wait3A_277 : memref<2600000xf32, #tpu.memory_space<hbm>>) dst(%dma_wait3A_273 : memref<128xf32, #tpu.memory_space<vmem>>)
    %dma_wait3A_278 = arith.constant 2304 : i32
    %dma_wait3A_279 = tpu.memref_slice %arg12[%dma_wait3A_278] : memref<3328xf32, #tpu.memory_space<vmem>> -> memref<128xf32, #tpu.memory_space<vmem>>
    %dma_wait3A_280 = arith.constant 2304 : i32
    %dma_wait3A_281 = tpu.memref_slice %arg11[%dma_wait3A_280] : memref<3328xi32, #tpu.memory_space<vmem>> -> memref<128xi32, #tpu.memory_space<vmem>>
    %dma_wait3A_282 = arith.constant 0 : i32
    %dma_wait3A_283 = tpu.memref_slice %arg5[%dma_wait3A_282] : memref<2600000xf32, #tpu.memory_space<hbm>> -> memref<2600000xf32, #tpu.memory_space<hbm>>
    tpu.wait_indirect_dma semaphore(%arg15 : memref<!tpu.dma_semaphore, #tpu.memory_space<semaphore_mem>>) src(%dma_wait3A_283 : memref<2600000xf32, #tpu.memory_space<hbm>>) dst(%dma_wait3A_279 : memref<128xf32, #tpu.memory_space<vmem>>)
    %dma_wait3A_284 = arith.constant 2432 : i32
    %dma_wait3A_285 = tpu.memref_slice %arg12[%dma_wait3A_284] : memref<3328xf32, #tpu.memory_space<vmem>> -> memref<128xf32, #tpu.memory_space<vmem>>
    %dma_wait3A_286 = arith.constant 2432 : i32
    %dma_wait3A_287 = tpu.memref_slice %arg11[%dma_wait3A_286] : memref<3328xi32, #tpu.memory_space<vmem>> -> memref<128xi32, #tpu.memory_space<vmem>>
    %dma_wait3A_288 = arith.constant 0 : i32
    %dma_wait3A_289 = tpu.memref_slice %arg5[%dma_wait3A_288] : memref<2600000xf32, #tpu.memory_space<hbm>> -> memref<2600000xf32, #tpu.memory_space<hbm>>
    tpu.wait_indirect_dma semaphore(%arg15 : memref<!tpu.dma_semaphore, #tpu.memory_space<semaphore_mem>>) src(%dma_wait3A_289 : memref<2600000xf32, #tpu.memory_space<hbm>>) dst(%dma_wait3A_285 : memref<128xf32, #tpu.memory_space<vmem>>)
    %dma_wait3A_290 = arith.constant 2560 : i32
    %dma_wait3A_291 = tpu.memref_slice %arg12[%dma_wait3A_290] : memref<3328xf32, #tpu.memory_space<vmem>> -> memref<128xf32, #tpu.memory_space<vmem>>
    %dma_wait3A_292 = arith.constant 2560 : i32
    %dma_wait3A_293 = tpu.memref_slice %arg11[%dma_wait3A_292] : memref<3328xi32, #tpu.memory_space<vmem>> -> memref<128xi32, #tpu.memory_space<vmem>>
    %dma_wait3A_294 = arith.constant 0 : i32
    %dma_wait3A_295 = tpu.memref_slice %arg5[%dma_wait3A_294] : memref<2600000xf32, #tpu.memory_space<hbm>> -> memref<2600000xf32, #tpu.memory_space<hbm>>
    tpu.wait_indirect_dma semaphore(%arg15 : memref<!tpu.dma_semaphore, #tpu.memory_space<semaphore_mem>>) src(%dma_wait3A_295 : memref<2600000xf32, #tpu.memory_space<hbm>>) dst(%dma_wait3A_291 : memref<128xf32, #tpu.memory_space<vmem>>)
    %dma_wait3A_296 = arith.constant 2688 : i32
    %dma_wait3A_297 = tpu.memref_slice %arg12[%dma_wait3A_296] : memref<3328xf32, #tpu.memory_space<vmem>> -> memref<128xf32, #tpu.memory_space<vmem>>
    %dma_wait3A_298 = arith.constant 2688 : i32
    %dma_wait3A_299 = tpu.memref_slice %arg11[%dma_wait3A_298] : memref<3328xi32, #tpu.memory_space<vmem>> -> memref<128xi32, #tpu.memory_space<vmem>>
    %dma_wait3A_300 = arith.constant 0 : i32
    %dma_wait3A_301 = tpu.memref_slice %arg5[%dma_wait3A_300] : memref<2600000xf32, #tpu.memory_space<hbm>> -> memref<2600000xf32, #tpu.memory_space<hbm>>
    tpu.wait_indirect_dma semaphore(%arg15 : memref<!tpu.dma_semaphore, #tpu.memory_space<semaphore_mem>>) src(%dma_wait3A_301 : memref<2600000xf32, #tpu.memory_space<hbm>>) dst(%dma_wait3A_297 : memref<128xf32, #tpu.memory_space<vmem>>)
    %dma_wait3A_302 = arith.constant 2816 : i32
    %dma_wait3A_303 = tpu.memref_slice %arg12[%dma_wait3A_302] : memref<3328xf32, #tpu.memory_space<vmem>> -> memref<128xf32, #tpu.memory_space<vmem>>
    %dma_wait3A_304 = arith.constant 2816 : i32
    %dma_wait3A_305 = tpu.memref_slice %arg11[%dma_wait3A_304] : memref<3328xi32, #tpu.memory_space<vmem>> -> memref<128xi32, #tpu.memory_space<vmem>>
    %dma_wait3A_306 = arith.constant 0 : i32
    %dma_wait3A_307 = tpu.memref_slice %arg5[%dma_wait3A_306] : memref<2600000xf32, #tpu.memory_space<hbm>> -> memref<2600000xf32, #tpu.memory_space<hbm>>
    tpu.wait_indirect_dma semaphore(%arg15 : memref<!tpu.dma_semaphore, #tpu.memory_space<semaphore_mem>>) src(%dma_wait3A_307 : memref<2600000xf32, #tpu.memory_space<hbm>>) dst(%dma_wait3A_303 : memref<128xf32, #tpu.memory_space<vmem>>)
    %dma_wait3A_308 = arith.constant 2944 : i32
    %dma_wait3A_309 = tpu.memref_slice %arg12[%dma_wait3A_308] : memref<3328xf32, #tpu.memory_space<vmem>> -> memref<128xf32, #tpu.memory_space<vmem>>
    %dma_wait3A_310 = arith.constant 2944 : i32
    %dma_wait3A_311 = tpu.memref_slice %arg11[%dma_wait3A_310] : memref<3328xi32, #tpu.memory_space<vmem>> -> memref<128xi32, #tpu.memory_space<vmem>>
    %dma_wait3A_312 = arith.constant 0 : i32
    %dma_wait3A_313 = tpu.memref_slice %arg5[%dma_wait3A_312] : memref<2600000xf32, #tpu.memory_space<hbm>> -> memref<2600000xf32, #tpu.memory_space<hbm>>
    tpu.wait_indirect_dma semaphore(%arg15 : memref<!tpu.dma_semaphore, #tpu.memory_space<semaphore_mem>>) src(%dma_wait3A_313 : memref<2600000xf32, #tpu.memory_space<hbm>>) dst(%dma_wait3A_309 : memref<128xf32, #tpu.memory_space<vmem>>)
    %dma_wait3A_314 = arith.constant 3072 : i32
    %dma_wait3A_315 = tpu.memref_slice %arg12[%dma_wait3A_314] : memref<3328xf32, #tpu.memory_space<vmem>> -> memref<128xf32, #tpu.memory_space<vmem>>
    %dma_wait3A_316 = arith.constant 3072 : i32
    %dma_wait3A_317 = tpu.memref_slice %arg11[%dma_wait3A_316] : memref<3328xi32, #tpu.memory_space<vmem>> -> memref<128xi32, #tpu.memory_space<vmem>>
    %dma_wait3A_318 = arith.constant 0 : i32
    %dma_wait3A_319 = tpu.memref_slice %arg5[%dma_wait3A_318] : memref<2600000xf32, #tpu.memory_space<hbm>> -> memref<2600000xf32, #tpu.memory_space<hbm>>
    tpu.wait_indirect_dma semaphore(%arg15 : memref<!tpu.dma_semaphore, #tpu.memory_space<semaphore_mem>>) src(%dma_wait3A_319 : memref<2600000xf32, #tpu.memory_space<hbm>>) dst(%dma_wait3A_315 : memref<128xf32, #tpu.memory_space<vmem>>)
    %dma_wait3A_320 = arith.constant 3200 : i32
    %dma_wait3A_321 = tpu.memref_slice %arg12[%dma_wait3A_320] : memref<3328xf32, #tpu.memory_space<vmem>> -> memref<128xf32, #tpu.memory_space<vmem>>
    %dma_wait3A_322 = arith.constant 3200 : i32
    %dma_wait3A_323 = tpu.memref_slice %arg11[%dma_wait3A_322] : memref<3328xi32, #tpu.memory_space<vmem>> -> memref<128xi32, #tpu.memory_space<vmem>>
    %dma_wait3A_324 = arith.constant 0 : i32
    %dma_wait3A_325 = tpu.memref_slice %arg5[%dma_wait3A_324] : memref<2600000xf32, #tpu.memory_space<hbm>> -> memref<2600000xf32, #tpu.memory_space<hbm>>
    tpu.wait_indirect_dma semaphore(%arg15 : memref<!tpu.dma_semaphore, #tpu.memory_space<semaphore_mem>>) src(%dma_wait3A_325 : memref<2600000xf32, #tpu.memory_space<hbm>>) dst(%dma_wait3A_321 : memref<128xf32, #tpu.memory_space<vmem>>)
    %broadcast_in_dim3A = arith.constant 0.000000e+00 : f32
    %broadcast_in_dim3A_326 = vector.broadcast %broadcast_in_dim3A : f32 to vector<16xf32>
    %get3A = arith.constant 0 : index
    %get3A_327 = tpu.vector_load %arg12[%get3A] {strides = array<i32>} : memref<3328xf32, #tpu.memory_space<vmem>>, vector<16xf32>,
    %add3A_328 = arith.addf %broadcast_in_dim3A_326, %get3A_327 : vector<16xf32>
    %get3A_329 = arith.constant 128 : index
    %get3A_330 = tpu.vector_load %arg12[%get3A_329] {strides = array<i32>} : memref<3328xf32, #tpu.memory_space<vmem>>, vector<16xf32>,
    %add3A_331 = arith.addf %add3A_328, %get3A_330 : vector<16xf32>
    %get3A_332 = arith.constant 256 : index
    %get3A_333 = tpu.vector_load %arg12[%get3A_332] {strides = array<i32>} : memref<3328xf32, #tpu.memory_space<vmem>>, vector<16xf32>,
    %add3A_334 = arith.addf %add3A_331, %get3A_333 : vector<16xf32>
    %get3A_335 = arith.constant 384 : index
    %get3A_336 = tpu.vector_load %arg12[%get3A_335] {strides = array<i32>} : memref<3328xf32, #tpu.memory_space<vmem>>, vector<16xf32>,
    %add3A_337 = arith.addf %add3A_334, %get3A_336 : vector<16xf32>
    %get3A_338 = arith.constant 512 : index
    %get3A_339 = tpu.vector_load %arg12[%get3A_338] {strides = array<i32>} : memref<3328xf32, #tpu.memory_space<vmem>>, vector<16xf32>,
    %add3A_340 = arith.addf %add3A_337, %get3A_339 : vector<16xf32>
    %get3A_341 = arith.constant 640 : index
    %get3A_342 = tpu.vector_load %arg12[%get3A_341] {strides = array<i32>} : memref<3328xf32, #tpu.memory_space<vmem>>, vector<16xf32>,
    %add3A_343 = arith.addf %add3A_340, %get3A_342 : vector<16xf32>
    %get3A_344 = arith.constant 768 : index
    %get3A_345 = tpu.vector_load %arg12[%get3A_344] {strides = array<i32>} : memref<3328xf32, #tpu.memory_space<vmem>>, vector<16xf32>,
    %add3A_346 = arith.addf %add3A_343, %get3A_345 : vector<16xf32>
    %get3A_347 = arith.constant 896 : index
    %get3A_348 = tpu.vector_load %arg12[%get3A_347] {strides = array<i32>} : memref<3328xf32, #tpu.memory_space<vmem>>, vector<16xf32>,
    %add3A_349 = arith.addf %add3A_346, %get3A_348 : vector<16xf32>
    %get3A_350 = arith.constant 1024 : index
    %get3A_351 = tpu.vector_load %arg12[%get3A_350] {strides = array<i32>} : memref<3328xf32, #tpu.memory_space<vmem>>, vector<16xf32>,
    %add3A_352 = arith.addf %add3A_349, %get3A_351 : vector<16xf32>
    %get3A_353 = arith.constant 1152 : index
    %get3A_354 = tpu.vector_load %arg12[%get3A_353] {strides = array<i32>} : memref<3328xf32, #tpu.memory_space<vmem>>, vector<16xf32>,
    %add3A_355 = arith.addf %add3A_352, %get3A_354 : vector<16xf32>
    %get3A_356 = arith.constant 1280 : index
    %get3A_357 = tpu.vector_load %arg12[%get3A_356] {strides = array<i32>} : memref<3328xf32, #tpu.memory_space<vmem>>, vector<16xf32>,
    %add3A_358 = arith.addf %add3A_355, %get3A_357 : vector<16xf32>
    %get3A_359 = arith.constant 1408 : index
    %get3A_360 = tpu.vector_load %arg12[%get3A_359] {strides = array<i32>} : memref<3328xf32, #tpu.memory_space<vmem>>, vector<16xf32>,
    %add3A_361 = arith.addf %add3A_358, %get3A_360 : vector<16xf32>
    %get3A_362 = arith.constant 1536 : index
    %get3A_363 = tpu.vector_load %arg12[%get3A_362] {strides = array<i32>} : memref<3328xf32, #tpu.memory_space<vmem>>, vector<16xf32>,
    %add3A_364 = arith.addf %add3A_361, %get3A_363 : vector<16xf32>
    %get3A_365 = arith.constant 1664 : index
    %get3A_366 = tpu.vector_load %arg12[%get3A_365] {strides = array<i32>} : memref<3328xf32, #tpu.memory_space<vmem>>, vector<16xf32>,
    %add3A_367 = arith.addf %add3A_364, %get3A_366 : vector<16xf32>
    %get3A_368 = arith.constant 1792 : index
    %get3A_369 = tpu.vector_load %arg12[%get3A_368] {strides = array<i32>} : memref<3328xf32, #tpu.memory_space<vmem>>, vector<16xf32>,
    %add3A_370 = arith.addf %add3A_367, %get3A_369 : vector<16xf32>
    %get3A_371 = arith.constant 1920 : index
    %get3A_372 = tpu.vector_load %arg12[%get3A_371] {strides = array<i32>} : memref<3328xf32, #tpu.memory_space<vmem>>, vector<16xf32>,
    %add3A_373 = arith.addf %add3A_370, %get3A_372 : vector<16xf32>
    %get3A_374 = arith.constant 2048 : index
    %get3A_375 = tpu.vector_load %arg12[%get3A_374] {strides = array<i32>} : memref<3328xf32, #tpu.memory_space<vmem>>, vector<16xf32>,
    %add3A_376 = arith.addf %add3A_373, %get3A_375 : vector<16xf32>
    %get3A_377 = arith.constant 2176 : index
    %get3A_378 = tpu.vector_load %arg12[%get3A_377] {strides = array<i32>} : memref<3328xf32, #tpu.memory_space<vmem>>, vector<16xf32>,
    %add3A_379 = arith.addf %add3A_376, %get3A_378 : vector<16xf32>
    %get3A_380 = arith.constant 2304 : index
    %get3A_381 = tpu.vector_load %arg12[%get3A_380] {strides = array<i32>} : memref<3328xf32, #tpu.memory_space<vmem>>, vector<16xf32>,
    %add3A_382 = arith.addf %add3A_379, %get3A_381 : vector<16xf32>
    %get3A_383 = arith.constant 2432 : index
    %get3A_384 = tpu.vector_load %arg12[%get3A_383] {strides = array<i32>} : memref<3328xf32, #tpu.memory_space<vmem>>, vector<16xf32>,
    %add3A_385 = arith.addf %add3A_382, %get3A_384 : vector<16xf32>
    %get3A_386 = arith.constant 2560 : index
    %get3A_387 = tpu.vector_load %arg12[%get3A_386] {strides = array<i32>} : memref<3328xf32, #tpu.memory_space<vmem>>, vector<16xf32>,
    %add3A_388 = arith.addf %add3A_385, %get3A_387 : vector<16xf32>
    %get3A_389 = arith.constant 2688 : index
    %get3A_390 = tpu.vector_load %arg12[%get3A_389] {strides = array<i32>} : memref<3328xf32, #tpu.memory_space<vmem>>, vector<16xf32>,
    %add3A_391 = arith.addf %add3A_388, %get3A_390 : vector<16xf32>
    %get3A_392 = arith.constant 2816 : index
    %get3A_393 = tpu.vector_load %arg12[%get3A_392] {strides = array<i32>} : memref<3328xf32, #tpu.memory_space<vmem>>, vector<16xf32>,
    %add3A_394 = arith.addf %add3A_391, %get3A_393 : vector<16xf32>
    %get3A_395 = arith.constant 2944 : index
    %get3A_396 = tpu.vector_load %arg12[%get3A_395] {strides = array<i32>} : memref<3328xf32, #tpu.memory_space<vmem>>, vector<16xf32>,
    %add3A_397 = arith.addf %add3A_394, %get3A_396 : vector<16xf32>
    %get3A_398 = arith.constant 3072 : index
    %get3A_399 = tpu.vector_load %arg12[%get3A_398] {strides = array<i32>} : memref<3328xf32, #tpu.memory_space<vmem>>, vector<16xf32>,
    %add3A_400 = arith.addf %add3A_397, %get3A_399 : vector<16xf32>
    %get3A_401 = arith.constant 3200 : index
    %get3A_402 = tpu.vector_load %arg12[%get3A_401] {strides = array<i32>} : memref<3328xf32, #tpu.memory_space<vmem>>, vector<16xf32>,
    %add3A_403 = arith.addf %add3A_400, %get3A_402 : vector<16xf32>
    %swap3A = arith.constant 0 : index
    %swap3A_404 = tpu.vector_load %arg13[%swap3A] {strides = array<i32>} : memref<128xf32, #tpu.memory_space<vmem>>, vector<16xf32>,
    tpu.vector_store %arg13[%swap3A], %add3A_403 {strides = array<i32>} : memref<128xf32, #tpu.memory_space<vmem>>, vector<16xf32>,
    %broadcast_in_dim3A_405 = arith.constant 0.000000e+00 : f32
    %broadcast_in_dim3A_406 = vector.broadcast %broadcast_in_dim3A_405 : f32 to vector<16xf32>
    %get3A_407 = arith.constant 16 : index
    %get3A_408 = tpu.vector_load %arg12[%get3A_407] {strides = array<i32>} : memref<3328xf32, #tpu.memory_space<vmem>>, vector<16xf32>,
    %add3A_409 = arith.addf %broadcast_in_dim3A_406, %get3A_408 : vector<16xf32>
    %get3A_410 = arith.constant 144 : index
    %get3A_411 = tpu.vector_load %arg12[%get3A_410] {strides = array<i32>} : memref<3328xf32, #tpu.memory_space<vmem>>, vector<16xf32>,
    %add3A_412 = arith.addf %add3A_409, %get3A_411 : vector<16xf32>
    %get3A_413 = arith.constant 272 : index
    %get3A_414 = tpu.vector_load %arg12[%get3A_413] {strides = array<i32>} : memref<3328xf32, #tpu.memory_space<vmem>>, vector<16xf32>,
    %add3A_415 = arith.addf %add3A_412, %get3A_414 : vector<16xf32>
    %get3A_416 = arith.constant 400 : index
    %get3A_417 = tpu.vector_load %arg12[%get3A_416] {strides = array<i32>} : memref<3328xf32, #tpu.memory_space<vmem>>, vector<16xf32>,
    %add3A_418 = arith.addf %add3A_415, %get3A_417 : vector<16xf32>
    %get3A_419 = arith.constant 528 : index
    %get3A_420 = tpu.vector_load %arg12[%get3A_419] {strides = array<i32>} : memref<3328xf32, #tpu.memory_space<vmem>>, vector<16xf32>,
    %add3A_421 = arith.addf %add3A_418, %get3A_420 : vector<16xf32>
    %get3A_422 = arith.constant 656 : index
    %get3A_423 = tpu.vector_load %arg12[%get3A_422] {strides = array<i32>} : memref<3328xf32, #tpu.memory_space<vmem>>, vector<16xf32>,
    %add3A_424 = arith.addf %add3A_421, %get3A_423 : vector<16xf32>
    %get3A_425 = arith.constant 784 : index
    %get3A_426 = tpu.vector_load %arg12[%get3A_425] {strides = array<i32>} : memref<3328xf32, #tpu.memory_space<vmem>>, vector<16xf32>,
    %add3A_427 = arith.addf %add3A_424, %get3A_426 : vector<16xf32>
    %get3A_428 = arith.constant 912 : index
    %get3A_429 = tpu.vector_load %arg12[%get3A_428] {strides = array<i32>} : memref<3328xf32, #tpu.memory_space<vmem>>, vector<16xf32>,
    %add3A_430 = arith.addf %add3A_427, %get3A_429 : vector<16xf32>
    %get3A_431 = arith.constant 1040 : index
    %get3A_432 = tpu.vector_load %arg12[%get3A_431] {strides = array<i32>} : memref<3328xf32, #tpu.memory_space<vmem>>, vector<16xf32>,
    %add3A_433 = arith.addf %add3A_430, %get3A_432 : vector<16xf32>
    %get3A_434 = arith.constant 1168 : index
    %get3A_435 = tpu.vector_load %arg12[%get3A_434] {strides = array<i32>} : memref<3328xf32, #tpu.memory_space<vmem>>, vector<16xf32>,
    %add3A_436 = arith.addf %add3A_433, %get3A_435 : vector<16xf32>
    %get3A_437 = arith.constant 1296 : index
    %get3A_438 = tpu.vector_load %arg12[%get3A_437] {strides = array<i32>} : memref<3328xf32, #tpu.memory_space<vmem>>, vector<16xf32>,
    %add3A_439 = arith.addf %add3A_436, %get3A_438 : vector<16xf32>
    %get3A_440 = arith.constant 1424 : index
    %get3A_441 = tpu.vector_load %arg12[%get3A_440] {strides = array<i32>} : memref<3328xf32, #tpu.memory_space<vmem>>, vector<16xf32>,
    %add3A_442 = arith.addf %add3A_439, %get3A_441 : vector<16xf32>
    %get3A_443 = arith.constant 1552 : index
    %get3A_444 = tpu.vector_load %arg12[%get3A_443] {strides = array<i32>} : memref<3328xf32, #tpu.memory_space<vmem>>, vector<16xf32>,
    %add3A_445 = arith.addf %add3A_442, %get3A_444 : vector<16xf32>
    %get3A_446 = arith.constant 1680 : index
    %get3A_447 = tpu.vector_load %arg12[%get3A_446] {strides = array<i32>} : memref<3328xf32, #tpu.memory_space<vmem>>, vector<16xf32>,
    %add3A_448 = arith.addf %add3A_445, %get3A_447 : vector<16xf32>
    %get3A_449 = arith.constant 1808 : index
    %get3A_450 = tpu.vector_load %arg12[%get3A_449] {strides = array<i32>} : memref<3328xf32, #tpu.memory_space<vmem>>, vector<16xf32>,
    %add3A_451 = arith.addf %add3A_448, %get3A_450 : vector<16xf32>
    %get3A_452 = arith.constant 1936 : index
    %get3A_453 = tpu.vector_load %arg12[%get3A_452] {strides = array<i32>} : memref<3328xf32, #tpu.memory_space<vmem>>, vector<16xf32>,
    %add3A_454 = arith.addf %add3A_451, %get3A_453 : vector<16xf32>
    %get3A_455 = arith.constant 2064 : index
    %get3A_456 = tpu.vector_load %arg12[%get3A_455] {strides = array<i32>} : memref<3328xf32, #tpu.memory_space<vmem>>, vector<16xf32>,
    %add3A_457 = arith.addf %add3A_454, %get3A_456 : vector<16xf32>
    %get3A_458 = arith.constant 2192 : index
    %get3A_459 = tpu.vector_load %arg12[%get3A_458] {strides = array<i32>} : memref<3328xf32, #tpu.memory_space<vmem>>, vector<16xf32>,
    %add3A_460 = arith.addf %add3A_457, %get3A_459 : vector<16xf32>
    %get3A_461 = arith.constant 2320 : index
    %get3A_462 = tpu.vector_load %arg12[%get3A_461] {strides = array<i32>} : memref<3328xf32, #tpu.memory_space<vmem>>, vector<16xf32>,
    %add3A_463 = arith.addf %add3A_460, %get3A_462 : vector<16xf32>
    %get3A_464 = arith.constant 2448 : index
    %get3A_465 = tpu.vector_load %arg12[%get3A_464] {strides = array<i32>} : memref<3328xf32, #tpu.memory_space<vmem>>, vector<16xf32>,
    %add3A_466 = arith.addf %add3A_463, %get3A_465 : vector<16xf32>
    %get3A_467 = arith.constant 2576 : index
    %get3A_468 = tpu.vector_load %arg12[%get3A_467] {strides = array<i32>} : memref<3328xf32, #tpu.memory_space<vmem>>, vector<16xf32>,
    %add3A_469 = arith.addf %add3A_466, %get3A_468 : vector<16xf32>
    %get3A_470 = arith.constant 2704 : index
    %get3A_471 = tpu.vector_load %arg12[%get3A_470] {strides = array<i32>} : memref<3328xf32, #tpu.memory_space<vmem>>, vector<16xf32>,
    %add3A_472 = arith.addf %add3A_469, %get3A_471 : vector<16xf32>
    %get3A_473 = arith.constant 2832 : index
    %get3A_474 = tpu.vector_load %arg12[%get3A_473] {strides = array<i32>} : memref<3328xf32, #tpu.memory_space<vmem>>, vector<16xf32>,
    %add3A_475 = arith.addf %add3A_472, %get3A_474 : vector<16xf32>
    %get3A_476 = arith.constant 2960 : index
    %get3A_477 = tpu.vector_load %arg12[%get3A_476] {strides = array<i32>} : memref<3328xf32, #tpu.memory_space<vmem>>, vector<16xf32>,
    %add3A_478 = arith.addf %add3A_475, %get3A_477 : vector<16xf32>
    %get3A_479 = arith.constant 3088 : index
    %get3A_480 = tpu.vector_load %arg12[%get3A_479] {strides = array<i32>} : memref<3328xf32, #tpu.memory_space<vmem>>, vector<16xf32>,
    %add3A_481 = arith.addf %add3A_478, %get3A_480 : vector<16xf32>
    %get3A_482 = arith.constant 3216 : index
    %get3A_483 = tpu.vector_load %arg12[%get3A_482] {strides = array<i32>} : memref<3328xf32, #tpu.memory_space<vmem>>, vector<16xf32>,
    %add3A_484 = arith.addf %add3A_481, %get3A_483 : vector<16xf32>
    %swap3A_485 = arith.constant 16 : index
    %swap3A_486 = tpu.vector_load %arg13[%swap3A_485] {strides = array<i32>} : memref<128xf32, #tpu.memory_space<vmem>>, vector<16xf32>,
    tpu.vector_store %arg13[%swap3A_485], %add3A_484 {strides = array<i32>} : memref<128xf32, #tpu.memory_space<vmem>>, vector<16xf32>,
    %broadcast_in_dim3A_487 = arith.constant 0.000000e+00 : f32
    %broadcast_in_dim3A_488 = vector.broadcast %broadcast_in_dim3A_487 : f32 to vector<16xf32>
    %get3A_489 = arith.constant 32 : index
    %get3A_490 = tpu.vector_load %arg12[%get3A_489] {strides = array<i32>} : memref<3328xf32, #tpu.memory_space<vmem>>, vector<16xf32>,
    %add3A_491 = arith.addf %broadcast_in_dim3A_488, %get3A_490 : vector<16xf32>
    %get3A_492 = arith.constant 160 : index
    %get3A_493 = tpu.vector_load %arg12[%get3A_492] {strides = array<i32>} : memref<3328xf32, #tpu.memory_space<vmem>>, vector<16xf32>,
    %add3A_494 = arith.addf %add3A_491, %get3A_493 : vector<16xf32>
    %get3A_495 = arith.constant 288 : index
    %get3A_496 = tpu.vector_load %arg12[%get3A_495] {strides = array<i32>} : memref<3328xf32, #tpu.memory_space<vmem>>, vector<16xf32>,
    %add3A_497 = arith.addf %add3A_494, %get3A_496 : vector<16xf32>
    %get3A_498 = arith.constant 416 : index
    %get3A_499 = tpu.vector_load %arg12[%get3A_498] {strides = array<i32>} : memref<3328xf32, #tpu.memory_space<vmem>>, vector<16xf32>,
    %add3A_500 = arith.addf %add3A_497, %get3A_499 : vector<16xf32>
    %get3A_501 = arith.constant 544 : index
    %get3A_502 = tpu.vector_load %arg12[%get3A_501] {strides = array<i32>} : memref<3328xf32, #tpu.memory_space<vmem>>, vector<16xf32>,
    %add3A_503 = arith.addf %add3A_500, %get3A_502 : vector<16xf32>
    %get3A_504 = arith.constant 672 : index
    %get3A_505 = tpu.vector_load %arg12[%get3A_504] {strides = array<i32>} : memref<3328xf32, #tpu.memory_space<vmem>>, vector<16xf32>,
    %add3A_506 = arith.addf %add3A_503, %get3A_505 : vector<16xf32>
    %get3A_507 = arith.constant 800 : index
    %get3A_508 = tpu.vector_load %arg12[%get3A_507] {strides = array<i32>} : memref<3328xf32, #tpu.memory_space<vmem>>, vector<16xf32>,
    %add3A_509 = arith.addf %add3A_506, %get3A_508 : vector<16xf32>
    %get3A_510 = arith.constant 928 : index
    %get3A_511 = tpu.vector_load %arg12[%get3A_510] {strides = array<i32>} : memref<3328xf32, #tpu.memory_space<vmem>>, vector<16xf32>,
    %add3A_512 = arith.addf %add3A_509, %get3A_511 : vector<16xf32>
    %get3A_513 = arith.constant 1056 : index
    %get3A_514 = tpu.vector_load %arg12[%get3A_513] {strides = array<i32>} : memref<3328xf32, #tpu.memory_space<vmem>>, vector<16xf32>,
    %add3A_515 = arith.addf %add3A_512, %get3A_514 : vector<16xf32>
    %get3A_516 = arith.constant 1184 : index
    %get3A_517 = tpu.vector_load %arg12[%get3A_516] {strides = array<i32>} : memref<3328xf32, #tpu.memory_space<vmem>>, vector<16xf32>,
    %add3A_518 = arith.addf %add3A_515, %get3A_517 : vector<16xf32>
    %get3A_519 = arith.constant 1312 : index
    %get3A_520 = tpu.vector_load %arg12[%get3A_519] {strides = array<i32>} : memref<3328xf32, #tpu.memory_space<vmem>>, vector<16xf32>,
    %add3A_521 = arith.addf %add3A_518, %get3A_520 : vector<16xf32>
    %get3A_522 = arith.constant 1440 : index
    %get3A_523 = tpu.vector_load %arg12[%get3A_522] {strides = array<i32>} : memref<3328xf32, #tpu.memory_space<vmem>>, vector<16xf32>,
    %add3A_524 = arith.addf %add3A_521, %get3A_523 : vector<16xf32>
    %get3A_525 = arith.constant 1568 : index
    %get3A_526 = tpu.vector_load %arg12[%get3A_525] {strides = array<i32>} : memref<3328xf32, #tpu.memory_space<vmem>>, vector<16xf32>,
    %add3A_527 = arith.addf %add3A_524, %get3A_526 : vector<16xf32>
    %get3A_528 = arith.constant 1696 : index
    %get3A_529 = tpu.vector_load %arg12[%get3A_528] {strides = array<i32>} : memref<3328xf32, #tpu.memory_space<vmem>>, vector<16xf32>,
    %add3A_530 = arith.addf %add3A_527, %get3A_529 : vector<16xf32>
    %get3A_531 = arith.constant 1824 : index
    %get3A_532 = tpu.vector_load %arg12[%get3A_531] {strides = array<i32>} : memref<3328xf32, #tpu.memory_space<vmem>>, vector<16xf32>,
    %add3A_533 = arith.addf %add3A_530, %get3A_532 : vector<16xf32>
    %get3A_534 = arith.constant 1952 : index
    %get3A_535 = tpu.vector_load %arg12[%get3A_534] {strides = array<i32>} : memref<3328xf32, #tpu.memory_space<vmem>>, vector<16xf32>,
    %add3A_536 = arith.addf %add3A_533, %get3A_535 : vector<16xf32>
    %get3A_537 = arith.constant 2080 : index
    %get3A_538 = tpu.vector_load %arg12[%get3A_537] {strides = array<i32>} : memref<3328xf32, #tpu.memory_space<vmem>>, vector<16xf32>,
    %add3A_539 = arith.addf %add3A_536, %get3A_538 : vector<16xf32>
    %get3A_540 = arith.constant 2208 : index
    %get3A_541 = tpu.vector_load %arg12[%get3A_540] {strides = array<i32>} : memref<3328xf32, #tpu.memory_space<vmem>>, vector<16xf32>,
    %add3A_542 = arith.addf %add3A_539, %get3A_541 : vector<16xf32>
    %get3A_543 = arith.constant 2336 : index
    %get3A_544 = tpu.vector_load %arg12[%get3A_543] {strides = array<i32>} : memref<3328xf32, #tpu.memory_space<vmem>>, vector<16xf32>,
    %add3A_545 = arith.addf %add3A_542, %get3A_544 : vector<16xf32>
    %get3A_546 = arith.constant 2464 : index
    %get3A_547 = tpu.vector_load %arg12[%get3A_546] {strides = array<i32>} : memref<3328xf32, #tpu.memory_space<vmem>>, vector<16xf32>,
    %add3A_548 = arith.addf %add3A_545, %get3A_547 : vector<16xf32>
    %get3A_549 = arith.constant 2592 : index
    %get3A_550 = tpu.vector_load %arg12[%get3A_549] {strides = array<i32>} : memref<3328xf32, #tpu.memory_space<vmem>>, vector<16xf32>,
    %add3A_551 = arith.addf %add3A_548, %get3A_550 : vector<16xf32>
    %get3A_552 = arith.constant 2720 : index
    %get3A_553 = tpu.vector_load %arg12[%get3A_552] {strides = array<i32>} : memref<3328xf32, #tpu.memory_space<vmem>>, vector<16xf32>,
    %add3A_554 = arith.addf %add3A_551, %get3A_553 : vector<16xf32>
    %get3A_555 = arith.constant 2848 : index
    %get3A_556 = tpu.vector_load %arg12[%get3A_555] {strides = array<i32>} : memref<3328xf32, #tpu.memory_space<vmem>>, vector<16xf32>,
    %add3A_557 = arith.addf %add3A_554, %get3A_556 : vector<16xf32>
    %get3A_558 = arith.constant 2976 : index
    %get3A_559 = tpu.vector_load %arg12[%get3A_558] {strides = array<i32>} : memref<3328xf32, #tpu.memory_space<vmem>>, vector<16xf32>,
    %add3A_560 = arith.addf %add3A_557, %get3A_559 : vector<16xf32>
    %get3A_561 = arith.constant 3104 : index
    %get3A_562 = tpu.vector_load %arg12[%get3A_561] {strides = array<i32>} : memref<3328xf32, #tpu.memory_space<vmem>>, vector<16xf32>,
    %add3A_563 = arith.addf %add3A_560, %get3A_562 : vector<16xf32>
    %get3A_564 = arith.constant 3232 : index
    %get3A_565 = tpu.vector_load %arg12[%get3A_564] {strides = array<i32>} : memref<3328xf32, #tpu.memory_space<vmem>>, vector<16xf32>,
    %add3A_566 = arith.addf %add3A_563, %get3A_565 : vector<16xf32>
    %swap3A_567 = arith.constant 32 : index
    %swap3A_568 = tpu.vector_load %arg13[%swap3A_567] {strides = array<i32>} : memref<128xf32, #tpu.memory_space<vmem>>, vector<16xf32>,
    tpu.vector_store %arg13[%swap3A_567], %add3A_566 {strides = array<i32>} : memref<128xf32, #tpu.memory_space<vmem>>, vector<16xf32>,
    %broadcast_in_dim3A_569 = arith.constant 0.000000e+00 : f32
    %broadcast_in_dim3A_570 = vector.broadcast %broadcast_in_dim3A_569 : f32 to vector<16xf32>
    %get3A_571 = arith.constant 48 : index
    %get3A_572 = tpu.vector_load %arg12[%get3A_571] {strides = array<i32>} : memref<3328xf32, #tpu.memory_space<vmem>>, vector<16xf32>,
    %add3A_573 = arith.addf %broadcast_in_dim3A_570, %get3A_572 : vector<16xf32>
    %get3A_574 = arith.constant 176 : index
    %get3A_575 = tpu.vector_load %arg12[%get3A_574] {strides = array<i32>} : memref<3328xf32, #tpu.memory_space<vmem>>, vector<16xf32>,
    %add3A_576 = arith.addf %add3A_573, %get3A_575 : vector<16xf32>
    %get3A_577 = arith.constant 304 : index
    %get3A_578 = tpu.vector_load %arg12[%get3A_577] {strides = array<i32>} : memref<3328xf32, #tpu.memory_space<vmem>>, vector<16xf32>,
    %add3A_579 = arith.addf %add3A_576, %get3A_578 : vector<16xf32>
    %get3A_580 = arith.constant 432 : index
    %get3A_581 = tpu.vector_load %arg12[%get3A_580] {strides = array<i32>} : memref<3328xf32, #tpu.memory_space<vmem>>, vector<16xf32>,
    %add3A_582 = arith.addf %add3A_579, %get3A_581 : vector<16xf32>
    %get3A_583 = arith.constant 560 : index
    %get3A_584 = tpu.vector_load %arg12[%get3A_583] {strides = array<i32>} : memref<3328xf32, #tpu.memory_space<vmem>>, vector<16xf32>,
    %add3A_585 = arith.addf %add3A_582, %get3A_584 : vector<16xf32>
    %get3A_586 = arith.constant 688 : index
    %get3A_587 = tpu.vector_load %arg12[%get3A_586] {strides = array<i32>} : memref<3328xf32, #tpu.memory_space<vmem>>, vector<16xf32>,
    %add3A_588 = arith.addf %add3A_585, %get3A_587 : vector<16xf32>
    %get3A_589 = arith.constant 816 : index
    %get3A_590 = tpu.vector_load %arg12[%get3A_589] {strides = array<i32>} : memref<3328xf32, #tpu.memory_space<vmem>>, vector<16xf32>,
    %add3A_591 = arith.addf %add3A_588, %get3A_590 : vector<16xf32>
    %get3A_592 = arith.constant 944 : index
    %get3A_593 = tpu.vector_load %arg12[%get3A_592] {strides = array<i32>} : memref<3328xf32, #tpu.memory_space<vmem>>, vector<16xf32>,
    %add3A_594 = arith.addf %add3A_591, %get3A_593 : vector<16xf32>
    %get3A_595 = arith.constant 1072 : index
    %get3A_596 = tpu.vector_load %arg12[%get3A_595] {strides = array<i32>} : memref<3328xf32, #tpu.memory_space<vmem>>, vector<16xf32>,
    %add3A_597 = arith.addf %add3A_594, %get3A_596 : vector<16xf32>
    %get3A_598 = arith.constant 1200 : index
    %get3A_599 = tpu.vector_load %arg12[%get3A_598] {strides = array<i32>} : memref<3328xf32, #tpu.memory_space<vmem>>, vector<16xf32>,
    %add3A_600 = arith.addf %add3A_597, %get3A_599 : vector<16xf32>
    %get3A_601 = arith.constant 1328 : index
    %get3A_602 = tpu.vector_load %arg12[%get3A_601] {strides = array<i32>} : memref<3328xf32, #tpu.memory_space<vmem>>, vector<16xf32>,
    %add3A_603 = arith.addf %add3A_600, %get3A_602 : vector<16xf32>
    %get3A_604 = arith.constant 1456 : index
    %get3A_605 = tpu.vector_load %arg12[%get3A_604] {strides = array<i32>} : memref<3328xf32, #tpu.memory_space<vmem>>, vector<16xf32>,
    %add3A_606 = arith.addf %add3A_603, %get3A_605 : vector<16xf32>
    %get3A_607 = arith.constant 1584 : index
    %get3A_608 = tpu.vector_load %arg12[%get3A_607] {strides = array<i32>} : memref<3328xf32, #tpu.memory_space<vmem>>, vector<16xf32>,
    %add3A_609 = arith.addf %add3A_606, %get3A_608 : vector<16xf32>
    %get3A_610 = arith.constant 1712 : index
    %get3A_611 = tpu.vector_load %arg12[%get3A_610] {strides = array<i32>} : memref<3328xf32, #tpu.memory_space<vmem>>, vector<16xf32>,
    %add3A_612 = arith.addf %add3A_609, %get3A_611 : vector<16xf32>
    %get3A_613 = arith.constant 1840 : index
    %get3A_614 = tpu.vector_load %arg12[%get3A_613] {strides = array<i32>} : memref<3328xf32, #tpu.memory_space<vmem>>, vector<16xf32>,
    %add3A_615 = arith.addf %add3A_612, %get3A_614 : vector<16xf32>
    %get3A_616 = arith.constant 1968 : index
    %get3A_617 = tpu.vector_load %arg12[%get3A_616] {strides = array<i32>} : memref<3328xf32, #tpu.memory_space<vmem>>, vector<16xf32>,
    %add3A_618 = arith.addf %add3A_615, %get3A_617 : vector<16xf32>
    %get3A_619 = arith.constant 2096 : index
    %get3A_620 = tpu.vector_load %arg12[%get3A_619] {strides = array<i32>} : memref<3328xf32, #tpu.memory_space<vmem>>, vector<16xf32>,
    %add3A_621 = arith.addf %add3A_618, %get3A_620 : vector<16xf32>
    %get3A_622 = arith.constant 2224 : index
    %get3A_623 = tpu.vector_load %arg12[%get3A_622] {strides = array<i32>} : memref<3328xf32, #tpu.memory_space<vmem>>, vector<16xf32>,
    %add3A_624 = arith.addf %add3A_621, %get3A_623 : vector<16xf32>
    %get3A_625 = arith.constant 2352 : index
    %get3A_626 = tpu.vector_load %arg12[%get3A_625] {strides = array<i32>} : memref<3328xf32, #tpu.memory_space<vmem>>, vector<16xf32>,
    %add3A_627 = arith.addf %add3A_624, %get3A_626 : vector<16xf32>
    %get3A_628 = arith.constant 2480 : index
    %get3A_629 = tpu.vector_load %arg12[%get3A_628] {strides = array<i32>} : memref<3328xf32, #tpu.memory_space<vmem>>, vector<16xf32>,
    %add3A_630 = arith.addf %add3A_627, %get3A_629 : vector<16xf32>
    %get3A_631 = arith.constant 2608 : index
    %get3A_632 = tpu.vector_load %arg12[%get3A_631] {strides = array<i32>} : memref<3328xf32, #tpu.memory_space<vmem>>, vector<16xf32>,
    %add3A_633 = arith.addf %add3A_630, %get3A_632 : vector<16xf32>
    %get3A_634 = arith.constant 2736 : index
    %get3A_635 = tpu.vector_load %arg12[%get3A_634] {strides = array<i32>} : memref<3328xf32, #tpu.memory_space<vmem>>, vector<16xf32>,
    %add3A_636 = arith.addf %add3A_633, %get3A_635 : vector<16xf32>
    %get3A_637 = arith.constant 2864 : index
    %get3A_638 = tpu.vector_load %arg12[%get3A_637] {strides = array<i32>} : memref<3328xf32, #tpu.memory_space<vmem>>, vector<16xf32>,
    %add3A_639 = arith.addf %add3A_636, %get3A_638 : vector<16xf32>
    %get3A_640 = arith.constant 2992 : index
    %get3A_641 = tpu.vector_load %arg12[%get3A_640] {strides = array<i32>} : memref<3328xf32, #tpu.memory_space<vmem>>, vector<16xf32>,
    %add3A_642 = arith.addf %add3A_639, %get3A_641 : vector<16xf32>
    %get3A_643 = arith.constant 3120 : index
    %get3A_644 = tpu.vector_load %arg12[%get3A_643] {strides = array<i32>} : memref<3328xf32, #tpu.memory_space<vmem>>, vector<16xf32>,
    %add3A_645 = arith.addf %add3A_642, %get3A_644 : vector<16xf32>
    %get3A_646 = arith.constant 3248 : index
    %get3A_647 = tpu.vector_load %arg12[%get3A_646] {strides = array<i32>} : memref<3328xf32, #tpu.memory_space<vmem>>, vector<16xf32>,
    %add3A_648 = arith.addf %add3A_645, %get3A_647 : vector<16xf32>
    %swap3A_649 = arith.constant 48 : index
    %swap3A_650 = tpu.vector_load %arg13[%swap3A_649] {strides = array<i32>} : memref<128xf32, #tpu.memory_space<vmem>>, vector<16xf32>,
    tpu.vector_store %arg13[%swap3A_649], %add3A_648 {strides = array<i32>} : memref<128xf32, #tpu.memory_space<vmem>>, vector<16xf32>,
    %broadcast_in_dim3A_651 = arith.constant 0.000000e+00 : f32
    %broadcast_in_dim3A_652 = vector.broadcast %broadcast_in_dim3A_651 : f32 to vector<16xf32>
    %get3A_653 = arith.constant 64 : index
    %get3A_654 = tpu.vector_load %arg12[%get3A_653] {strides = array<i32>} : memref<3328xf32, #tpu.memory_space<vmem>>, vector<16xf32>,
    %add3A_655 = arith.addf %broadcast_in_dim3A_652, %get3A_654 : vector<16xf32>
    %get3A_656 = arith.constant 192 : index
    %get3A_657 = tpu.vector_load %arg12[%get3A_656] {strides = array<i32>} : memref<3328xf32, #tpu.memory_space<vmem>>, vector<16xf32>,
    %add3A_658 = arith.addf %add3A_655, %get3A_657 : vector<16xf32>
    %get3A_659 = arith.constant 320 : index
    %get3A_660 = tpu.vector_load %arg12[%get3A_659] {strides = array<i32>} : memref<3328xf32, #tpu.memory_space<vmem>>, vector<16xf32>,
    %add3A_661 = arith.addf %add3A_658, %get3A_660 : vector<16xf32>
    %get3A_662 = arith.constant 448 : index
    %get3A_663 = tpu.vector_load %arg12[%get3A_662] {strides = array<i32>} : memref<3328xf32, #tpu.memory_space<vmem>>, vector<16xf32>,
    %add3A_664 = arith.addf %add3A_661, %get3A_663 : vector<16xf32>
    %get3A_665 = arith.constant 576 : index
    %get3A_666 = tpu.vector_load %arg12[%get3A_665] {strides = array<i32>} : memref<3328xf32, #tpu.memory_space<vmem>>, vector<16xf32>,
    %add3A_667 = arith.addf %add3A_664, %get3A_666 : vector<16xf32>
    %get3A_668 = arith.constant 704 : index
    %get3A_669 = tpu.vector_load %arg12[%get3A_668] {strides = array<i32>} : memref<3328xf32, #tpu.memory_space<vmem>>, vector<16xf32>,
    %add3A_670 = arith.addf %add3A_667, %get3A_669 : vector<16xf32>
    %get3A_671 = arith.constant 832 : index
    %get3A_672 = tpu.vector_load %arg12[%get3A_671] {strides = array<i32>} : memref<3328xf32, #tpu.memory_space<vmem>>, vector<16xf32>,
    %add3A_673 = arith.addf %add3A_670, %get3A_672 : vector<16xf32>
    %get3A_674 = arith.constant 960 : index
    %get3A_675 = tpu.vector_load %arg12[%get3A_674] {strides = array<i32>} : memref<3328xf32, #tpu.memory_space<vmem>>, vector<16xf32>,
    %add3A_676 = arith.addf %add3A_673, %get3A_675 : vector<16xf32>
    %get3A_677 = arith.constant 1088 : index
    %get3A_678 = tpu.vector_load %arg12[%get3A_677] {strides = array<i32>} : memref<3328xf32, #tpu.memory_space<vmem>>, vector<16xf32>,
    %add3A_679 = arith.addf %add3A_676, %get3A_678 : vector<16xf32>
    %get3A_680 = arith.constant 1216 : index
    %get3A_681 = tpu.vector_load %arg12[%get3A_680] {strides = array<i32>} : memref<3328xf32, #tpu.memory_space<vmem>>, vector<16xf32>,
    %add3A_682 = arith.addf %add3A_679, %get3A_681 : vector<16xf32>
    %get3A_683 = arith.constant 1344 : index
    %get3A_684 = tpu.vector_load %arg12[%get3A_683] {strides = array<i32>} : memref<3328xf32, #tpu.memory_space<vmem>>, vector<16xf32>,
    %add3A_685 = arith.addf %add3A_682, %get3A_684 : vector<16xf32>
    %get3A_686 = arith.constant 1472 : index
    %get3A_687 = tpu.vector_load %arg12[%get3A_686] {strides = array<i32>} : memref<3328xf32, #tpu.memory_space<vmem>>, vector<16xf32>,
    %add3A_688 = arith.addf %add3A_685, %get3A_687 : vector<16xf32>
    %get3A_689 = arith.constant 1600 : index
    %get3A_690 = tpu.vector_load %arg12[%get3A_689] {strides = array<i32>} : memref<3328xf32, #tpu.memory_space<vmem>>, vector<16xf32>,
    %add3A_691 = arith.addf %add3A_688, %get3A_690 : vector<16xf32>
    %get3A_692 = arith.constant 1728 : index
    %get3A_693 = tpu.vector_load %arg12[%get3A_692] {strides = array<i32>} : memref<3328xf32, #tpu.memory_space<vmem>>, vector<16xf32>,
    %add3A_694 = arith.addf %add3A_691, %get3A_693 : vector<16xf32>
    %get3A_695 = arith.constant 1856 : index
    %get3A_696 = tpu.vector_load %arg12[%get3A_695] {strides = array<i32>} : memref<3328xf32, #tpu.memory_space<vmem>>, vector<16xf32>,
    %add3A_697 = arith.addf %add3A_694, %get3A_696 : vector<16xf32>
    %get3A_698 = arith.constant 1984 : index
    %get3A_699 = tpu.vector_load %arg12[%get3A_698] {strides = array<i32>} : memref<3328xf32, #tpu.memory_space<vmem>>, vector<16xf32>,
    %add3A_700 = arith.addf %add3A_697, %get3A_699 : vector<16xf32>
    %get3A_701 = arith.constant 2112 : index
    %get3A_702 = tpu.vector_load %arg12[%get3A_701] {strides = array<i32>} : memref<3328xf32, #tpu.memory_space<vmem>>, vector<16xf32>,
    %add3A_703 = arith.addf %add3A_700, %get3A_702 : vector<16xf32>
    %get3A_704 = arith.constant 2240 : index
    %get3A_705 = tpu.vector_load %arg12[%get3A_704] {strides = array<i32>} : memref<3328xf32, #tpu.memory_space<vmem>>, vector<16xf32>,
    %add3A_706 = arith.addf %add3A_703, %get3A_705 : vector<16xf32>
    %get3A_707 = arith.constant 2368 : index
    %get3A_708 = tpu.vector_load %arg12[%get3A_707] {strides = array<i32>} : memref<3328xf32, #tpu.memory_space<vmem>>, vector<16xf32>,
    %add3A_709 = arith.addf %add3A_706, %get3A_708 : vector<16xf32>
    %get3A_710 = arith.constant 2496 : index
    %get3A_711 = tpu.vector_load %arg12[%get3A_710] {strides = array<i32>} : memref<3328xf32, #tpu.memory_space<vmem>>, vector<16xf32>,
    %add3A_712 = arith.addf %add3A_709, %get3A_711 : vector<16xf32>
    %get3A_713 = arith.constant 2624 : index
    %get3A_714 = tpu.vector_load %arg12[%get3A_713] {strides = array<i32>} : memref<3328xf32, #tpu.memory_space<vmem>>, vector<16xf32>,
    %add3A_715 = arith.addf %add3A_712, %get3A_714 : vector<16xf32>
    %get3A_716 = arith.constant 2752 : index
    %get3A_717 = tpu.vector_load %arg12[%get3A_716] {strides = array<i32>} : memref<3328xf32, #tpu.memory_space<vmem>>, vector<16xf32>,
    %add3A_718 = arith.addf %add3A_715, %get3A_717 : vector<16xf32>
    %get3A_719 = arith.constant 2880 : index
    %get3A_720 = tpu.vector_load %arg12[%get3A_719] {strides = array<i32>} : memref<3328xf32, #tpu.memory_space<vmem>>, vector<16xf32>,
    %add3A_721 = arith.addf %add3A_718, %get3A_720 : vector<16xf32>
    %get3A_722 = arith.constant 3008 : index
    %get3A_723 = tpu.vector_load %arg12[%get3A_722] {strides = array<i32>} : memref<3328xf32, #tpu.memory_space<vmem>>, vector<16xf32>,
    %add3A_724 = arith.addf %add3A_721, %get3A_723 : vector<16xf32>
    %get3A_725 = arith.constant 3136 : index
    %get3A_726 = tpu.vector_load %arg12[%get3A_725] {strides = array<i32>} : memref<3328xf32, #tpu.memory_space<vmem>>, vector<16xf32>,
    %add3A_727 = arith.addf %add3A_724, %get3A_726 : vector<16xf32>
    %get3A_728 = arith.constant 3264 : index
    %get3A_729 = tpu.vector_load %arg12[%get3A_728] {strides = array<i32>} : memref<3328xf32, #tpu.memory_space<vmem>>, vector<16xf32>,
    %add3A_730 = arith.addf %add3A_727, %get3A_729 : vector<16xf32>
    %swap3A_731 = arith.constant 64 : index
    %swap3A_732 = tpu.vector_load %arg13[%swap3A_731] {strides = array<i32>} : memref<128xf32, #tpu.memory_space<vmem>>, vector<16xf32>,
    tpu.vector_store %arg13[%swap3A_731], %add3A_730 {strides = array<i32>} : memref<128xf32, #tpu.memory_space<vmem>>, vector<16xf32>,
    %broadcast_in_dim3A_733 = arith.constant 0.000000e+00 : f32
    %broadcast_in_dim3A_734 = vector.broadcast %broadcast_in_dim3A_733 : f32 to vector<16xf32>
    %get3A_735 = arith.constant 80 : index
    %get3A_736 = tpu.vector_load %arg12[%get3A_735] {strides = array<i32>} : memref<3328xf32, #tpu.memory_space<vmem>>, vector<16xf32>,
    %add3A_737 = arith.addf %broadcast_in_dim3A_734, %get3A_736 : vector<16xf32>
    %get3A_738 = arith.constant 208 : index
    %get3A_739 = tpu.vector_load %arg12[%get3A_738] {strides = array<i32>} : memref<3328xf32, #tpu.memory_space<vmem>>, vector<16xf32>,
    %add3A_740 = arith.addf %add3A_737, %get3A_739 : vector<16xf32>
    %get3A_741 = arith.constant 336 : index
    %get3A_742 = tpu.vector_load %arg12[%get3A_741] {strides = array<i32>} : memref<3328xf32, #tpu.memory_space<vmem>>, vector<16xf32>,
    %add3A_743 = arith.addf %add3A_740, %get3A_742 : vector<16xf32>
    %get3A_744 = arith.constant 464 : index
    %get3A_745 = tpu.vector_load %arg12[%get3A_744] {strides = array<i32>} : memref<3328xf32, #tpu.memory_space<vmem>>, vector<16xf32>,
    %add3A_746 = arith.addf %add3A_743, %get3A_745 : vector<16xf32>
    %get3A_747 = arith.constant 592 : index
    %get3A_748 = tpu.vector_load %arg12[%get3A_747] {strides = array<i32>} : memref<3328xf32, #tpu.memory_space<vmem>>, vector<16xf32>,
    %add3A_749 = arith.addf %add3A_746, %get3A_748 : vector<16xf32>
    %get3A_750 = arith.constant 720 : index
    %get3A_751 = tpu.vector_load %arg12[%get3A_750] {strides = array<i32>} : memref<3328xf32, #tpu.memory_space<vmem>>, vector<16xf32>,
    %add3A_752 = arith.addf %add3A_749, %get3A_751 : vector<16xf32>
    %get3A_753 = arith.constant 848 : index
    %get3A_754 = tpu.vector_load %arg12[%get3A_753] {strides = array<i32>} : memref<3328xf32, #tpu.memory_space<vmem>>, vector<16xf32>,
    %add3A_755 = arith.addf %add3A_752, %get3A_754 : vector<16xf32>
    %get3A_756 = arith.constant 976 : index
    %get3A_757 = tpu.vector_load %arg12[%get3A_756] {strides = array<i32>} : memref<3328xf32, #tpu.memory_space<vmem>>, vector<16xf32>,
    %add3A_758 = arith.addf %add3A_755, %get3A_757 : vector<16xf32>
    %get3A_759 = arith.constant 1104 : index
    %get3A_760 = tpu.vector_load %arg12[%get3A_759] {strides = array<i32>} : memref<3328xf32, #tpu.memory_space<vmem>>, vector<16xf32>,
    %add3A_761 = arith.addf %add3A_758, %get3A_760 : vector<16xf32>
    %get3A_762 = arith.constant 1232 : index
    %get3A_763 = tpu.vector_load %arg12[%get3A_762] {strides = array<i32>} : memref<3328xf32, #tpu.memory_space<vmem>>, vector<16xf32>,
    %add3A_764 = arith.addf %add3A_761, %get3A_763 : vector<16xf32>
    %get3A_765 = arith.constant 1360 : index
    %get3A_766 = tpu.vector_load %arg12[%get3A_765] {strides = array<i32>} : memref<3328xf32, #tpu.memory_space<vmem>>, vector<16xf32>,
    %add3A_767 = arith.addf %add3A_764, %get3A_766 : vector<16xf32>
    %get3A_768 = arith.constant 1488 : index
    %get3A_769 = tpu.vector_load %arg12[%get3A_768] {strides = array<i32>} : memref<3328xf32, #tpu.memory_space<vmem>>, vector<16xf32>,
    %add3A_770 = arith.addf %add3A_767, %get3A_769 : vector<16xf32>
    %get3A_771 = arith.constant 1616 : index
    %get3A_772 = tpu.vector_load %arg12[%get3A_771] {strides = array<i32>} : memref<3328xf32, #tpu.memory_space<vmem>>, vector<16xf32>,
    %add3A_773 = arith.addf %add3A_770, %get3A_772 : vector<16xf32>
    %get3A_774 = arith.constant 1744 : index
    %get3A_775 = tpu.vector_load %arg12[%get3A_774] {strides = array<i32>} : memref<3328xf32, #tpu.memory_space<vmem>>, vector<16xf32>,
    %add3A_776 = arith.addf %add3A_773, %get3A_775 : vector<16xf32>
    %get3A_777 = arith.constant 1872 : index
    %get3A_778 = tpu.vector_load %arg12[%get3A_777] {strides = array<i32>} : memref<3328xf32, #tpu.memory_space<vmem>>, vector<16xf32>,
    %add3A_779 = arith.addf %add3A_776, %get3A_778 : vector<16xf32>
    %get3A_780 = arith.constant 2000 : index
    %get3A_781 = tpu.vector_load %arg12[%get3A_780] {strides = array<i32>} : memref<3328xf32, #tpu.memory_space<vmem>>, vector<16xf32>,
    %add3A_782 = arith.addf %add3A_779, %get3A_781 : vector<16xf32>
    %get3A_783 = arith.constant 2128 : index
    %get3A_784 = tpu.vector_load %arg12[%get3A_783] {strides = array<i32>} : memref<3328xf32, #tpu.memory_space<vmem>>, vector<16xf32>,
    %add3A_785 = arith.addf %add3A_782, %get3A_784 : vector<16xf32>
    %get3A_786 = arith.constant 2256 : index
    %get3A_787 = tpu.vector_load %arg12[%get3A_786] {strides = array<i32>} : memref<3328xf32, #tpu.memory_space<vmem>>, vector<16xf32>,
    %add3A_788 = arith.addf %add3A_785, %get3A_787 : vector<16xf32>
    %get3A_789 = arith.constant 2384 : index
    %get3A_790 = tpu.vector_load %arg12[%get3A_789] {strides = array<i32>} : memref<3328xf32, #tpu.memory_space<vmem>>, vector<16xf32>,
    %add3A_791 = arith.addf %add3A_788, %get3A_790 : vector<16xf32>
    %get3A_792 = arith.constant 2512 : index
    %get3A_793 = tpu.vector_load %arg12[%get3A_792] {strides = array<i32>} : memref<3328xf32, #tpu.memory_space<vmem>>, vector<16xf32>,
    %add3A_794 = arith.addf %add3A_791, %get3A_793 : vector<16xf32>
    %get3A_795 = arith.constant 2640 : index
    %get3A_796 = tpu.vector_load %arg12[%get3A_795] {strides = array<i32>} : memref<3328xf32, #tpu.memory_space<vmem>>, vector<16xf32>,
    %add3A_797 = arith.addf %add3A_794, %get3A_796 : vector<16xf32>
    %get3A_798 = arith.constant 2768 : index
    %get3A_799 = tpu.vector_load %arg12[%get3A_798] {strides = array<i32>} : memref<3328xf32, #tpu.memory_space<vmem>>, vector<16xf32>,
    %add3A_800 = arith.addf %add3A_797, %get3A_799 : vector<16xf32>
    %get3A_801 = arith.constant 2896 : index
    %get3A_802 = tpu.vector_load %arg12[%get3A_801] {strides = array<i32>} : memref<3328xf32, #tpu.memory_space<vmem>>, vector<16xf32>,
    %add3A_803 = arith.addf %add3A_800, %get3A_802 : vector<16xf32>
    %get3A_804 = arith.constant 3024 : index
    %get3A_805 = tpu.vector_load %arg12[%get3A_804] {strides = array<i32>} : memref<3328xf32, #tpu.memory_space<vmem>>, vector<16xf32>,
    %add3A_806 = arith.addf %add3A_803, %get3A_805 : vector<16xf32>
    %get3A_807 = arith.constant 3152 : index
    %get3A_808 = tpu.vector_load %arg12[%get3A_807] {strides = array<i32>} : memref<3328xf32, #tpu.memory_space<vmem>>, vector<16xf32>,
    %add3A_809 = arith.addf %add3A_806, %get3A_808 : vector<16xf32>
    %get3A_810 = arith.constant 3280 : index
    %get3A_811 = tpu.vector_load %arg12[%get3A_810] {strides = array<i32>} : memref<3328xf32, #tpu.memory_space<vmem>>, vector<16xf32>,
    %add3A_812 = arith.addf %add3A_809, %get3A_811 : vector<16xf32>
    %swap3A_813 = arith.constant 80 : index
    %swap3A_814 = tpu.vector_load %arg13[%swap3A_813] {strides = array<i32>} : memref<128xf32, #tpu.memory_space<vmem>>, vector<16xf32>,
    tpu.vector_store %arg13[%swap3A_813], %add3A_812 {strides = array<i32>} : memref<128xf32, #tpu.memory_space<vmem>>, vector<16xf32>,
    %broadcast_in_dim3A_815 = arith.constant 0.000000e+00 : f32
    %broadcast_in_dim3A_816 = vector.broadcast %broadcast_in_dim3A_815 : f32 to vector<16xf32>
    %get3A_817 = arith.constant 96 : index
    %get3A_818 = tpu.vector_load %arg12[%get3A_817] {strides = array<i32>} : memref<3328xf32, #tpu.memory_space<vmem>>, vector<16xf32>,
    %add3A_819 = arith.addf %broadcast_in_dim3A_816, %get3A_818 : vector<16xf32>
    %get3A_820 = arith.constant 224 : index
    %get3A_821 = tpu.vector_load %arg12[%get3A_820] {strides = array<i32>} : memref<3328xf32, #tpu.memory_space<vmem>>, vector<16xf32>,
    %add3A_822 = arith.addf %add3A_819, %get3A_821 : vector<16xf32>
    %get3A_823 = arith.constant 352 : index
    %get3A_824 = tpu.vector_load %arg12[%get3A_823] {strides = array<i32>} : memref<3328xf32, #tpu.memory_space<vmem>>, vector<16xf32>,
    %add3A_825 = arith.addf %add3A_822, %get3A_824 : vector<16xf32>
    %get3A_826 = arith.constant 480 : index
    %get3A_827 = tpu.vector_load %arg12[%get3A_826] {strides = array<i32>} : memref<3328xf32, #tpu.memory_space<vmem>>, vector<16xf32>,
    %add3A_828 = arith.addf %add3A_825, %get3A_827 : vector<16xf32>
    %get3A_829 = arith.constant 608 : index
    %get3A_830 = tpu.vector_load %arg12[%get3A_829] {strides = array<i32>} : memref<3328xf32, #tpu.memory_space<vmem>>, vector<16xf32>,
    %add3A_831 = arith.addf %add3A_828, %get3A_830 : vector<16xf32>
    %get3A_832 = arith.constant 736 : index
    %get3A_833 = tpu.vector_load %arg12[%get3A_832] {strides = array<i32>} : memref<3328xf32, #tpu.memory_space<vmem>>, vector<16xf32>,
    %add3A_834 = arith.addf %add3A_831, %get3A_833 : vector<16xf32>
    %get3A_835 = arith.constant 864 : index
    %get3A_836 = tpu.vector_load %arg12[%get3A_835] {strides = array<i32>} : memref<3328xf32, #tpu.memory_space<vmem>>, vector<16xf32>,
    %add3A_837 = arith.addf %add3A_834, %get3A_836 : vector<16xf32>
    %get3A_838 = arith.constant 992 : index
    %get3A_839 = tpu.vector_load %arg12[%get3A_838] {strides = array<i32>} : memref<3328xf32, #tpu.memory_space<vmem>>, vector<16xf32>,
    %add3A_840 = arith.addf %add3A_837, %get3A_839 : vector<16xf32>
    %get3A_841 = arith.constant 1120 : index
    %get3A_842 = tpu.vector_load %arg12[%get3A_841] {strides = array<i32>} : memref<3328xf32, #tpu.memory_space<vmem>>, vector<16xf32>,
    %add3A_843 = arith.addf %add3A_840, %get3A_842 : vector<16xf32>
    %get3A_844 = arith.constant 1248 : index
    %get3A_845 = tpu.vector_load %arg12[%get3A_844] {strides = array<i32>} : memref<3328xf32, #tpu.memory_space<vmem>>, vector<16xf32>,
    %add3A_846 = arith.addf %add3A_843, %get3A_845 : vector<16xf32>
    %get3A_847 = arith.constant 1376 : index
    %get3A_848 = tpu.vector_load %arg12[%get3A_847] {strides = array<i32>} : memref<3328xf32, #tpu.memory_space<vmem>>, vector<16xf32>,
    %add3A_849 = arith.addf %add3A_846, %get3A_848 : vector<16xf32>
    %get3A_850 = arith.constant 1504 : index
    %get3A_851 = tpu.vector_load %arg12[%get3A_850] {strides = array<i32>} : memref<3328xf32, #tpu.memory_space<vmem>>, vector<16xf32>,
    %add3A_852 = arith.addf %add3A_849, %get3A_851 : vector<16xf32>
    %get3A_853 = arith.constant 1632 : index
    %get3A_854 = tpu.vector_load %arg12[%get3A_853] {strides = array<i32>} : memref<3328xf32, #tpu.memory_space<vmem>>, vector<16xf32>,
    %add3A_855 = arith.addf %add3A_852, %get3A_854 : vector<16xf32>
    %get3A_856 = arith.constant 1760 : index
    %get3A_857 = tpu.vector_load %arg12[%get3A_856] {strides = array<i32>} : memref<3328xf32, #tpu.memory_space<vmem>>, vector<16xf32>,
    %add3A_858 = arith.addf %add3A_855, %get3A_857 : vector<16xf32>
    %get3A_859 = arith.constant 1888 : index
    %get3A_860 = tpu.vector_load %arg12[%get3A_859] {strides = array<i32>} : memref<3328xf32, #tpu.memory_space<vmem>>, vector<16xf32>,
    %add3A_861 = arith.addf %add3A_858, %get3A_860 : vector<16xf32>
    %get3A_862 = arith.constant 2016 : index
    %get3A_863 = tpu.vector_load %arg12[%get3A_862] {strides = array<i32>} : memref<3328xf32, #tpu.memory_space<vmem>>, vector<16xf32>,
    %add3A_864 = arith.addf %add3A_861, %get3A_863 : vector<16xf32>
    %get3A_865 = arith.constant 2144 : index
    %get3A_866 = tpu.vector_load %arg12[%get3A_865] {strides = array<i32>} : memref<3328xf32, #tpu.memory_space<vmem>>, vector<16xf32>,
    %add3A_867 = arith.addf %add3A_864, %get3A_866 : vector<16xf32>
    %get3A_868 = arith.constant 2272 : index
    %get3A_869 = tpu.vector_load %arg12[%get3A_868] {strides = array<i32>} : memref<3328xf32, #tpu.memory_space<vmem>>, vector<16xf32>,
    %add3A_870 = arith.addf %add3A_867, %get3A_869 : vector<16xf32>
    %get3A_871 = arith.constant 2400 : index
    %get3A_872 = tpu.vector_load %arg12[%get3A_871] {strides = array<i32>} : memref<3328xf32, #tpu.memory_space<vmem>>, vector<16xf32>,
    %add3A_873 = arith.addf %add3A_870, %get3A_872 : vector<16xf32>
    %get3A_874 = arith.constant 2528 : index
    %get3A_875 = tpu.vector_load %arg12[%get3A_874] {strides = array<i32>} : memref<3328xf32, #tpu.memory_space<vmem>>, vector<16xf32>,
    %add3A_876 = arith.addf %add3A_873, %get3A_875 : vector<16xf32>
    %get3A_877 = arith.constant 2656 : index
    %get3A_878 = tpu.vector_load %arg12[%get3A_877] {strides = array<i32>} : memref<3328xf32, #tpu.memory_space<vmem>>, vector<16xf32>,
    %add3A_879 = arith.addf %add3A_876, %get3A_878 : vector<16xf32>
    %get3A_880 = arith.constant 2784 : index
    %get3A_881 = tpu.vector_load %arg12[%get3A_880] {strides = array<i32>} : memref<3328xf32, #tpu.memory_space<vmem>>, vector<16xf32>,
    %add3A_882 = arith.addf %add3A_879, %get3A_881 : vector<16xf32>
    %get3A_883 = arith.constant 2912 : index
    %get3A_884 = tpu.vector_load %arg12[%get3A_883] {strides = array<i32>} : memref<3328xf32, #tpu.memory_space<vmem>>, vector<16xf32>,
    %add3A_885 = arith.addf %add3A_882, %get3A_884 : vector<16xf32>
    %get3A_886 = arith.constant 3040 : index
    %get3A_887 = tpu.vector_load %arg12[%get3A_886] {strides = array<i32>} : memref<3328xf32, #tpu.memory_space<vmem>>, vector<16xf32>,
    %add3A_888 = arith.addf %add3A_885, %get3A_887 : vector<16xf32>
    %get3A_889 = arith.constant 3168 : index
    %get3A_890 = tpu.vector_load %arg12[%get3A_889] {strides = array<i32>} : memref<3328xf32, #tpu.memory_space<vmem>>, vector<16xf32>,
    %add3A_891 = arith.addf %add3A_888, %get3A_890 : vector<16xf32>
    %get3A_892 = arith.constant 3296 : index
    %get3A_893 = tpu.vector_load %arg12[%get3A_892] {strides = array<i32>} : memref<3328xf32, #tpu.memory_space<vmem>>, vector<16xf32>,
    %add3A_894 = arith.addf %add3A_891, %get3A_893 : vector<16xf32>
    %swap3A_895 = arith.constant 96 : index
    %swap3A_896 = tpu.vector_load %arg13[%swap3A_895] {strides = array<i32>} : memref<128xf32, #tpu.memory_space<vmem>>, vector<16xf32>,
    tpu.vector_store %arg13[%swap3A_895], %add3A_894 {strides = array<i32>} : memref<128xf32, #tpu.memory_space<vmem>>, vector<16xf32>,
    %broadcast_in_dim3A_897 = arith.constant 0.000000e+00 : f32
    %broadcast_in_dim3A_898 = vector.broadcast %broadcast_in_dim3A_897 : f32 to vector<16xf32>
    %get3A_899 = arith.constant 112 : index
    %get3A_900 = tpu.vector_load %arg12[%get3A_899] {strides = array<i32>} : memref<3328xf32, #tpu.memory_space<vmem>>, vector<16xf32>,
    %add3A_901 = arith.addf %broadcast_in_dim3A_898, %get3A_900 : vector<16xf32>
    %get3A_902 = arith.constant 240 : index
    %get3A_903 = tpu.vector_load %arg12[%get3A_902] {strides = array<i32>} : memref<3328xf32, #tpu.memory_space<vmem>>, vector<16xf32>,
    %add3A_904 = arith.addf %add3A_901, %get3A_903 : vector<16xf32>
    %get3A_905 = arith.constant 368 : index
    %get3A_906 = tpu.vector_load %arg12[%get3A_905] {strides = array<i32>} : memref<3328xf32, #tpu.memory_space<vmem>>, vector<16xf32>,
    %add3A_907 = arith.addf %add3A_904, %get3A_906 : vector<16xf32>
    %get3A_908 = arith.constant 496 : index
    %get3A_909 = tpu.vector_load %arg12[%get3A_908] {strides = array<i32>} : memref<3328xf32, #tpu.memory_space<vmem>>, vector<16xf32>,
    %add3A_910 = arith.addf %add3A_907, %get3A_909 : vector<16xf32>
    %get3A_911 = arith.constant 624 : index
    %get3A_912 = tpu.vector_load %arg12[%get3A_911] {strides = array<i32>} : memref<3328xf32, #tpu.memory_space<vmem>>, vector<16xf32>,
    %add3A_913 = arith.addf %add3A_910, %get3A_912 : vector<16xf32>
    %get3A_914 = arith.constant 752 : index
    %get3A_915 = tpu.vector_load %arg12[%get3A_914] {strides = array<i32>} : memref<3328xf32, #tpu.memory_space<vmem>>, vector<16xf32>,
    %add3A_916 = arith.addf %add3A_913, %get3A_915 : vector<16xf32>
    %get3A_917 = arith.constant 880 : index
    %get3A_918 = tpu.vector_load %arg12[%get3A_917] {strides = array<i32>} : memref<3328xf32, #tpu.memory_space<vmem>>, vector<16xf32>,
    %add3A_919 = arith.addf %add3A_916, %get3A_918 : vector<16xf32>
    %get3A_920 = arith.constant 1008 : index
    %get3A_921 = tpu.vector_load %arg12[%get3A_920] {strides = array<i32>} : memref<3328xf32, #tpu.memory_space<vmem>>, vector<16xf32>,
    %add3A_922 = arith.addf %add3A_919, %get3A_921 : vector<16xf32>
    %get3A_923 = arith.constant 1136 : index
    %get3A_924 = tpu.vector_load %arg12[%get3A_923] {strides = array<i32>} : memref<3328xf32, #tpu.memory_space<vmem>>, vector<16xf32>,
    %add3A_925 = arith.addf %add3A_922, %get3A_924 : vector<16xf32>
    %get3A_926 = arith.constant 1264 : index
    %get3A_927 = tpu.vector_load %arg12[%get3A_926] {strides = array<i32>} : memref<3328xf32, #tpu.memory_space<vmem>>, vector<16xf32>,
    %add3A_928 = arith.addf %add3A_925, %get3A_927 : vector<16xf32>
    %get3A_929 = arith.constant 1392 : index
    %get3A_930 = tpu.vector_load %arg12[%get3A_929] {strides = array<i32>} : memref<3328xf32, #tpu.memory_space<vmem>>, vector<16xf32>,
    %add3A_931 = arith.addf %add3A_928, %get3A_930 : vector<16xf32>
    %get3A_932 = arith.constant 1520 : index
    %get3A_933 = tpu.vector_load %arg12[%get3A_932] {strides = array<i32>} : memref<3328xf32, #tpu.memory_space<vmem>>, vector<16xf32>,
    %add3A_934 = arith.addf %add3A_931, %get3A_933 : vector<16xf32>
    %get3A_935 = arith.constant 1648 : index
    %get3A_936 = tpu.vector_load %arg12[%get3A_935] {strides = array<i32>} : memref<3328xf32, #tpu.memory_space<vmem>>, vector<16xf32>,
    %add3A_937 = arith.addf %add3A_934, %get3A_936 : vector<16xf32>
    %get3A_938 = arith.constant 1776 : index
    %get3A_939 = tpu.vector_load %arg12[%get3A_938] {strides = array<i32>} : memref<3328xf32, #tpu.memory_space<vmem>>, vector<16xf32>,
    %add3A_940 = arith.addf %add3A_937, %get3A_939 : vector<16xf32>
    %get3A_941 = arith.constant 1904 : index
    %get3A_942 = tpu.vector_load %arg12[%get3A_941] {strides = array<i32>} : memref<3328xf32, #tpu.memory_space<vmem>>, vector<16xf32>,
    %add3A_943 = arith.addf %add3A_940, %get3A_942 : vector<16xf32>
    %get3A_944 = arith.constant 2032 : index
    %get3A_945 = tpu.vector_load %arg12[%get3A_944] {strides = array<i32>} : memref<3328xf32, #tpu.memory_space<vmem>>, vector<16xf32>,
    %add3A_946 = arith.addf %add3A_943, %get3A_945 : vector<16xf32>
    %get3A_947 = arith.constant 2160 : index
    %get3A_948 = tpu.vector_load %arg12[%get3A_947] {strides = array<i32>} : memref<3328xf32, #tpu.memory_space<vmem>>, vector<16xf32>,
    %add3A_949 = arith.addf %add3A_946, %get3A_948 : vector<16xf32>
    %get3A_950 = arith.constant 2288 : index
    %get3A_951 = tpu.vector_load %arg12[%get3A_950] {strides = array<i32>} : memref<3328xf32, #tpu.memory_space<vmem>>, vector<16xf32>,
    %add3A_952 = arith.addf %add3A_949, %get3A_951 : vector<16xf32>
    %get3A_953 = arith.constant 2416 : index
    %get3A_954 = tpu.vector_load %arg12[%get3A_953] {strides = array<i32>} : memref<3328xf32, #tpu.memory_space<vmem>>, vector<16xf32>,
    %add3A_955 = arith.addf %add3A_952, %get3A_954 : vector<16xf32>
    %get3A_956 = arith.constant 2544 : index
    %get3A_957 = tpu.vector_load %arg12[%get3A_956] {strides = array<i32>} : memref<3328xf32, #tpu.memory_space<vmem>>, vector<16xf32>,
    %add3A_958 = arith.addf %add3A_955, %get3A_957 : vector<16xf32>
    %get3A_959 = arith.constant 2672 : index
    %get3A_960 = tpu.vector_load %arg12[%get3A_959] {strides = array<i32>} : memref<3328xf32, #tpu.memory_space<vmem>>, vector<16xf32>,
    %add3A_961 = arith.addf %add3A_958, %get3A_960 : vector<16xf32>
    %get3A_962 = arith.constant 2800 : index
    %get3A_963 = tpu.vector_load %arg12[%get3A_962] {strides = array<i32>} : memref<3328xf32, #tpu.memory_space<vmem>>, vector<16xf32>,
    %add3A_964 = arith.addf %add3A_961, %get3A_963 : vector<16xf32>
    %get3A_965 = arith.constant 2928 : index
    %get3A_966 = tpu.vector_load %arg12[%get3A_965] {strides = array<i32>} : memref<3328xf32, #tpu.memory_space<vmem>>, vector<16xf32>,
    %add3A_967 = arith.addf %add3A_964, %get3A_966 : vector<16xf32>
    %get3A_968 = arith.constant 3056 : index
    %get3A_969 = tpu.vector_load %arg12[%get3A_968] {strides = array<i32>} : memref<3328xf32, #tpu.memory_space<vmem>>, vector<16xf32>,
    %add3A_970 = arith.addf %add3A_967, %get3A_969 : vector<16xf32>
    %get3A_971 = arith.constant 3184 : index
    %get3A_972 = tpu.vector_load %arg12[%get3A_971] {strides = array<i32>} : memref<3328xf32, #tpu.memory_space<vmem>>, vector<16xf32>,
    %add3A_973 = arith.addf %add3A_970, %get3A_972 : vector<16xf32>
    %get3A_974 = arith.constant 3312 : index
    %get3A_975 = tpu.vector_load %arg12[%get3A_974] {strides = array<i32>} : memref<3328xf32, #tpu.memory_space<vmem>>, vector<16xf32>,
    %add3A_976 = arith.addf %add3A_973, %get3A_975 : vector<16xf32>
    %swap3A_977 = arith.constant 112 : index
    %swap3A_978 = tpu.vector_load %arg13[%swap3A_977] {strides = array<i32>} : memref<128xf32, #tpu.memory_space<vmem>>, vector<16xf32>,
    tpu.vector_store %arg13[%swap3A_977], %add3A_976 {strides = array<i32>} : memref<128xf32, #tpu.memory_space<vmem>>, vector<16xf32>,
    %dma_wait3A_979 = tpu.memref_slice %arg6[%mul3A_11] : memref<106496xi32, #tpu.memory_space<hbm>> -> memref<3328xi32, #tpu.memory_space<hbm>>
    %dma_wait3A_980 = tpu.memref_slice %arg6[%mul3A_11] : memref<106496xi32, #tpu.memory_space<hbm>> -> memref<3328xi32, #tpu.memory_space<hbm>>
    tpu.wait_dma2 semaphore(%arg14 : memref<!tpu.dma_semaphore, #tpu.memory_space<semaphore_mem>>) src(%arg8 : memref<3328xi32, #tpu.memory_space<vmem>>) dst(%dma_wait3A_980 : memref<3328xi32, #tpu.memory_space<hbm>>)
    %mul3A_981 = arith.constant 128 : i32
    %mul3A_982 = arith.muli %add3A, %mul3A_981 : i32
    "tpu.region"() ({
      %run_scoped3A = tpu.sem_alloc : memref<!tpu.dma_semaphore, #tpu.memory_space<semaphore_mem>>
      %dma_start3A_983 = tpu.memref_slice %arg7[%mul3A_982] : memref<4096xf32, #tpu.memory_space<hbm>> -> memref<128xf32, #tpu.memory_space<hbm>>
      %dma_start3A_984 = tpu.memref_slice %arg7[%mul3A_982] : memref<4096xf32, #tpu.memory_space<hbm>> -> memref<128xf32, #tpu.memory_space<hbm>>
      tpu.enqueue_dma source(%arg13 : memref<128xf32, #tpu.memory_space<vmem>>) target(%dma_start3A_984 : memref<128xf32, #tpu.memory_space<hbm>>) target_semaphore(%run_scoped3A : memref<!tpu.dma_semaphore, #tpu.memory_space<semaphore_mem>>)
      %dma_wait3A_985 = tpu.memref_slice %arg7[%mul3A_982] : memref<4096xf32, #tpu.memory_space<hbm>> -> memref<128xf32, #tpu.memory_space<hbm>>
      %dma_wait3A_986 = tpu.memref_slice %arg7[%mul3A_982] : memref<4096xf32, #tpu.memory_space<hbm>> -> memref<128xf32, #tpu.memory_space<hbm>>
      tpu.wait_dma2 semaphore(%run_scoped3A : memref<!tpu.dma_semaphore, #tpu.memory_space<semaphore_mem>>) src(%arg13 : memref<128xf32, #tpu.memory_space<vmem>>) dst(%dma_wait3A_986 : memref<128xf32, #tpu.memory_space<hbm>>)
      tpu.yield
    }) : () -> ()
    return
  }
}

#map = affine_map<(d0, d1) -> (0, 0)>
#map1 = affine_map<(d0, d1) -> (0)>
module attributes {stable_mosaic.version = 14 : i64} {
  func.func @_body_b(%arg0: i32, %arg1: i32, %arg2: memref<2600000x32xf32, #tpu.memory_space<hbm>>, %arg3: memref<106496xi32, #tpu.memory_space<hbm>>, %arg4: memref<4096xf32, #tpu.memory_space<hbm>>, %arg5: memref<16xf32, #tpu.memory_space<hbm>>, %arg6: memref<4096xf32, #tpu.memory_space<hbm>>, %arg7: memref<3328xi32, #tpu.memory_space<vmem>>, %arg8: memref<416x32xf32, #tpu.memory_space<vmem>>, %arg9: memref<128xf32, #tpu.memory_space<vmem>>, %arg10: memref<256xf32, #tpu.memory_space<vmem>>, %arg11: memref<128xf32, #tpu.memory_space<vmem>>, %arg12: memref<16xf32, #tpu.memory_space<vmem>>, %arg13: memref<!tpu.dma_semaphore, #tpu.memory_space<semaphore_mem>>, %arg14: memref<2x!tpu.dma_semaphore, #tpu.memory_space<semaphore_mem>>) attributes {dimension_semantics = [#tpu.dimension_semantics<core_parallel>, #tpu.dimension_semantics<subcore_parallel>], iteration_bounds = array<i64: 2, 16>, scalar_prefetch = 0 : i64, scratch_operands = 8 : i64, tpu.core_type = #tpu.core_type<sc_vector_subcore>, window_params = [{transform_indices = #map}, {transform_indices = #map1}, {transform_indices = #map1}, {transform_indices = #map1}, {transform_indices = #map1}]} {
    %mul3A = arith.constant 2 : i32
    %mul3A_0 = arith.muli %arg1, %mul3A : i32
    %add3A = arith.addi %mul3A_0, %arg0 : i32
    %mul3A_1 = arith.constant 3328 : i32
    %mul3A_2 = arith.muli %add3A, %mul3A_1 : i32
    %dma_start3A = tpu.memref_slice %arg3[%mul3A_2] : memref<106496xi32, #tpu.memory_space<hbm>> -> memref<3328xi32, #tpu.memory_space<hbm>>
    %dma_start3A_3 = tpu.memref_slice %arg3[%mul3A_2] : memref<106496xi32, #tpu.memory_space<hbm>> -> memref<3328xi32, #tpu.memory_space<hbm>>
    tpu.enqueue_dma source(%dma_start3A_3 : memref<3328xi32, #tpu.memory_space<hbm>>) target(%arg7 : memref<3328xi32, #tpu.memory_space<vmem>>) target_semaphore(%arg13 : memref<!tpu.dma_semaphore, #tpu.memory_space<semaphore_mem>>)
    %mul3A_4 = arith.constant 128 : i32
    %mul3A_5 = arith.muli %add3A, %mul3A_4 : i32
    %dma_start3A_6 = tpu.memref_slice %arg4[%mul3A_5] : memref<4096xf32, #tpu.memory_space<hbm>> -> memref<128xf32, #tpu.memory_space<hbm>>
    %dma_start3A_7 = tpu.memref_slice %arg4[%mul3A_5] : memref<4096xf32, #tpu.memory_space<hbm>> -> memref<128xf32, #tpu.memory_space<hbm>>
    tpu.enqueue_dma source(%dma_start3A_7 : memref<128xf32, #tpu.memory_space<hbm>>) target(%arg9 : memref<128xf32, #tpu.memory_space<vmem>>) target_semaphore(%arg13 : memref<!tpu.dma_semaphore, #tpu.memory_space<semaphore_mem>>)
    tpu.enqueue_dma source(%arg5 : memref<16xf32, #tpu.memory_space<hbm>>) target(%arg12 : memref<16xf32, #tpu.memory_space<vmem>>) target_semaphore(%arg13 : memref<!tpu.dma_semaphore, #tpu.memory_space<semaphore_mem>>)
    %dma_wait3A = tpu.memref_slice %arg3[%mul3A_2] : memref<106496xi32, #tpu.memory_space<hbm>> -> memref<3328xi32, #tpu.memory_space<hbm>>
    %dma_wait3A_8 = tpu.memref_slice %arg3[%mul3A_2] : memref<106496xi32, #tpu.memory_space<hbm>> -> memref<3328xi32, #tpu.memory_space<hbm>>
    tpu.wait_dma2 semaphore(%arg13 : memref<!tpu.dma_semaphore, #tpu.memory_space<semaphore_mem>>) src(%dma_wait3A_8 : memref<3328xi32, #tpu.memory_space<hbm>>) dst(%arg7 : memref<3328xi32, #tpu.memory_space<vmem>>)
    %dma_wait3A_9 = tpu.memref_slice %arg4[%mul3A_5] : memref<4096xf32, #tpu.memory_space<hbm>> -> memref<128xf32, #tpu.memory_space<hbm>>
    %dma_wait3A_10 = tpu.memref_slice %arg4[%mul3A_5] : memref<4096xf32, #tpu.memory_space<hbm>> -> memref<128xf32, #tpu.memory_space<hbm>>
    tpu.wait_dma2 semaphore(%arg13 : memref<!tpu.dma_semaphore, #tpu.memory_space<semaphore_mem>>) src(%dma_wait3A_10 : memref<128xf32, #tpu.memory_space<hbm>>) dst(%arg9 : memref<128xf32, #tpu.memory_space<vmem>>)
    tpu.wait_dma2 semaphore(%arg13 : memref<!tpu.dma_semaphore, #tpu.memory_space<semaphore_mem>>) src(%arg5 : memref<16xf32, #tpu.memory_space<hbm>>) dst(%arg12 : memref<16xf32, #tpu.memory_space<vmem>>)
    %iota3A = tpu.iota {dimensions = array<i32: 0>} : vector<16xi32>
    %broadcast_in_dim3A = arith.constant 0.000000e+00 : f32
    %broadcast_in_dim3A_11 = vector.broadcast %broadcast_in_dim3A : f32 to vector<16xf32>
    %get3A = arith.constant 0 : index
    %get3A_12 = tpu.vector_load %arg12[%get3A] {strides = array<i32>} : memref<16xf32, #tpu.memory_space<vmem>>, vector<16xf32>,
    %scan3A = arith.constant 0 : i32
    %scan3A_13 = arith.constant 0 : i32
    %scan3A_14 = arith.constant 2 : i32
    %scan3A_15 = arith.addi %scan3A_13, %scan3A_14 : i32
    %scan3A_16 = arith.constant 1 : i32
    scf.for %scan3A_26 = %scan3A_13 to %scan3A_15 step %scan3A_16  : i32 {
      %rem3A = arith.constant 2 : i32
      %rem3A_27 = arith.remsi %scan3A_26, %rem3A : i32
      %mul3A_28 = arith.constant 208 : i32
      %mul3A_29 = arith.muli %rem3A_27, %mul3A_28 : i32
      %scan3A_30 = arith.constant 0 : i32
      %scan3A_31 = arith.constant 0 : i32
      %scan3A_32 = arith.constant 13 : i32
      %scan3A_33 = arith.addi %scan3A_31, %scan3A_32 : i32
      %scan3A_34 = arith.constant 1 : i32
      scf.for %scan3A_36 = %scan3A_31 to %scan3A_33 step %scan3A_34  : i32 {
        %mul3A_37 = arith.constant 208 : i32
        %mul3A_38 = arith.muli %scan3A_26, %mul3A_37 : i32
        %mul3A_39 = arith.constant 16 : i32
        %mul3A_40 = arith.muli %scan3A_36, %mul3A_39 : i32
        %add3A_41 = arith.addi %mul3A_38, %mul3A_40 : i32
        %get3A_42 = arith.index_cast %add3A_41 : i32 to index
        %get3A_43 = tpu.vector_load %arg7[%get3A_42] {strides = array<i32>} : memref<3328xi32, #tpu.memory_space<vmem>>, vector<16xi32>,
        %slice3A = vector.extract_strided_slice %get3A_43 {offsets = [0], sizes = [1], strides = [1]} : vector<16xi32> to vector<1xi32>
        %squeeze3A = vector.extract %slice3A[0] : i32 from vector<1xi32>
        %mul3A_44 = arith.constant 16 : i32
        %mul3A_45 = arith.muli %scan3A_36, %mul3A_44 : i32
        %add3A_46 = arith.addi %mul3A_29, %mul3A_45 : i32
        %add3A_47 = arith.constant 0 : i32
        %add3A_48 = arith.addi %add3A_46, %add3A_47 : i32
        %dma_start3A_49 = arith.constant 0 : i32
        %dma_start3A_50 = tpu.memref_slice %arg8[%add3A_48, %dma_start3A_49] : memref<416x32xf32, #tpu.memory_space<vmem>> -> memref<1x32xf32, #tpu.memory_space<vmem>>
        %dma_start3A_51 = arith.constant 0 : i32
        %dma_start3A_52 = tpu.memref_slice %arg2[%squeeze3A, %dma_start3A_51] : memref<2600000x32xf32, #tpu.memory_space<hbm>> -> memref<1x32xf32, #tpu.memory_space<hbm>>
        %dma_start3A_53 = tpu.memref_slice %arg14[%rem3A_27] : memref<2x!tpu.dma_semaphore, #tpu.memory_space<semaphore_mem>> -> memref<1x!tpu.dma_semaphore, #tpu.memory_space<semaphore_mem>>
        %dma_start3A_54 = tpu.memref_squeeze %dma_start3A_53 : memref<1x!tpu.dma_semaphore, #tpu.memory_space<semaphore_mem>> -> memref<!tpu.dma_semaphore, #tpu.memory_space<semaphore_mem>>
        %dma_start3A_55 = arith.constant 0 : i32
        %dma_start3A_56 = tpu.memref_slice %arg8[%add3A_48, %dma_start3A_55] : memref<416x32xf32, #tpu.memory_space<vmem>> -> memref<1x32xf32, #tpu.memory_space<vmem>>
        %dma_start3A_57 = arith.constant 0 : i32
        %dma_start3A_58 = tpu.memref_slice %arg2[%squeeze3A, %dma_start3A_57] : memref<2600000x32xf32, #tpu.memory_space<hbm>> -> memref<1x32xf32, #tpu.memory_space<hbm>>
        tpu.enqueue_dma source(%dma_start3A_58 : memref<1x32xf32, #tpu.memory_space<hbm>>) target(%dma_start3A_56 : memref<1x32xf32, #tpu.memory_space<vmem>>) target_semaphore(%dma_start3A_54 : memref<!tpu.dma_semaphore, #tpu.memory_space<semaphore_mem>>)
        %slice3A_59 = vector.extract_strided_slice %get3A_43 {offsets = [1], sizes = [1], strides = [1]} : vector<16xi32> to vector<1xi32>
        %squeeze3A_60 = vector.extract %slice3A_59[0] : i32 from vector<1xi32>
        %mul3A_61 = arith.constant 16 : i32
        %mul3A_62 = arith.muli %scan3A_36, %mul3A_61 : i32
        %add3A_63 = arith.addi %mul3A_29, %mul3A_62 : i32
        %add3A_64 = arith.constant 1 : i32
        %add3A_65 = arith.addi %add3A_63, %add3A_64 : i32
        %dma_start3A_66 = arith.constant 0 : i32
        %dma_start3A_67 = tpu.memref_slice %arg8[%add3A_65, %dma_start3A_66] : memref<416x32xf32, #tpu.memory_space<vmem>> -> memref<1x32xf32, #tpu.memory_space<vmem>>
        %dma_start3A_68 = arith.constant 0 : i32
        %dma_start3A_69 = tpu.memref_slice %arg2[%squeeze3A_60, %dma_start3A_68] : memref<2600000x32xf32, #tpu.memory_space<hbm>> -> memref<1x32xf32, #tpu.memory_space<hbm>>
        %dma_start3A_70 = tpu.memref_slice %arg14[%rem3A_27] : memref<2x!tpu.dma_semaphore, #tpu.memory_space<semaphore_mem>> -> memref<1x!tpu.dma_semaphore, #tpu.memory_space<semaphore_mem>>
        %dma_start3A_71 = tpu.memref_squeeze %dma_start3A_70 : memref<1x!tpu.dma_semaphore, #tpu.memory_space<semaphore_mem>> -> memref<!tpu.dma_semaphore, #tpu.memory_space<semaphore_mem>>
        %dma_start3A_72 = arith.constant 0 : i32
        %dma_start3A_73 = tpu.memref_slice %arg8[%add3A_65, %dma_start3A_72] : memref<416x32xf32, #tpu.memory_space<vmem>> -> memref<1x32xf32, #tpu.memory_space<vmem>>
        %dma_start3A_74 = arith.constant 0 : i32
        %dma_start3A_75 = tpu.memref_slice %arg2[%squeeze3A_60, %dma_start3A_74] : memref<2600000x32xf32, #tpu.memory_space<hbm>> -> memref<1x32xf32, #tpu.memory_space<hbm>>
        tpu.enqueue_dma source(%dma_start3A_75 : memref<1x32xf32, #tpu.memory_space<hbm>>) target(%dma_start3A_73 : memref<1x32xf32, #tpu.memory_space<vmem>>) target_semaphore(%dma_start3A_71 : memref<!tpu.dma_semaphore, #tpu.memory_space<semaphore_mem>>)
        %slice3A_76 = vector.extract_strided_slice %get3A_43 {offsets = [2], sizes = [1], strides = [1]} : vector<16xi32> to vector<1xi32>
        %squeeze3A_77 = vector.extract %slice3A_76[0] : i32 from vector<1xi32>
        %mul3A_78 = arith.constant 16 : i32
        %mul3A_79 = arith.muli %scan3A_36, %mul3A_78 : i32
        %add3A_80 = arith.addi %mul3A_29, %mul3A_79 : i32
        %add3A_81 = arith.constant 2 : i32
        %add3A_82 = arith.addi %add3A_80, %add3A_81 : i32
        %dma_start3A_83 = arith.constant 0 : i32
        %dma_start3A_84 = tpu.memref_slice %arg8[%add3A_82, %dma_start3A_83] : memref<416x32xf32, #tpu.memory_space<vmem>> -> memref<1x32xf32, #tpu.memory_space<vmem>>
        %dma_start3A_85 = arith.constant 0 : i32
        %dma_start3A_86 = tpu.memref_slice %arg2[%squeeze3A_77, %dma_start3A_85] : memref<2600000x32xf32, #tpu.memory_space<hbm>> -> memref<1x32xf32, #tpu.memory_space<hbm>>
        %dma_start3A_87 = tpu.memref_slice %arg14[%rem3A_27] : memref<2x!tpu.dma_semaphore, #tpu.memory_space<semaphore_mem>> -> memref<1x!tpu.dma_semaphore, #tpu.memory_space<semaphore_mem>>
        %dma_start3A_88 = tpu.memref_squeeze %dma_start3A_87 : memref<1x!tpu.dma_semaphore, #tpu.memory_space<semaphore_mem>> -> memref<!tpu.dma_semaphore, #tpu.memory_space<semaphore_mem>>
        %dma_start3A_89 = arith.constant 0 : i32
        %dma_start3A_90 = tpu.memref_slice %arg8[%add3A_82, %dma_start3A_89] : memref<416x32xf32, #tpu.memory_space<vmem>> -> memref<1x32xf32, #tpu.memory_space<vmem>>
        %dma_start3A_91 = arith.constant 0 : i32
        %dma_start3A_92 = tpu.memref_slice %arg2[%squeeze3A_77, %dma_start3A_91] : memref<2600000x32xf32, #tpu.memory_space<hbm>> -> memref<1x32xf32, #tpu.memory_space<hbm>>
        tpu.enqueue_dma source(%dma_start3A_92 : memref<1x32xf32, #tpu.memory_space<hbm>>) target(%dma_start3A_90 : memref<1x32xf32, #tpu.memory_space<vmem>>) target_semaphore(%dma_start3A_88 : memref<!tpu.dma_semaphore, #tpu.memory_space<semaphore_mem>>)
        %slice3A_93 = vector.extract_strided_slice %get3A_43 {offsets = [3], sizes = [1], strides = [1]} : vector<16xi32> to vector<1xi32>
        %squeeze3A_94 = vector.extract %slice3A_93[0] : i32 from vector<1xi32>
        %mul3A_95 = arith.constant 16 : i32
        %mul3A_96 = arith.muli %scan3A_36, %mul3A_95 : i32
        %add3A_97 = arith.addi %mul3A_29, %mul3A_96 : i32
        %add3A_98 = arith.constant 3 : i32
        %add3A_99 = arith.addi %add3A_97, %add3A_98 : i32
        %dma_start3A_100 = arith.constant 0 : i32
        %dma_start3A_101 = tpu.memref_slice %arg8[%add3A_99, %dma_start3A_100] : memref<416x32xf32, #tpu.memory_space<vmem>> -> memref<1x32xf32, #tpu.memory_space<vmem>>
        %dma_start3A_102 = arith.constant 0 : i32
        %dma_start3A_103 = tpu.memref_slice %arg2[%squeeze3A_94, %dma_start3A_102] : memref<2600000x32xf32, #tpu.memory_space<hbm>> -> memref<1x32xf32, #tpu.memory_space<hbm>>
        %dma_start3A_104 = tpu.memref_slice %arg14[%rem3A_27] : memref<2x!tpu.dma_semaphore, #tpu.memory_space<semaphore_mem>> -> memref<1x!tpu.dma_semaphore, #tpu.memory_space<semaphore_mem>>
        %dma_start3A_105 = tpu.memref_squeeze %dma_start3A_104 : memref<1x!tpu.dma_semaphore, #tpu.memory_space<semaphore_mem>> -> memref<!tpu.dma_semaphore, #tpu.memory_space<semaphore_mem>>
        %dma_start3A_106 = arith.constant 0 : i32
        %dma_start3A_107 = tpu.memref_slice %arg8[%add3A_99, %dma_start3A_106] : memref<416x32xf32, #tpu.memory_space<vmem>> -> memref<1x32xf32, #tpu.memory_space<vmem>>
        %dma_start3A_108 = arith.constant 0 : i32
        %dma_start3A_109 = tpu.memref_slice %arg2[%squeeze3A_94, %dma_start3A_108] : memref<2600000x32xf32, #tpu.memory_space<hbm>> -> memref<1x32xf32, #tpu.memory_space<hbm>>
        tpu.enqueue_dma source(%dma_start3A_109 : memref<1x32xf32, #tpu.memory_space<hbm>>) target(%dma_start3A_107 : memref<1x32xf32, #tpu.memory_space<vmem>>) target_semaphore(%dma_start3A_105 : memref<!tpu.dma_semaphore, #tpu.memory_space<semaphore_mem>>)
        %slice3A_110 = vector.extract_strided_slice %get3A_43 {offsets = [4], sizes = [1], strides = [1]} : vector<16xi32> to vector<1xi32>
        %squeeze3A_111 = vector.extract %slice3A_110[0] : i32 from vector<1xi32>
        %mul3A_112 = arith.constant 16 : i32
        %mul3A_113 = arith.muli %scan3A_36, %mul3A_112 : i32
        %add3A_114 = arith.addi %mul3A_29, %mul3A_113 : i32
        %add3A_115 = arith.constant 4 : i32
        %add3A_116 = arith.addi %add3A_114, %add3A_115 : i32
        %dma_start3A_117 = arith.constant 0 : i32
        %dma_start3A_118 = tpu.memref_slice %arg8[%add3A_116, %dma_start3A_117] : memref<416x32xf32, #tpu.memory_space<vmem>> -> memref<1x32xf32, #tpu.memory_space<vmem>>
        %dma_start3A_119 = arith.constant 0 : i32
        %dma_start3A_120 = tpu.memref_slice %arg2[%squeeze3A_111, %dma_start3A_119] : memref<2600000x32xf32, #tpu.memory_space<hbm>> -> memref<1x32xf32, #tpu.memory_space<hbm>>
        %dma_start3A_121 = tpu.memref_slice %arg14[%rem3A_27] : memref<2x!tpu.dma_semaphore, #tpu.memory_space<semaphore_mem>> -> memref<1x!tpu.dma_semaphore, #tpu.memory_space<semaphore_mem>>
        %dma_start3A_122 = tpu.memref_squeeze %dma_start3A_121 : memref<1x!tpu.dma_semaphore, #tpu.memory_space<semaphore_mem>> -> memref<!tpu.dma_semaphore, #tpu.memory_space<semaphore_mem>>
        %dma_start3A_123 = arith.constant 0 : i32
        %dma_start3A_124 = tpu.memref_slice %arg8[%add3A_116, %dma_start3A_123] : memref<416x32xf32, #tpu.memory_space<vmem>> -> memref<1x32xf32, #tpu.memory_space<vmem>>
        %dma_start3A_125 = arith.constant 0 : i32
        %dma_start3A_126 = tpu.memref_slice %arg2[%squeeze3A_111, %dma_start3A_125] : memref<2600000x32xf32, #tpu.memory_space<hbm>> -> memref<1x32xf32, #tpu.memory_space<hbm>>
        tpu.enqueue_dma source(%dma_start3A_126 : memref<1x32xf32, #tpu.memory_space<hbm>>) target(%dma_start3A_124 : memref<1x32xf32, #tpu.memory_space<vmem>>) target_semaphore(%dma_start3A_122 : memref<!tpu.dma_semaphore, #tpu.memory_space<semaphore_mem>>)
        %slice3A_127 = vector.extract_strided_slice %get3A_43 {offsets = [5], sizes = [1], strides = [1]} : vector<16xi32> to vector<1xi32>
        %squeeze3A_128 = vector.extract %slice3A_127[0] : i32 from vector<1xi32>
        %mul3A_129 = arith.constant 16 : i32
        %mul3A_130 = arith.muli %scan3A_36, %mul3A_129 : i32
        %add3A_131 = arith.addi %mul3A_29, %mul3A_130 : i32
        %add3A_132 = arith.constant 5 : i32
        %add3A_133 = arith.addi %add3A_131, %add3A_132 : i32
        %dma_start3A_134 = arith.constant 0 : i32
        %dma_start3A_135 = tpu.memref_slice %arg8[%add3A_133, %dma_start3A_134] : memref<416x32xf32, #tpu.memory_space<vmem>> -> memref<1x32xf32, #tpu.memory_space<vmem>>
        %dma_start3A_136 = arith.constant 0 : i32
        %dma_start3A_137 = tpu.memref_slice %arg2[%squeeze3A_128, %dma_start3A_136] : memref<2600000x32xf32, #tpu.memory_space<hbm>> -> memref<1x32xf32, #tpu.memory_space<hbm>>
        %dma_start3A_138 = tpu.memref_slice %arg14[%rem3A_27] : memref<2x!tpu.dma_semaphore, #tpu.memory_space<semaphore_mem>> -> memref<1x!tpu.dma_semaphore, #tpu.memory_space<semaphore_mem>>
        %dma_start3A_139 = tpu.memref_squeeze %dma_start3A_138 : memref<1x!tpu.dma_semaphore, #tpu.memory_space<semaphore_mem>> -> memref<!tpu.dma_semaphore, #tpu.memory_space<semaphore_mem>>
        %dma_start3A_140 = arith.constant 0 : i32
        %dma_start3A_141 = tpu.memref_slice %arg8[%add3A_133, %dma_start3A_140] : memref<416x32xf32, #tpu.memory_space<vmem>> -> memref<1x32xf32, #tpu.memory_space<vmem>>
        %dma_start3A_142 = arith.constant 0 : i32
        %dma_start3A_143 = tpu.memref_slice %arg2[%squeeze3A_128, %dma_start3A_142] : memref<2600000x32xf32, #tpu.memory_space<hbm>> -> memref<1x32xf32, #tpu.memory_space<hbm>>
        tpu.enqueue_dma source(%dma_start3A_143 : memref<1x32xf32, #tpu.memory_space<hbm>>) target(%dma_start3A_141 : memref<1x32xf32, #tpu.memory_space<vmem>>) target_semaphore(%dma_start3A_139 : memref<!tpu.dma_semaphore, #tpu.memory_space<semaphore_mem>>)
        %slice3A_144 = vector.extract_strided_slice %get3A_43 {offsets = [6], sizes = [1], strides = [1]} : vector<16xi32> to vector<1xi32>
        %squeeze3A_145 = vector.extract %slice3A_144[0] : i32 from vector<1xi32>
        %mul3A_146 = arith.constant 16 : i32
        %mul3A_147 = arith.muli %scan3A_36, %mul3A_146 : i32
        %add3A_148 = arith.addi %mul3A_29, %mul3A_147 : i32
        %add3A_149 = arith.constant 6 : i32
        %add3A_150 = arith.addi %add3A_148, %add3A_149 : i32
        %dma_start3A_151 = arith.constant 0 : i32
        %dma_start3A_152 = tpu.memref_slice %arg8[%add3A_150, %dma_start3A_151] : memref<416x32xf32, #tpu.memory_space<vmem>> -> memref<1x32xf32, #tpu.memory_space<vmem>>
        %dma_start3A_153 = arith.constant 0 : i32
        %dma_start3A_154 = tpu.memref_slice %arg2[%squeeze3A_145, %dma_start3A_153] : memref<2600000x32xf32, #tpu.memory_space<hbm>> -> memref<1x32xf32, #tpu.memory_space<hbm>>
        %dma_start3A_155 = tpu.memref_slice %arg14[%rem3A_27] : memref<2x!tpu.dma_semaphore, #tpu.memory_space<semaphore_mem>> -> memref<1x!tpu.dma_semaphore, #tpu.memory_space<semaphore_mem>>
        %dma_start3A_156 = tpu.memref_squeeze %dma_start3A_155 : memref<1x!tpu.dma_semaphore, #tpu.memory_space<semaphore_mem>> -> memref<!tpu.dma_semaphore, #tpu.memory_space<semaphore_mem>>
        %dma_start3A_157 = arith.constant 0 : i32
        %dma_start3A_158 = tpu.memref_slice %arg8[%add3A_150, %dma_start3A_157] : memref<416x32xf32, #tpu.memory_space<vmem>> -> memref<1x32xf32, #tpu.memory_space<vmem>>
        %dma_start3A_159 = arith.constant 0 : i32
        %dma_start3A_160 = tpu.memref_slice %arg2[%squeeze3A_145, %dma_start3A_159] : memref<2600000x32xf32, #tpu.memory_space<hbm>> -> memref<1x32xf32, #tpu.memory_space<hbm>>
        tpu.enqueue_dma source(%dma_start3A_160 : memref<1x32xf32, #tpu.memory_space<hbm>>) target(%dma_start3A_158 : memref<1x32xf32, #tpu.memory_space<vmem>>) target_semaphore(%dma_start3A_156 : memref<!tpu.dma_semaphore, #tpu.memory_space<semaphore_mem>>)
        %slice3A_161 = vector.extract_strided_slice %get3A_43 {offsets = [7], sizes = [1], strides = [1]} : vector<16xi32> to vector<1xi32>
        %squeeze3A_162 = vector.extract %slice3A_161[0] : i32 from vector<1xi32>
        %mul3A_163 = arith.constant 16 : i32
        %mul3A_164 = arith.muli %scan3A_36, %mul3A_163 : i32
        %add3A_165 = arith.addi %mul3A_29, %mul3A_164 : i32
        %add3A_166 = arith.constant 7 : i32
        %add3A_167 = arith.addi %add3A_165, %add3A_166 : i32
        %dma_start3A_168 = arith.constant 0 : i32
        %dma_start3A_169 = tpu.memref_slice %arg8[%add3A_167, %dma_start3A_168] : memref<416x32xf32, #tpu.memory_space<vmem>> -> memref<1x32xf32, #tpu.memory_space<vmem>>
        %dma_start3A_170 = arith.constant 0 : i32
        %dma_start3A_171 = tpu.memref_slice %arg2[%squeeze3A_162, %dma_start3A_170] : memref<2600000x32xf32, #tpu.memory_space<hbm>> -> memref<1x32xf32, #tpu.memory_space<hbm>>
        %dma_start3A_172 = tpu.memref_slice %arg14[%rem3A_27] : memref<2x!tpu.dma_semaphore, #tpu.memory_space<semaphore_mem>> -> memref<1x!tpu.dma_semaphore, #tpu.memory_space<semaphore_mem>>
        %dma_start3A_173 = tpu.memref_squeeze %dma_start3A_172 : memref<1x!tpu.dma_semaphore, #tpu.memory_space<semaphore_mem>> -> memref<!tpu.dma_semaphore, #tpu.memory_space<semaphore_mem>>
        %dma_start3A_174 = arith.constant 0 : i32
        %dma_start3A_175 = tpu.memref_slice %arg8[%add3A_167, %dma_start3A_174] : memref<416x32xf32, #tpu.memory_space<vmem>> -> memref<1x32xf32, #tpu.memory_space<vmem>>
        %dma_start3A_176 = arith.constant 0 : i32
        %dma_start3A_177 = tpu.memref_slice %arg2[%squeeze3A_162, %dma_start3A_176] : memref<2600000x32xf32, #tpu.memory_space<hbm>> -> memref<1x32xf32, #tpu.memory_space<hbm>>
        tpu.enqueue_dma source(%dma_start3A_177 : memref<1x32xf32, #tpu.memory_space<hbm>>) target(%dma_start3A_175 : memref<1x32xf32, #tpu.memory_space<vmem>>) target_semaphore(%dma_start3A_173 : memref<!tpu.dma_semaphore, #tpu.memory_space<semaphore_mem>>)
        %slice3A_178 = vector.extract_strided_slice %get3A_43 {offsets = [8], sizes = [1], strides = [1]} : vector<16xi32> to vector<1xi32>
        %squeeze3A_179 = vector.extract %slice3A_178[0] : i32 from vector<1xi32>
        %mul3A_180 = arith.constant 16 : i32
        %mul3A_181 = arith.muli %scan3A_36, %mul3A_180 : i32
        %add3A_182 = arith.addi %mul3A_29, %mul3A_181 : i32
        %add3A_183 = arith.constant 8 : i32
        %add3A_184 = arith.addi %add3A_182, %add3A_183 : i32
        %dma_start3A_185 = arith.constant 0 : i32
        %dma_start3A_186 = tpu.memref_slice %arg8[%add3A_184, %dma_start3A_185] : memref<416x32xf32, #tpu.memory_space<vmem>> -> memref<1x32xf32, #tpu.memory_space<vmem>>
        %dma_start3A_187 = arith.constant 0 : i32
        %dma_start3A_188 = tpu.memref_slice %arg2[%squeeze3A_179, %dma_start3A_187] : memref<2600000x32xf32, #tpu.memory_space<hbm>> -> memref<1x32xf32, #tpu.memory_space<hbm>>
        %dma_start3A_189 = tpu.memref_slice %arg14[%rem3A_27] : memref<2x!tpu.dma_semaphore, #tpu.memory_space<semaphore_mem>> -> memref<1x!tpu.dma_semaphore, #tpu.memory_space<semaphore_mem>>
        %dma_start3A_190 = tpu.memref_squeeze %dma_start3A_189 : memref<1x!tpu.dma_semaphore, #tpu.memory_space<semaphore_mem>> -> memref<!tpu.dma_semaphore, #tpu.memory_space<semaphore_mem>>
        %dma_start3A_191 = arith.constant 0 : i32
        %dma_start3A_192 = tpu.memref_slice %arg8[%add3A_184, %dma_start3A_191] : memref<416x32xf32, #tpu.memory_space<vmem>> -> memref<1x32xf32, #tpu.memory_space<vmem>>
        %dma_start3A_193 = arith.constant 0 : i32
        %dma_start3A_194 = tpu.memref_slice %arg2[%squeeze3A_179, %dma_start3A_193] : memref<2600000x32xf32, #tpu.memory_space<hbm>> -> memref<1x32xf32, #tpu.memory_space<hbm>>
        tpu.enqueue_dma source(%dma_start3A_194 : memref<1x32xf32, #tpu.memory_space<hbm>>) target(%dma_start3A_192 : memref<1x32xf32, #tpu.memory_space<vmem>>) target_semaphore(%dma_start3A_190 : memref<!tpu.dma_semaphore, #tpu.memory_space<semaphore_mem>>)
        %slice3A_195 = vector.extract_strided_slice %get3A_43 {offsets = [9], sizes = [1], strides = [1]} : vector<16xi32> to vector<1xi32>
        %squeeze3A_196 = vector.extract %slice3A_195[0] : i32 from vector<1xi32>
        %mul3A_197 = arith.constant 16 : i32
        %mul3A_198 = arith.muli %scan3A_36, %mul3A_197 : i32
        %add3A_199 = arith.addi %mul3A_29, %mul3A_198 : i32
        %add3A_200 = arith.constant 9 : i32
        %add3A_201 = arith.addi %add3A_199, %add3A_200 : i32
        %dma_start3A_202 = arith.constant 0 : i32
        %dma_start3A_203 = tpu.memref_slice %arg8[%add3A_201, %dma_start3A_202] : memref<416x32xf32, #tpu.memory_space<vmem>> -> memref<1x32xf32, #tpu.memory_space<vmem>>
        %dma_start3A_204 = arith.constant 0 : i32
        %dma_start3A_205 = tpu.memref_slice %arg2[%squeeze3A_196, %dma_start3A_204] : memref<2600000x32xf32, #tpu.memory_space<hbm>> -> memref<1x32xf32, #tpu.memory_space<hbm>>
        %dma_start3A_206 = tpu.memref_slice %arg14[%rem3A_27] : memref<2x!tpu.dma_semaphore, #tpu.memory_space<semaphore_mem>> -> memref<1x!tpu.dma_semaphore, #tpu.memory_space<semaphore_mem>>
        %dma_start3A_207 = tpu.memref_squeeze %dma_start3A_206 : memref<1x!tpu.dma_semaphore, #tpu.memory_space<semaphore_mem>> -> memref<!tpu.dma_semaphore, #tpu.memory_space<semaphore_mem>>
        %dma_start3A_208 = arith.constant 0 : i32
        %dma_start3A_209 = tpu.memref_slice %arg8[%add3A_201, %dma_start3A_208] : memref<416x32xf32, #tpu.memory_space<vmem>> -> memref<1x32xf32, #tpu.memory_space<vmem>>
        %dma_start3A_210 = arith.constant 0 : i32
        %dma_start3A_211 = tpu.memref_slice %arg2[%squeeze3A_196, %dma_start3A_210] : memref<2600000x32xf32, #tpu.memory_space<hbm>> -> memref<1x32xf32, #tpu.memory_space<hbm>>
        tpu.enqueue_dma source(%dma_start3A_211 : memref<1x32xf32, #tpu.memory_space<hbm>>) target(%dma_start3A_209 : memref<1x32xf32, #tpu.memory_space<vmem>>) target_semaphore(%dma_start3A_207 : memref<!tpu.dma_semaphore, #tpu.memory_space<semaphore_mem>>)
        %slice3A_212 = vector.extract_strided_slice %get3A_43 {offsets = [10], sizes = [1], strides = [1]} : vector<16xi32> to vector<1xi32>
        %squeeze3A_213 = vector.extract %slice3A_212[0] : i32 from vector<1xi32>
        %mul3A_214 = arith.constant 16 : i32
        %mul3A_215 = arith.muli %scan3A_36, %mul3A_214 : i32
        %add3A_216 = arith.addi %mul3A_29, %mul3A_215 : i32
        %add3A_217 = arith.constant 10 : i32
        %add3A_218 = arith.addi %add3A_216, %add3A_217 : i32
        %dma_start3A_219 = arith.constant 0 : i32
        %dma_start3A_220 = tpu.memref_slice %arg8[%add3A_218, %dma_start3A_219] : memref<416x32xf32, #tpu.memory_space<vmem>> -> memref<1x32xf32, #tpu.memory_space<vmem>>
        %dma_start3A_221 = arith.constant 0 : i32
        %dma_start3A_222 = tpu.memref_slice %arg2[%squeeze3A_213, %dma_start3A_221] : memref<2600000x32xf32, #tpu.memory_space<hbm>> -> memref<1x32xf32, #tpu.memory_space<hbm>>
        %dma_start3A_223 = tpu.memref_slice %arg14[%rem3A_27] : memref<2x!tpu.dma_semaphore, #tpu.memory_space<semaphore_mem>> -> memref<1x!tpu.dma_semaphore, #tpu.memory_space<semaphore_mem>>
        %dma_start3A_224 = tpu.memref_squeeze %dma_start3A_223 : memref<1x!tpu.dma_semaphore, #tpu.memory_space<semaphore_mem>> -> memref<!tpu.dma_semaphore, #tpu.memory_space<semaphore_mem>>
        %dma_start3A_225 = arith.constant 0 : i32
        %dma_start3A_226 = tpu.memref_slice %arg8[%add3A_218, %dma_start3A_225] : memref<416x32xf32, #tpu.memory_space<vmem>> -> memref<1x32xf32, #tpu.memory_space<vmem>>
        %dma_start3A_227 = arith.constant 0 : i32
        %dma_start3A_228 = tpu.memref_slice %arg2[%squeeze3A_213, %dma_start3A_227] : memref<2600000x32xf32, #tpu.memory_space<hbm>> -> memref<1x32xf32, #tpu.memory_space<hbm>>
        tpu.enqueue_dma source(%dma_start3A_228 : memref<1x32xf32, #tpu.memory_space<hbm>>) target(%dma_start3A_226 : memref<1x32xf32, #tpu.memory_space<vmem>>) target_semaphore(%dma_start3A_224 : memref<!tpu.dma_semaphore, #tpu.memory_space<semaphore_mem>>)
        %slice3A_229 = vector.extract_strided_slice %get3A_43 {offsets = [11], sizes = [1], strides = [1]} : vector<16xi32> to vector<1xi32>
        %squeeze3A_230 = vector.extract %slice3A_229[0] : i32 from vector<1xi32>
        %mul3A_231 = arith.constant 16 : i32
        %mul3A_232 = arith.muli %scan3A_36, %mul3A_231 : i32
        %add3A_233 = arith.addi %mul3A_29, %mul3A_232 : i32
        %add3A_234 = arith.constant 11 : i32
        %add3A_235 = arith.addi %add3A_233, %add3A_234 : i32
        %dma_start3A_236 = arith.constant 0 : i32
        %dma_start3A_237 = tpu.memref_slice %arg8[%add3A_235, %dma_start3A_236] : memref<416x32xf32, #tpu.memory_space<vmem>> -> memref<1x32xf32, #tpu.memory_space<vmem>>
        %dma_start3A_238 = arith.constant 0 : i32
        %dma_start3A_239 = tpu.memref_slice %arg2[%squeeze3A_230, %dma_start3A_238] : memref<2600000x32xf32, #tpu.memory_space<hbm>> -> memref<1x32xf32, #tpu.memory_space<hbm>>
        %dma_start3A_240 = tpu.memref_slice %arg14[%rem3A_27] : memref<2x!tpu.dma_semaphore, #tpu.memory_space<semaphore_mem>> -> memref<1x!tpu.dma_semaphore, #tpu.memory_space<semaphore_mem>>
        %dma_start3A_241 = tpu.memref_squeeze %dma_start3A_240 : memref<1x!tpu.dma_semaphore, #tpu.memory_space<semaphore_mem>> -> memref<!tpu.dma_semaphore, #tpu.memory_space<semaphore_mem>>
        %dma_start3A_242 = arith.constant 0 : i32
        %dma_start3A_243 = tpu.memref_slice %arg8[%add3A_235, %dma_start3A_242] : memref<416x32xf32, #tpu.memory_space<vmem>> -> memref<1x32xf32, #tpu.memory_space<vmem>>
        %dma_start3A_244 = arith.constant 0 : i32
        %dma_start3A_245 = tpu.memref_slice %arg2[%squeeze3A_230, %dma_start3A_244] : memref<2600000x32xf32, #tpu.memory_space<hbm>> -> memref<1x32xf32, #tpu.memory_space<hbm>>
        tpu.enqueue_dma source(%dma_start3A_245 : memref<1x32xf32, #tpu.memory_space<hbm>>) target(%dma_start3A_243 : memref<1x32xf32, #tpu.memory_space<vmem>>) target_semaphore(%dma_start3A_241 : memref<!tpu.dma_semaphore, #tpu.memory_space<semaphore_mem>>)
        %slice3A_246 = vector.extract_strided_slice %get3A_43 {offsets = [12], sizes = [1], strides = [1]} : vector<16xi32> to vector<1xi32>
        %squeeze3A_247 = vector.extract %slice3A_246[0] : i32 from vector<1xi32>
        %mul3A_248 = arith.constant 16 : i32
        %mul3A_249 = arith.muli %scan3A_36, %mul3A_248 : i32
        %add3A_250 = arith.addi %mul3A_29, %mul3A_249 : i32
        %add3A_251 = arith.constant 12 : i32
        %add3A_252 = arith.addi %add3A_250, %add3A_251 : i32
        %dma_start3A_253 = arith.constant 0 : i32
        %dma_start3A_254 = tpu.memref_slice %arg8[%add3A_252, %dma_start3A_253] : memref<416x32xf32, #tpu.memory_space<vmem>> -> memref<1x32xf32, #tpu.memory_space<vmem>>
        %dma_start3A_255 = arith.constant 0 : i32
        %dma_start3A_256 = tpu.memref_slice %arg2[%squeeze3A_247, %dma_start3A_255] : memref<2600000x32xf32, #tpu.memory_space<hbm>> -> memref<1x32xf32, #tpu.memory_space<hbm>>
        %dma_start3A_257 = tpu.memref_slice %arg14[%rem3A_27] : memref<2x!tpu.dma_semaphore, #tpu.memory_space<semaphore_mem>> -> memref<1x!tpu.dma_semaphore, #tpu.memory_space<semaphore_mem>>
        %dma_start3A_258 = tpu.memref_squeeze %dma_start3A_257 : memref<1x!tpu.dma_semaphore, #tpu.memory_space<semaphore_mem>> -> memref<!tpu.dma_semaphore, #tpu.memory_space<semaphore_mem>>
        %dma_start3A_259 = arith.constant 0 : i32
        %dma_start3A_260 = tpu.memref_slice %arg8[%add3A_252, %dma_start3A_259] : memref<416x32xf32, #tpu.memory_space<vmem>> -> memref<1x32xf32, #tpu.memory_space<vmem>>
        %dma_start3A_261 = arith.constant 0 : i32
        %dma_start3A_262 = tpu.memref_slice %arg2[%squeeze3A_247, %dma_start3A_261] : memref<2600000x32xf32, #tpu.memory_space<hbm>> -> memref<1x32xf32, #tpu.memory_space<hbm>>
        tpu.enqueue_dma source(%dma_start3A_262 : memref<1x32xf32, #tpu.memory_space<hbm>>) target(%dma_start3A_260 : memref<1x32xf32, #tpu.memory_space<vmem>>) target_semaphore(%dma_start3A_258 : memref<!tpu.dma_semaphore, #tpu.memory_space<semaphore_mem>>)
        %slice3A_263 = vector.extract_strided_slice %get3A_43 {offsets = [13], sizes = [1], strides = [1]} : vector<16xi32> to vector<1xi32>
        %squeeze3A_264 = vector.extract %slice3A_263[0] : i32 from vector<1xi32>
        %mul3A_265 = arith.constant 16 : i32
        %mul3A_266 = arith.muli %scan3A_36, %mul3A_265 : i32
        %add3A_267 = arith.addi %mul3A_29, %mul3A_266 : i32
        %add3A_268 = arith.constant 13 : i32
        %add3A_269 = arith.addi %add3A_267, %add3A_268 : i32
        %dma_start3A_270 = arith.constant 0 : i32
        %dma_start3A_271 = tpu.memref_slice %arg8[%add3A_269, %dma_start3A_270] : memref<416x32xf32, #tpu.memory_space<vmem>> -> memref<1x32xf32, #tpu.memory_space<vmem>>
        %dma_start3A_272 = arith.constant 0 : i32
        %dma_start3A_273 = tpu.memref_slice %arg2[%squeeze3A_264, %dma_start3A_272] : memref<2600000x32xf32, #tpu.memory_space<hbm>> -> memref<1x32xf32, #tpu.memory_space<hbm>>
        %dma_start3A_274 = tpu.memref_slice %arg14[%rem3A_27] : memref<2x!tpu.dma_semaphore, #tpu.memory_space<semaphore_mem>> -> memref<1x!tpu.dma_semaphore, #tpu.memory_space<semaphore_mem>>
        %dma_start3A_275 = tpu.memref_squeeze %dma_start3A_274 : memref<1x!tpu.dma_semaphore, #tpu.memory_space<semaphore_mem>> -> memref<!tpu.dma_semaphore, #tpu.memory_space<semaphore_mem>>
        %dma_start3A_276 = arith.constant 0 : i32
        %dma_start3A_277 = tpu.memref_slice %arg8[%add3A_269, %dma_start3A_276] : memref<416x32xf32, #tpu.memory_space<vmem>> -> memref<1x32xf32, #tpu.memory_space<vmem>>
        %dma_start3A_278 = arith.constant 0 : i32
        %dma_start3A_279 = tpu.memref_slice %arg2[%squeeze3A_264, %dma_start3A_278] : memref<2600000x32xf32, #tpu.memory_space<hbm>> -> memref<1x32xf32, #tpu.memory_space<hbm>>
        tpu.enqueue_dma source(%dma_start3A_279 : memref<1x32xf32, #tpu.memory_space<hbm>>) target(%dma_start3A_277 : memref<1x32xf32, #tpu.memory_space<vmem>>) target_semaphore(%dma_start3A_275 : memref<!tpu.dma_semaphore, #tpu.memory_space<semaphore_mem>>)
        %slice3A_280 = vector.extract_strided_slice %get3A_43 {offsets = [14], sizes = [1], strides = [1]} : vector<16xi32> to vector<1xi32>
        %squeeze3A_281 = vector.extract %slice3A_280[0] : i32 from vector<1xi32>
        %mul3A_282 = arith.constant 16 : i32
        %mul3A_283 = arith.muli %scan3A_36, %mul3A_282 : i32
        %add3A_284 = arith.addi %mul3A_29, %mul3A_283 : i32
        %add3A_285 = arith.constant 14 : i32
        %add3A_286 = arith.addi %add3A_284, %add3A_285 : i32
        %dma_start3A_287 = arith.constant 0 : i32
        %dma_start3A_288 = tpu.memref_slice %arg8[%add3A_286, %dma_start3A_287] : memref<416x32xf32, #tpu.memory_space<vmem>> -> memref<1x32xf32, #tpu.memory_space<vmem>>
        %dma_start3A_289 = arith.constant 0 : i32
        %dma_start3A_290 = tpu.memref_slice %arg2[%squeeze3A_281, %dma_start3A_289] : memref<2600000x32xf32, #tpu.memory_space<hbm>> -> memref<1x32xf32, #tpu.memory_space<hbm>>
        %dma_start3A_291 = tpu.memref_slice %arg14[%rem3A_27] : memref<2x!tpu.dma_semaphore, #tpu.memory_space<semaphore_mem>> -> memref<1x!tpu.dma_semaphore, #tpu.memory_space<semaphore_mem>>
        %dma_start3A_292 = tpu.memref_squeeze %dma_start3A_291 : memref<1x!tpu.dma_semaphore, #tpu.memory_space<semaphore_mem>> -> memref<!tpu.dma_semaphore, #tpu.memory_space<semaphore_mem>>
        %dma_start3A_293 = arith.constant 0 : i32
        %dma_start3A_294 = tpu.memref_slice %arg8[%add3A_286, %dma_start3A_293] : memref<416x32xf32, #tpu.memory_space<vmem>> -> memref<1x32xf32, #tpu.memory_space<vmem>>
        %dma_start3A_295 = arith.constant 0 : i32
        %dma_start3A_296 = tpu.memref_slice %arg2[%squeeze3A_281, %dma_start3A_295] : memref<2600000x32xf32, #tpu.memory_space<hbm>> -> memref<1x32xf32, #tpu.memory_space<hbm>>
        tpu.enqueue_dma source(%dma_start3A_296 : memref<1x32xf32, #tpu.memory_space<hbm>>) target(%dma_start3A_294 : memref<1x32xf32, #tpu.memory_space<vmem>>) target_semaphore(%dma_start3A_292 : memref<!tpu.dma_semaphore, #tpu.memory_space<semaphore_mem>>)
        %slice3A_297 = vector.extract_strided_slice %get3A_43 {offsets = [15], sizes = [1], strides = [1]} : vector<16xi32> to vector<1xi32>
        %squeeze3A_298 = vector.extract %slice3A_297[0] : i32 from vector<1xi32>
        %mul3A_299 = arith.constant 16 : i32
        %mul3A_300 = arith.muli %scan3A_36, %mul3A_299 : i32
        %add3A_301 = arith.addi %mul3A_29, %mul3A_300 : i32
        %add3A_302 = arith.constant 15 : i32
        %add3A_303 = arith.addi %add3A_301, %add3A_302 : i32
        %dma_start3A_304 = arith.constant 0 : i32
        %dma_start3A_305 = tpu.memref_slice %arg8[%add3A_303, %dma_start3A_304] : memref<416x32xf32, #tpu.memory_space<vmem>> -> memref<1x32xf32, #tpu.memory_space<vmem>>
        %dma_start3A_306 = arith.constant 0 : i32
        %dma_start3A_307 = tpu.memref_slice %arg2[%squeeze3A_298, %dma_start3A_306] : memref<2600000x32xf32, #tpu.memory_space<hbm>> -> memref<1x32xf32, #tpu.memory_space<hbm>>
        %dma_start3A_308 = tpu.memref_slice %arg14[%rem3A_27] : memref<2x!tpu.dma_semaphore, #tpu.memory_space<semaphore_mem>> -> memref<1x!tpu.dma_semaphore, #tpu.memory_space<semaphore_mem>>
        %dma_start3A_309 = tpu.memref_squeeze %dma_start3A_308 : memref<1x!tpu.dma_semaphore, #tpu.memory_space<semaphore_mem>> -> memref<!tpu.dma_semaphore, #tpu.memory_space<semaphore_mem>>
        %dma_start3A_310 = arith.constant 0 : i32
        %dma_start3A_311 = tpu.memref_slice %arg8[%add3A_303, %dma_start3A_310] : memref<416x32xf32, #tpu.memory_space<vmem>> -> memref<1x32xf32, #tpu.memory_space<vmem>>
        %dma_start3A_312 = arith.constant 0 : i32
        %dma_start3A_313 = tpu.memref_slice %arg2[%squeeze3A_298, %dma_start3A_312] : memref<2600000x32xf32, #tpu.memory_space<hbm>> -> memref<1x32xf32, #tpu.memory_space<hbm>>
        tpu.enqueue_dma source(%dma_start3A_313 : memref<1x32xf32, #tpu.memory_space<hbm>>) target(%dma_start3A_311 : memref<1x32xf32, #tpu.memory_space<vmem>>) target_semaphore(%dma_start3A_309 : memref<!tpu.dma_semaphore, #tpu.memory_space<semaphore_mem>>)
      }
      %scan3A_35 = arith.constant 13 : i32
    }
    %scan3A_17 = arith.constant 2 : i32
    %scan3A_18 = arith.constant 0 : i32
    %scan3A_19 = arith.constant 0 : i32
    %scan3A_20 = arith.constant 16 : i32
    %scan3A_21 = arith.addi %scan3A_19, %scan3A_20 : i32
    %scan3A_22 = arith.constant 1 : i32
    scf.for %scan3A_26 = %scan3A_19 to %scan3A_21 step %scan3A_22  : i32 {
      %rem3A = arith.constant 2 : i32
      %rem3A_27 = arith.remsi %scan3A_26, %rem3A : i32
      %mul3A_28 = arith.constant 208 : i32
      %mul3A_29 = arith.muli %rem3A_27, %mul3A_28 : i32
      %dma_wait3A_30 = arith.constant 0 : i32
      %dma_wait3A_31 = tpu.memref_slice %arg8[%mul3A_29, %dma_wait3A_30] : memref<416x32xf32, #tpu.memory_space<vmem>> -> memref<208x32xf32, #tpu.memory_space<vmem>>
      %dma_wait3A_32 = arith.constant 0 : i32
      %dma_wait3A_33 = arith.constant 0 : i32
      %dma_wait3A_34 = tpu.memref_slice %arg2[%dma_wait3A_32, %dma_wait3A_33] : memref<2600000x32xf32, #tpu.memory_space<hbm>> -> memref<208x32xf32, #tpu.memory_space<hbm>>
      %dma_wait3A_35 = tpu.memref_slice %arg14[%rem3A_27] : memref<2x!tpu.dma_semaphore, #tpu.memory_space<semaphore_mem>> -> memref<1x!tpu.dma_semaphore, #tpu.memory_space<semaphore_mem>>
      %dma_wait3A_36 = tpu.memref_squeeze %dma_wait3A_35 : memref<1x!tpu.dma_semaphore, #tpu.memory_space<semaphore_mem>> -> memref<!tpu.dma_semaphore, #tpu.memory_space<semaphore_mem>>
      %dma_wait3A_37 = arith.constant 0 : i32
      %dma_wait3A_38 = tpu.memref_slice %arg8[%mul3A_29, %dma_wait3A_37] : memref<416x32xf32, #tpu.memory_space<vmem>> -> memref<208x32xf32, #tpu.memory_space<vmem>>
      %dma_wait3A_39 = arith.constant 0 : i32
      %dma_wait3A_40 = arith.constant 0 : i32
      %dma_wait3A_41 = tpu.memref_slice %arg2[%dma_wait3A_39, %dma_wait3A_40] : memref<2600000x32xf32, #tpu.memory_space<hbm>> -> memref<208x32xf32, #tpu.memory_space<hbm>>
      tpu.wait_dma2 semaphore(%dma_wait3A_36 : memref<!tpu.dma_semaphore, #tpu.memory_space<semaphore_mem>>) src(%dma_wait3A_41 : memref<208x32xf32, #tpu.memory_space<hbm>>) dst(%dma_wait3A_38 : memref<208x32xf32, #tpu.memory_space<vmem>>)
      %scan3A_42 = arith.constant 0 : i32
      %scan3A_43 = arith.constant 0 : i32
      %scan3A_44 = arith.constant 8 : i32
      %scan3A_45 = arith.addi %scan3A_43, %scan3A_44 : i32
      %scan3A_46 = arith.constant 1 : i32
      scf.for %scan3A_56 = %scan3A_43 to %scan3A_45 step %scan3A_46  : i32 {
        %mul3A_57 = arith.constant 26 : i32
        %mul3A_58 = arith.muli %scan3A_56, %mul3A_57 : i32
        %add3A_59 = arith.addi %mul3A_29, %mul3A_58 : i32
        %add3A_60 = arith.constant 0 : i32
        %add3A_61 = arith.addi %add3A_59, %add3A_60 : i32
        %get3A_62 = arith.index_cast %add3A_61 : i32 to index
        %get3A_63 = arith.constant 0 : index
        %get3A_64 = tpu.vector_load %arg8[%get3A_62, %get3A_63] {strides = array<i32>} : memref<416x32xf32, #tpu.memory_space<vmem>>, vector<16xf32>,
        %get3A_65 = arith.index_cast %add3A_61 : i32 to index
        %get3A_66 = arith.constant 16 : index
        %get3A_67 = tpu.vector_load %arg8[%get3A_65, %get3A_66] {strides = array<i32>} : memref<416x32xf32, #tpu.memory_space<vmem>>, vector<16xf32>,
        %add3A_68 = arith.addf %broadcast_in_dim3A_11, %get3A_64 : vector<16xf32>
        %mul3A_69 = arith.mulf %get3A_64, %get3A_64 : vector<16xf32>
        %add3A_70 = arith.addf %broadcast_in_dim3A_11, %mul3A_69 : vector<16xf32>
        %add3A_71 = arith.addf %broadcast_in_dim3A_11, %get3A_67 : vector<16xf32>
        %mul3A_72 = arith.mulf %get3A_67, %get3A_67 : vector<16xf32>
        %add3A_73 = arith.addf %broadcast_in_dim3A_11, %mul3A_72 : vector<16xf32>
        %mul3A_74 = arith.constant 26 : i32
        %mul3A_75 = arith.muli %scan3A_56, %mul3A_74 : i32
        %add3A_76 = arith.addi %mul3A_29, %mul3A_75 : i32
        %add3A_77 = arith.constant 1 : i32
        %add3A_78 = arith.addi %add3A_76, %add3A_77 : i32
        %get3A_79 = arith.index_cast %add3A_78 : i32 to index
        %get3A_80 = arith.constant 0 : index
        %get3A_81 = tpu.vector_load %arg8[%get3A_79, %get3A_80] {strides = array<i32>} : memref<416x32xf32, #tpu.memory_space<vmem>>, vector<16xf32>,
        %get3A_82 = arith.index_cast %add3A_78 : i32 to index
        %get3A_83 = arith.constant 16 : index
        %get3A_84 = tpu.vector_load %arg8[%get3A_82, %get3A_83] {strides = array<i32>} : memref<416x32xf32, #tpu.memory_space<vmem>>, vector<16xf32>,
        %add3A_85 = arith.addf %add3A_68, %get3A_81 : vector<16xf32>
        %mul3A_86 = arith.mulf %get3A_81, %get3A_81 : vector<16xf32>
        %add3A_87 = arith.addf %add3A_70, %mul3A_86 : vector<16xf32>
        %add3A_88 = arith.addf %add3A_71, %get3A_84 : vector<16xf32>
        %mul3A_89 = arith.mulf %get3A_84, %get3A_84 : vector<16xf32>
        %add3A_90 = arith.addf %add3A_73, %mul3A_89 : vector<16xf32>
        %mul3A_91 = arith.constant 26 : i32
        %mul3A_92 = arith.muli %scan3A_56, %mul3A_91 : i32
        %add3A_93 = arith.addi %mul3A_29, %mul3A_92 : i32
        %add3A_94 = arith.constant 2 : i32
        %add3A_95 = arith.addi %add3A_93, %add3A_94 : i32
        %get3A_96 = arith.index_cast %add3A_95 : i32 to index
        %get3A_97 = arith.constant 0 : index
        %get3A_98 = tpu.vector_load %arg8[%get3A_96, %get3A_97] {strides = array<i32>} : memref<416x32xf32, #tpu.memory_space<vmem>>, vector<16xf32>,
        %get3A_99 = arith.index_cast %add3A_95 : i32 to index
        %get3A_100 = arith.constant 16 : index
        %get3A_101 = tpu.vector_load %arg8[%get3A_99, %get3A_100] {strides = array<i32>} : memref<416x32xf32, #tpu.memory_space<vmem>>, vector<16xf32>,
        %add3A_102 = arith.addf %add3A_85, %get3A_98 : vector<16xf32>
        %mul3A_103 = arith.mulf %get3A_98, %get3A_98 : vector<16xf32>
        %add3A_104 = arith.addf %add3A_87, %mul3A_103 : vector<16xf32>
        %add3A_105 = arith.addf %add3A_88, %get3A_101 : vector<16xf32>
        %mul3A_106 = arith.mulf %get3A_101, %get3A_101 : vector<16xf32>
        %add3A_107 = arith.addf %add3A_90, %mul3A_106 : vector<16xf32>
        %mul3A_108 = arith.constant 26 : i32
        %mul3A_109 = arith.muli %scan3A_56, %mul3A_108 : i32
        %add3A_110 = arith.addi %mul3A_29, %mul3A_109 : i32
        %add3A_111 = arith.constant 3 : i32
        %add3A_112 = arith.addi %add3A_110, %add3A_111 : i32
        %get3A_113 = arith.index_cast %add3A_112 : i32 to index
        %get3A_114 = arith.constant 0 : index
        %get3A_115 = tpu.vector_load %arg8[%get3A_113, %get3A_114] {strides = array<i32>} : memref<416x32xf32, #tpu.memory_space<vmem>>, vector<16xf32>,
        %get3A_116 = arith.index_cast %add3A_112 : i32 to index
        %get3A_117 = arith.constant 16 : index
        %get3A_118 = tpu.vector_load %arg8[%get3A_116, %get3A_117] {strides = array<i32>} : memref<416x32xf32, #tpu.memory_space<vmem>>, vector<16xf32>,
        %add3A_119 = arith.addf %add3A_102, %get3A_115 : vector<16xf32>
        %mul3A_120 = arith.mulf %get3A_115, %get3A_115 : vector<16xf32>
        %add3A_121 = arith.addf %add3A_104, %mul3A_120 : vector<16xf32>
        %add3A_122 = arith.addf %add3A_105, %get3A_118 : vector<16xf32>
        %mul3A_123 = arith.mulf %get3A_118, %get3A_118 : vector<16xf32>
        %add3A_124 = arith.addf %add3A_107, %mul3A_123 : vector<16xf32>
        %mul3A_125 = arith.constant 26 : i32
        %mul3A_126 = arith.muli %scan3A_56, %mul3A_125 : i32
        %add3A_127 = arith.addi %mul3A_29, %mul3A_126 : i32
        %add3A_128 = arith.constant 4 : i32
        %add3A_129 = arith.addi %add3A_127, %add3A_128 : i32
        %get3A_130 = arith.index_cast %add3A_129 : i32 to index
        %get3A_131 = arith.constant 0 : index
        %get3A_132 = tpu.vector_load %arg8[%get3A_130, %get3A_131] {strides = array<i32>} : memref<416x32xf32, #tpu.memory_space<vmem>>, vector<16xf32>,
        %get3A_133 = arith.index_cast %add3A_129 : i32 to index
        %get3A_134 = arith.constant 16 : index
        %get3A_135 = tpu.vector_load %arg8[%get3A_133, %get3A_134] {strides = array<i32>} : memref<416x32xf32, #tpu.memory_space<vmem>>, vector<16xf32>,
        %add3A_136 = arith.addf %add3A_119, %get3A_132 : vector<16xf32>
        %mul3A_137 = arith.mulf %get3A_132, %get3A_132 : vector<16xf32>
        %add3A_138 = arith.addf %add3A_121, %mul3A_137 : vector<16xf32>
        %add3A_139 = arith.addf %add3A_122, %get3A_135 : vector<16xf32>
        %mul3A_140 = arith.mulf %get3A_135, %get3A_135 : vector<16xf32>
        %add3A_141 = arith.addf %add3A_124, %mul3A_140 : vector<16xf32>
        %mul3A_142 = arith.constant 26 : i32
        %mul3A_143 = arith.muli %scan3A_56, %mul3A_142 : i32
        %add3A_144 = arith.addi %mul3A_29, %mul3A_143 : i32
        %add3A_145 = arith.constant 5 : i32
        %add3A_146 = arith.addi %add3A_144, %add3A_145 : i32
        %get3A_147 = arith.index_cast %add3A_146 : i32 to index
        %get3A_148 = arith.constant 0 : index
        %get3A_149 = tpu.vector_load %arg8[%get3A_147, %get3A_148] {strides = array<i32>} : memref<416x32xf32, #tpu.memory_space<vmem>>, vector<16xf32>,
        %get3A_150 = arith.index_cast %add3A_146 : i32 to index
        %get3A_151 = arith.constant 16 : index
        %get3A_152 = tpu.vector_load %arg8[%get3A_150, %get3A_151] {strides = array<i32>} : memref<416x32xf32, #tpu.memory_space<vmem>>, vector<16xf32>,
        %add3A_153 = arith.addf %add3A_136, %get3A_149 : vector<16xf32>
        %mul3A_154 = arith.mulf %get3A_149, %get3A_149 : vector<16xf32>
        %add3A_155 = arith.addf %add3A_138, %mul3A_154 : vector<16xf32>
        %add3A_156 = arith.addf %add3A_139, %get3A_152 : vector<16xf32>
        %mul3A_157 = arith.mulf %get3A_152, %get3A_152 : vector<16xf32>
        %add3A_158 = arith.addf %add3A_141, %mul3A_157 : vector<16xf32>
        %mul3A_159 = arith.constant 26 : i32
        %mul3A_160 = arith.muli %scan3A_56, %mul3A_159 : i32
        %add3A_161 = arith.addi %mul3A_29, %mul3A_160 : i32
        %add3A_162 = arith.constant 6 : i32
        %add3A_163 = arith.addi %add3A_161, %add3A_162 : i32
        %get3A_164 = arith.index_cast %add3A_163 : i32 to index
        %get3A_165 = arith.constant 0 : index
        %get3A_166 = tpu.vector_load %arg8[%get3A_164, %get3A_165] {strides = array<i32>} : memref<416x32xf32, #tpu.memory_space<vmem>>, vector<16xf32>,
        %get3A_167 = arith.index_cast %add3A_163 : i32 to index
        %get3A_168 = arith.constant 16 : index
        %get3A_169 = tpu.vector_load %arg8[%get3A_167, %get3A_168] {strides = array<i32>} : memref<416x32xf32, #tpu.memory_space<vmem>>, vector<16xf32>,
        %add3A_170 = arith.addf %add3A_153, %get3A_166 : vector<16xf32>
        %mul3A_171 = arith.mulf %get3A_166, %get3A_166 : vector<16xf32>
        %add3A_172 = arith.addf %add3A_155, %mul3A_171 : vector<16xf32>
        %add3A_173 = arith.addf %add3A_156, %get3A_169 : vector<16xf32>
        %mul3A_174 = arith.mulf %get3A_169, %get3A_169 : vector<16xf32>
        %add3A_175 = arith.addf %add3A_158, %mul3A_174 : vector<16xf32>
        %mul3A_176 = arith.constant 26 : i32
        %mul3A_177 = arith.muli %scan3A_56, %mul3A_176 : i32
        %add3A_178 = arith.addi %mul3A_29, %mul3A_177 : i32
        %add3A_179 = arith.constant 7 : i32
        %add3A_180 = arith.addi %add3A_178, %add3A_179 : i32
        %get3A_181 = arith.index_cast %add3A_180 : i32 to index
        %get3A_182 = arith.constant 0 : index
        %get3A_183 = tpu.vector_load %arg8[%get3A_181, %get3A_182] {strides = array<i32>} : memref<416x32xf32, #tpu.memory_space<vmem>>, vector<16xf32>,
        %get3A_184 = arith.index_cast %add3A_180 : i32 to index
        %get3A_185 = arith.constant 16 : index
        %get3A_186 = tpu.vector_load %arg8[%get3A_184, %get3A_185] {strides = array<i32>} : memref<416x32xf32, #tpu.memory_space<vmem>>, vector<16xf32>,
        %add3A_187 = arith.addf %add3A_170, %get3A_183 : vector<16xf32>
        %mul3A_188 = arith.mulf %get3A_183, %get3A_183 : vector<16xf32>
        %add3A_189 = arith.addf %add3A_172, %mul3A_188 : vector<16xf32>
        %add3A_190 = arith.addf %add3A_173, %get3A_186 : vector<16xf32>
        %mul3A_191 = arith.mulf %get3A_186, %get3A_186 : vector<16xf32>
        %add3A_192 = arith.addf %add3A_175, %mul3A_191 : vector<16xf32>
        %mul3A_193 = arith.constant 26 : i32
        %mul3A_194 = arith.muli %scan3A_56, %mul3A_193 : i32
        %add3A_195 = arith.addi %mul3A_29, %mul3A_194 : i32
        %add3A_196 = arith.constant 8 : i32
        %add3A_197 = arith.addi %add3A_195, %add3A_196 : i32
        %get3A_198 = arith.index_cast %add3A_197 : i32 to index
        %get3A_199 = arith.constant 0 : index
        %get3A_200 = tpu.vector_load %arg8[%get3A_198, %get3A_199] {strides = array<i32>} : memref<416x32xf32, #tpu.memory_space<vmem>>, vector<16xf32>,
        %get3A_201 = arith.index_cast %add3A_197 : i32 to index
        %get3A_202 = arith.constant 16 : index
        %get3A_203 = tpu.vector_load %arg8[%get3A_201, %get3A_202] {strides = array<i32>} : memref<416x32xf32, #tpu.memory_space<vmem>>, vector<16xf32>,
        %add3A_204 = arith.addf %add3A_187, %get3A_200 : vector<16xf32>
        %mul3A_205 = arith.mulf %get3A_200, %get3A_200 : vector<16xf32>
        %add3A_206 = arith.addf %add3A_189, %mul3A_205 : vector<16xf32>
        %add3A_207 = arith.addf %add3A_190, %get3A_203 : vector<16xf32>
        %mul3A_208 = arith.mulf %get3A_203, %get3A_203 : vector<16xf32>
        %add3A_209 = arith.addf %add3A_192, %mul3A_208 : vector<16xf32>
        %mul3A_210 = arith.constant 26 : i32
        %mul3A_211 = arith.muli %scan3A_56, %mul3A_210 : i32
        %add3A_212 = arith.addi %mul3A_29, %mul3A_211 : i32
        %add3A_213 = arith.constant 9 : i32
        %add3A_214 = arith.addi %add3A_212, %add3A_213 : i32
        %get3A_215 = arith.index_cast %add3A_214 : i32 to index
        %get3A_216 = arith.constant 0 : index
        %get3A_217 = tpu.vector_load %arg8[%get3A_215, %get3A_216] {strides = array<i32>} : memref<416x32xf32, #tpu.memory_space<vmem>>, vector<16xf32>,
        %get3A_218 = arith.index_cast %add3A_214 : i32 to index
        %get3A_219 = arith.constant 16 : index
        %get3A_220 = tpu.vector_load %arg8[%get3A_218, %get3A_219] {strides = array<i32>} : memref<416x32xf32, #tpu.memory_space<vmem>>, vector<16xf32>,
        %add3A_221 = arith.addf %add3A_204, %get3A_217 : vector<16xf32>
        %mul3A_222 = arith.mulf %get3A_217, %get3A_217 : vector<16xf32>
        %add3A_223 = arith.addf %add3A_206, %mul3A_222 : vector<16xf32>
        %add3A_224 = arith.addf %add3A_207, %get3A_220 : vector<16xf32>
        %mul3A_225 = arith.mulf %get3A_220, %get3A_220 : vector<16xf32>
        %add3A_226 = arith.addf %add3A_209, %mul3A_225 : vector<16xf32>
        %mul3A_227 = arith.constant 26 : i32
        %mul3A_228 = arith.muli %scan3A_56, %mul3A_227 : i32
        %add3A_229 = arith.addi %mul3A_29, %mul3A_228 : i32
        %add3A_230 = arith.constant 10 : i32
        %add3A_231 = arith.addi %add3A_229, %add3A_230 : i32
        %get3A_232 = arith.index_cast %add3A_231 : i32 to index
        %get3A_233 = arith.constant 0 : index
        %get3A_234 = tpu.vector_load %arg8[%get3A_232, %get3A_233] {strides = array<i32>} : memref<416x32xf32, #tpu.memory_space<vmem>>, vector<16xf32>,
        %get3A_235 = arith.index_cast %add3A_231 : i32 to index
        %get3A_236 = arith.constant 16 : index
        %get3A_237 = tpu.vector_load %arg8[%get3A_235, %get3A_236] {strides = array<i32>} : memref<416x32xf32, #tpu.memory_space<vmem>>, vector<16xf32>,
        %add3A_238 = arith.addf %add3A_221, %get3A_234 : vector<16xf32>
        %mul3A_239 = arith.mulf %get3A_234, %get3A_234 : vector<16xf32>
        %add3A_240 = arith.addf %add3A_223, %mul3A_239 : vector<16xf32>
        %add3A_241 = arith.addf %add3A_224, %get3A_237 : vector<16xf32>
        %mul3A_242 = arith.mulf %get3A_237, %get3A_237 : vector<16xf32>
        %add3A_243 = arith.addf %add3A_226, %mul3A_242 : vector<16xf32>
        %mul3A_244 = arith.constant 26 : i32
        %mul3A_245 = arith.muli %scan3A_56, %mul3A_244 : i32
        %add3A_246 = arith.addi %mul3A_29, %mul3A_245 : i32
        %add3A_247 = arith.constant 11 : i32
        %add3A_248 = arith.addi %add3A_246, %add3A_247 : i32
        %get3A_249 = arith.index_cast %add3A_248 : i32 to index
        %get3A_250 = arith.constant 0 : index
        %get3A_251 = tpu.vector_load %arg8[%get3A_249, %get3A_250] {strides = array<i32>} : memref<416x32xf32, #tpu.memory_space<vmem>>, vector<16xf32>,
        %get3A_252 = arith.index_cast %add3A_248 : i32 to index
        %get3A_253 = arith.constant 16 : index
        %get3A_254 = tpu.vector_load %arg8[%get3A_252, %get3A_253] {strides = array<i32>} : memref<416x32xf32, #tpu.memory_space<vmem>>, vector<16xf32>,
        %add3A_255 = arith.addf %add3A_238, %get3A_251 : vector<16xf32>
        %mul3A_256 = arith.mulf %get3A_251, %get3A_251 : vector<16xf32>
        %add3A_257 = arith.addf %add3A_240, %mul3A_256 : vector<16xf32>
        %add3A_258 = arith.addf %add3A_241, %get3A_254 : vector<16xf32>
        %mul3A_259 = arith.mulf %get3A_254, %get3A_254 : vector<16xf32>
        %add3A_260 = arith.addf %add3A_243, %mul3A_259 : vector<16xf32>
        %mul3A_261 = arith.constant 26 : i32
        %mul3A_262 = arith.muli %scan3A_56, %mul3A_261 : i32
        %add3A_263 = arith.addi %mul3A_29, %mul3A_262 : i32
        %add3A_264 = arith.constant 12 : i32
        %add3A_265 = arith.addi %add3A_263, %add3A_264 : i32
        %get3A_266 = arith.index_cast %add3A_265 : i32 to index
        %get3A_267 = arith.constant 0 : index
        %get3A_268 = tpu.vector_load %arg8[%get3A_266, %get3A_267] {strides = array<i32>} : memref<416x32xf32, #tpu.memory_space<vmem>>, vector<16xf32>,
        %get3A_269 = arith.index_cast %add3A_265 : i32 to index
        %get3A_270 = arith.constant 16 : index
        %get3A_271 = tpu.vector_load %arg8[%get3A_269, %get3A_270] {strides = array<i32>} : memref<416x32xf32, #tpu.memory_space<vmem>>, vector<16xf32>,
        %add3A_272 = arith.addf %add3A_255, %get3A_268 : vector<16xf32>
        %mul3A_273 = arith.mulf %get3A_268, %get3A_268 : vector<16xf32>
        %add3A_274 = arith.addf %add3A_257, %mul3A_273 : vector<16xf32>
        %add3A_275 = arith.addf %add3A_258, %get3A_271 : vector<16xf32>
        %mul3A_276 = arith.mulf %get3A_271, %get3A_271 : vector<16xf32>
        %add3A_277 = arith.addf %add3A_260, %mul3A_276 : vector<16xf32>
        %mul3A_278 = arith.constant 26 : i32
        %mul3A_279 = arith.muli %scan3A_56, %mul3A_278 : i32
        %add3A_280 = arith.addi %mul3A_29, %mul3A_279 : i32
        %add3A_281 = arith.constant 13 : i32
        %add3A_282 = arith.addi %add3A_280, %add3A_281 : i32
        %get3A_283 = arith.index_cast %add3A_282 : i32 to index
        %get3A_284 = arith.constant 0 : index
        %get3A_285 = tpu.vector_load %arg8[%get3A_283, %get3A_284] {strides = array<i32>} : memref<416x32xf32, #tpu.memory_space<vmem>>, vector<16xf32>,
        %get3A_286 = arith.index_cast %add3A_282 : i32 to index
        %get3A_287 = arith.constant 16 : index
        %get3A_288 = tpu.vector_load %arg8[%get3A_286, %get3A_287] {strides = array<i32>} : memref<416x32xf32, #tpu.memory_space<vmem>>, vector<16xf32>,
        %add3A_289 = arith.addf %add3A_272, %get3A_285 : vector<16xf32>
        %mul3A_290 = arith.mulf %get3A_285, %get3A_285 : vector<16xf32>
        %add3A_291 = arith.addf %add3A_274, %mul3A_290 : vector<16xf32>
        %add3A_292 = arith.addf %add3A_275, %get3A_288 : vector<16xf32>
        %mul3A_293 = arith.mulf %get3A_288, %get3A_288 : vector<16xf32>
        %add3A_294 = arith.addf %add3A_277, %mul3A_293 : vector<16xf32>
        %mul3A_295 = arith.constant 26 : i32
        %mul3A_296 = arith.muli %scan3A_56, %mul3A_295 : i32
        %add3A_297 = arith.addi %mul3A_29, %mul3A_296 : i32
        %add3A_298 = arith.constant 14 : i32
        %add3A_299 = arith.addi %add3A_297, %add3A_298 : i32
        %get3A_300 = arith.index_cast %add3A_299 : i32 to index
        %get3A_301 = arith.constant 0 : index
        %get3A_302 = tpu.vector_load %arg8[%get3A_300, %get3A_301] {strides = array<i32>} : memref<416x32xf32, #tpu.memory_space<vmem>>, vector<16xf32>,
        %get3A_303 = arith.index_cast %add3A_299 : i32 to index
        %get3A_304 = arith.constant 16 : index
        %get3A_305 = tpu.vector_load %arg8[%get3A_303, %get3A_304] {strides = array<i32>} : memref<416x32xf32, #tpu.memory_space<vmem>>, vector<16xf32>,
        %add3A_306 = arith.addf %add3A_289, %get3A_302 : vector<16xf32>
        %mul3A_307 = arith.mulf %get3A_302, %get3A_302 : vector<16xf32>
        %add3A_308 = arith.addf %add3A_291, %mul3A_307 : vector<16xf32>
        %add3A_309 = arith.addf %add3A_292, %get3A_305 : vector<16xf32>
        %mul3A_310 = arith.mulf %get3A_305, %get3A_305 : vector<16xf32>
        %add3A_311 = arith.addf %add3A_294, %mul3A_310 : vector<16xf32>
        %mul3A_312 = arith.constant 26 : i32
        %mul3A_313 = arith.muli %scan3A_56, %mul3A_312 : i32
        %add3A_314 = arith.addi %mul3A_29, %mul3A_313 : i32
        %add3A_315 = arith.constant 15 : i32
        %add3A_316 = arith.addi %add3A_314, %add3A_315 : i32
        %get3A_317 = arith.index_cast %add3A_316 : i32 to index
        %get3A_318 = arith.constant 0 : index
        %get3A_319 = tpu.vector_load %arg8[%get3A_317, %get3A_318] {strides = array<i32>} : memref<416x32xf32, #tpu.memory_space<vmem>>, vector<16xf32>,
        %get3A_320 = arith.index_cast %add3A_316 : i32 to index
        %get3A_321 = arith.constant 16 : index
        %get3A_322 = tpu.vector_load %arg8[%get3A_320, %get3A_321] {strides = array<i32>} : memref<416x32xf32, #tpu.memory_space<vmem>>, vector<16xf32>,
        %add3A_323 = arith.addf %add3A_306, %get3A_319 : vector<16xf32>
        %mul3A_324 = arith.mulf %get3A_319, %get3A_319 : vector<16xf32>
        %add3A_325 = arith.addf %add3A_308, %mul3A_324 : vector<16xf32>
        %add3A_326 = arith.addf %add3A_309, %get3A_322 : vector<16xf32>
        %mul3A_327 = arith.mulf %get3A_322, %get3A_322 : vector<16xf32>
        %add3A_328 = arith.addf %add3A_311, %mul3A_327 : vector<16xf32>
        %mul3A_329 = arith.constant 26 : i32
        %mul3A_330 = arith.muli %scan3A_56, %mul3A_329 : i32
        %add3A_331 = arith.addi %mul3A_29, %mul3A_330 : i32
        %add3A_332 = arith.constant 16 : i32
        %add3A_333 = arith.addi %add3A_331, %add3A_332 : i32
        %get3A_334 = arith.index_cast %add3A_333 : i32 to index
        %get3A_335 = arith.constant 0 : index
        %get3A_336 = tpu.vector_load %arg8[%get3A_334, %get3A_335] {strides = array<i32>} : memref<416x32xf32, #tpu.memory_space<vmem>>, vector<16xf32>,
        %get3A_337 = arith.index_cast %add3A_333 : i32 to index
        %get3A_338 = arith.constant 16 : index
        %get3A_339 = tpu.vector_load %arg8[%get3A_337, %get3A_338] {strides = array<i32>} : memref<416x32xf32, #tpu.memory_space<vmem>>, vector<16xf32>,
        %add3A_340 = arith.addf %add3A_323, %get3A_336 : vector<16xf32>
        %mul3A_341 = arith.mulf %get3A_336, %get3A_336 : vector<16xf32>
        %add3A_342 = arith.addf %add3A_325, %mul3A_341 : vector<16xf32>
        %add3A_343 = arith.addf %add3A_326, %get3A_339 : vector<16xf32>
        %mul3A_344 = arith.mulf %get3A_339, %get3A_339 : vector<16xf32>
        %add3A_345 = arith.addf %add3A_328, %mul3A_344 : vector<16xf32>
        %mul3A_346 = arith.constant 26 : i32
        %mul3A_347 = arith.muli %scan3A_56, %mul3A_346 : i32
        %add3A_348 = arith.addi %mul3A_29, %mul3A_347 : i32
        %add3A_349 = arith.constant 17 : i32
        %add3A_350 = arith.addi %add3A_348, %add3A_349 : i32
        %get3A_351 = arith.index_cast %add3A_350 : i32 to index
        %get3A_352 = arith.constant 0 : index
        %get3A_353 = tpu.vector_load %arg8[%get3A_351, %get3A_352] {strides = array<i32>} : memref<416x32xf32, #tpu.memory_space<vmem>>, vector<16xf32>,
        %get3A_354 = arith.index_cast %add3A_350 : i32 to index
        %get3A_355 = arith.constant 16 : index
        %get3A_356 = tpu.vector_load %arg8[%get3A_354, %get3A_355] {strides = array<i32>} : memref<416x32xf32, #tpu.memory_space<vmem>>, vector<16xf32>,
        %add3A_357 = arith.addf %add3A_340, %get3A_353 : vector<16xf32>
        %mul3A_358 = arith.mulf %get3A_353, %get3A_353 : vector<16xf32>
        %add3A_359 = arith.addf %add3A_342, %mul3A_358 : vector<16xf32>
        %add3A_360 = arith.addf %add3A_343, %get3A_356 : vector<16xf32>
        %mul3A_361 = arith.mulf %get3A_356, %get3A_356 : vector<16xf32>
        %add3A_362 = arith.addf %add3A_345, %mul3A_361 : vector<16xf32>
        %mul3A_363 = arith.constant 26 : i32
        %mul3A_364 = arith.muli %scan3A_56, %mul3A_363 : i32
        %add3A_365 = arith.addi %mul3A_29, %mul3A_364 : i32
        %add3A_366 = arith.constant 18 : i32
        %add3A_367 = arith.addi %add3A_365, %add3A_366 : i32
        %get3A_368 = arith.index_cast %add3A_367 : i32 to index
        %get3A_369 = arith.constant 0 : index
        %get3A_370 = tpu.vector_load %arg8[%get3A_368, %get3A_369] {strides = array<i32>} : memref<416x32xf32, #tpu.memory_space<vmem>>, vector<16xf32>,
        %get3A_371 = arith.index_cast %add3A_367 : i32 to index
        %get3A_372 = arith.constant 16 : index
        %get3A_373 = tpu.vector_load %arg8[%get3A_371, %get3A_372] {strides = array<i32>} : memref<416x32xf32, #tpu.memory_space<vmem>>, vector<16xf32>,
        %add3A_374 = arith.addf %add3A_357, %get3A_370 : vector<16xf32>
        %mul3A_375 = arith.mulf %get3A_370, %get3A_370 : vector<16xf32>
        %add3A_376 = arith.addf %add3A_359, %mul3A_375 : vector<16xf32>
        %add3A_377 = arith.addf %add3A_360, %get3A_373 : vector<16xf32>
        %mul3A_378 = arith.mulf %get3A_373, %get3A_373 : vector<16xf32>
        %add3A_379 = arith.addf %add3A_362, %mul3A_378 : vector<16xf32>
        %mul3A_380 = arith.constant 26 : i32
        %mul3A_381 = arith.muli %scan3A_56, %mul3A_380 : i32
        %add3A_382 = arith.addi %mul3A_29, %mul3A_381 : i32
        %add3A_383 = arith.constant 19 : i32
        %add3A_384 = arith.addi %add3A_382, %add3A_383 : i32
        %get3A_385 = arith.index_cast %add3A_384 : i32 to index
        %get3A_386 = arith.constant 0 : index
        %get3A_387 = tpu.vector_load %arg8[%get3A_385, %get3A_386] {strides = array<i32>} : memref<416x32xf32, #tpu.memory_space<vmem>>, vector<16xf32>,
        %get3A_388 = arith.index_cast %add3A_384 : i32 to index
        %get3A_389 = arith.constant 16 : index
        %get3A_390 = tpu.vector_load %arg8[%get3A_388, %get3A_389] {strides = array<i32>} : memref<416x32xf32, #tpu.memory_space<vmem>>, vector<16xf32>,
        %add3A_391 = arith.addf %add3A_374, %get3A_387 : vector<16xf32>
        %mul3A_392 = arith.mulf %get3A_387, %get3A_387 : vector<16xf32>
        %add3A_393 = arith.addf %add3A_376, %mul3A_392 : vector<16xf32>
        %add3A_394 = arith.addf %add3A_377, %get3A_390 : vector<16xf32>
        %mul3A_395 = arith.mulf %get3A_390, %get3A_390 : vector<16xf32>
        %add3A_396 = arith.addf %add3A_379, %mul3A_395 : vector<16xf32>
        %mul3A_397 = arith.constant 26 : i32
        %mul3A_398 = arith.muli %scan3A_56, %mul3A_397 : i32
        %add3A_399 = arith.addi %mul3A_29, %mul3A_398 : i32
        %add3A_400 = arith.constant 20 : i32
        %add3A_401 = arith.addi %add3A_399, %add3A_400 : i32
        %get3A_402 = arith.index_cast %add3A_401 : i32 to index
        %get3A_403 = arith.constant 0 : index
        %get3A_404 = tpu.vector_load %arg8[%get3A_402, %get3A_403] {strides = array<i32>} : memref<416x32xf32, #tpu.memory_space<vmem>>, vector<16xf32>,
        %get3A_405 = arith.index_cast %add3A_401 : i32 to index
        %get3A_406 = arith.constant 16 : index
        %get3A_407 = tpu.vector_load %arg8[%get3A_405, %get3A_406] {strides = array<i32>} : memref<416x32xf32, #tpu.memory_space<vmem>>, vector<16xf32>,
        %add3A_408 = arith.addf %add3A_391, %get3A_404 : vector<16xf32>
        %mul3A_409 = arith.mulf %get3A_404, %get3A_404 : vector<16xf32>
        %add3A_410 = arith.addf %add3A_393, %mul3A_409 : vector<16xf32>
        %add3A_411 = arith.addf %add3A_394, %get3A_407 : vector<16xf32>
        %mul3A_412 = arith.mulf %get3A_407, %get3A_407 : vector<16xf32>
        %add3A_413 = arith.addf %add3A_396, %mul3A_412 : vector<16xf32>
        %mul3A_414 = arith.constant 26 : i32
        %mul3A_415 = arith.muli %scan3A_56, %mul3A_414 : i32
        %add3A_416 = arith.addi %mul3A_29, %mul3A_415 : i32
        %add3A_417 = arith.constant 21 : i32
        %add3A_418 = arith.addi %add3A_416, %add3A_417 : i32
        %get3A_419 = arith.index_cast %add3A_418 : i32 to index
        %get3A_420 = arith.constant 0 : index
        %get3A_421 = tpu.vector_load %arg8[%get3A_419, %get3A_420] {strides = array<i32>} : memref<416x32xf32, #tpu.memory_space<vmem>>, vector<16xf32>,
        %get3A_422 = arith.index_cast %add3A_418 : i32 to index
        %get3A_423 = arith.constant 16 : index
        %get3A_424 = tpu.vector_load %arg8[%get3A_422, %get3A_423] {strides = array<i32>} : memref<416x32xf32, #tpu.memory_space<vmem>>, vector<16xf32>,
        %add3A_425 = arith.addf %add3A_408, %get3A_421 : vector<16xf32>
        %mul3A_426 = arith.mulf %get3A_421, %get3A_421 : vector<16xf32>
        %add3A_427 = arith.addf %add3A_410, %mul3A_426 : vector<16xf32>
        %add3A_428 = arith.addf %add3A_411, %get3A_424 : vector<16xf32>
        %mul3A_429 = arith.mulf %get3A_424, %get3A_424 : vector<16xf32>
        %add3A_430 = arith.addf %add3A_413, %mul3A_429 : vector<16xf32>
        %mul3A_431 = arith.constant 26 : i32
        %mul3A_432 = arith.muli %scan3A_56, %mul3A_431 : i32
        %add3A_433 = arith.addi %mul3A_29, %mul3A_432 : i32
        %add3A_434 = arith.constant 22 : i32
        %add3A_435 = arith.addi %add3A_433, %add3A_434 : i32
        %get3A_436 = arith.index_cast %add3A_435 : i32 to index
        %get3A_437 = arith.constant 0 : index
        %get3A_438 = tpu.vector_load %arg8[%get3A_436, %get3A_437] {strides = array<i32>} : memref<416x32xf32, #tpu.memory_space<vmem>>, vector<16xf32>,
        %get3A_439 = arith.index_cast %add3A_435 : i32 to index
        %get3A_440 = arith.constant 16 : index
        %get3A_441 = tpu.vector_load %arg8[%get3A_439, %get3A_440] {strides = array<i32>} : memref<416x32xf32, #tpu.memory_space<vmem>>, vector<16xf32>,
        %add3A_442 = arith.addf %add3A_425, %get3A_438 : vector<16xf32>
        %mul3A_443 = arith.mulf %get3A_438, %get3A_438 : vector<16xf32>
        %add3A_444 = arith.addf %add3A_427, %mul3A_443 : vector<16xf32>
        %add3A_445 = arith.addf %add3A_428, %get3A_441 : vector<16xf32>
        %mul3A_446 = arith.mulf %get3A_441, %get3A_441 : vector<16xf32>
        %add3A_447 = arith.addf %add3A_430, %mul3A_446 : vector<16xf32>
        %mul3A_448 = arith.constant 26 : i32
        %mul3A_449 = arith.muli %scan3A_56, %mul3A_448 : i32
        %add3A_450 = arith.addi %mul3A_29, %mul3A_449 : i32
        %add3A_451 = arith.constant 23 : i32
        %add3A_452 = arith.addi %add3A_450, %add3A_451 : i32
        %get3A_453 = arith.index_cast %add3A_452 : i32 to index
        %get3A_454 = arith.constant 0 : index
        %get3A_455 = tpu.vector_load %arg8[%get3A_453, %get3A_454] {strides = array<i32>} : memref<416x32xf32, #tpu.memory_space<vmem>>, vector<16xf32>,
        %get3A_456 = arith.index_cast %add3A_452 : i32 to index
        %get3A_457 = arith.constant 16 : index
        %get3A_458 = tpu.vector_load %arg8[%get3A_456, %get3A_457] {strides = array<i32>} : memref<416x32xf32, #tpu.memory_space<vmem>>, vector<16xf32>,
        %add3A_459 = arith.addf %add3A_442, %get3A_455 : vector<16xf32>
        %mul3A_460 = arith.mulf %get3A_455, %get3A_455 : vector<16xf32>
        %add3A_461 = arith.addf %add3A_444, %mul3A_460 : vector<16xf32>
        %add3A_462 = arith.addf %add3A_445, %get3A_458 : vector<16xf32>
        %mul3A_463 = arith.mulf %get3A_458, %get3A_458 : vector<16xf32>
        %add3A_464 = arith.addf %add3A_447, %mul3A_463 : vector<16xf32>
        %mul3A_465 = arith.constant 26 : i32
        %mul3A_466 = arith.muli %scan3A_56, %mul3A_465 : i32
        %add3A_467 = arith.addi %mul3A_29, %mul3A_466 : i32
        %add3A_468 = arith.constant 24 : i32
        %add3A_469 = arith.addi %add3A_467, %add3A_468 : i32
        %get3A_470 = arith.index_cast %add3A_469 : i32 to index
        %get3A_471 = arith.constant 0 : index
        %get3A_472 = tpu.vector_load %arg8[%get3A_470, %get3A_471] {strides = array<i32>} : memref<416x32xf32, #tpu.memory_space<vmem>>, vector<16xf32>,
        %get3A_473 = arith.index_cast %add3A_469 : i32 to index
        %get3A_474 = arith.constant 16 : index
        %get3A_475 = tpu.vector_load %arg8[%get3A_473, %get3A_474] {strides = array<i32>} : memref<416x32xf32, #tpu.memory_space<vmem>>, vector<16xf32>,
        %add3A_476 = arith.addf %add3A_459, %get3A_472 : vector<16xf32>
        %mul3A_477 = arith.mulf %get3A_472, %get3A_472 : vector<16xf32>
        %add3A_478 = arith.addf %add3A_461, %mul3A_477 : vector<16xf32>
        %add3A_479 = arith.addf %add3A_462, %get3A_475 : vector<16xf32>
        %mul3A_480 = arith.mulf %get3A_475, %get3A_475 : vector<16xf32>
        %add3A_481 = arith.addf %add3A_464, %mul3A_480 : vector<16xf32>
        %mul3A_482 = arith.constant 26 : i32
        %mul3A_483 = arith.muli %scan3A_56, %mul3A_482 : i32
        %add3A_484 = arith.addi %mul3A_29, %mul3A_483 : i32
        %add3A_485 = arith.constant 25 : i32
        %add3A_486 = arith.addi %add3A_484, %add3A_485 : i32
        %get3A_487 = arith.index_cast %add3A_486 : i32 to index
        %get3A_488 = arith.constant 0 : index
        %get3A_489 = tpu.vector_load %arg8[%get3A_487, %get3A_488] {strides = array<i32>} : memref<416x32xf32, #tpu.memory_space<vmem>>, vector<16xf32>,
        %get3A_490 = arith.index_cast %add3A_486 : i32 to index
        %get3A_491 = arith.constant 16 : index
        %get3A_492 = tpu.vector_load %arg8[%get3A_490, %get3A_491] {strides = array<i32>} : memref<416x32xf32, #tpu.memory_space<vmem>>, vector<16xf32>,
        %add3A_493 = arith.addf %add3A_476, %get3A_489 : vector<16xf32>
        %mul3A_494 = arith.mulf %get3A_489, %get3A_489 : vector<16xf32>
        %add3A_495 = arith.addf %add3A_478, %mul3A_494 : vector<16xf32>
        %add3A_496 = arith.addf %add3A_479, %get3A_492 : vector<16xf32>
        %mul3A_497 = arith.mulf %get3A_492, %get3A_492 : vector<16xf32>
        %add3A_498 = arith.addf %add3A_481, %mul3A_497 : vector<16xf32>
        %mul3A_499 = arith.mulf %add3A_493, %add3A_493 : vector<16xf32>
        %mul3A_500 = arith.mulf %add3A_496, %add3A_496 : vector<16xf32>
        %add3A_501 = arith.addf %mul3A_499, %mul3A_500 : vector<16xf32>
        %sub3A = arith.subf %add3A_501, %add3A_495 : vector<16xf32>
        %sub3A_502 = arith.subf %sub3A, %add3A_498 : vector<16xf32>
        %mul3A_503 = arith.constant 8 : i32
        %mul3A_504 = arith.muli %rem3A_27, %mul3A_503 : i32
        %add3A_505 = arith.addi %mul3A_504, %scan3A_56 : i32
        %mul3A_506 = arith.constant 16 : i32
        %mul3A_507 = arith.muli %add3A_505, %mul3A_506 : i32
        %swap3A = arith.index_cast %mul3A_507 : i32 to index
        %swap3A_508 = tpu.vector_load %arg10[%swap3A] {strides = array<i32>} : memref<256xf32, #tpu.memory_space<vmem>>, vector<16xf32>,
        tpu.vector_store %arg10[%swap3A], %sub3A_502 {strides = array<i32>} : memref<256xf32, #tpu.memory_space<vmem>>, vector<16xf32>,
      }
      %scan3A_47 = arith.constant 8 : i32
      %eq3A = arith.constant 1 : i32
      %eq3A_48 = arith.cmpi eq, %rem3A_27, %eq3A : i32
      %convert_element_type3A = arith.extui %eq3A_48 : i1 to i32
      %cond3A = arith.constant 0 : i32
      %cond3A_49 = arith.cmpi ne, %convert_element_type3A, %cond3A : i32
      scf.if %cond3A_49 {
        %jit3A = arith.constant 2 : i32
        %div3A = arith.divsi %scan3A_26, %jit3A : i32
        %sign3A = arith.constant 0 : i32
        %sign3A_56 = arith.cmpi sgt, %scan3A_26, %sign3A : i32
        %sign3A_57 = arith.extui %sign3A_56 : i1 to i32
        %sign3A_58 = arith.constant 0 : i32
        %sign3A_59 = arith.cmpi slt, %scan3A_26, %sign3A_58 : i32
        %sign3A_60 = arith.extui %sign3A_59 : i1 to i32
        %sign3A_61 = arith.subi %sign3A_57, %sign3A_60 : i32
        %sign3A_62 = arith.constant 0 : i32
        %sign3A_63 = arith.cmpi sgt, %jit3A, %sign3A_62 : i32
        %sign3A_64 = arith.extui %sign3A_63 : i1 to i32
        %sign3A_65 = arith.constant 0 : i32
        %sign3A_66 = arith.cmpi slt, %jit3A, %sign3A_65 : i32
        %sign3A_67 = arith.extui %sign3A_66 : i1 to i32
        %sign3A_68 = arith.subi %sign3A_64, %sign3A_67 : i32
        %ne3A = arith.cmpi ne, %sign3A_61, %sign3A_68 : i32
        %rem3A_69 = arith.remsi %scan3A_26, %jit3A : i32
        %ne3A_70 = arith.constant 0 : i32
        %ne3A_71 = arith.cmpi ne, %rem3A_69, %ne3A_70 : i32
        %and3A = arith.andi %ne3A, %ne3A_71 : i1
        %sub3A = arith.constant 1 : i32
        %sub3A_72 = arith.subi %div3A, %sub3A : i32
        %select_n3A = arith.select %and3A, %sub3A_72, %div3A : i32
        %mul3A_73 = arith.constant 16 : i32
        %mul3A_74 = vector.broadcast %mul3A_73 : i32 to vector<16xi32>
        %mul3A_75 = arith.muli %iota3A, %mul3A_74 : vector<16xi32>
        %add3A_76 = arith.constant 0 : i32
        %add3A_77 = vector.broadcast %add3A_76 : i32 to vector<16xi32>
        %add3A_78 = arith.addi %mul3A_75, %add3A_77 : vector<16xi32>
        %gather3A = tpu.vector_load_idx %arg10[%add3A_78] : memref<256xf32, #tpu.memory_space<vmem>>[vector<16xi32>], vector<16xf32>,
        %add3A_79 = arith.addf %broadcast_in_dim3A_11, %gather3A : vector<16xf32>
        %mul3A_80 = arith.constant 16 : i32
        %mul3A_81 = vector.broadcast %mul3A_80 : i32 to vector<16xi32>
        %mul3A_82 = arith.muli %iota3A, %mul3A_81 : vector<16xi32>
        %add3A_83 = arith.constant 1 : i32
        %add3A_84 = vector.broadcast %add3A_83 : i32 to vector<16xi32>
        %add3A_85 = arith.addi %mul3A_82, %add3A_84 : vector<16xi32>
        %gather3A_86 = tpu.vector_load_idx %arg10[%add3A_85] : memref<256xf32, #tpu.memory_space<vmem>>[vector<16xi32>], vector<16xf32>,
        %add3A_87 = arith.addf %add3A_79, %gather3A_86 : vector<16xf32>
        %mul3A_88 = arith.constant 16 : i32
        %mul3A_89 = vector.broadcast %mul3A_88 : i32 to vector<16xi32>
        %mul3A_90 = arith.muli %iota3A, %mul3A_89 : vector<16xi32>
        %add3A_91 = arith.constant 2 : i32
        %add3A_92 = vector.broadcast %add3A_91 : i32 to vector<16xi32>
        %add3A_93 = arith.addi %mul3A_90, %add3A_92 : vector<16xi32>
        %gather3A_94 = tpu.vector_load_idx %arg10[%add3A_93] : memref<256xf32, #tpu.memory_space<vmem>>[vector<16xi32>], vector<16xf32>,
        %add3A_95 = arith.addf %add3A_87, %gather3A_94 : vector<16xf32>
        %mul3A_96 = arith.constant 16 : i32
        %mul3A_97 = vector.broadcast %mul3A_96 : i32 to vector<16xi32>
        %mul3A_98 = arith.muli %iota3A, %mul3A_97 : vector<16xi32>
        %add3A_99 = arith.constant 3 : i32
        %add3A_100 = vector.broadcast %add3A_99 : i32 to vector<16xi32>
        %add3A_101 = arith.addi %mul3A_98, %add3A_100 : vector<16xi32>
        %gather3A_102 = tpu.vector_load_idx %arg10[%add3A_101] : memref<256xf32, #tpu.memory_space<vmem>>[vector<16xi32>], vector<16xf32>,
        %add3A_103 = arith.addf %add3A_95, %gather3A_102 : vector<16xf32>
        %mul3A_104 = arith.constant 16 : i32
        %mul3A_105 = vector.broadcast %mul3A_104 : i32 to vector<16xi32>
        %mul3A_106 = arith.muli %iota3A, %mul3A_105 : vector<16xi32>
        %add3A_107 = arith.constant 4 : i32
        %add3A_108 = vector.broadcast %add3A_107 : i32 to vector<16xi32>
        %add3A_109 = arith.addi %mul3A_106, %add3A_108 : vector<16xi32>
        %gather3A_110 = tpu.vector_load_idx %arg10[%add3A_109] : memref<256xf32, #tpu.memory_space<vmem>>[vector<16xi32>], vector<16xf32>,
        %add3A_111 = arith.addf %add3A_103, %gather3A_110 : vector<16xf32>
        %mul3A_112 = arith.constant 16 : i32
        %mul3A_113 = vector.broadcast %mul3A_112 : i32 to vector<16xi32>
        %mul3A_114 = arith.muli %iota3A, %mul3A_113 : vector<16xi32>
        %add3A_115 = arith.constant 5 : i32
        %add3A_116 = vector.broadcast %add3A_115 : i32 to vector<16xi32>
        %add3A_117 = arith.addi %mul3A_114, %add3A_116 : vector<16xi32>
        %gather3A_118 = tpu.vector_load_idx %arg10[%add3A_117] : memref<256xf32, #tpu.memory_space<vmem>>[vector<16xi32>], vector<16xf32>,
        %add3A_119 = arith.addf %add3A_111, %gather3A_118 : vector<16xf32>
        %mul3A_120 = arith.constant 16 : i32
        %mul3A_121 = vector.broadcast %mul3A_120 : i32 to vector<16xi32>
        %mul3A_122 = arith.muli %iota3A, %mul3A_121 : vector<16xi32>
        %add3A_123 = arith.constant 6 : i32
        %add3A_124 = vector.broadcast %add3A_123 : i32 to vector<16xi32>
        %add3A_125 = arith.addi %mul3A_122, %add3A_124 : vector<16xi32>
        %gather3A_126 = tpu.vector_load_idx %arg10[%add3A_125] : memref<256xf32, #tpu.memory_space<vmem>>[vector<16xi32>], vector<16xf32>,
        %add3A_127 = arith.addf %add3A_119, %gather3A_126 : vector<16xf32>
        %mul3A_128 = arith.constant 16 : i32
        %mul3A_129 = vector.broadcast %mul3A_128 : i32 to vector<16xi32>
        %mul3A_130 = arith.muli %iota3A, %mul3A_129 : vector<16xi32>
        %add3A_131 = arith.constant 7 : i32
        %add3A_132 = vector.broadcast %add3A_131 : i32 to vector<16xi32>
        %add3A_133 = arith.addi %mul3A_130, %add3A_132 : vector<16xi32>
        %gather3A_134 = tpu.vector_load_idx %arg10[%add3A_133] : memref<256xf32, #tpu.memory_space<vmem>>[vector<16xi32>], vector<16xf32>,
        %add3A_135 = arith.addf %add3A_127, %gather3A_134 : vector<16xf32>
        %mul3A_136 = arith.constant 16 : i32
        %mul3A_137 = vector.broadcast %mul3A_136 : i32 to vector<16xi32>
        %mul3A_138 = arith.muli %iota3A, %mul3A_137 : vector<16xi32>
        %add3A_139 = arith.constant 8 : i32
        %add3A_140 = vector.broadcast %add3A_139 : i32 to vector<16xi32>
        %add3A_141 = arith.addi %mul3A_138, %add3A_140 : vector<16xi32>
        %gather3A_142 = tpu.vector_load_idx %arg10[%add3A_141] : memref<256xf32, #tpu.memory_space<vmem>>[vector<16xi32>], vector<16xf32>,
        %add3A_143 = arith.addf %add3A_135, %gather3A_142 : vector<16xf32>
        %mul3A_144 = arith.constant 16 : i32
        %mul3A_145 = vector.broadcast %mul3A_144 : i32 to vector<16xi32>
        %mul3A_146 = arith.muli %iota3A, %mul3A_145 : vector<16xi32>
        %add3A_147 = arith.constant 9 : i32
        %add3A_148 = vector.broadcast %add3A_147 : i32 to vector<16xi32>
        %add3A_149 = arith.addi %mul3A_146, %add3A_148 : vector<16xi32>
        %gather3A_150 = tpu.vector_load_idx %arg10[%add3A_149] : memref<256xf32, #tpu.memory_space<vmem>>[vector<16xi32>], vector<16xf32>,
        %add3A_151 = arith.addf %add3A_143, %gather3A_150 : vector<16xf32>
        %mul3A_152 = arith.constant 16 : i32
        %mul3A_153 = vector.broadcast %mul3A_152 : i32 to vector<16xi32>
        %mul3A_154 = arith.muli %iota3A, %mul3A_153 : vector<16xi32>
        %add3A_155 = arith.constant 10 : i32
        %add3A_156 = vector.broadcast %add3A_155 : i32 to vector<16xi32>
        %add3A_157 = arith.addi %mul3A_154, %add3A_156 : vector<16xi32>
        %gather3A_158 = tpu.vector_load_idx %arg10[%add3A_157] : memref<256xf32, #tpu.memory_space<vmem>>[vector<16xi32>], vector<16xf32>,
        %add3A_159 = arith.addf %add3A_151, %gather3A_158 : vector<16xf32>
        %mul3A_160 = arith.constant 16 : i32
        %mul3A_161 = vector.broadcast %mul3A_160 : i32 to vector<16xi32>
        %mul3A_162 = arith.muli %iota3A, %mul3A_161 : vector<16xi32>
        %add3A_163 = arith.constant 11 : i32
        %add3A_164 = vector.broadcast %add3A_163 : i32 to vector<16xi32>
        %add3A_165 = arith.addi %mul3A_162, %add3A_164 : vector<16xi32>
        %gather3A_166 = tpu.vector_load_idx %arg10[%add3A_165] : memref<256xf32, #tpu.memory_space<vmem>>[vector<16xi32>], vector<16xf32>,
        %add3A_167 = arith.addf %add3A_159, %gather3A_166 : vector<16xf32>
        %mul3A_168 = arith.constant 16 : i32
        %mul3A_169 = vector.broadcast %mul3A_168 : i32 to vector<16xi32>
        %mul3A_170 = arith.muli %iota3A, %mul3A_169 : vector<16xi32>
        %add3A_171 = arith.constant 12 : i32
        %add3A_172 = vector.broadcast %add3A_171 : i32 to vector<16xi32>
        %add3A_173 = arith.addi %mul3A_170, %add3A_172 : vector<16xi32>
        %gather3A_174 = tpu.vector_load_idx %arg10[%add3A_173] : memref<256xf32, #tpu.memory_space<vmem>>[vector<16xi32>], vector<16xf32>,
        %add3A_175 = arith.addf %add3A_167, %gather3A_174 : vector<16xf32>
        %mul3A_176 = arith.constant 16 : i32
        %mul3A_177 = vector.broadcast %mul3A_176 : i32 to vector<16xi32>
        %mul3A_178 = arith.muli %iota3A, %mul3A_177 : vector<16xi32>
        %add3A_179 = arith.constant 13 : i32
        %add3A_180 = vector.broadcast %add3A_179 : i32 to vector<16xi32>
        %add3A_181 = arith.addi %mul3A_178, %add3A_180 : vector<16xi32>
        %gather3A_182 = tpu.vector_load_idx %arg10[%add3A_181] : memref<256xf32, #tpu.memory_space<vmem>>[vector<16xi32>], vector<16xf32>,
        %add3A_183 = arith.addf %add3A_175, %gather3A_182 : vector<16xf32>
        %mul3A_184 = arith.constant 16 : i32
        %mul3A_185 = vector.broadcast %mul3A_184 : i32 to vector<16xi32>
        %mul3A_186 = arith.muli %iota3A, %mul3A_185 : vector<16xi32>
        %add3A_187 = arith.constant 14 : i32
        %add3A_188 = vector.broadcast %add3A_187 : i32 to vector<16xi32>
        %add3A_189 = arith.addi %mul3A_186, %add3A_188 : vector<16xi32>
        %gather3A_190 = tpu.vector_load_idx %arg10[%add3A_189] : memref<256xf32, #tpu.memory_space<vmem>>[vector<16xi32>], vector<16xf32>,
        %add3A_191 = arith.addf %add3A_183, %gather3A_190 : vector<16xf32>
        %mul3A_192 = arith.constant 16 : i32
        %mul3A_193 = vector.broadcast %mul3A_192 : i32 to vector<16xi32>
        %mul3A_194 = arith.muli %iota3A, %mul3A_193 : vector<16xi32>
        %add3A_195 = arith.constant 15 : i32
        %add3A_196 = vector.broadcast %add3A_195 : i32 to vector<16xi32>
        %add3A_197 = arith.addi %mul3A_194, %add3A_196 : vector<16xi32>
        %gather3A_198 = tpu.vector_load_idx %arg10[%add3A_197] : memref<256xf32, #tpu.memory_space<vmem>>[vector<16xi32>], vector<16xf32>,
        %add3A_199 = arith.addf %add3A_191, %gather3A_198 : vector<16xf32>
        %mul3A_200 = arith.constant 16 : i32
        %mul3A_201 = arith.muli %select_n3A, %mul3A_200 : i32
        %get3A_202 = arith.index_cast %mul3A_201 : i32 to index
        %get3A_203 = tpu.vector_load %arg9[%get3A_202] {strides = array<i32>} : memref<128xf32, #tpu.memory_space<vmem>>, vector<16xf32>,
        %add3A_204 = arith.addf %get3A_203, %get3A_12 : vector<16xf32>
        %mul3A_205 = arith.constant 5.000000e-01 : f32
        %mul3A_206 = vector.broadcast %mul3A_205 : f32 to vector<16xf32>
        %mul3A_207 = arith.mulf %mul3A_206, %add3A_199 : vector<16xf32>
        %add3A_208 = arith.addf %add3A_204, %mul3A_207 : vector<16xf32>
        %neg3A = arith.constant 0.000000e+00 : f32
        %neg3A_209 = vector.broadcast %neg3A : f32 to vector<16xf32>
        %neg3A_210 = arith.subf %neg3A_209, %add3A_208 : vector<16xf32>
        %exp3A = math.exp %neg3A_210 : vector<16xf32>
        %add3A_211 = arith.constant 1.000000e+00 : f32
        %add3A_212 = vector.broadcast %add3A_211 : f32 to vector<16xf32>
        %add3A_213 = arith.addf %add3A_212, %exp3A : vector<16xf32>
        %div3A_214 = arith.constant 1.000000e+00 : f32
        %div3A_215 = vector.broadcast %div3A_214 : f32 to vector<16xf32>
        %div3A_216 = arith.divf %div3A_215, %add3A_213 : vector<16xf32>
        %mul3A_217 = arith.constant 16 : i32
        %mul3A_218 = arith.muli %select_n3A, %mul3A_217 : i32
        %swap3A = arith.index_cast %mul3A_218 : i32 to index
        %swap3A_219 = tpu.vector_load %arg11[%swap3A] {strides = array<i32>} : memref<128xf32, #tpu.memory_space<vmem>>, vector<16xf32>,
        tpu.vector_store %arg11[%swap3A], %div3A_216 {strides = array<i32>} : memref<128xf32, #tpu.memory_space<vmem>>, vector<16xf32>,
      } else {
      }
      %add3A_50 = arith.constant 2 : i32
      %add3A_51 = arith.addi %scan3A_26, %add3A_50 : i32
      %lt3A = arith.constant 16 : i32
      %lt3A_52 = arith.cmpi slt, %add3A_51, %lt3A : i32
      %convert_element_type3A_53 = arith.extui %lt3A_52 : i1 to i32
      %cond3A_54 = arith.constant 0 : i32
      %cond3A_55 = arith.cmpi ne, %convert_element_type3A_53, %cond3A_54 : i32
      scf.if %cond3A_55 {
        %add3A_56 = arith.constant 2 : i32
        %add3A_57 = arith.addi %scan3A_26, %add3A_56 : i32
        %rem3A_58 = arith.constant 2 : i32
        %rem3A_59 = arith.remsi %add3A_57, %rem3A_58 : i32
        %mul3A_60 = arith.constant 208 : i32
        %mul3A_61 = arith.muli %rem3A_59, %mul3A_60 : i32
        %scan3A_62 = arith.constant 0 : i32
        %scan3A_63 = arith.constant 0 : i32
        %scan3A_64 = arith.constant 13 : i32
        %scan3A_65 = arith.addi %scan3A_63, %scan3A_64 : i32
        %scan3A_66 = arith.constant 1 : i32
        scf.for %scan3A_68 = %scan3A_63 to %scan3A_65 step %scan3A_66  : i32 {
          %mul3A_69 = arith.constant 208 : i32
          %mul3A_70 = arith.muli %add3A_57, %mul3A_69 : i32
          %mul3A_71 = arith.constant 16 : i32
          %mul3A_72 = arith.muli %scan3A_68, %mul3A_71 : i32
          %add3A_73 = arith.addi %mul3A_70, %mul3A_72 : i32
          %get3A_74 = arith.index_cast %add3A_73 : i32 to index
          %get3A_75 = tpu.vector_load %arg7[%get3A_74] {strides = array<i32>} : memref<3328xi32, #tpu.memory_space<vmem>>, vector<16xi32>,
          %slice3A = vector.extract_strided_slice %get3A_75 {offsets = [0], sizes = [1], strides = [1]} : vector<16xi32> to vector<1xi32>
          %squeeze3A = vector.extract %slice3A[0] : i32 from vector<1xi32>
          %mul3A_76 = arith.constant 16 : i32
          %mul3A_77 = arith.muli %scan3A_68, %mul3A_76 : i32
          %add3A_78 = arith.addi %mul3A_61, %mul3A_77 : i32
          %add3A_79 = arith.constant 0 : i32
          %add3A_80 = arith.addi %add3A_78, %add3A_79 : i32
          %dma_start3A_81 = arith.constant 0 : i32
          %dma_start3A_82 = tpu.memref_slice %arg8[%add3A_80, %dma_start3A_81] : memref<416x32xf32, #tpu.memory_space<vmem>> -> memref<1x32xf32, #tpu.memory_space<vmem>>
          %dma_start3A_83 = arith.constant 0 : i32
          %dma_start3A_84 = tpu.memref_slice %arg2[%squeeze3A, %dma_start3A_83] : memref<2600000x32xf32, #tpu.memory_space<hbm>> -> memref<1x32xf32, #tpu.memory_space<hbm>>
          %dma_start3A_85 = tpu.memref_slice %arg14[%rem3A_59] : memref<2x!tpu.dma_semaphore, #tpu.memory_space<semaphore_mem>> -> memref<1x!tpu.dma_semaphore, #tpu.memory_space<semaphore_mem>>
          %dma_start3A_86 = tpu.memref_squeeze %dma_start3A_85 : memref<1x!tpu.dma_semaphore, #tpu.memory_space<semaphore_mem>> -> memref<!tpu.dma_semaphore, #tpu.memory_space<semaphore_mem>>
          %dma_start3A_87 = arith.constant 0 : i32
          %dma_start3A_88 = tpu.memref_slice %arg8[%add3A_80, %dma_start3A_87] : memref<416x32xf32, #tpu.memory_space<vmem>> -> memref<1x32xf32, #tpu.memory_space<vmem>>
          %dma_start3A_89 = arith.constant 0 : i32
          %dma_start3A_90 = tpu.memref_slice %arg2[%squeeze3A, %dma_start3A_89] : memref<2600000x32xf32, #tpu.memory_space<hbm>> -> memref<1x32xf32, #tpu.memory_space<hbm>>
          tpu.enqueue_dma source(%dma_start3A_90 : memref<1x32xf32, #tpu.memory_space<hbm>>) target(%dma_start3A_88 : memref<1x32xf32, #tpu.memory_space<vmem>>) target_semaphore(%dma_start3A_86 : memref<!tpu.dma_semaphore, #tpu.memory_space<semaphore_mem>>)
          %slice3A_91 = vector.extract_strided_slice %get3A_75 {offsets = [1], sizes = [1], strides = [1]} : vector<16xi32> to vector<1xi32>
          %squeeze3A_92 = vector.extract %slice3A_91[0] : i32 from vector<1xi32>
          %mul3A_93 = arith.constant 16 : i32
          %mul3A_94 = arith.muli %scan3A_68, %mul3A_93 : i32
          %add3A_95 = arith.addi %mul3A_61, %mul3A_94 : i32
          %add3A_96 = arith.constant 1 : i32
          %add3A_97 = arith.addi %add3A_95, %add3A_96 : i32
          %dma_start3A_98 = arith.constant 0 : i32
          %dma_start3A_99 = tpu.memref_slice %arg8[%add3A_97, %dma_start3A_98] : memref<416x32xf32, #tpu.memory_space<vmem>> -> memref<1x32xf32, #tpu.memory_space<vmem>>
          %dma_start3A_100 = arith.constant 0 : i32
          %dma_start3A_101 = tpu.memref_slice %arg2[%squeeze3A_92, %dma_start3A_100] : memref<2600000x32xf32, #tpu.memory_space<hbm>> -> memref<1x32xf32, #tpu.memory_space<hbm>>
          %dma_start3A_102 = tpu.memref_slice %arg14[%rem3A_59] : memref<2x!tpu.dma_semaphore, #tpu.memory_space<semaphore_mem>> -> memref<1x!tpu.dma_semaphore, #tpu.memory_space<semaphore_mem>>
          %dma_start3A_103 = tpu.memref_squeeze %dma_start3A_102 : memref<1x!tpu.dma_semaphore, #tpu.memory_space<semaphore_mem>> -> memref<!tpu.dma_semaphore, #tpu.memory_space<semaphore_mem>>
          %dma_start3A_104 = arith.constant 0 : i32
          %dma_start3A_105 = tpu.memref_slice %arg8[%add3A_97, %dma_start3A_104] : memref<416x32xf32, #tpu.memory_space<vmem>> -> memref<1x32xf32, #tpu.memory_space<vmem>>
          %dma_start3A_106 = arith.constant 0 : i32
          %dma_start3A_107 = tpu.memref_slice %arg2[%squeeze3A_92, %dma_start3A_106] : memref<2600000x32xf32, #tpu.memory_space<hbm>> -> memref<1x32xf32, #tpu.memory_space<hbm>>
          tpu.enqueue_dma source(%dma_start3A_107 : memref<1x32xf32, #tpu.memory_space<hbm>>) target(%dma_start3A_105 : memref<1x32xf32, #tpu.memory_space<vmem>>) target_semaphore(%dma_start3A_103 : memref<!tpu.dma_semaphore, #tpu.memory_space<semaphore_mem>>)
          %slice3A_108 = vector.extract_strided_slice %get3A_75 {offsets = [2], sizes = [1], strides = [1]} : vector<16xi32> to vector<1xi32>
          %squeeze3A_109 = vector.extract %slice3A_108[0] : i32 from vector<1xi32>
          %mul3A_110 = arith.constant 16 : i32
          %mul3A_111 = arith.muli %scan3A_68, %mul3A_110 : i32
          %add3A_112 = arith.addi %mul3A_61, %mul3A_111 : i32
          %add3A_113 = arith.constant 2 : i32
          %add3A_114 = arith.addi %add3A_112, %add3A_113 : i32
          %dma_start3A_115 = arith.constant 0 : i32
          %dma_start3A_116 = tpu.memref_slice %arg8[%add3A_114, %dma_start3A_115] : memref<416x32xf32, #tpu.memory_space<vmem>> -> memref<1x32xf32, #tpu.memory_space<vmem>>
          %dma_start3A_117 = arith.constant 0 : i32
          %dma_start3A_118 = tpu.memref_slice %arg2[%squeeze3A_109, %dma_start3A_117] : memref<2600000x32xf32, #tpu.memory_space<hbm>> -> memref<1x32xf32, #tpu.memory_space<hbm>>
          %dma_start3A_119 = tpu.memref_slice %arg14[%rem3A_59] : memref<2x!tpu.dma_semaphore, #tpu.memory_space<semaphore_mem>> -> memref<1x!tpu.dma_semaphore, #tpu.memory_space<semaphore_mem>>
          %dma_start3A_120 = tpu.memref_squeeze %dma_start3A_119 : memref<1x!tpu.dma_semaphore, #tpu.memory_space<semaphore_mem>> -> memref<!tpu.dma_semaphore, #tpu.memory_space<semaphore_mem>>
          %dma_start3A_121 = arith.constant 0 : i32
          %dma_start3A_122 = tpu.memref_slice %arg8[%add3A_114, %dma_start3A_121] : memref<416x32xf32, #tpu.memory_space<vmem>> -> memref<1x32xf32, #tpu.memory_space<vmem>>
          %dma_start3A_123 = arith.constant 0 : i32
          %dma_start3A_124 = tpu.memref_slice %arg2[%squeeze3A_109, %dma_start3A_123] : memref<2600000x32xf32, #tpu.memory_space<hbm>> -> memref<1x32xf32, #tpu.memory_space<hbm>>
          tpu.enqueue_dma source(%dma_start3A_124 : memref<1x32xf32, #tpu.memory_space<hbm>>) target(%dma_start3A_122 : memref<1x32xf32, #tpu.memory_space<vmem>>) target_semaphore(%dma_start3A_120 : memref<!tpu.dma_semaphore, #tpu.memory_space<semaphore_mem>>)
          %slice3A_125 = vector.extract_strided_slice %get3A_75 {offsets = [3], sizes = [1], strides = [1]} : vector<16xi32> to vector<1xi32>
          %squeeze3A_126 = vector.extract %slice3A_125[0] : i32 from vector<1xi32>
          %mul3A_127 = arith.constant 16 : i32
          %mul3A_128 = arith.muli %scan3A_68, %mul3A_127 : i32
          %add3A_129 = arith.addi %mul3A_61, %mul3A_128 : i32
          %add3A_130 = arith.constant 3 : i32
          %add3A_131 = arith.addi %add3A_129, %add3A_130 : i32
          %dma_start3A_132 = arith.constant 0 : i32
          %dma_start3A_133 = tpu.memref_slice %arg8[%add3A_131, %dma_start3A_132] : memref<416x32xf32, #tpu.memory_space<vmem>> -> memref<1x32xf32, #tpu.memory_space<vmem>>
          %dma_start3A_134 = arith.constant 0 : i32
          %dma_start3A_135 = tpu.memref_slice %arg2[%squeeze3A_126, %dma_start3A_134] : memref<2600000x32xf32, #tpu.memory_space<hbm>> -> memref<1x32xf32, #tpu.memory_space<hbm>>
          %dma_start3A_136 = tpu.memref_slice %arg14[%rem3A_59] : memref<2x!tpu.dma_semaphore, #tpu.memory_space<semaphore_mem>> -> memref<1x!tpu.dma_semaphore, #tpu.memory_space<semaphore_mem>>
          %dma_start3A_137 = tpu.memref_squeeze %dma_start3A_136 : memref<1x!tpu.dma_semaphore, #tpu.memory_space<semaphore_mem>> -> memref<!tpu.dma_semaphore, #tpu.memory_space<semaphore_mem>>
          %dma_start3A_138 = arith.constant 0 : i32
          %dma_start3A_139 = tpu.memref_slice %arg8[%add3A_131, %dma_start3A_138] : memref<416x32xf32, #tpu.memory_space<vmem>> -> memref<1x32xf32, #tpu.memory_space<vmem>>
          %dma_start3A_140 = arith.constant 0 : i32
          %dma_start3A_141 = tpu.memref_slice %arg2[%squeeze3A_126, %dma_start3A_140] : memref<2600000x32xf32, #tpu.memory_space<hbm>> -> memref<1x32xf32, #tpu.memory_space<hbm>>
          tpu.enqueue_dma source(%dma_start3A_141 : memref<1x32xf32, #tpu.memory_space<hbm>>) target(%dma_start3A_139 : memref<1x32xf32, #tpu.memory_space<vmem>>) target_semaphore(%dma_start3A_137 : memref<!tpu.dma_semaphore, #tpu.memory_space<semaphore_mem>>)
          %slice3A_142 = vector.extract_strided_slice %get3A_75 {offsets = [4], sizes = [1], strides = [1]} : vector<16xi32> to vector<1xi32>
          %squeeze3A_143 = vector.extract %slice3A_142[0] : i32 from vector<1xi32>
          %mul3A_144 = arith.constant 16 : i32
          %mul3A_145 = arith.muli %scan3A_68, %mul3A_144 : i32
          %add3A_146 = arith.addi %mul3A_61, %mul3A_145 : i32
          %add3A_147 = arith.constant 4 : i32
          %add3A_148 = arith.addi %add3A_146, %add3A_147 : i32
          %dma_start3A_149 = arith.constant 0 : i32
          %dma_start3A_150 = tpu.memref_slice %arg8[%add3A_148, %dma_start3A_149] : memref<416x32xf32, #tpu.memory_space<vmem>> -> memref<1x32xf32, #tpu.memory_space<vmem>>
          %dma_start3A_151 = arith.constant 0 : i32
          %dma_start3A_152 = tpu.memref_slice %arg2[%squeeze3A_143, %dma_start3A_151] : memref<2600000x32xf32, #tpu.memory_space<hbm>> -> memref<1x32xf32, #tpu.memory_space<hbm>>
          %dma_start3A_153 = tpu.memref_slice %arg14[%rem3A_59] : memref<2x!tpu.dma_semaphore, #tpu.memory_space<semaphore_mem>> -> memref<1x!tpu.dma_semaphore, #tpu.memory_space<semaphore_mem>>
          %dma_start3A_154 = tpu.memref_squeeze %dma_start3A_153 : memref<1x!tpu.dma_semaphore, #tpu.memory_space<semaphore_mem>> -> memref<!tpu.dma_semaphore, #tpu.memory_space<semaphore_mem>>
          %dma_start3A_155 = arith.constant 0 : i32
          %dma_start3A_156 = tpu.memref_slice %arg8[%add3A_148, %dma_start3A_155] : memref<416x32xf32, #tpu.memory_space<vmem>> -> memref<1x32xf32, #tpu.memory_space<vmem>>
          %dma_start3A_157 = arith.constant 0 : i32
          %dma_start3A_158 = tpu.memref_slice %arg2[%squeeze3A_143, %dma_start3A_157] : memref<2600000x32xf32, #tpu.memory_space<hbm>> -> memref<1x32xf32, #tpu.memory_space<hbm>>
          tpu.enqueue_dma source(%dma_start3A_158 : memref<1x32xf32, #tpu.memory_space<hbm>>) target(%dma_start3A_156 : memref<1x32xf32, #tpu.memory_space<vmem>>) target_semaphore(%dma_start3A_154 : memref<!tpu.dma_semaphore, #tpu.memory_space<semaphore_mem>>)
          %slice3A_159 = vector.extract_strided_slice %get3A_75 {offsets = [5], sizes = [1], strides = [1]} : vector<16xi32> to vector<1xi32>
          %squeeze3A_160 = vector.extract %slice3A_159[0] : i32 from vector<1xi32>
          %mul3A_161 = arith.constant 16 : i32
          %mul3A_162 = arith.muli %scan3A_68, %mul3A_161 : i32
          %add3A_163 = arith.addi %mul3A_61, %mul3A_162 : i32
          %add3A_164 = arith.constant 5 : i32
          %add3A_165 = arith.addi %add3A_163, %add3A_164 : i32
          %dma_start3A_166 = arith.constant 0 : i32
          %dma_start3A_167 = tpu.memref_slice %arg8[%add3A_165, %dma_start3A_166] : memref<416x32xf32, #tpu.memory_space<vmem>> -> memref<1x32xf32, #tpu.memory_space<vmem>>
          %dma_start3A_168 = arith.constant 0 : i32
          %dma_start3A_169 = tpu.memref_slice %arg2[%squeeze3A_160, %dma_start3A_168] : memref<2600000x32xf32, #tpu.memory_space<hbm>> -> memref<1x32xf32, #tpu.memory_space<hbm>>
          %dma_start3A_170 = tpu.memref_slice %arg14[%rem3A_59] : memref<2x!tpu.dma_semaphore, #tpu.memory_space<semaphore_mem>> -> memref<1x!tpu.dma_semaphore, #tpu.memory_space<semaphore_mem>>
          %dma_start3A_171 = tpu.memref_squeeze %dma_start3A_170 : memref<1x!tpu.dma_semaphore, #tpu.memory_space<semaphore_mem>> -> memref<!tpu.dma_semaphore, #tpu.memory_space<semaphore_mem>>
          %dma_start3A_172 = arith.constant 0 : i32
          %dma_start3A_173 = tpu.memref_slice %arg8[%add3A_165, %dma_start3A_172] : memref<416x32xf32, #tpu.memory_space<vmem>> -> memref<1x32xf32, #tpu.memory_space<vmem>>
          %dma_start3A_174 = arith.constant 0 : i32
          %dma_start3A_175 = tpu.memref_slice %arg2[%squeeze3A_160, %dma_start3A_174] : memref<2600000x32xf32, #tpu.memory_space<hbm>> -> memref<1x32xf32, #tpu.memory_space<hbm>>
          tpu.enqueue_dma source(%dma_start3A_175 : memref<1x32xf32, #tpu.memory_space<hbm>>) target(%dma_start3A_173 : memref<1x32xf32, #tpu.memory_space<vmem>>) target_semaphore(%dma_start3A_171 : memref<!tpu.dma_semaphore, #tpu.memory_space<semaphore_mem>>)
          %slice3A_176 = vector.extract_strided_slice %get3A_75 {offsets = [6], sizes = [1], strides = [1]} : vector<16xi32> to vector<1xi32>
          %squeeze3A_177 = vector.extract %slice3A_176[0] : i32 from vector<1xi32>
          %mul3A_178 = arith.constant 16 : i32
          %mul3A_179 = arith.muli %scan3A_68, %mul3A_178 : i32
          %add3A_180 = arith.addi %mul3A_61, %mul3A_179 : i32
          %add3A_181 = arith.constant 6 : i32
          %add3A_182 = arith.addi %add3A_180, %add3A_181 : i32
          %dma_start3A_183 = arith.constant 0 : i32
          %dma_start3A_184 = tpu.memref_slice %arg8[%add3A_182, %dma_start3A_183] : memref<416x32xf32, #tpu.memory_space<vmem>> -> memref<1x32xf32, #tpu.memory_space<vmem>>
          %dma_start3A_185 = arith.constant 0 : i32
          %dma_start3A_186 = tpu.memref_slice %arg2[%squeeze3A_177, %dma_start3A_185] : memref<2600000x32xf32, #tpu.memory_space<hbm>> -> memref<1x32xf32, #tpu.memory_space<hbm>>
          %dma_start3A_187 = tpu.memref_slice %arg14[%rem3A_59] : memref<2x!tpu.dma_semaphore, #tpu.memory_space<semaphore_mem>> -> memref<1x!tpu.dma_semaphore, #tpu.memory_space<semaphore_mem>>
          %dma_start3A_188 = tpu.memref_squeeze %dma_start3A_187 : memref<1x!tpu.dma_semaphore, #tpu.memory_space<semaphore_mem>> -> memref<!tpu.dma_semaphore, #tpu.memory_space<semaphore_mem>>
          %dma_start3A_189 = arith.constant 0 : i32
          %dma_start3A_190 = tpu.memref_slice %arg8[%add3A_182, %dma_start3A_189] : memref<416x32xf32, #tpu.memory_space<vmem>> -> memref<1x32xf32, #tpu.memory_space<vmem>>
          %dma_start3A_191 = arith.constant 0 : i32
          %dma_start3A_192 = tpu.memref_slice %arg2[%squeeze3A_177, %dma_start3A_191] : memref<2600000x32xf32, #tpu.memory_space<hbm>> -> memref<1x32xf32, #tpu.memory_space<hbm>>
          tpu.enqueue_dma source(%dma_start3A_192 : memref<1x32xf32, #tpu.memory_space<hbm>>) target(%dma_start3A_190 : memref<1x32xf32, #tpu.memory_space<vmem>>) target_semaphore(%dma_start3A_188 : memref<!tpu.dma_semaphore, #tpu.memory_space<semaphore_mem>>)
          %slice3A_193 = vector.extract_strided_slice %get3A_75 {offsets = [7], sizes = [1], strides = [1]} : vector<16xi32> to vector<1xi32>
          %squeeze3A_194 = vector.extract %slice3A_193[0] : i32 from vector<1xi32>
          %mul3A_195 = arith.constant 16 : i32
          %mul3A_196 = arith.muli %scan3A_68, %mul3A_195 : i32
          %add3A_197 = arith.addi %mul3A_61, %mul3A_196 : i32
          %add3A_198 = arith.constant 7 : i32
          %add3A_199 = arith.addi %add3A_197, %add3A_198 : i32
          %dma_start3A_200 = arith.constant 0 : i32
          %dma_start3A_201 = tpu.memref_slice %arg8[%add3A_199, %dma_start3A_200] : memref<416x32xf32, #tpu.memory_space<vmem>> -> memref<1x32xf32, #tpu.memory_space<vmem>>
          %dma_start3A_202 = arith.constant 0 : i32
          %dma_start3A_203 = tpu.memref_slice %arg2[%squeeze3A_194, %dma_start3A_202] : memref<2600000x32xf32, #tpu.memory_space<hbm>> -> memref<1x32xf32, #tpu.memory_space<hbm>>
          %dma_start3A_204 = tpu.memref_slice %arg14[%rem3A_59] : memref<2x!tpu.dma_semaphore, #tpu.memory_space<semaphore_mem>> -> memref<1x!tpu.dma_semaphore, #tpu.memory_space<semaphore_mem>>
          %dma_start3A_205 = tpu.memref_squeeze %dma_start3A_204 : memref<1x!tpu.dma_semaphore, #tpu.memory_space<semaphore_mem>> -> memref<!tpu.dma_semaphore, #tpu.memory_space<semaphore_mem>>
          %dma_start3A_206 = arith.constant 0 : i32
          %dma_start3A_207 = tpu.memref_slice %arg8[%add3A_199, %dma_start3A_206] : memref<416x32xf32, #tpu.memory_space<vmem>> -> memref<1x32xf32, #tpu.memory_space<vmem>>
          %dma_start3A_208 = arith.constant 0 : i32
          %dma_start3A_209 = tpu.memref_slice %arg2[%squeeze3A_194, %dma_start3A_208] : memref<2600000x32xf32, #tpu.memory_space<hbm>> -> memref<1x32xf32, #tpu.memory_space<hbm>>
          tpu.enqueue_dma source(%dma_start3A_209 : memref<1x32xf32, #tpu.memory_space<hbm>>) target(%dma_start3A_207 : memref<1x32xf32, #tpu.memory_space<vmem>>) target_semaphore(%dma_start3A_205 : memref<!tpu.dma_semaphore, #tpu.memory_space<semaphore_mem>>)
          %slice3A_210 = vector.extract_strided_slice %get3A_75 {offsets = [8], sizes = [1], strides = [1]} : vector<16xi32> to vector<1xi32>
          %squeeze3A_211 = vector.extract %slice3A_210[0] : i32 from vector<1xi32>
          %mul3A_212 = arith.constant 16 : i32
          %mul3A_213 = arith.muli %scan3A_68, %mul3A_212 : i32
          %add3A_214 = arith.addi %mul3A_61, %mul3A_213 : i32
          %add3A_215 = arith.constant 8 : i32
          %add3A_216 = arith.addi %add3A_214, %add3A_215 : i32
          %dma_start3A_217 = arith.constant 0 : i32
          %dma_start3A_218 = tpu.memref_slice %arg8[%add3A_216, %dma_start3A_217] : memref<416x32xf32, #tpu.memory_space<vmem>> -> memref<1x32xf32, #tpu.memory_space<vmem>>
          %dma_start3A_219 = arith.constant 0 : i32
          %dma_start3A_220 = tpu.memref_slice %arg2[%squeeze3A_211, %dma_start3A_219] : memref<2600000x32xf32, #tpu.memory_space<hbm>> -> memref<1x32xf32, #tpu.memory_space<hbm>>
          %dma_start3A_221 = tpu.memref_slice %arg14[%rem3A_59] : memref<2x!tpu.dma_semaphore, #tpu.memory_space<semaphore_mem>> -> memref<1x!tpu.dma_semaphore, #tpu.memory_space<semaphore_mem>>
          %dma_start3A_222 = tpu.memref_squeeze %dma_start3A_221 : memref<1x!tpu.dma_semaphore, #tpu.memory_space<semaphore_mem>> -> memref<!tpu.dma_semaphore, #tpu.memory_space<semaphore_mem>>
          %dma_start3A_223 = arith.constant 0 : i32
          %dma_start3A_224 = tpu.memref_slice %arg8[%add3A_216, %dma_start3A_223] : memref<416x32xf32, #tpu.memory_space<vmem>> -> memref<1x32xf32, #tpu.memory_space<vmem>>
          %dma_start3A_225 = arith.constant 0 : i32
          %dma_start3A_226 = tpu.memref_slice %arg2[%squeeze3A_211, %dma_start3A_225] : memref<2600000x32xf32, #tpu.memory_space<hbm>> -> memref<1x32xf32, #tpu.memory_space<hbm>>
          tpu.enqueue_dma source(%dma_start3A_226 : memref<1x32xf32, #tpu.memory_space<hbm>>) target(%dma_start3A_224 : memref<1x32xf32, #tpu.memory_space<vmem>>) target_semaphore(%dma_start3A_222 : memref<!tpu.dma_semaphore, #tpu.memory_space<semaphore_mem>>)
          %slice3A_227 = vector.extract_strided_slice %get3A_75 {offsets = [9], sizes = [1], strides = [1]} : vector<16xi32> to vector<1xi32>
          %squeeze3A_228 = vector.extract %slice3A_227[0] : i32 from vector<1xi32>
          %mul3A_229 = arith.constant 16 : i32
          %mul3A_230 = arith.muli %scan3A_68, %mul3A_229 : i32
          %add3A_231 = arith.addi %mul3A_61, %mul3A_230 : i32
          %add3A_232 = arith.constant 9 : i32
          %add3A_233 = arith.addi %add3A_231, %add3A_232 : i32
          %dma_start3A_234 = arith.constant 0 : i32
          %dma_start3A_235 = tpu.memref_slice %arg8[%add3A_233, %dma_start3A_234] : memref<416x32xf32, #tpu.memory_space<vmem>> -> memref<1x32xf32, #tpu.memory_space<vmem>>
          %dma_start3A_236 = arith.constant 0 : i32
          %dma_start3A_237 = tpu.memref_slice %arg2[%squeeze3A_228, %dma_start3A_236] : memref<2600000x32xf32, #tpu.memory_space<hbm>> -> memref<1x32xf32, #tpu.memory_space<hbm>>
          %dma_start3A_238 = tpu.memref_slice %arg14[%rem3A_59] : memref<2x!tpu.dma_semaphore, #tpu.memory_space<semaphore_mem>> -> memref<1x!tpu.dma_semaphore, #tpu.memory_space<semaphore_mem>>
          %dma_start3A_239 = tpu.memref_squeeze %dma_start3A_238 : memref<1x!tpu.dma_semaphore, #tpu.memory_space<semaphore_mem>> -> memref<!tpu.dma_semaphore, #tpu.memory_space<semaphore_mem>>
          %dma_start3A_240 = arith.constant 0 : i32
          %dma_start3A_241 = tpu.memref_slice %arg8[%add3A_233, %dma_start3A_240] : memref<416x32xf32, #tpu.memory_space<vmem>> -> memref<1x32xf32, #tpu.memory_space<vmem>>
          %dma_start3A_242 = arith.constant 0 : i32
          %dma_start3A_243 = tpu.memref_slice %arg2[%squeeze3A_228, %dma_start3A_242] : memref<2600000x32xf32, #tpu.memory_space<hbm>> -> memref<1x32xf32, #tpu.memory_space<hbm>>
          tpu.enqueue_dma source(%dma_start3A_243 : memref<1x32xf32, #tpu.memory_space<hbm>>) target(%dma_start3A_241 : memref<1x32xf32, #tpu.memory_space<vmem>>) target_semaphore(%dma_start3A_239 : memref<!tpu.dma_semaphore, #tpu.memory_space<semaphore_mem>>)
          %slice3A_244 = vector.extract_strided_slice %get3A_75 {offsets = [10], sizes = [1], strides = [1]} : vector<16xi32> to vector<1xi32>
          %squeeze3A_245 = vector.extract %slice3A_244[0] : i32 from vector<1xi32>
          %mul3A_246 = arith.constant 16 : i32
          %mul3A_247 = arith.muli %scan3A_68, %mul3A_246 : i32
          %add3A_248 = arith.addi %mul3A_61, %mul3A_247 : i32
          %add3A_249 = arith.constant 10 : i32
          %add3A_250 = arith.addi %add3A_248, %add3A_249 : i32
          %dma_start3A_251 = arith.constant 0 : i32
          %dma_start3A_252 = tpu.memref_slice %arg8[%add3A_250, %dma_start3A_251] : memref<416x32xf32, #tpu.memory_space<vmem>> -> memref<1x32xf32, #tpu.memory_space<vmem>>
          %dma_start3A_253 = arith.constant 0 : i32
          %dma_start3A_254 = tpu.memref_slice %arg2[%squeeze3A_245, %dma_start3A_253] : memref<2600000x32xf32, #tpu.memory_space<hbm>> -> memref<1x32xf32, #tpu.memory_space<hbm>>
          %dma_start3A_255 = tpu.memref_slice %arg14[%rem3A_59] : memref<2x!tpu.dma_semaphore, #tpu.memory_space<semaphore_mem>> -> memref<1x!tpu.dma_semaphore, #tpu.memory_space<semaphore_mem>>
          %dma_start3A_256 = tpu.memref_squeeze %dma_start3A_255 : memref<1x!tpu.dma_semaphore, #tpu.memory_space<semaphore_mem>> -> memref<!tpu.dma_semaphore, #tpu.memory_space<semaphore_mem>>
          %dma_start3A_257 = arith.constant 0 : i32
          %dma_start3A_258 = tpu.memref_slice %arg8[%add3A_250, %dma_start3A_257] : memref<416x32xf32, #tpu.memory_space<vmem>> -> memref<1x32xf32, #tpu.memory_space<vmem>>
          %dma_start3A_259 = arith.constant 0 : i32
          %dma_start3A_260 = tpu.memref_slice %arg2[%squeeze3A_245, %dma_start3A_259] : memref<2600000x32xf32, #tpu.memory_space<hbm>> -> memref<1x32xf32, #tpu.memory_space<hbm>>
          tpu.enqueue_dma source(%dma_start3A_260 : memref<1x32xf32, #tpu.memory_space<hbm>>) target(%dma_start3A_258 : memref<1x32xf32, #tpu.memory_space<vmem>>) target_semaphore(%dma_start3A_256 : memref<!tpu.dma_semaphore, #tpu.memory_space<semaphore_mem>>)
          %slice3A_261 = vector.extract_strided_slice %get3A_75 {offsets = [11], sizes = [1], strides = [1]} : vector<16xi32> to vector<1xi32>
          %squeeze3A_262 = vector.extract %slice3A_261[0] : i32 from vector<1xi32>
          %mul3A_263 = arith.constant 16 : i32
          %mul3A_264 = arith.muli %scan3A_68, %mul3A_263 : i32
          %add3A_265 = arith.addi %mul3A_61, %mul3A_264 : i32
          %add3A_266 = arith.constant 11 : i32
          %add3A_267 = arith.addi %add3A_265, %add3A_266 : i32
          %dma_start3A_268 = arith.constant 0 : i32
          %dma_start3A_269 = tpu.memref_slice %arg8[%add3A_267, %dma_start3A_268] : memref<416x32xf32, #tpu.memory_space<vmem>> -> memref<1x32xf32, #tpu.memory_space<vmem>>
          %dma_start3A_270 = arith.constant 0 : i32
          %dma_start3A_271 = tpu.memref_slice %arg2[%squeeze3A_262, %dma_start3A_270] : memref<2600000x32xf32, #tpu.memory_space<hbm>> -> memref<1x32xf32, #tpu.memory_space<hbm>>
          %dma_start3A_272 = tpu.memref_slice %arg14[%rem3A_59] : memref<2x!tpu.dma_semaphore, #tpu.memory_space<semaphore_mem>> -> memref<1x!tpu.dma_semaphore, #tpu.memory_space<semaphore_mem>>
          %dma_start3A_273 = tpu.memref_squeeze %dma_start3A_272 : memref<1x!tpu.dma_semaphore, #tpu.memory_space<semaphore_mem>> -> memref<!tpu.dma_semaphore, #tpu.memory_space<semaphore_mem>>
          %dma_start3A_274 = arith.constant 0 : i32
          %dma_start3A_275 = tpu.memref_slice %arg8[%add3A_267, %dma_start3A_274] : memref<416x32xf32, #tpu.memory_space<vmem>> -> memref<1x32xf32, #tpu.memory_space<vmem>>
          %dma_start3A_276 = arith.constant 0 : i32
          %dma_start3A_277 = tpu.memref_slice %arg2[%squeeze3A_262, %dma_start3A_276] : memref<2600000x32xf32, #tpu.memory_space<hbm>> -> memref<1x32xf32, #tpu.memory_space<hbm>>
          tpu.enqueue_dma source(%dma_start3A_277 : memref<1x32xf32, #tpu.memory_space<hbm>>) target(%dma_start3A_275 : memref<1x32xf32, #tpu.memory_space<vmem>>) target_semaphore(%dma_start3A_273 : memref<!tpu.dma_semaphore, #tpu.memory_space<semaphore_mem>>)
          %slice3A_278 = vector.extract_strided_slice %get3A_75 {offsets = [12], sizes = [1], strides = [1]} : vector<16xi32> to vector<1xi32>
          %squeeze3A_279 = vector.extract %slice3A_278[0] : i32 from vector<1xi32>
          %mul3A_280 = arith.constant 16 : i32
          %mul3A_281 = arith.muli %scan3A_68, %mul3A_280 : i32
          %add3A_282 = arith.addi %mul3A_61, %mul3A_281 : i32
          %add3A_283 = arith.constant 12 : i32
          %add3A_284 = arith.addi %add3A_282, %add3A_283 : i32
          %dma_start3A_285 = arith.constant 0 : i32
          %dma_start3A_286 = tpu.memref_slice %arg8[%add3A_284, %dma_start3A_285] : memref<416x32xf32, #tpu.memory_space<vmem>> -> memref<1x32xf32, #tpu.memory_space<vmem>>
          %dma_start3A_287 = arith.constant 0 : i32
          %dma_start3A_288 = tpu.memref_slice %arg2[%squeeze3A_279, %dma_start3A_287] : memref<2600000x32xf32, #tpu.memory_space<hbm>> -> memref<1x32xf32, #tpu.memory_space<hbm>>
          %dma_start3A_289 = tpu.memref_slice %arg14[%rem3A_59] : memref<2x!tpu.dma_semaphore, #tpu.memory_space<semaphore_mem>> -> memref<1x!tpu.dma_semaphore, #tpu.memory_space<semaphore_mem>>
          %dma_start3A_290 = tpu.memref_squeeze %dma_start3A_289 : memref<1x!tpu.dma_semaphore, #tpu.memory_space<semaphore_mem>> -> memref<!tpu.dma_semaphore, #tpu.memory_space<semaphore_mem>>
          %dma_start3A_291 = arith.constant 0 : i32
          %dma_start3A_292 = tpu.memref_slice %arg8[%add3A_284, %dma_start3A_291] : memref<416x32xf32, #tpu.memory_space<vmem>> -> memref<1x32xf32, #tpu.memory_space<vmem>>
          %dma_start3A_293 = arith.constant 0 : i32
          %dma_start3A_294 = tpu.memref_slice %arg2[%squeeze3A_279, %dma_start3A_293] : memref<2600000x32xf32, #tpu.memory_space<hbm>> -> memref<1x32xf32, #tpu.memory_space<hbm>>
          tpu.enqueue_dma source(%dma_start3A_294 : memref<1x32xf32, #tpu.memory_space<hbm>>) target(%dma_start3A_292 : memref<1x32xf32, #tpu.memory_space<vmem>>) target_semaphore(%dma_start3A_290 : memref<!tpu.dma_semaphore, #tpu.memory_space<semaphore_mem>>)
          %slice3A_295 = vector.extract_strided_slice %get3A_75 {offsets = [13], sizes = [1], strides = [1]} : vector<16xi32> to vector<1xi32>
          %squeeze3A_296 = vector.extract %slice3A_295[0] : i32 from vector<1xi32>
          %mul3A_297 = arith.constant 16 : i32
          %mul3A_298 = arith.muli %scan3A_68, %mul3A_297 : i32
          %add3A_299 = arith.addi %mul3A_61, %mul3A_298 : i32
          %add3A_300 = arith.constant 13 : i32
          %add3A_301 = arith.addi %add3A_299, %add3A_300 : i32
          %dma_start3A_302 = arith.constant 0 : i32
          %dma_start3A_303 = tpu.memref_slice %arg8[%add3A_301, %dma_start3A_302] : memref<416x32xf32, #tpu.memory_space<vmem>> -> memref<1x32xf32, #tpu.memory_space<vmem>>
          %dma_start3A_304 = arith.constant 0 : i32
          %dma_start3A_305 = tpu.memref_slice %arg2[%squeeze3A_296, %dma_start3A_304] : memref<2600000x32xf32, #tpu.memory_space<hbm>> -> memref<1x32xf32, #tpu.memory_space<hbm>>
          %dma_start3A_306 = tpu.memref_slice %arg14[%rem3A_59] : memref<2x!tpu.dma_semaphore, #tpu.memory_space<semaphore_mem>> -> memref<1x!tpu.dma_semaphore, #tpu.memory_space<semaphore_mem>>
          %dma_start3A_307 = tpu.memref_squeeze %dma_start3A_306 : memref<1x!tpu.dma_semaphore, #tpu.memory_space<semaphore_mem>> -> memref<!tpu.dma_semaphore, #tpu.memory_space<semaphore_mem>>
          %dma_start3A_308 = arith.constant 0 : i32
          %dma_start3A_309 = tpu.memref_slice %arg8[%add3A_301, %dma_start3A_308] : memref<416x32xf32, #tpu.memory_space<vmem>> -> memref<1x32xf32, #tpu.memory_space<vmem>>
          %dma_start3A_310 = arith.constant 0 : i32
          %dma_start3A_311 = tpu.memref_slice %arg2[%squeeze3A_296, %dma_start3A_310] : memref<2600000x32xf32, #tpu.memory_space<hbm>> -> memref<1x32xf32, #tpu.memory_space<hbm>>
          tpu.enqueue_dma source(%dma_start3A_311 : memref<1x32xf32, #tpu.memory_space<hbm>>) target(%dma_start3A_309 : memref<1x32xf32, #tpu.memory_space<vmem>>) target_semaphore(%dma_start3A_307 : memref<!tpu.dma_semaphore, #tpu.memory_space<semaphore_mem>>)
          %slice3A_312 = vector.extract_strided_slice %get3A_75 {offsets = [14], sizes = [1], strides = [1]} : vector<16xi32> to vector<1xi32>
          %squeeze3A_313 = vector.extract %slice3A_312[0] : i32 from vector<1xi32>
          %mul3A_314 = arith.constant 16 : i32
          %mul3A_315 = arith.muli %scan3A_68, %mul3A_314 : i32
          %add3A_316 = arith.addi %mul3A_61, %mul3A_315 : i32
          %add3A_317 = arith.constant 14 : i32
          %add3A_318 = arith.addi %add3A_316, %add3A_317 : i32
          %dma_start3A_319 = arith.constant 0 : i32
          %dma_start3A_320 = tpu.memref_slice %arg8[%add3A_318, %dma_start3A_319] : memref<416x32xf32, #tpu.memory_space<vmem>> -> memref<1x32xf32, #tpu.memory_space<vmem>>
          %dma_start3A_321 = arith.constant 0 : i32
          %dma_start3A_322 = tpu.memref_slice %arg2[%squeeze3A_313, %dma_start3A_321] : memref<2600000x32xf32, #tpu.memory_space<hbm>> -> memref<1x32xf32, #tpu.memory_space<hbm>>
          %dma_start3A_323 = tpu.memref_slice %arg14[%rem3A_59] : memref<2x!tpu.dma_semaphore, #tpu.memory_space<semaphore_mem>> -> memref<1x!tpu.dma_semaphore, #tpu.memory_space<semaphore_mem>>
          %dma_start3A_324 = tpu.memref_squeeze %dma_start3A_323 : memref<1x!tpu.dma_semaphore, #tpu.memory_space<semaphore_mem>> -> memref<!tpu.dma_semaphore, #tpu.memory_space<semaphore_mem>>
          %dma_start3A_325 = arith.constant 0 : i32
          %dma_start3A_326 = tpu.memref_slice %arg8[%add3A_318, %dma_start3A_325] : memref<416x32xf32, #tpu.memory_space<vmem>> -> memref<1x32xf32, #tpu.memory_space<vmem>>
          %dma_start3A_327 = arith.constant 0 : i32
          %dma_start3A_328 = tpu.memref_slice %arg2[%squeeze3A_313, %dma_start3A_327] : memref<2600000x32xf32, #tpu.memory_space<hbm>> -> memref<1x32xf32, #tpu.memory_space<hbm>>
          tpu.enqueue_dma source(%dma_start3A_328 : memref<1x32xf32, #tpu.memory_space<hbm>>) target(%dma_start3A_326 : memref<1x32xf32, #tpu.memory_space<vmem>>) target_semaphore(%dma_start3A_324 : memref<!tpu.dma_semaphore, #tpu.memory_space<semaphore_mem>>)
          %slice3A_329 = vector.extract_strided_slice %get3A_75 {offsets = [15], sizes = [1], strides = [1]} : vector<16xi32> to vector<1xi32>
          %squeeze3A_330 = vector.extract %slice3A_329[0] : i32 from vector<1xi32>
          %mul3A_331 = arith.constant 16 : i32
          %mul3A_332 = arith.muli %scan3A_68, %mul3A_331 : i32
          %add3A_333 = arith.addi %mul3A_61, %mul3A_332 : i32
          %add3A_334 = arith.constant 15 : i32
          %add3A_335 = arith.addi %add3A_333, %add3A_334 : i32
          %dma_start3A_336 = arith.constant 0 : i32
          %dma_start3A_337 = tpu.memref_slice %arg8[%add3A_335, %dma_start3A_336] : memref<416x32xf32, #tpu.memory_space<vmem>> -> memref<1x32xf32, #tpu.memory_space<vmem>>
          %dma_start3A_338 = arith.constant 0 : i32
          %dma_start3A_339 = tpu.memref_slice %arg2[%squeeze3A_330, %dma_start3A_338] : memref<2600000x32xf32, #tpu.memory_space<hbm>> -> memref<1x32xf32, #tpu.memory_space<hbm>>
          %dma_start3A_340 = tpu.memref_slice %arg14[%rem3A_59] : memref<2x!tpu.dma_semaphore, #tpu.memory_space<semaphore_mem>> -> memref<1x!tpu.dma_semaphore, #tpu.memory_space<semaphore_mem>>
          %dma_start3A_341 = tpu.memref_squeeze %dma_start3A_340 : memref<1x!tpu.dma_semaphore, #tpu.memory_space<semaphore_mem>> -> memref<!tpu.dma_semaphore, #tpu.memory_space<semaphore_mem>>
          %dma_start3A_342 = arith.constant 0 : i32
          %dma_start3A_343 = tpu.memref_slice %arg8[%add3A_335, %dma_start3A_342] : memref<416x32xf32, #tpu.memory_space<vmem>> -> memref<1x32xf32, #tpu.memory_space<vmem>>
          %dma_start3A_344 = arith.constant 0 : i32
          %dma_start3A_345 = tpu.memref_slice %arg2[%squeeze3A_330, %dma_start3A_344] : memref<2600000x32xf32, #tpu.memory_space<hbm>> -> memref<1x32xf32, #tpu.memory_space<hbm>>
          tpu.enqueue_dma source(%dma_start3A_345 : memref<1x32xf32, #tpu.memory_space<hbm>>) target(%dma_start3A_343 : memref<1x32xf32, #tpu.memory_space<vmem>>) target_semaphore(%dma_start3A_341 : memref<!tpu.dma_semaphore, #tpu.memory_space<semaphore_mem>>)
        }
        %scan3A_67 = arith.constant 13 : i32
      } else {
      }
    }
    %scan3A_23 = arith.constant 16 : i32
    %mul3A_24 = arith.constant 128 : i32
    %mul3A_25 = arith.muli %add3A, %mul3A_24 : i32
    "tpu.region"() ({
      %run_scoped3A = tpu.sem_alloc : memref<!tpu.dma_semaphore, #tpu.memory_space<semaphore_mem>>
      %dma_start3A_26 = tpu.memref_slice %arg6[%mul3A_25] : memref<4096xf32, #tpu.memory_space<hbm>> -> memref<128xf32, #tpu.memory_space<hbm>>
      %dma_start3A_27 = tpu.memref_slice %arg6[%mul3A_25] : memref<4096xf32, #tpu.memory_space<hbm>> -> memref<128xf32, #tpu.memory_space<hbm>>
      tpu.enqueue_dma source(%arg11 : memref<128xf32, #tpu.memory_space<vmem>>) target(%dma_start3A_27 : memref<128xf32, #tpu.memory_space<hbm>>) target_semaphore(%run_scoped3A : memref<!tpu.dma_semaphore, #tpu.memory_space<semaphore_mem>>)
      %dma_wait3A_28 = tpu.memref_slice %arg6[%mul3A_25] : memref<4096xf32, #tpu.memory_space<hbm>> -> memref<128xf32, #tpu.memory_space<hbm>>
      %dma_wait3A_29 = tpu.memref_slice %arg6[%mul3A_25] : memref<4096xf32, #tpu.memory_space<hbm>> -> memref<128xf32, #tpu.memory_space<hbm>>
      tpu.wait_dma2 semaphore(%run_scoped3A : memref<!tpu.dma_semaphore, #tpu.memory_space<semaphore_mem>>) src(%arg11 : memref<128xf32, #tpu.memory_space<vmem>>) dst(%dma_wait3A_29 : memref<128xf32, #tpu.memory_space<hbm>>)
      tpu.yield
    }) : () -> ()
    return
  }
}

</mosaic_0001>

<sc_bundles>
// kernel: kernel.4.cloned.1.call-start
scs
__scs_entry_jumppad:
0x0: {  	(pc) =	sbr.rel $0x88, $3  }
0x1: {  	(tag) =	ssettag $0x0;
	lr =	simm.s32 $0x1  }
0x2: {  	[smem:$0x3F9D] =	sst lr;
	_ =	strace $0xD0000000  }
0x3: {  	_ = 	snop  }
0x4: {  	_ = 	snop  }
0x5: {  	_ = 	snop  }
0x6: {  	_ = 	snop  }
0x7: {  	_ = 	snop  }
__scs_overlays_trampoline_lowered:
0x8: {  	[smem:$0x3FAC] =	sst s0  }
0x9: {  	[smem:$0x3FAD] =	sst s1  }
0xa: {  	[smem:$0x3FAE] =	sst s2  }
0xb: {  	[smem:$0x3FAF] =	sst s3  }
0xc: {  	[smem:$0x3FB0] =	sst s4  }
0xd: {  	[smem:$0x3FB1] =	sst s5  }
0xe: {  	[smem:$0x3FB2] =	sst s6  }
0xf: {  	[smem:$0x3FB3] =	sst s7  }
0x10: {  	[smem:$0x3FB4] =	sst s8  }
0x11: {  	[smem:$0x3FB5] =	sst s9;
	s0 =	simm.s32 @!p0 $0x0  }
0x12: {  	s1 =	sld [smem:$0x3F9B];
	s0 =	simm.s32 @p0 $0x1  }
0x13: {  	[smem:$0x3FB6] =	sst s0;
	s0 =	simm.s32 @!p1 $0x0  }
0x14: {  	s2 =	sld [smem:$0x3F9A];
	s0 =	simm.s32 @p1 $0x1  }
0x15: {  	[smem:$0x3FB7] =	sst s0;
	s0 =	simm.s32 @!p2 $0x0  }
0x16: {  	s3 =	sld [smem:$0x3FDB];
	s0 =	simm.s32 @p2 $0x1  }
0x17: {  	s4 =	simm.s32 $0x1BF5;
	[smem:$0x3FB9] =	sst s0  }
0x18: {  	s0 =	sld [smem:$0x3F9C];
	_ =	swait.ge [sflag:s4], $0x0  }
0x19: {  	s7 =	sld [smem:$0x3F9D]  }
0x1a: {  	s8 =	sadd.s32 $0xFFFFE003, lr  }
0x1b: {  	s9 =	sadd.s32 $0xFFFFFEF7, lr;
	s5 =	simm.s32 $0xFFFFFFFF;
	p2 =	slt.u32 s8, $0xFFFFF086  }
0x1c: {  	p1 =	slt.u32 s9, $0xF7A;
	s5 =	simm.s32 @!p2 $0x0  }
0x1d: {  	s5 =	simm.s32 @p1 $0x1;
	p0 =	seq.s32 s7, s2  }
0x1e: {  	s7 =	smul.u32 @!p0 $0xF7A, s2;
	p2 =	seq.s32 @!p0 s5, $0x0  }
0x1f: {  	s9 =	smul.u32 $0xF7A, s1;
	s8 =	simm.s32 @!p0 $0x1BF5;
	p2 =	por !p2, p0  }
0x20: {  	[sflag:s8] =	ssyncset.s32 @!p0 $0xFFFFF086;
	s6 =	sadd.s32 @!p0 s3, s7;
	s7 =	simm.s32 @!p0 $0x108  }
0x21: {  	s3 =	sadd.s32 s3, s9;
	s6 =	sadd.s32 @!p0 $0x88, s6;
	s7 =	simm.s32 @p2 $0x1082  }
0x22: {  	[simem:s7], [sflag:s8] =	dma.local @!p0 [hbm:s6], $0xF7A  }
0x23: {  	s9 =	sor.u32 $0xD0000000, s2;
	s6 =	simm.s32 $0x108;
	_ =	swait.ge @!p0 [sflag:s8], $0x0  }
0x24: {  	s3 =	sadd.s32 $0x88, s3;
	s6 =	simm.s32 @!p1 $0x1082;
	[sflag:s4] =	ssyncset.s32 $0xFFFFF086  }
0x25: {  	[simem:s6], [sflag:s4] =	dma.local [hbm:s3], $0xF7A  }
0x26: {  	[smem:$0x3F9D] =	sst s1;
	(tag) =	ssettag s2;
	_ =	strace s9  }
0x27: {  	s1 =	sld [smem:$0x3FAD]  }
0x28: {  	s2 =	sld [smem:$0x3FAE]  }
0x29: {  	s4 =	sld [smem:$0x3FB0]  }
0x2a: {  	p0 =	seq.s32 s5, $0x0;
	s5 =	sld [smem:$0x3FB1]  }
0x2b: {  	s6 =	sld [smem:$0x3FB2]  }
0x2c: {  	s7 =	sld [smem:$0x3FB3]  }
0x2d: {  	s3 =	simm.s32 $0x108;
	s8 =	sld [smem:$0x3FB4]  }
0x2e: {  	s3 =	simm.s32 @!p0 $0x1082;
	s9 =	sld [smem:$0x3FB5]  }
0x2f: {  	lr =	sadd.s32 s0, s3;
	s0 =	sld [smem:$0x3FAC]  }
0x30: {  	s3 =	sld [smem:$0x3FAF]  }
0x31: {  	[smem:$0x3FB8] =	sst s10  }
0x32: {  	s10 =	sld [smem:$0x3FB6];
	_ =	sdelay $0x3  }
0x33: {  	p0 =	seq.s32 s10, $0x1;
	s10 =	sld [smem:$0x3FB8];
	_ =	sdelay $0x3  }
0x34: {  	[smem:$0x3FB8] =	sst s10  }
0x35: {  	s10 =	sld [smem:$0x3FB7];
	_ =	sdelay $0x3  }
0x36: {  	p1 =	seq.s32 s10, $0x1;
	s10 =	sld [smem:$0x3FB8];
	_ =	sdelay $0x3  }
0x37: {  	[smem:$0x3FB8] =	sst s10  }
0x38: {  	s10 =	sld [smem:$0x3FB9]  }
0x39: {  	_ = 	snop;
	(pc) =	sbr.ind lr, $3  }
0x3a: {  	_ = 	snop  }
0x3b: {  	_ = 	snop  }
0x3c: {  	p2 =	seq.s32 s10, $0x1;
	s10 =	sld [smem:$0x3FB8]  }
0x3d: {  	_ =	shalt  }
0x3e: {  	_ =	shalt  }
0x3f: {  	_ =	shalt  }
0x40: {  	_ =	shalt  }
0x41: {  	_ =	shalt  }
0x42: {  	_ =	shalt  }
0x43: {  	_ =	shalt  }
0x44: {  	_ =	shalt  }
0x45: {  	_ =	shalt  }
0x46: {  	_ =	shalt  }
0x47: {  	_ =	shalt  }
0x48: {  	_ =	shalt  }
0x49: {  	_ =	shalt  }
0x4a: {  	_ =	shalt  }
0x4b: {  	_ =	shalt  }
0x4c: {  	_ =	shalt  }
0x4d: {  	_ =	shalt  }
0x4e: {  	_ =	shalt  }
0x4f: {  	_ =	shalt  }
0x50: {  	_ =	shalt  }
0x51: {  	_ =	shalt  }
0x52: {  	_ =	shalt  }
0x53: {  	_ =	shalt  }
0x54: {  	_ =	shalt  }
0x55: {  	_ =	shalt  }
0x56: {  	_ =	shalt  }
0x57: {  	_ =	shalt  }
0x58: {  	_ =	shalt  }
0x59: {  	_ =	shalt  }
0x5a: {  	_ =	shalt  }
0x5b: {  	_ =	shalt  }
0x5c: {  	_ =	shalt  }
0x5d: {  	_ =	shalt  }
0x5e: {  	_ =	shalt  }
0x5f: {  	_ =	shalt  }
0x60: {  	_ =	shalt  }
0x61: {  	_ =	shalt  }
0x62: {  	_ =	shalt  }
0x63: {  	_ =	shalt  }
0x64: {  	_ =	shalt  }
0x65: {  	_ =	shalt  }
0x66: {  	_ =	shalt  }
0x67: {  	_ =	shalt  }
0x68: {  	_ =	shalt  }
0x69: {  	_ =	shalt  }
0x6a: {  	_ =	shalt  }
0x6b: {  	_ =	shalt  }
0x6c: {  	_ =	shalt  }
0x6d: {  	_ =	shalt  }
0x6e: {  	_ =	shalt  }
0x6f: {  	_ =	shalt  }
0x70: {  	_ =	shalt  }
0x71: {  	_ =	shalt  }
0x72: {  	_ =	shalt  }
0x73: {  	_ =	shalt  }
0x74: {  	_ =	shalt  }
0x75: {  	_ =	shalt  }
0x76: {  	_ =	shalt  }
0x77: {  	_ =	shalt  }
0x78: {  	_ =	shalt  }
0x79: {  	_ =	shalt  }
0x7a: {  	_ =	shalt  }
0x7b: {  	_ =	shalt  }
0x7c: {  	_ =	shalt  }
0x7d: {  	_ =	shalt  }
0x7e: {  	_ =	shalt  }
0x7f: {  	_ =	shalt  }
0x80: {  	_ =	shalt  }
0x81: {  	_ =	shalt  }
0x82: {  	_ =	shalt  }
0x83: {  	_ =	shalt  }
0x84: {  	_ =	shalt  }
0x85: {  	_ =	shalt  }
0x86: {  	_ =	shalt  }
0x87: {  	_ =	shalt  }
.Lfunc_end0:
.L_simem_size_0:
called_computation_lowered:
.L_overlay_start_0:
0x88: {  	s2 =	sld [smem:$0x3FD9]  }
0x89: {  	s3 =	sld [smem:$0x3FFE];
	_ =	sdelay $0x1  }
0x8a: {  	s1 =	srdreg.scid  }
0x8b: {  	s0 =	sand.u32 $0x1, s1  }
0x8c: {  	s17 =	sshll.u32 s0, $0xA;
	s2 =	sadd.s32 s3, s2  }
0x8d: {  	s2 =	sadd.s32 s2, s17  }
0x8e: {  	[smem:$0x3FC4] =	sst s2  }
0x8f: {  	_ = 	snop  }
0x90: {  	s2 =	sld [smem:$0x3FD0];
	(tm) =	ssettm $0x1  }
0x91: {  	s18 =	sld [smem:$0x3FFB];
	_ =	sdelay $0x3  }
0x92: {  	_ =	strace s18  }
0x93: {  	s3 =	sld [smem:$0x3FFC];
	_ =	sdelay $0x3  }
0x94: {  	_ =	strace s3  }
0x95: {  	s3 =	sld [smem:$0x3FFD];
	_ =	sdelay $0x3  }
0x96: {  	_ =	strace s3  }
0x97: {  	_ =	strace $0x8FFFFFFF  }
0x98: {  	s19 =	sld [smem:$0x3FDB];
	_ =	sdelay $0x1  }
0x99: {  	s4 =	simm.s32 $_scs_section_size  }
0x9a: {  	s5 =	simm.s32 $_size__tile_overlayer_lowered;
	s6 =	simm.s32 $_tile_overlayer_lowered  }
0x9b: {  	s22 =	simm.s32 $0x1BFF;
	s21 =	sshll.u32 s6, $0x1;
	s3 =	sadd.s32 s4, s19  }
0x9c: {  	s7 =	simm.s32 $0x0;
	s20 =	sshll.u32 s5, $0x1;
	s5 =	sadd.s32 s21, s3  }
0x9d: {  	[timem:s7], [sflag:s22] =	dma.local [hbm:s5], s20  }
0x9e: {  	_ =	swait.ge [sflag:s22], s20  }
0x9f: {  	s4 =	ssub.s32 $0x0, s20;
	[sflag:s22] =	ssyncset.done $0x0  }
0xa0: {  	[sflag:s22] =	ssyncadd.s32 s4;
	_ =	sdelay $0x1  }
0xa1: {  	s23 =	simm.s32 $0x1B8B  }
0xa2: {  	_ =	swait.ge [sflag:s23], $0x1  }
0xa3: {  	[sflag:s23] =	ssyncset.done $0x0  }
0xa4: {  	s25 =	simm.s32 $0x1B8E;
	s24 =	sld [smem:$0x3FFE];
	[sflag:s23] =	ssyncadd.s32 $0xFFFFFFFF  }
0xa5: {  	s26 =	simm.s32 $execute0_lowered;
	[smem:$0x3FD2] =	sst s25  }
0xa6: {  	s5 =	sshll.u32 s26, $0x1;
	_ =	strace $0x80000046;
	[dreg:$0x1] =	wrdreg $0xFFFFFFFF  }
0xa7: {  	s28 =	simm.s32 $_size_execute0_lowered;
	s3 =	sadd.s32 s3, s5;
	[dreg:$0x0] =	wrdreg $0x0  }
0xa8: {  	s5 =	sshll.u32 s28, $0x1;
	[dreg:$0x2] =	wrdreg s3  }
0xa9: {  	[dreg:$0x3] =	wrdreg s5  }
0xaa: {  	[dreg:$0x4] =	wrdreg $0xC0  }
0xab: {  	_ =	task [dreg:s7], $0x5FFFF  }
0xac: {  	[dreg:$0x1] =	wrdreg $0xFFFFFFFF  }
0xad: {  	[dreg:$0x0] =	wrdreg $0x60  }
0xae: {  	[dreg:$0x2] =	wrdreg s24  }
0xaf: {  	[dreg:$0x3] =	wrdreg s2  }
0xb0: {  	[dreg:$0x4] =	wrdreg $0x9  }
0xb1: {  	_ =	task.clear_ibuf [dreg:s7], $0x5FFFF;
	_ =	strace $0x90000046  }
0xb2: {  	s29 =	simm.s32 $0x9;
	_ =	strace $0x80000048  }
0xb3: {  	_ =	swait.ge [sflag:s29], $0x1  }
0xb4: {  	[sflag:s29] =	ssyncadd.s32 $0xFFFFFFFF  }
0xb5: {  	_ =	strace $0x90000048  }
0xb6: {  	_ =	sfence  }
0xb7: {  	s30 =	sld [smem:$0x0];
	_ =	sdelay $0x2  }
0xb8: {  	s31 =	sshll.u32 s1, $0xD;
	s1 =	sshrl.u32 s1, $0x2  }
0xb9: {  	s3 =	sand.u32 $0x4000, s31;
	s1 =	sadd.s32 s1, s30  }
0xba: {  	s0 =	sor.u32 s3, s0;
	s1 =	sshll.u32 s1, $0x11  }
0xbb: {  	s0 =	sor.u32 s1, s0  }
0xbc: {  	s0 =	sadd.s32 $0x8F2B, s0  }
0xbd: {  	[sflag:s0] =	ssyncadd.remote.s32 $0x1  }
0xbe: {  	_ =	sfence.sel $0xFFFF  }
0xbf: {  	[dreg:$0x0] =	wrdreg $0xFFFFFFFF;
	(pc) =	sbr.abs _section_cstart, $3  }
0xc0: {  	[dreg:$0x1] =	wrdreg $0xFFFFFFFF  }
0xc1: {  	_ =	task.clear_ibuf [dreg:s7], $0x2FFFF;
	_ =	strace $0x9FFFFFFF  }
0xc2: {  	(tm) =	ssettm $0x7FFFFFFF  }
0xc3: {  	_ =	shalt  }
tec
execute0_lowered:
.L_overlay_start_1:
0x0: {  	(tag) =	ssettag $0x1  }
0x1: {  	s0 =	rddreg [dreg:$0x0];
	s1 =	srdreg.scid  }
0x2: {  	s2 =	stileid.u32;
	s3 =	simm.s32 $0x0;
	s12 =	simm.s32 $0x1  }
0x3: {  	s13 =	simm.s32 $0x2700;
	s14 =	simm.s32 $0x80;
	s31 =	simm.s32 $0x3D00  }
0x4: {  	s10 =	simm.s32 $0x3E00;
	s11 =	simm.s32 $0x3180;
	s15 =	simm.s32 $0x3E80  }
0x5: {  	s16 =	simm.s32 $0x3200;
	s17 =	simm.s32 $0x3F00;
	s18 =	simm.s32 $0x3280  }
0x6: {  	s19 =	simm.s32 $0x3F80;
	s20 =	simm.s32 $0x3300;
	s21 =	simm.s32 $0x4000  }
0x7: {  	s22 =	simm.s32 $0x3380;
	s23 =	simm.s32 $0x4080;
	s24 =	simm.s32 $0x2  }
0x8: {  	s25 =	simm.s32 $0x4100;
	s26 =	simm.s32 $0x3;
	s28 =	simm.s32 $0x0  }
0x9: {  	s1 =	sand.u32 $0x1, s1;
	s2 =	sshll.u32 s2, $0x1;
	[smem:$0x7FF] =	sst s3  }
0xa: {  	s4 =	sadd.s32 $0x53600, s0;
	s2 =	sor.u32 s1, s2;
	s1 =	ssub.s32 $0x2, s1  }
0xb: {  	s5 =	sadd.s32 $0x4000, s0;
	s6 =	smul.u32 $0x1A0, s2;
	s30 =	sshrl.u32 s1, $0x1  }
0xc: {  	_ =	strace $0x80000047;
	s2 =	sshll.u32 s2, $0x4;
	s1 =	ssub.s32 s1, s30  }
0xd: {  	s7 =	sadd.s32 s6, s0;
	s0 =	sadd.s32 s2, s0;
	s9 =	smax.u32 s1, $0x1  }
0xe: {  	s1 =	simm.s32 $0x3D80;
	s2 =	simm.s32 $0x3100;
	s6 =	sadd.s32 $0xC00, s7  }
0xf: {  	s7 =	sadd.s32 $0x53800, s7;
	s8 =	sadd.s32 $0x56C00, s0;
	s0 =	simm.s32 $0x3080  }
.LBB2_1:
0x10: {  	[tilespmem:s3], [sflag:$0x1] =	stream.linear.gather [hbm4b:s6+s3], $0xD00, $0x38;
	[tilespmem:$0x4180] =	vst v63  }
0x11: {  	s29 =	rddreg [dreg:$0x1];
	s30 =	simm.s32 $0xD00  }
0x12: {  	[tilespmem:s30], [sflag:$0x1] =	stream.linear.gather [hbm4b:s29+s3], $0xD00, $0x38;
	[tilespmem:$0x4180] =	vst v63  }
0x13: {  	s29 =	simm.s32 $0x1A00  }
0x14: {  	[tilespmem:s29], [sflag:$0x1] =	stream.linear.gather [hbm4b:s4+s3], $0xD00, $0x38;
	[tilespmem:$0x4180] =	vst v63  }
0x15: {  	_ =	swait.ge [sflag:s12], $0xD00  }
0x16: {  	[sflag:s12] =	ssyncset.done $0x0  }
0x17: {  	[sflag:s12] =	ssyncadd.s32 $0xFFFFF300  }
0x18: {  	_ =	swait.ge [sflag:s12], $0xD00  }
0x19: {  	[sflag:s12] =	ssyncset.done $0x0  }
0x1a: {  	[sflag:s12] =	ssyncadd.s32 $0xFFFFF300  }
0x1b: {  	_ =	swait.ge [sflag:s12], $0xD00  }
0x1c: {  	[sflag:s12] =	ssyncset.done $0x0  }
0x1d: {  	s29 =	simm.s32 $0x0;
	[sflag:s12] =	ssyncadd.s32 $0xFFFFF300  }
0x1e: {  	s30 =	simm.s32 $0x40;
	v0 =	vld [tilespmem:s29+$0x1A00]  }
.LBB2_2:
0x1f: {  	p0 =	sne.s32 s30, $0x33C0;
	v1 =	vld [tilespmem:s29+$0xD00]  }
0x20: {  	v2 =	vld [tilespmem:s29+$0x0];
	_ =	sdelay $0x3  }
.Ltmp0:
0x21: {  	(pc) =	sbr.rel @p0 .LBB2_2-.Ltmp0, $4  }
0x22: {  	v1 =	vadd.s32 v2, v1  }
0x23: {  	[tilespmem:s29+$0x0] =	vst v1  }
0x24: {  	s29 =	sshra.s32 s30, $0x2;
	[tilespmem:v0+s13+$0x0] =	vst.idx.msk $0xffff, v1  }
0x25: {  	s30 =	sadd.s32 $0x40, s30;
	v0 =	vld [tilespmem:s29+$0x1A00]  }
0x26: {  	v1 =	vld [tilespmem:s29+$0xD00]  }
0x27: {  	v2 =	vld [tilespmem:s29+$0x0];
	_ =	sdelay $0x4  }
0x28: {  	v1 =	vadd.s32 v2, v1  }
0x29: {  	[tilespmem:s29+$0x0] =	vst v1  }
0x2a: {  	[tilespmem:v0+s13+$0x0] =	vst.idx.msk $0xffff, v1  }
0x2b: {  	[hbm4b:s7+s3] =	stream.linear.scatter [tilespmem:s3], [sflag:$0x1], $0xD00, $0x38;
	[tilespmem:$0x4180] =	vst v63  }
0x2c: {  	s30 =	simm.s32 $0x3400  }
0x2d: {  	[tilespmem:s30], [sflag:$0x2] =	stream.indirect.gather [hbm4b:s5+s14], $0x1, s13, s14, $0xb8;
	[tilespmem:$0x4180] =	vst v63  }
0x2e: {  	s29 =	simm.s32 $0x2780;
	s30 =	simm.s32 $0x3480  }
0x2f: {  	[tilespmem:s30], [sflag:$0x2] =	stream.indirect.gather [hbm4b:s5+s14], $0x1, s29, s14, $0xb8;
	[tilespmem:$0x4180] =	vst v63  }
0x30: {  	s29 =	simm.s32 $0x2800;
	s30 =	simm.s32 $0x3500  }
0x31: {  	[tilespmem:s30], [sflag:$0x2] =	stream.indirect.gather [hbm4b:s5+s14], $0x1, s29, s14, $0xb8;
	[tilespmem:$0x4180] =	vst v63  }
0x32: {  	s29 =	simm.s32 $0x2880;
	s30 =	simm.s32 $0x3580  }
0x33: {  	[tilespmem:s30], [sflag:$0x2] =	stream.indirect.gather [hbm4b:s5+s14], $0x1, s29, s14, $0xb8;
	[tilespmem:$0x4180] =	vst v63  }
0x34: {  	s29 =	simm.s32 $0x2900;
	s30 =	simm.s32 $0x3600  }
0x35: {  	[tilespmem:s30], [sflag:$0x2] =	stream.indirect.gather [hbm4b:s5+s14], $0x1, s29, s14, $0xb8;
	[tilespmem:$0x4180] =	vst v63  }
0x36: {  	s29 =	simm.s32 $0x2980;
	s30 =	simm.s32 $0x3680  }
0x37: {  	[tilespmem:s30], [sflag:$0x2] =	stream.indirect.gather [hbm4b:s5+s14], $0x1, s29, s14, $0xb8;
	[tilespmem:$0x4180] =	vst v63  }
0x38: {  	s29 =	simm.s32 $0x2A00;
	s30 =	simm.s32 $0x3700  }
0x39: {  	[tilespmem:s30], [sflag:$0x2] =	stream.indirect.gather [hbm4b:s5+s14], $0x1, s29, s14, $0xb8;
	[tilespmem:$0x4180] =	vst v63  }
0x3a: {  	s29 =	simm.s32 $0x2A80;
	s30 =	simm.s32 $0x3780  }
0x3b: {  	[tilespmem:s30], [sflag:$0x2] =	stream.indirect.gather [hbm4b:s5+s14], $0x1, s29, s14, $0xb8;
	[tilespmem:$0x4180] =	vst v63  }
0x3c: {  	s29 =	simm.s32 $0x2B00;
	s30 =	simm.s32 $0x3800  }
0x3d: {  	[tilespmem:s30], [sflag:$0x2] =	stream.indirect.gather [hbm4b:s5+s14], $0x1, s29, s14, $0xb8;
	[tilespmem:$0x4180] =	vst v63  }
0x3e: {  	s29 =	simm.s32 $0x2B80;
	s30 =	simm.s32 $0x3880  }
0x3f: {  	[tilespmem:s30], [sflag:$0x2] =	stream.indirect.gather [hbm4b:s5+s14], $0x1, s29, s14, $0xb8;
	[tilespmem:$0x4180] =	vst v63  }
0x40: {  	s29 =	simm.s32 $0x2C00;
	s30 =	simm.s32 $0x3900  }
0x41: {  	[tilespmem:s30], [sflag:$0x2] =	stream.indirect.gather [hbm4b:s5+s14], $0x1, s29, s14, $0xb8;
	[tilespmem:$0x4180] =	vst v63  }
0x42: {  	s29 =	simm.s32 $0x2C80;
	s30 =	simm.s32 $0x3980  }
0x43: {  	[tilespmem:s30], [sflag:$0x2] =	stream.indirect.gather [hbm4b:s5+s14], $0x1, s29, s14, $0xb8;
	[tilespmem:$0x4180] =	vst v63  }
0x44: {  	s29 =	simm.s32 $0x2D00;
	s30 =	simm.s32 $0x3A00  }
0x45: {  	[tilespmem:s30], [sflag:$0x2] =	stream.indirect.gather [hbm4b:s5+s14], $0x1, s29, s14, $0xb8;
	[tilespmem:$0x4180] =	vst v63  }
0x46: {  	s29 =	simm.s32 $0x2D80;
	s30 =	simm.s32 $0x3A80  }
0x47: {  	[tilespmem:s30], [sflag:$0x2] =	stream.indirect.gather [hbm4b:s5+s14], $0x1, s29, s14, $0xb8;
	[tilespmem:$0x4180] =	vst v63  }
0x48: {  	s29 =	simm.s32 $0x2E00;
	s30 =	simm.s32 $0x3B00  }
0x49: {  	[tilespmem:s30], [sflag:$0x2] =	stream.indirect.gather [hbm4b:s5+s14], $0x1, s29, s14, $0xb8;
	[tilespmem:$0x4180] =	vst v63  }
0x4a: {  	s29 =	simm.s32 $0x2E80;
	s30 =	simm.s32 $0x3B80  }
0x4b: {  	[tilespmem:s30], [sflag:$0x2] =	stream.indirect.gather [hbm4b:s5+s14], $0x1, s29, s14, $0xb8;
	[tilespmem:$0x4180] =	vst v63  }
0x4c: {  	s29 =	simm.s32 $0x2F00;
	s30 =	simm.s32 $0x3C00  }
0x4d: {  	[tilespmem:s30], [sflag:$0x2] =	stream.indirect.gather [hbm4b:s5+s14], $0x1, s29, s14, $0xb8;
	[tilespmem:$0x4180] =	vst v63  }
0x4e: {  	s29 =	simm.s32 $0x2F80;
	s30 =	simm.s32 $0x3C80  }
0x4f: {  	[tilespmem:s30], [sflag:$0x2] =	stream.indirect.gather [hbm4b:s5+s14], $0x1, s29, s14, $0xb8;
	[tilespmem:$0x4180] =	vst v63  }
0x50: {  	s30 =	simm.s32 $0x3000  }
0x51: {  	[tilespmem:s31], [sflag:$0x2] =	stream.indirect.gather [hbm4b:s5+s14], $0x1, s30, s14, $0xb8;
	[tilespmem:$0x4180] =	vst v63  }
0x52: {  	_ = 	snop  }
0x53: {  	[tilespmem:s1], [sflag:$0x2] =	stream.indirect.gather [hbm4b:s5+s14], $0x1, s0, s14, $0xb8;
	[tilespmem:$0x4180] =	vst v63  }
0x54: {  	_ = 	snop  }
0x55: {  	[tilespmem:s10], [sflag:$0x2] =	stream.indirect.gather [hbm4b:s5+s14], $0x1, s2, s14, $0xb8;
	[tilespmem:$0x4180] =	vst v63  }
0x56: {  	_ = 	snop  }
0x57: {  	[tilespmem:s15], [sflag:$0x2] =	stream.indirect.gather [hbm4b:s5+s14], $0x1, s11, s14, $0xb8;
	[tilespmem:$0x4180] =	vst v63  }
0x58: {  	_ = 	snop  }
0x59: {  	[tilespmem:s17], [sflag:$0x2] =	stream.indirect.gather [hbm4b:s5+s14], $0x1, s16, s14, $0xb8;
	[tilespmem:$0x4180] =	vst v63  }
0x5a: {  	_ = 	snop  }
0x5b: {  	[tilespmem:s19], [sflag:$0x2] =	stream.indirect.gather [hbm4b:s5+s14], $0x1, s18, s14, $0xb8;
	[tilespmem:$0x4180] =	vst v63  }
0x5c: {  	_ = 	snop  }
0x5d: {  	[tilespmem:s21], [sflag:$0x2] =	stream.indirect.gather [hbm4b:s5+s14], $0x1, s20, s14, $0xb8;
	[tilespmem:$0x4180] =	vst v63  }
0x5e: {  	_ = 	snop  }
0x5f: {  	[tilespmem:s23], [sflag:$0x2] =	stream.indirect.gather [hbm4b:s5+s14], $0x1, s22, s14, $0xb8;
	[tilespmem:$0x4180] =	vst v63  }
0x60: {  	_ =	swait.ge [sflag:s24], $0x80  }
0x61: {  	[sflag:s24] =	ssyncset.done $0x0  }
0x62: {  	[sflag:s24] =	ssyncadd.s32 $0xFFFFFF80  }
0x63: {  	_ =	swait.ge [sflag:s24], $0x80  }
0x64: {  	[sflag:s24] =	ssyncset.done $0x0  }
0x65: {  	[sflag:s24] =	ssyncadd.s32 $0xFFFFFF80  }
0x66: {  	_ =	swait.ge [sflag:s24], $0x80  }
0x67: {  	[sflag:s24] =	ssyncset.done $0x0  }
0x68: {  	[sflag:s24] =	ssyncadd.s32 $0xFFFFFF80  }
0x69: {  	_ =	swait.ge [sflag:s24], $0x80  }
0x6a: {  	[sflag:s24] =	ssyncset.done $0x0  }
0x6b: {  	[sflag:s24] =	ssyncadd.s32 $0xFFFFFF80  }
0x6c: {  	_ =	swait.ge [sflag:s24], $0x80  }
0x6d: {  	[sflag:s24] =	ssyncset.done $0x0  }
0x6e: {  	[sflag:s24] =	ssyncadd.s32 $0xFFFFFF80  }
0x6f: {  	_ =	swait.ge [sflag:s24], $0x80  }
0x70: {  	[sflag:s24] =	ssyncset.done $0x0  }
0x71: {  	[sflag:s24] =	ssyncadd.s32 $0xFFFFFF80  }
0x72: {  	_ =	swait.ge [sflag:s24], $0x80  }
0x73: {  	[sflag:s24] =	ssyncset.done $0x0  }
0x74: {  	[sflag:s24] =	ssyncadd.s32 $0xFFFFFF80  }
0x75: {  	_ =	swait.ge [sflag:s24], $0x80  }
0x76: {  	[sflag:s24] =	ssyncset.done $0x0  }
0x77: {  	[sflag:s24] =	ssyncadd.s32 $0xFFFFFF80  }
0x78: {  	_ =	swait.ge [sflag:s24], $0x80  }
0x79: {  	[sflag:s24] =	ssyncset.done $0x0  }
0x7a: {  	[sflag:s24] =	ssyncadd.s32 $0xFFFFFF80  }
0x7b: {  	_ =	swait.ge [sflag:s24], $0x80  }
0x7c: {  	[sflag:s24] =	ssyncset.done $0x0  }
0x7d: {  	[sflag:s24] =	ssyncadd.s32 $0xFFFFFF80  }
0x7e: {  	_ =	swait.ge [sflag:s24], $0x80  }
0x7f: {  	[sflag:s24] =	ssyncset.done $0x0  }
0x80: {  	[sflag:s24] =	ssyncadd.s32 $0xFFFFFF80  }
0x81: {  	_ =	swait.ge [sflag:s24], $0x80  }
0x82: {  	[sflag:s24] =	ssyncset.done $0x0  }
0x83: {  	[sflag:s24] =	ssyncadd.s32 $0xFFFFFF80  }
0x84: {  	_ =	swait.ge [sflag:s24], $0x80  }
0x85: {  	[sflag:s24] =	ssyncset.done $0x0  }
0x86: {  	[sflag:s24] =	ssyncadd.s32 $0xFFFFFF80  }
0x87: {  	_ =	swait.ge [sflag:s24], $0x80  }
0x88: {  	[sflag:s24] =	ssyncset.done $0x0  }
0x89: {  	[sflag:s24] =	ssyncadd.s32 $0xFFFFFF80  }
0x8a: {  	_ =	swait.ge [sflag:s24], $0x80  }
0x8b: {  	[sflag:s24] =	ssyncset.done $0x0  }
0x8c: {  	[sflag:s24] =	ssyncadd.s32 $0xFFFFFF80  }
0x8d: {  	_ =	swait.ge [sflag:s24], $0x80  }
0x8e: {  	[sflag:s24] =	ssyncset.done $0x0  }
0x8f: {  	[sflag:s24] =	ssyncadd.s32 $0xFFFFFF80  }
0x90: {  	_ =	swait.ge [sflag:s24], $0x80  }
0x91: {  	[sflag:s24] =	ssyncset.done $0x0  }
0x92: {  	[sflag:s24] =	ssyncadd.s32 $0xFFFFFF80  }
0x93: {  	_ =	swait.ge [sflag:s24], $0x80  }
0x94: {  	[sflag:s24] =	ssyncset.done $0x0  }
0x95: {  	[sflag:s24] =	ssyncadd.s32 $0xFFFFFF80  }
0x96: {  	_ =	swait.ge [sflag:s24], $0x80  }
0x97: {  	[sflag:s24] =	ssyncset.done $0x0  }
0x98: {  	[sflag:s24] =	ssyncadd.s32 $0xFFFFFF80  }
0x99: {  	_ =	swait.ge [sflag:s24], $0x80  }
0x9a: {  	[sflag:s24] =	ssyncset.done $0x0  }
0x9b: {  	[sflag:s24] =	ssyncadd.s32 $0xFFFFFF80  }
0x9c: {  	_ =	swait.ge [sflag:s24], $0x80  }
0x9d: {  	[sflag:s24] =	ssyncset.done $0x0  }
0x9e: {  	[sflag:s24] =	ssyncadd.s32 $0xFFFFFF80  }
0x9f: {  	_ =	swait.ge [sflag:s24], $0x80  }
0xa0: {  	[sflag:s24] =	ssyncset.done $0x0  }
0xa1: {  	[sflag:s24] =	ssyncadd.s32 $0xFFFFFF80  }
0xa2: {  	_ =	swait.ge [sflag:s24], $0x80  }
0xa3: {  	[sflag:s24] =	ssyncset.done $0x0  }
0xa4: {  	[sflag:s24] =	ssyncadd.s32 $0xFFFFFF80  }
0xa5: {  	_ =	swait.ge [sflag:s24], $0x80  }
0xa6: {  	[sflag:s24] =	ssyncset.done $0x0  }
0xa7: {  	[sflag:s24] =	ssyncadd.s32 $0xFFFFFF80  }
0xa8: {  	_ =	swait.ge [sflag:s24], $0x80  }
0xa9: {  	[sflag:s24] =	ssyncset.done $0x0  }
0xaa: {  	[sflag:s24] =	ssyncadd.s32 $0xFFFFFF80  }
0xab: {  	_ =	swait.ge [sflag:s24], $0x80  }
0xac: {  	[sflag:s24] =	ssyncset.done $0x0  }
0xad: {  	[sflag:s24] =	ssyncadd.s32 $0xFFFFFF80  }
0xae: {  	v39 =	vld [tilespmem:$0x3400]  }
0xaf: {  	v2 =	vld [tilespmem:$0x3480]  }
0xb0: {  	v38 =	vld [tilespmem:$0x3500]  }
0xb1: {  	v43 =	vld [tilespmem:$0x3580]  }
0xb2: {  	v46 =	vld [tilespmem:$0x3600]  }
0xb3: {  	v51 =	vld [tilespmem:$0x3680]  }
0xb4: {  	v55 =	vld [tilespmem:$0x3700]  }
0xb5: {  	v59 =	vld [tilespmem:$0x3780]  }
0xb6: {  	v62 =	vld [tilespmem:$0x3800]  }
0xb7: {  	v37 =	vld [tilespmem:$0x3880]  }
0xb8: {  	v40 =	vld [tilespmem:$0x3900]  }
0xb9: {  	v41 =	vld [tilespmem:$0x3980]  }
0xba: {  	v42 =	vld [tilespmem:$0x3A00]  }
0xbb: {  	v44 =	vld [tilespmem:$0x3A80]  }
0xbc: {  	v45 =	vld [tilespmem:$0x3B00]  }
0xbd: {  	v47 =	vld [tilespmem:$0x3B80]  }
0xbe: {  	v48 =	vld [tilespmem:$0x3C00]  }
0xbf: {  	v49 =	vld [tilespmem:$0x3C80]  }
0xc0: {  	v50 =	vld [tilespmem:$0x3D00]  }
0xc1: {  	v52 =	vld [tilespmem:$0x3D80]  }
0xc2: {  	v53 =	vld [tilespmem:$0x3E00]  }
0xc3: {  	v54 =	vld [tilespmem:$0x3E80]  }
0xc4: {  	v56 =	vld [tilespmem:$0x3F00]  }
0xc5: {  	v57 =	vld [tilespmem:$0x3F80]  }
0xc6: {  	v58 =	vld [tilespmem:$0x4000]  }
0xc7: {  	v60 =	vld [tilespmem:$0x4080]  }
0xc8: {  	v29 =	vld [tilespmem:$0x3410]  }
0xc9: {  	v31 =	vld [tilespmem:$0x3490]  }
0xca: {  	v17 =	vld [tilespmem:$0x3510]  }
0xcb: {  	v21 =	vld [tilespmem:$0x3590]  }
0xcc: {  	v25 =	vld [tilespmem:$0x3610]  }
0xcd: {  	v28 =	vld [tilespmem:$0x3690]  }
0xce: {  	v33 =	vld [tilespmem:$0x3710]  }
0xcf: {  	v61 =	vld [tilespmem:$0x3A90]  }
0xd0: {  	v63 =	vld [tilespmem:$0x3B10]  }
0xd1: {  	v4 =	vld [tilespmem:$0x3B90]  }
0xd2: {  	v5 =	vld [tilespmem:$0x3C10]  }
0xd3: {  	v6 =	vld [tilespmem:$0x3C90]  }
0xd4: {  	v7 =	vld [tilespmem:$0x3D10]  }
0xd5: {  	v8 =	vld [tilespmem:$0x3D90]  }
0xd6: {  	v9 =	vld [tilespmem:$0x3E10]  }
0xd7: {  	v10 =	vld [tilespmem:$0x3E90]  }
0xd8: {  	v11 =	vld [tilespmem:$0x3F10]  }
0xd9: {  	v12 =	vld [tilespmem:$0x3F90]  }
0xda: {  	v13 =	vld [tilespmem:$0x4010]  }
0xdb: {  	v14 =	vld [tilespmem:$0x4090]  }
0xdc: {  	v34 =	vld [tilespmem:$0x3420]  }
0xdd: {  	v22 =	vld [tilespmem:$0x34A0]  }
0xde: {  	v20 =	vld [tilespmem:$0x3520]  }
0xdf: {  	v16 =	vld [tilespmem:$0x3720]  }
0xe0: {  	v19 =	vld [tilespmem:$0x37A0]  }
0xe1: {  	v24 =	vld [tilespmem:$0x3820]  }
0xe2: {  	v27 =	vld [tilespmem:$0x38A0]  }
0xe3: {  	v32 =	vld [tilespmem:$0x3920]  }
0xe4: {  	v15 =	vld [tilespmem:$0x3D20]  }
0xe5: {  	v18 =	vld [tilespmem:$0x3DA0]  }
0xe6: {  	v23 =	vld [tilespmem:$0x3E20]  }
0xe7: {  	v26 =	vld [tilespmem:$0x3EA0]  }
0xe8: {  	v30 =	vld [tilespmem:$0x3F20]  }
0xe9: {  	v35 =	vld [tilespmem:$0x3FA0]  }
0xea: {  	v36 =	vld [tilespmem:$0x4020]  }
0xeb: {  	v3 =	vld [tilespmem:$0x34B0]  }
0xec: {  	v0 =	vld [tilespmem:$0x3F30]  }
0xed: {  	[tilespmem:$0x1FCC0] =	vst v40;
	v40 =	vld [tilespmem:$0x3790]  }
0xee: {  	[tilespmem:$0x1FCF0] =	vst v44;
	v44 =	vld [tilespmem:$0x3810]  }
0xef: {  	[tilespmem:$0x1FD50] =	vst v48;
	v48 =	vld [tilespmem:$0x3890]  }
0xf0: {  	[tilespmem:$0x1FDE0] =	vst v53;
	v53 =	vld [tilespmem:$0x3910]  }
0xf1: {  	[tilespmem:$0x1FE40] =	vst v56;
	v56 =	vld [tilespmem:$0x3990]  }
0xf2: {  	[tilespmem:$0x1FEF0] =	vst v60;
	v60 =	vld [tilespmem:$0x3A10]  }
0xf3: {  	[tilespmem:$0x1FE30] =	vst v10;
	v10 =	vld [tilespmem:$0x35A0]  }
0xf4: {  	[tilespmem:$0x1FE90] =	vst v12;
	v12 =	vld [tilespmem:$0x3620]  }
0xf5: {  	[tilespmem:$0x1FF10] =	vst v14;
	v14 =	vld [tilespmem:$0x36A0]  }
0xf6: {  	[tilespmem:$0x1FCB0] =	vst v37;
	v37 =	vld [tilespmem:$0x39A0]  }
0xf7: {  	[tilespmem:$0x1FCE0] =	vst v42;
	v42 =	vld [tilespmem:$0x3A20]  }
0xf8: {  	[tilespmem:$0x1FD30] =	vst v47;
	v47 =	vld [tilespmem:$0x3AA0]  }
0xf9: {  	[tilespmem:$0x1FD90] =	vst v50;
	v50 =	vld [tilespmem:$0x3B20]  }
0xfa: {  	[tilespmem:$0x1FE10] =	vst v54;
	v54 =	vld [tilespmem:$0x3BA0]  }
0xfb: {  	[tilespmem:$0x1FEB0] =	vst v58;
	v58 =	vld [tilespmem:$0x3C20]  }
0xfc: {  	[tilespmem:$0x1FD20] =	vst v63;
	v63 =	vld [tilespmem:$0x3CA0]  }
0xfd: {  	[tilespmem:$0x1FCD0] =	vst v41;
	v41 =	vld [tilespmem:$0x40A0]  }
0xfe: {  	[tilespmem:$0x1FF00] =	vst v36;
	v36 =	vld [tilespmem:$0x3430]  }
0xff: {  	[tilespmem:$0x1FD40] =	vst v4;
	v4 =	vld [tilespmem:$0x3530]  }
0x100: {  	[tilespmem:$0x1FD60] =	vst v5;
	v5 =	vld [tilespmem:$0x35B0]  }
0x101: {  	[tilespmem:$0x1FD80] =	vst v6;
	v6 =	vld [tilespmem:$0x3630]  }
0x102: {  	[tilespmem:$0x1FDA0] =	vst v7;
	v7 =	vld [tilespmem:$0x36B0]  }
0x103: {  	[tilespmem:$0x1FDD0] =	vst v8;
	v8 =	vld [tilespmem:$0x3730]  }
0x104: {  	[tilespmem:$0x1FE00] =	vst v9;
	v9 =	vld [tilespmem:$0x37B0]  }
0x105: {  	[tilespmem:$0x1FE60] =	vst v11;
	v11 =	vld [tilespmem:$0x3830]  }
0x106: {  	[tilespmem:$0x1FED0] =	vst v13;
	v13 =	vld [tilespmem:$0x38B0]  }
0x107: {  	[tilespmem:$0x1FDC0] =	vst v15;
	v15 =	vld [tilespmem:$0x3930]  }
0x108: {  	[tilespmem:$0x1FDF0] =	vst v18;
	v18 =	vld [tilespmem:$0x39B0]  }
0x109: {  	[tilespmem:$0x1FE20] =	vst v23;
	v23 =	vld [tilespmem:$0x3A30]  }
0x10a: {  	[tilespmem:$0x1FE50] =	vst v26;
	v26 =	vld [tilespmem:$0x3AB0]  }
0x10b: {  	[tilespmem:$0x1FE80] =	vst v30;
	v30 =	vld [tilespmem:$0x3B30]  }
0x10c: {  	[tilespmem:$0x1FEC0] =	vst v35;
	v35 =	vld [tilespmem:$0x3BB0]  }
0x10d: {  	[tilespmem:$0x1FD10] =	vst v45;
	v45 =	vld [tilespmem:$0x3CB0]  }
0x10e: {  	[tilespmem:$0x1FD70] =	vst v49;
	v49 =	vld [tilespmem:$0x3D30]  }
0x10f: {  	[tilespmem:$0x1FDB0] =	vst v52;
	v52 =	vld [tilespmem:$0x3DB0]  }
0x110: {  	[tilespmem:$0x1FE70] =	vst v57;
	v57 =	vld [tilespmem:$0x3E30];
	v1 =	vadd.f32 $0.0e+00, v29  }
0x111: {  	[tilespmem:$0x1FEA0] =	vst v0;
	v0 =	vld [tilespmem:$0x3FB0]  }
0x112: {  	[tilespmem:$0x1FD00] =	vst v61;
	v61 =	vld [tilespmem:$0x3EB0];
	v1 =	vadd.f32 v31, v1  }
0x113: {  	v29 =	vld [tilespmem:$0x3640]  }
0x114: {  	v1 =	vadd.f32 v17, v1;
	v17 =	vld [tilespmem:$0x3DC0]  }
0x115: {  	[tilespmem:$0x1FF30] =	vst v41;
	v41 =	vld [tilespmem:$0x3C30]  }
0x116: {  	[tilespmem:$0x1FEE0] =	vst v0;
	v0 =	vld [tilespmem:$0x4030]  }
0x117: {  	v31 =	vadd.f32 $0.0e+00, v36;
	v36 =	vld [tilespmem:$0x3740]  }
0x118: {  	v1 =	vadd.f32 v21, v1;
	v21 =	vld [tilespmem:$0x3940]  }
0x119: {  	v3 =	vadd.f32 v3, v31;
	v31 =	vld [tilespmem:$0x3840]  }
0x11a: {  	v1 =	vadd.f32 v25, v1;
	v25 =	vld [tilespmem:$0x1FCC0]  }
0x11b: {  	v3 =	vadd.f32 v4, v3;
	v4 =	vld [tilespmem:$0x3C50]  }
0x11c: {  	[tilespmem:$0x1FF20] =	vst v0;
	v0 =	vld [tilespmem:$0x40B0];
	v1 =	vadd.f32 v28, v1  }
0x11d: {  	[tilespmem:$0x1FFF0] =	vst v17;
	v17 =	vld [tilespmem:$0x1FDE0]  }
0x11e: {  	v28 =	vld [tilespmem:$0x1FCD0];
	v3 =	vadd.f32 v5, v3;
	v1 =	vadd.f32 v33, v1  }
0x11f: {  	v33 =	vld [tilespmem:$0x1FCE0]  }
0x120: {  	v3 =	vadd.f32 v6, v3;
	v1 =	vadd.f32 v40, v1;
	v40 =	vld [tilespmem:$0x1FCF0]  }
0x121: {  	[tilespmem:$0x1FF50] =	vst v0;
	v0 =	vld [tilespmem:$0x3440]  }
0x122: {  	v3 =	vadd.f32 v7, v3;
	v7 =	vld [tilespmem:$0x3ED0]  }
0x123: {  	v1 =	vadd.f32 v44, v1;
	v44 =	vld [tilespmem:$0x1FD20]  }
0x124: {  	v3 =	vadd.f32 v8, v3;
	v8 =	vld [tilespmem:$0x1FD90]  }
0x125: {  	v1 =	vadd.f32 v48, v1;
	v48 =	vld [tilespmem:$0x4040]  }
0x126: {  	v3 =	vadd.f32 v9, v3;
	v9 =	vld [tilespmem:$0x1FDA0]  }
0x127: {  	[tilespmem:$0x1FF40] =	vst v0;
	v0 =	vld [tilespmem:$0x34C0]  }
0x128: {  	v1 =	vadd.f32 v53, v1;
	v53 =	vld [tilespmem:$0x1FD50];
	v3 =	vadd.f32 v11, v3  }
0x129: {  	v11 =	vld [tilespmem:$0x3B50]  }
0x12a: {  	v1 =	vadd.f32 v56, v1;
	v56 =	vld [tilespmem:$0x1FD70];
	v3 =	vadd.f32 v13, v3  }
0x12b: {  	v13 =	vld [tilespmem:$0x3450]  }
0x12c: {  	[tilespmem:$0x1FF60] =	vst v0;
	v0 =	vld [tilespmem:$0x3540];
	v3 =	vadd.f32 v15, v3  }
0x12d: {  	v1 =	vadd.f32 v60, v1;
	v60 =	vld [tilespmem:$0x1FD80]  }
0x12e: {  	v15 =	vld [tilespmem:$0x3550];
	v3 =	vadd.f32 v18, v3  }
0x12f: {  	v18 =	vld [tilespmem:$0x35D0]  }
0x130: {  	v3 =	vadd.f32 v23, v3;
	v23 =	vld [tilespmem:$0x3650]  }
0x131: {  	[tilespmem:$0x1FF70] =	vst v0;
	v0 =	vadd.f32 $0.0e+00, v39;
	v39 =	vld [tilespmem:$0x35C0]  }
0x132: {  	v3 =	vadd.f32 v26, v3;
	v26 =	vld [tilespmem:$0x37D0]  }
0x133: {  	v0 =	vadd.f32 v2, v0;
	v2 =	vadd.f32 $0.0e+00, v34;
	v34 =	vld [tilespmem:$0x36C0]  }
0x134: {  	v3 =	vadd.f32 v30, v3;
	v30 =	vld [tilespmem:$0x3950]  }
0x135: {  	v2 =	vadd.f32 v22, v2;
	v22 =	vld [tilespmem:$0x37C0]  }
0x136: {  	v0 =	vadd.f32 v38, v0;
	v38 =	vld [tilespmem:$0x39C0]  }
0x137: {  	v3 =	vadd.f32 v35, v3;
	v35 =	vld [tilespmem:$0x3AD0]  }
0x138: {  	v2 =	vadd.f32 v20, v2;
	v20 =	vld [tilespmem:$0x38C0]  }
0x139: {  	v0 =	vadd.f32 v43, v0;
	v43 =	vld [tilespmem:$0x3A40]  }
0x13a: {  	v3 =	vadd.f32 v41, v3;
	v41 =	vld [tilespmem:$0x1FE20]  }
0x13b: {  	v0 =	vadd.f32 v46, v0;
	v46 =	vld [tilespmem:$0x3AC0]  }
0x13c: {  	v2 =	vadd.f32 v10, v2;
	v10 =	vld [tilespmem:$0x3BC0]  }
0x13d: {  	v0 =	vadd.f32 v51, v0;
	v51 =	vld [tilespmem:$0x3B40]  }
0x13e: {  	v2 =	vadd.f32 v12, v2;
	v12 =	vld [tilespmem:$0x3C40]  }
0x13f: {  	v3 =	vadd.f32 v45, v3;
	[tilespmem:$0x1FF80] =	vst v43;
	v43 =	vld [tilespmem:$0x1FD10]  }
0x140: {  	v2 =	vadd.f32 v14, v2;
	v14 =	vld [tilespmem:$0x3CC0]  }
0x141: {  	v3 =	vadd.f32 v49, v3;
	v0 =	vadd.f32 v55, v0;
	v55 =	vld [tilespmem:$0x3F40]  }
0x142: {  	[tilespmem:$0x1FFB0] =	vst v10;
	v10 =	vld [tilespmem:$0x1FDB0]  }
0x143: {  	v3 =	vadd.f32 v52, v3;
	v52 =	vld [tilespmem:$0x1FE80]  }
0x144: {  	v2 =	vadd.f32 v16, v2;
	v16 =	vld [tilespmem:$0x3D40]  }
0x145: {  	v0 =	vadd.f32 v59, v0;
	v59 =	vld [tilespmem:$0x3EC0]  }
0x146: {  	[tilespmem:$0x1FFA0] =	vst v51;
	v51 =	vld [tilespmem:$0x3FC0]  }
0x147: {  	[tilespmem:$0x1FFC0] =	vst v12;
	v12 =	vld [tilespmem:$0x1FDC0]  }
0x148: {  	v3 =	vadd.f32 v57, v3;
	v57 =	vld [tilespmem:$0x1FEB0]  }
0x149: {  	v0 =	vadd.f32 v62, v0;
	v62 =	vld [tilespmem:$0x3E40]  }
0x14a: {  	v2 =	vadd.f32 v19, v2;
	v19 =	vld [tilespmem:$0x1FCB0]  }
0x14b: {  	[tilespmem:$0x1FFD0] =	vst v14;
	v14 =	vld [tilespmem:$0x34D0]  }
0x14c: {  	v3 =	vadd.f32 v61, v3;
	v61 =	vld [tilespmem:$0x1FEE0]  }
0x14d: {  	v2 =	vadd.f32 v24, v2;
	v24 =	vld [tilespmem:$0x36D0]  }
0x14e: {  	[tilespmem:$0x1FFE0] =	vst v16;
	v16 =	vld [tilespmem:$0x1FDD0]  }
0x14f: {  	v2 =	vadd.f32 v27, v2;
	v27 =	vld [tilespmem:$0x3850]  }
0x150: {  	v0 =	vadd.f32 v19, v0;
	v19 =	vld [tilespmem:$0x1FDF0]  }
0x151: {  	v13 =	vadd.f32 $0.0e+00, v13;
	v2 =	vadd.f32 v32, v2;
	v32 =	vld [tilespmem:$0x39D0]  }
0x152: {  	v0 =	vadd.f32 v25, v0;
	v25 =	vld [tilespmem:$0x3750]  }
0x153: {  	v13 =	vadd.f32 v14, v13;
	v2 =	vadd.f32 v37, v2;
	v37 =	vld [tilespmem:$0x1FE00]  }
0x154: {  	v0 =	vadd.f32 v28, v0;
	v28 =	vld [tilespmem:$0x38D0]  }
0x155: {  	v13 =	vadd.f32 v15, v13;
	v2 =	vadd.f32 v42, v2;
	v42 =	vld [tilespmem:$0x1FD00]  }
0x156: {  	v0 =	vadd.f32 v33, v0;
	v33 =	vld [tilespmem:$0x3A50]  }
0x157: {  	v13 =	vadd.f32 v18, v13;
	v2 =	vadd.f32 v47, v2;
	v47 =	vld [tilespmem:$0x1FD30]  }
0x158: {  	v0 =	vadd.f32 v40, v0;
	v40 =	vld [tilespmem:$0x1FE10]  }
0x159: {  	v13 =	vadd.f32 v23, v13;
	v2 =	vadd.f32 v50, v2;
	v50 =	vld [tilespmem:$0x1FD40]  }
0x15a: {  	v1 =	vadd.f32 v42, v1;
	v42 =	vld [tilespmem:$0x1FE30]  }
0x15b: {  	v13 =	vadd.f32 v24, v13;
	v0 =	vadd.f32 v43, v0;
	v43 =	vld [tilespmem:$0x1FE40]  }
0x15c: {  	v2 =	vadd.f32 v54, v2;
	v54 =	vld [tilespmem:$0x1FD60]  }
0x15d: {  	v13 =	vadd.f32 v25, v13;
	v25 =	vld [tilespmem:$0x1FFB0]  }
0x15e: {  	v1 =	vadd.f32 v44, v1;
	v44 =	vld [tilespmem:$0x1FE50]  }
0x15f: {  	v0 =	vadd.f32 v47, v0;
	v47 =	vld [tilespmem:$0x1FE60]  }
0x160: {  	v2 =	vadd.f32 v58, v2;
	v58 =	vld [tilespmem:$0x1FEC0]  }
0x161: {  	v13 =	vadd.f32 v26, v13;
	v26 =	vld [tilespmem:$0x3C70]  }
0x162: {  	v1 =	vadd.f32 v50, v1;
	v50 =	vld [tilespmem:$0x1FE70]  }
0x163: {  	v0 =	vadd.f32 v53, v0;
	v2 =	vadd.f32 v63, v2;
	v63 =	vld [tilespmem:$0x3460]  }
0x164: {  	v1 =	vadd.f32 v54, v1;
	v54 =	vld [tilespmem:$0x1FE90]  }
0x165: {  	v13 =	vadd.f32 v27, v13;
	v0 =	vadd.f32 v56, v0;
	v56 =	vld [tilespmem:$0x1FEA0]  }
0x166: {  	v2 =	vadd.f32 v12, v2;
	v12 =	vld [tilespmem:$0x3CD0]  }
0x167: {  	v13 =	vadd.f32 v28, v13;
	v28 =	vld [tilespmem:$0x3CE0]  }
0x168: {  	v0 =	vadd.f32 v8, v0;
	v8 =	vld [tilespmem:$0x4050]  }
0x169: {  	v1 =	vadd.f32 v60, v1;
	v60 =	vld [tilespmem:$0x1FED0]  }
0x16a: {  	v5 =	vadd.f32 v19, v2;
	v2 =	vld [tilespmem:$0x3D50]  }
0x16b: {  	v13 =	vadd.f32 v30, v13;
	v30 =	vld [tilespmem:$0x3CF0]  }
0x16c: {  	v0 =	vadd.f32 v10, v0;
	v10 =	vld [tilespmem:$0x3BD0]  }
0x16d: {  	v1 =	vadd.f32 v9, v1;
	v9 =	vld [tilespmem:$0x3E50]  }
0x16e: {  	v5 =	vadd.f32 v41, v5;
	v41 =	vld [tilespmem:$0x3470]  }
0x16f: {  	v3 =	vadd.f32 v56, v3;
	v56 =	vld [tilespmem:$0x34F0]  }
0x170: {  	v13 =	vadd.f32 v32, v13;
	v32 =	vld [tilespmem:$0x3D60]  }
0x171: {  	v45 =	vadd.f32 v44, v5;
	v5 =	vld [tilespmem:$0x3F50]  }
0x172: {  	v0 =	vadd.f32 v17, v0;
	v44 =	vld [tilespmem:$0x1FEF0]  }
0x173: {  	v1 =	vadd.f32 v16, v1;
	v13 =	vadd.f32 v33, v13;
	v33 =	vld [tilespmem:$0x1FFD0]  }
0x174: {  	v6 =	vadd.f32 v40, v0;
	v0 =	vld [tilespmem:$0x3DD0]  }
0x175: {  	v1 =	vadd.f32 v37, v1;
	v37 =	vadd.f32 v61, v3;
	v61 =	vld [tilespmem:$0x3570]  }
0x176: {  	v40 =	vadd.f32 $0.0e+00, v63;
	v63 =	vld [tilespmem:$0x35E0]  }
0x177: {  	v53 =	vadd.f32 v52, v45;
	v45 =	vld [tilespmem:$0x1FF00]  }
0x178: {  	v52 =	vld [tilespmem:$0x1FF30]  }
0x179: {  	v13 =	vadd.f32 v35, v13;
	v35 =	vld [tilespmem:$0x3DE0]  }
0x17a: {  	v1 =	vadd.f32 v42, v1;
	v42 =	vld [tilespmem:$0x3970]  }
0x17b: {  	v17 =	vadd.f32 v58, v53;
	v53 =	vld [tilespmem:$0x1FF40]  }
0x17c: {  	v6 =	vadd.f32 v43, v6;
	v58 =	vld [tilespmem:$0x3560];
	v49 =	vadd.f32 v47, v1  }
0x17d: {  	v47 =	vld [tilespmem:$0x1FF10]  }
0x17e: {  	v6 =	vadd.f32 v50, v6;
	v16 =	vadd.f32 v54, v49;
	v49 =	vld [tilespmem:$0x1FF20]  }
0x17f: {  	v50 =	vld [tilespmem:$0x34E0]  }
0x180: {  	v19 =	vadd.f32 v57, v6;
	v57 =	vld [tilespmem:$0x1FF50]  }
0x181: {  	v16 =	vadd.f32 v60, v16;
	v60 =	vld [tilespmem:$0x1FF60]  }
0x182: {  	v41 =	vadd.f32 $0.0e+00, v41;
	v17 =	vadd.f32 v45, v17;
	v45 =	vld [tilespmem:$0x3A60]  }
0x183: {  	v54 =	vadd.f32 $0.0e+00, v53;
	v37 =	vadd.f32 v49, v37;
	v49 =	vld [tilespmem:$0x1FF70]  }
0x184: {  	v40 =	vadd.f32 v50, v40;
	v50 =	vld [tilespmem:$0x35F0];
	v3 =	vadd.f32 v47, v16  }
0x185: {  	v53 =	vld [tilespmem:$0x3660];
	v16 =	vadd.f32 v52, v17;
	v52 =	vadd.f32 v56, v41  }
0x186: {  	v43 =	vadd.f32 v60, v54;
	v54 =	vld [tilespmem:$0x3670]  }
0x187: {  	v19 =	vadd.f32 v44, v19;
	v44 =	vld [tilespmem:$0x39F0];
	v15 =	vadd.f32 v61, v52  }
0x188: {  	v17 =	vadd.f32 v57, v37;
	v57 =	vld [tilespmem:$0x36F0];
	v43 =	vadd.f32 v49, v43  }
0x189: {  	v56 =	vld [tilespmem:$0x36E0];
	v37 =	vadd.f32 v58, v40;
	v15 =	vadd.f32 v50, v15  }
0x18a: {  	v60 =	vld [tilespmem:$0x3770];
	v39 =	vadd.f32 v39, v43  }
0x18b: {  	v58 =	vld [tilespmem:$0x3760];
	v14 =	vadd.f32 v63, v37;
	v15 =	vadd.f32 v54, v15  }
0x18c: {  	v63 =	vld [tilespmem:$0x37F0];
	v29 =	vadd.f32 v29, v39  }
0x18d: {  	v61 =	vld [tilespmem:$0x37E0];
	v14 =	vadd.f32 v53, v14;
	v15 =	vadd.f32 v57, v15  }
0x18e: {  	v37 =	vld [tilespmem:$0x3870];
	v29 =	vadd.f32 v34, v29  }
0x18f: {  	v40 =	vld [tilespmem:$0x38F0];
	v14 =	vadd.f32 v56, v14;
	v15 =	vadd.f32 v60, v15  }
0x190: {  	v29 =	vadd.f32 v36, v29;
	v36 =	vld [tilespmem:$0x3860]  }
0x191: {  	v41 =	vld [tilespmem:$0x3960];
	v14 =	vadd.f32 v58, v14;
	v15 =	vadd.f32 v63, v15  }
0x192: {  	v39 =	vld [tilespmem:$0x38E0];
	v22 =	vadd.f32 v22, v29  }
0x193: {  	v47 =	vld [tilespmem:$0x3A70];
	v14 =	vadd.f32 v61, v14;
	v15 =	vadd.f32 v37, v15  }
0x194: {  	v52 =	vld [tilespmem:$0x3AF0];
	v22 =	vadd.f32 v31, v22  }
0x195: {  	v50 =	vld [tilespmem:$0x1FF80];
	v15 =	vadd.f32 v40, v15;
	v14 =	vadd.f32 v36, v14  }
0x196: {  	v43 =	vld [tilespmem:$0x39E0];
	v20 =	vadd.f32 v20, v22  }
0x197: {  	v49 =	vld [tilespmem:$0x3AE0];
	v15 =	vadd.f32 v42, v15;
	v14 =	vadd.f32 v39, v14  }
0x198: {  	[tilespmem:$0x1FF90] =	vst v46;
	v53 =	vld [tilespmem:$0x3B60];
	v20 =	vadd.f32 v21, v20  }
0x199: {  	v54 =	vld [tilespmem:$0x1FF90];
	v15 =	vadd.f32 v44, v15;
	v14 =	vadd.f32 v41, v14  }
0x19a: {  	v56 =	vld [tilespmem:$0x3B70];
	v20 =	vadd.f32 v38, v20  }
0x19b: {  	v58 =	vld [tilespmem:$0x1FFA0];
	v15 =	vadd.f32 v47, v15;
	v14 =	vadd.f32 v43, v14  }
0x19c: {  	v60 =	vld [tilespmem:$0x3BF0];
	v20 =	vadd.f32 v50, v20  }
0x19d: {  	v1 =	vld [tilespmem:$0x3FD0];
	v61 =	vadd.f32 v52, v15;
	v14 =	vadd.f32 v45, v14  }
0x19e: {  	v11 =	vadd.f32 v11, v13;
	v57 =	vld [tilespmem:$0x3BE0];
	v20 =	vadd.f32 v54, v20  }
0x19f: {  	v29 =	vld [tilespmem:$0x1FFC0];
	v27 =	vadd.f32 v56, v61;
	v14 =	vadd.f32 v49, v14  }
0x1a0: {  	v10 =	vadd.f32 v10, v11;
	v63 =	vld [tilespmem:$0x3C60];
	v20 =	vadd.f32 v58, v20  }
0x1a1: {  	v6 =	vld [tilespmem:$0x40D0];
	v31 =	vadd.f32 v60, v27;
	v14 =	vadd.f32 v53, v14  }
0x1a2: {  	v4 =	vadd.f32 v4, v10;
	v34 =	vld [tilespmem:$0x3D70];
	v20 =	vadd.f32 v25, v20  }
0x1a3: {  	v36 =	vld [tilespmem:$0x1FFE0];
	v10 =	vadd.f32 v26, v31;
	v14 =	vadd.f32 v57, v14  }
0x1a4: {  	v4 =	vadd.f32 v12, v4;
	v37 =	vld [tilespmem:$0x3DF0];
	v20 =	vadd.f32 v29, v20  }
0x1a5: {  	v40 =	vld [tilespmem:$0x1FFF0];
	v38 =	vadd.f32 v30, v10;
	v14 =	vadd.f32 v63, v14  }
0x1a6: {  	v2 =	vadd.f32 v2, v4;
	v41 =	vld [tilespmem:$0x3E70];
	v20 =	vadd.f32 v33, v20  }
0x1a7: {  	v39 =	vld [tilespmem:$0x3E60];
	v42 =	vadd.f32 v34, v38;
	v13 =	vadd.f32 v28, v14  }
0x1a8: {  	v0 =	vadd.f32 v0, v2;
	v45 =	vld [tilespmem:$0x3EF0];
	v20 =	vadd.f32 v36, v20  }
0x1a9: {  	v43 =	vld [tilespmem:$0x3EE0];
	v2 =	vadd.f32 v37, v42;
	v11 =	vadd.f32 v32, v13  }
0x1aa: {  	v0 =	vadd.f32 v9, v0;
	v50 =	vld [tilespmem:$0x3F70];
	v18 =	vadd.f32 v40, v20  }
0x1ab: {  	v47 =	vld [tilespmem:$0x3F60];
	v2 =	vadd.f32 v41, v2;
	v11 =	vadd.f32 v35, v11  }
0x1ac: {  	v0 =	vadd.f32 v7, v0;
	v54 =	vld [tilespmem:$0x3FF0];
	v44 =	vadd.f32 v62, v18  }
0x1ad: {  	v52 =	vld [tilespmem:$0x3FE0];
	v2 =	vadd.f32 v45, v2;
	v10 =	vadd.f32 v39, v11  }
0x1ae: {  	v0 =	vadd.f32 v5, v0;
	v57 =	vld [tilespmem:$0x4070];
	v49 =	vadd.f32 v59, v44  }
0x1af: {  	v61 =	vld [tilespmem:$0x40F0];
	v58 =	vadd.f32 v50, v2;
	v4 =	vadd.f32 v43, v10  }
0x1b0: {  	v0 =	vadd.f32 v1, v0;
	v53 =	vadd.f32 v55, v49;
	v55 =	vld [tilespmem:$0x4060]  }
0x1b1: {  	v46 =	vld [tilespmem:$0x40C0];
	v1 =	vadd.f32 v54, v58;
	v4 =	vadd.f32 v47, v4  }
0x1b2: {  	[tilespmem:$0x4100] =	vst v19;
	v0 =	vadd.f32 v8, v0;
	v59 =	vld [tilespmem:$0x40E0];
	v56 =	vadd.f32 v51, v53  }
0x1b3: {  	[tilespmem:$0x4110] =	vst v3;
	v1 =	vadd.f32 v57, v1;
	v4 =	vadd.f32 v52, v4  }
0x1b4: {  	[tilespmem:$0x4120] =	vst v16;
	v0 =	vadd.f32 v6, v0;
	v60 =	vadd.f32 v48, v56  }
0x1b5: {  	[tilespmem:$0x4130] =	vst v17;
	v63 =	vadd.f32 v61, v1;
	v4 =	vadd.f32 v55, v4  }
0x1b6: {  	[tilespmem:$0x4150] =	vst v0;
	v62 =	vadd.f32 v46, v60  }
0x1b7: {  	[tilespmem:$0x4170] =	vst v63;
	v2 =	vadd.f32 v59, v4  }
0x1b8: {  	[tilespmem:$0x4140] =	vst v62  }
0x1b9: {  	[tilespmem:$0x4160] =	vst v2  }
0x1ba: {  	s28 =	sadd.s32 $0x1, s28;
	_ =	swait.ge [sflag:s12], $0xD00  }
0x1bb: {  	p0 =	sne.s32 s28, s9;
	[sflag:s12] =	ssyncset.done $0x0  }
.Ltmp1:
0x1bc: {  	[sflag:s12] =	ssyncadd.s32 $0xFFFFF300;
	(pc) =	sbr.rel @p0 .LBB2_1-.Ltmp1, $4  }
0x1bd: {  	[hbm4b:s8+s3] =	stream.linear.scatter [tilespmem:s25], [sflag:$0x3], $0x80, $0x38;
	[tilespmem:$0x4180] =	vst v63  }
0x1be: {  	_ =	swait.ge [sflag:s26], $0x80  }
0x1bf: {  	[sflag:s26] =	ssyncset.done $0x0  }
0x1c0: {  	[sflag:s26] =	ssyncadd.s32 $0xFFFFFF80  }
0x1c1: {  	_ =	sfence.sel $0x180000  }
0x1c2: {  	[bflag:$0x0] =	sbarrier.arrive $0xFFFF  }
0x1c3: {  	_ =	strace $0x90000047  }
0x1c4: {  	s0 =	stileid.u32;
	[bflag:$0x2] =	sbarrier.arrive $0xFFFF  }
0x1c5: {  	p0 =	sne.s32 s0, $0x0;
	s0 =	rddreg [dreg:$0x2]  }
0x1c6: {  	s0 =	sadd.s32 @!p0 $0x100000, s0  }
0x1c7: {  	[sflag:s0] =	ssyncadd.tile.s32 @!p0 $0x1;
	_ =	shalt  }
.Lfunc_end2:
_tile_overlayer_lowered:
.L_overlay_start_2:
0x1c8: {  	(tag) =	ssettag $0x2  }
0x1c9: {  	s0 =	rddreg [dreg:$0x0];
	s2 =	stileid.u32  }
0x1ca: {  	s1 =	rddreg [dreg:$0x1];
	p0 =	sne.s32 s2, $0x0  }
0x1cb: {  	s3 =	rddreg [dreg:$0x2];
	[bflag:$0x3] =	sbarrier.arrive $0xFFFF;
	s2 =	simm.s32 @!p0 $0x1C03  }
0x1cc: {  	[timem:s3], [sflag:s2] =	dma.local @!p0 [hbm:s0], s1  }
0x1cd: {  	s0 =	simm.s32 @!p0 $0x3  }
0x1ce: {  	_ =	swait.ge @!p0 [sflag:s0], s1  }
0x1cf: {  	s1 =	ssub.s32 @!p0 $0x0, s1;
	[sflag:s0] =	ssyncset.done @!p0 $0x0  }
0x1d0: {  	[sflag:s0] =	ssyncadd.s32 @!p0 s1  }
0x1d1: {  	[bflag:$0x3] =	sbarrier.arrive $0xFFFF  }
0x1d2: {  	_ =	shalt  }

// kernel: kernel.7.cloned.1.call-start
scs
__scs_entry_jumppad:
0x0: {  	(pc) =	sbr.rel $0x88, $3  }
0x1: {  	(tag) =	ssettag $0x0;
	lr =	simm.s32 $0x1  }
0x2: {  	[smem:$0x3F9D] =	sst lr;
	_ =	strace $0xD0000000  }
0x3: {  	_ = 	snop  }
0x4: {  	_ = 	snop  }
0x5: {  	_ = 	snop  }
0x6: {  	_ = 	snop  }
0x7: {  	_ = 	snop  }
__scs_overlays_trampoline_lowered:
0x8: {  	[smem:$0x3FAC] =	sst s0  }
0x9: {  	[smem:$0x3FAD] =	sst s1  }
0xa: {  	[smem:$0x3FAE] =	sst s2  }
0xb: {  	[smem:$0x3FAF] =	sst s3  }
0xc: {  	[smem:$0x3FB0] =	sst s4  }
0xd: {  	[smem:$0x3FB1] =	sst s5  }
0xe: {  	[smem:$0x3FB2] =	sst s6  }
0xf: {  	[smem:$0x3FB3] =	sst s7  }
0x10: {  	[smem:$0x3FB4] =	sst s8  }
0x11: {  	[smem:$0x3FB5] =	sst s9;
	s0 =	simm.s32 @!p0 $0x0  }
0x12: {  	s1 =	sld [smem:$0x3F9B];
	s0 =	simm.s32 @p0 $0x1  }
0x13: {  	[smem:$0x3FB6] =	sst s0;
	s0 =	simm.s32 @!p1 $0x0  }
0x14: {  	s2 =	sld [smem:$0x3F9A];
	s0 =	simm.s32 @p1 $0x1  }
0x15: {  	[smem:$0x3FB7] =	sst s0;
	s0 =	simm.s32 @!p2 $0x0  }
0x16: {  	s3 =	sld [smem:$0x3FDB];
	s0 =	simm.s32 @p2 $0x1  }
0x17: {  	s4 =	simm.s32 $0x1BF5;
	[smem:$0x3FB9] =	sst s0  }
0x18: {  	s0 =	sld [smem:$0x3F9C];
	_ =	swait.ge [sflag:s4], $0x0  }
0x19: {  	s7 =	sld [smem:$0x3F9D]  }
0x1a: {  	s8 =	sadd.s32 $0xFFFFE003, lr  }
0x1b: {  	s9 =	sadd.s32 $0xFFFFFEF7, lr;
	s5 =	simm.s32 $0xFFFFFFFF;
	p2 =	slt.u32 s8, $0xFFFFF086  }
0x1c: {  	p1 =	slt.u32 s9, $0xF7A;
	s5 =	simm.s32 @!p2 $0x0  }
0x1d: {  	s5 =	simm.s32 @p1 $0x1;
	p0 =	seq.s32 s7, s2  }
0x1e: {  	s7 =	smul.u32 @!p0 $0xF7A, s2;
	p2 =	seq.s32 @!p0 s5, $0x0  }
0x1f: {  	s9 =	smul.u32 $0xF7A, s1;
	s8 =	simm.s32 @!p0 $0x1BF5;
	p2 =	por !p2, p0  }
0x20: {  	[sflag:s8] =	ssyncset.s32 @!p0 $0xFFFFF086;
	s6 =	sadd.s32 @!p0 s3, s7;
	s7 =	simm.s32 @!p0 $0x108  }
0x21: {  	s3 =	sadd.s32 s3, s9;
	s6 =	sadd.s32 @!p0 $0x88, s6;
	s7 =	simm.s32 @p2 $0x1082  }
0x22: {  	[simem:s7], [sflag:s8] =	dma.local @!p0 [hbm:s6], $0xF7A  }
0x23: {  	s9 =	sor.u32 $0xD0000000, s2;
	s6 =	simm.s32 $0x108;
	_ =	swait.ge @!p0 [sflag:s8], $0x0  }
0x24: {  	s3 =	sadd.s32 $0x88, s3;
	s6 =	simm.s32 @!p1 $0x1082;
	[sflag:s4] =	ssyncset.s32 $0xFFFFF086  }
0x25: {  	[simem:s6], [sflag:s4] =	dma.local [hbm:s3], $0xF7A  }
0x26: {  	[smem:$0x3F9D] =	sst s1;
	(tag) =	ssettag s2;
	_ =	strace s9  }
0x27: {  	s1 =	sld [smem:$0x3FAD]  }
0x28: {  	s2 =	sld [smem:$0x3FAE]  }
0x29: {  	s4 =	sld [smem:$0x3FB0]  }
0x2a: {  	p0 =	seq.s32 s5, $0x0;
	s5 =	sld [smem:$0x3FB1]  }
0x2b: {  	s6 =	sld [smem:$0x3FB2]  }
0x2c: {  	s7 =	sld [smem:$0x3FB3]  }
0x2d: {  	s3 =	simm.s32 $0x108;
	s8 =	sld [smem:$0x3FB4]  }
0x2e: {  	s3 =	simm.s32 @!p0 $0x1082;
	s9 =	sld [smem:$0x3FB5]  }
0x2f: {  	lr =	sadd.s32 s0, s3;
	s0 =	sld [smem:$0x3FAC]  }
0x30: {  	s3 =	sld [smem:$0x3FAF]  }
0x31: {  	[smem:$0x3FB8] =	sst s10  }
0x32: {  	s10 =	sld [smem:$0x3FB6];
	_ =	sdelay $0x3  }
0x33: {  	p0 =	seq.s32 s10, $0x1;
	s10 =	sld [smem:$0x3FB8];
	_ =	sdelay $0x3  }
0x34: {  	[smem:$0x3FB8] =	sst s10  }
0x35: {  	s10 =	sld [smem:$0x3FB7];
	_ =	sdelay $0x3  }
0x36: {  	p1 =	seq.s32 s10, $0x1;
	s10 =	sld [smem:$0x3FB8];
	_ =	sdelay $0x3  }
0x37: {  	[smem:$0x3FB8] =	sst s10  }
0x38: {  	s10 =	sld [smem:$0x3FB9]  }
0x39: {  	_ = 	snop;
	(pc) =	sbr.ind lr, $3  }
0x3a: {  	_ = 	snop  }
0x3b: {  	_ = 	snop  }
0x3c: {  	p2 =	seq.s32 s10, $0x1;
	s10 =	sld [smem:$0x3FB8]  }
0x3d: {  	_ =	shalt  }
0x3e: {  	_ =	shalt  }
0x3f: {  	_ =	shalt  }
0x40: {  	_ =	shalt  }
0x41: {  	_ =	shalt  }
0x42: {  	_ =	shalt  }
0x43: {  	_ =	shalt  }
0x44: {  	_ =	shalt  }
0x45: {  	_ =	shalt  }
0x46: {  	_ =	shalt  }
0x47: {  	_ =	shalt  }
0x48: {  	_ =	shalt  }
0x49: {  	_ =	shalt  }
0x4a: {  	_ =	shalt  }
0x4b: {  	_ =	shalt  }
0x4c: {  	_ =	shalt  }
0x4d: {  	_ =	shalt  }
0x4e: {  	_ =	shalt  }
0x4f: {  	_ =	shalt  }
0x50: {  	_ =	shalt  }
0x51: {  	_ =	shalt  }
0x52: {  	_ =	shalt  }
0x53: {  	_ =	shalt  }
0x54: {  	_ =	shalt  }
0x55: {  	_ =	shalt  }
0x56: {  	_ =	shalt  }
0x57: {  	_ =	shalt  }
0x58: {  	_ =	shalt  }
0x59: {  	_ =	shalt  }
0x5a: {  	_ =	shalt  }
0x5b: {  	_ =	shalt  }
0x5c: {  	_ =	shalt  }
0x5d: {  	_ =	shalt  }
0x5e: {  	_ =	shalt  }
0x5f: {  	_ =	shalt  }
0x60: {  	_ =	shalt  }
0x61: {  	_ =	shalt  }
0x62: {  	_ =	shalt  }
0x63: {  	_ =	shalt  }
0x64: {  	_ =	shalt  }
0x65: {  	_ =	shalt  }
0x66: {  	_ =	shalt  }
0x67: {  	_ =	shalt  }
0x68: {  	_ =	shalt  }
0x69: {  	_ =	shalt  }
0x6a: {  	_ =	shalt  }
0x6b: {  	_ =	shalt  }
0x6c: {  	_ =	shalt  }
0x6d: {  	_ =	shalt  }
0x6e: {  	_ =	shalt  }
0x6f: {  	_ =	shalt  }
0x70: {  	_ =	shalt  }
0x71: {  	_ =	shalt  }
0x72: {  	_ =	shalt  }
0x73: {  	_ =	shalt  }
0x74: {  	_ =	shalt  }
0x75: {  	_ =	shalt  }
0x76: {  	_ =	shalt  }
0x77: {  	_ =	shalt  }
0x78: {  	_ =	shalt  }
0x79: {  	_ =	shalt  }
0x7a: {  	_ =	shalt  }
0x7b: {  	_ =	shalt  }
0x7c: {  	_ =	shalt  }
0x7d: {  	_ =	shalt  }
0x7e: {  	_ =	shalt  }
0x7f: {  	_ =	shalt  }
0x80: {  	_ =	shalt  }
0x81: {  	_ =	shalt  }
0x82: {  	_ =	shalt  }
0x83: {  	_ =	shalt  }
0x84: {  	_ =	shalt  }
0x85: {  	_ =	shalt  }
0x86: {  	_ =	shalt  }
0x87: {  	_ =	shalt  }
.Lfunc_end0:
.L_simem_size_0:
called_computation.1_lowered:
.L_overlay_start_0:
0x88: {  	s2 =	sld [smem:$0x3FD9]  }
0x89: {  	s3 =	sld [smem:$0x3FFE];
	_ =	sdelay $0x1  }
0x8a: {  	s1 =	srdreg.scid  }
0x8b: {  	s0 =	sand.u32 $0x1, s1  }
0x8c: {  	s17 =	sshll.u32 s0, $0xA;
	s2 =	sadd.s32 s3, s2  }
0x8d: {  	s2 =	sadd.s32 s2, s17  }
0x8e: {  	[smem:$0x3FC4] =	sst s2  }
0x8f: {  	_ = 	snop  }
0x90: {  	s2 =	sld [smem:$0x3FD0];
	(tm) =	ssettm $0x1  }
0x91: {  	s18 =	sld [smem:$0x3FFB];
	_ =	sdelay $0x3  }
0x92: {  	_ =	strace s18  }
0x93: {  	s3 =	sld [smem:$0x3FFC];
	_ =	sdelay $0x3  }
0x94: {  	_ =	strace s3  }
0x95: {  	s3 =	sld [smem:$0x3FFD];
	_ =	sdelay $0x3  }
0x96: {  	_ =	strace s3  }
0x97: {  	_ =	strace $0x8FFFFFFF  }
0x98: {  	s19 =	sld [smem:$0x3FDB];
	_ =	sdelay $0x1  }
0x99: {  	s4 =	simm.s32 $_scs_section_size  }
0x9a: {  	s5 =	simm.s32 $_size__tile_overlayer_lowered;
	s6 =	simm.s32 $_tile_overlayer_lowered  }
0x9b: {  	s22 =	simm.s32 $0x1BFF;
	s21 =	sshll.u32 s6, $0x1;
	s3 =	sadd.s32 s4, s19  }
0x9c: {  	s7 =	simm.s32 $0x0;
	s20 =	sshll.u32 s5, $0x1;
	s5 =	sadd.s32 s21, s3  }
0x9d: {  	[timem:s7], [sflag:s22] =	dma.local [hbm:s5], s20  }
0x9e: {  	_ =	swait.ge [sflag:s22], s20  }
0x9f: {  	s4 =	ssub.s32 $0x0, s20;
	[sflag:s22] =	ssyncset.done $0x0  }
0xa0: {  	[sflag:s22] =	ssyncadd.s32 s4;
	_ =	sdelay $0x1  }
0xa1: {  	s23 =	simm.s32 $0x1B8B  }
0xa2: {  	_ =	swait.ge [sflag:s23], $0x1  }
0xa3: {  	[sflag:s23] =	ssyncset.done $0x0  }
0xa4: {  	s25 =	simm.s32 $0x1B8E;
	s24 =	sld [smem:$0x3FFE];
	[sflag:s23] =	ssyncadd.s32 $0xFFFFFFFF  }
0xa5: {  	s26 =	simm.s32 $execute0_lowered;
	[smem:$0x3FD2] =	sst s25  }
0xa6: {  	s5 =	sshll.u32 s26, $0x1;
	_ =	strace $0x80000049;
	[dreg:$0x1] =	wrdreg $0xFFFFFFFF  }
0xa7: {  	s28 =	simm.s32 $_size_execute0_lowered;
	s3 =	sadd.s32 s3, s5;
	[dreg:$0x0] =	wrdreg $0x0  }
0xa8: {  	s5 =	sshll.u32 s28, $0x1;
	[dreg:$0x2] =	wrdreg s3  }
0xa9: {  	[dreg:$0x3] =	wrdreg s5  }
0xaa: {  	[dreg:$0x4] =	wrdreg $0xC0  }
0xab: {  	_ =	task [dreg:s7], $0x5FFFF  }
0xac: {  	[dreg:$0x1] =	wrdreg $0xFFFFFFFF  }
0xad: {  	[dreg:$0x0] =	wrdreg $0x60  }
0xae: {  	[dreg:$0x2] =	wrdreg s24  }
0xaf: {  	[dreg:$0x3] =	wrdreg s2  }
0xb0: {  	[dreg:$0x4] =	wrdreg $0x9  }
0xb1: {  	_ =	task.clear_ibuf [dreg:s7], $0x5FFFF;
	_ =	strace $0x90000049  }
0xb2: {  	s29 =	simm.s32 $0x9;
	_ =	strace $0x8000004B  }
0xb3: {  	_ =	swait.ge [sflag:s29], $0x1  }
0xb4: {  	[sflag:s29] =	ssyncadd.s32 $0xFFFFFFFF  }
0xb5: {  	_ =	strace $0x9000004B  }
0xb6: {  	_ =	sfence  }
0xb7: {  	s30 =	sld [smem:$0x0];
	_ =	sdelay $0x2  }
0xb8: {  	s31 =	sshll.u32 s1, $0xD;
	s1 =	sshrl.u32 s1, $0x2  }
0xb9: {  	s3 =	sand.u32 $0x4000, s31;
	s1 =	sadd.s32 s1, s30  }
0xba: {  	s0 =	sor.u32 s3, s0;
	s1 =	sshll.u32 s1, $0x11  }
0xbb: {  	s0 =	sor.u32 s1, s0  }
0xbc: {  	s0 =	sadd.s32 $0x8F2B, s0  }
0xbd: {  	[sflag:s0] =	ssyncadd.remote.s32 $0x1  }
0xbe: {  	_ =	sfence.sel $0xFFFF  }
0xbf: {  	[dreg:$0x0] =	wrdreg $0xFFFFFFFF;
	(pc) =	sbr.abs _section_cstart, $3  }
0xc0: {  	[dreg:$0x1] =	wrdreg $0xFFFFFFFF  }
0xc1: {  	_ =	task.clear_ibuf [dreg:s7], $0x2FFFF;
	_ =	strace $0x9FFFFFFF  }
0xc2: {  	(tm) =	ssettm $0x7FFFFFFF  }
0xc3: {  	_ =	shalt  }
tec
execute0_lowered:
.L_overlay_start_1:
0x0: {  	(tag) =	ssettag $0x1  }
0x1: {  	s4 =	rddreg [dreg:$0x0]  }
0x2: {  	s7 =	rddreg [dreg:$0x1]  }
0x3: {  	s3 =	srdreg.scid;
	s0 =	stileid.u32  }
0x4: {  	s2 =	simm.s32 $0x0;
	s11 =	simm.s32 $0x1;
	s13 =	simm.s32 $0x4  }
0x5: {  	s14 =	simm.s32 $0x0;
	s5 =	sand.u32 $0x1, s3;
	s24 =	sshll.u32 s0, $0x1  }
0x6: {  	[smem:$0x7FF] =	sst s2;
	s28 =	sadd.s32 $0xC00, s4;
	s6 =	sor.u32 s5, s24  }
0x7: {  	_ =	strace $0x8000004A;
	s5 =	ssub.s32 $0x2, s5;
	s8 =	smul.u32 $0x1A0, s6  }
.Ltmp0:
0x8: {  	[dreg:$0x5] =	wrdreg s28;
	s9 =	sshll.u32 s6, $0x4;
	(pc) =	sbr.rel .LBB2_1-.Ltmp0, $4  }
0x9: {  	s10 =	sshrl.u32 s5, $0x1;
	s26 =	sadd.s32 s9, s4;
	s31 =	sadd.s32 s7, s9  }
0xa: {  	s25 =	sadd.s32 s8, s4;
	s30 =	sadd.s32 $0x56C00, s26;
	[dreg:$0x8] =	wrdreg s31  }
0xb: {  	s10 =	ssub.s32 s5, s10;
	s29 =	sadd.s32 $0x53800, s25;
	[dreg:$0x7] =	wrdreg s30  }
0xc: {  	s3 =	sadd.s32 $0x57000, s4;
	s8 =	smax.u32 s10, $0x1;
	[dreg:$0x6] =	wrdreg s29  }
.LBB2_12:
0xd: {  	s14 =	sadd.s32 $0x1, s14  }
0xe: {  	p0 =	sne.s32 s14, s8  }
.Ltmp1:
0xf: {  	s0 =	rddreg [dreg:$0x8];
	s1 =	simm.s32 $0xDE80;
	(pc) =	sbr.rel @!p0 .LBB2_13-.Ltmp1, $4  }
0x10: {  	[hbm4b:s0+s2] =	stream.linear.scatter [tilespmem:s1], [sflag:$0x4], $0x80, $0x38;
	[tilespmem:$0xDF80] =	vst v63  }
0x11: {  	_ =	swait.ge [sflag:s13], $0x80  }
0x12: {  	[sflag:s13] =	ssyncset.done $0x0  }
0x13: {  	[sflag:s13] =	ssyncadd.s32 $0xFFFFFF80  }
.LBB2_1:
0x14: {  	s0 =	rddreg [dreg:$0x6]  }
0x15: {  	[tilespmem:s2], [sflag:$0x1] =	stream.linear.gather [hbm4b:s0+s2], $0xD00, $0x38;
	[tilespmem:$0xDF80] =	vst v63  }
0x16: {  	s29 =	rddreg [dreg:$0x7];
	s1 =	simm.s32 $0xDD00  }
0x17: {  	[tilespmem:s1], [sflag:$0x1] =	stream.linear.gather [hbm4b:s29+s2], $0x80, $0x38;
	[tilespmem:$0xDF80] =	vst v63  }
0x18: {  	s30 =	rddreg [dreg:$0x5];
	s31 =	simm.s32 $0xDF00  }
0x19: {  	[tilespmem:s31], [sflag:$0x1] =	stream.linear.gather [hbm4b:s30+s2], $0x80, $0x38;
	[tilespmem:$0xDF80] =	vst v63  }
0x1a: {  	_ =	swait.ge [sflag:s11], $0xD00  }
0x1b: {  	[sflag:s11] =	ssyncset.done $0x0  }
0x1c: {  	[sflag:s11] =	ssyncadd.s32 $0xFFFFF300  }
0x1d: {  	_ =	swait.ge [sflag:s11], $0x80  }
0x1e: {  	[sflag:s11] =	ssyncset.done $0x0  }
0x1f: {  	[sflag:s11] =	ssyncadd.s32 $0xFFFFFF80  }
0x20: {  	_ =	swait.ge [sflag:s11], $0x80  }
0x21: {  	[sflag:s11] =	ssyncset.done $0x0  }
0x22: {  	[sflag:s11] =	ssyncadd.s32 $0xFFFFFF80  }
0x23: {  	p0 =	por $0x1, $0x1;
	s17 =	simm.s32 $0x0;
	v0 =	vld [tilespmem:$0xDF00]  }
.LBB2_2:
0x24: {  	s15 =	smul.u32 $0x340, s17;
	_ =	sdelay $0x1  }
0x25: {  	s16 =	sshra.s32 s15, $0x2  }
0x26: {  	v1 =	vld [tilespmem:s16+$0x0];
	_ =	sdelay $0x4  }
0x27: {  	s30 =	smul.u32 $0x1A000, s17;
	v1 =	vshll.u32 v1, $0x4  }
0x28: {  	(v2sf) =	vpush v1, $0x0  }
0x29: {  	p1 =	por p0, p0;
	s18 =	sshra.s32 s30, $0x2;
	(v2sf) =	vpush v1, $0x2  }
0x2a: {  	s20 =	simm.s32 $0x4000;
	s15 =	sadd.s32 $0x2, s17;
	s31 =	sadd.s32 $0xD00, s18;
	(v2sf) =	vpush v1, $0x1  }
0x2b: {  	s18 =	simm.s32 $0x0;
	s19 =	sadd.s32 $0x10, s16;
	[dreg:$0x3] =	wrdreg s31;
	(v2sf) =	vpush v1, $0x3  }
0x2c: {  	s16 =	simm.s32 $0x2000;
	s17 =	smov.u32 s19;
	s21 =	rddreg [dreg:$0x3];
	(v2sf) =	vpush v1, $0x4  }
.LBB2_3:
0x2d: {  	_ =	sdelay $0x3  }
0x2e: {  	(v2sf) =	vpush v1, $0x5  }
0x2f: {  	s23 =	sshra.s32 s18, $0x2  }
0x30: {  	s22 =	smov.u32 s20;
	s21 =	sadd.s32 s23, s21;
	(v2sf) =	vpush v1, $0x6  }
0x31: {  	s18 =	smov.u32 s16;
	s16 =	smov.u32 s22;
	s30 =	sadd.s32 $0x80, s21  }
0x32: {  	s24 =	sadd.s32 $0x580, s21;
	s23 =	sadd.s32 $0x600, s21;
	s22 =	sadd.s32 $0x680, s21;
	(v2sf) =	vpush v1, $0x7  }
0x33: {  	s28 =	sadd.s32 $0x400, s21;
	s26 =	sadd.s32 $0x480, s21;
	s25 =	sadd.s32 $0x500, s21  }
0x34: {  	s31 =	sadd.s32 $0x300, s21;
	s29 =	sadd.s32 $0x380, s21;
	s0 =	spop (v2sf);
	(v2sf) =	vpush v1, $0x8  }
0x35: {  	s1 =	sadd.s32 $0x100, s21;
	s0 =	sand.u32 $0x1FFFFFF0, s0;
	s9 =	spop (v2sf)  }
0x36: {  	s10 =	sadd.s32 $0x280, s21;
	s0 =	sadd.s32 s3, s0;
	s12 =	spop (v2sf);
	(v2sf) =	vpush v1, $0x9  }
0x37: {  	[tilespmem:s21], [sflag:s15] =	stream.linear.gather [hbm4b:s0+s2], $0x80, $0x38;
	[tilespmem:$0xDF80] =	vst v63  }
0x38: {  	s4 =	sadd.s32 $0x200, s21;
	s6 =	sand.u32 $0x1FFFFFF0, s12;
	s7 =	spop (v2sf);
	(v2sf) =	vpush v1, $0xA  }
0x39: {  	s9 =	sand.u32 $0x1FFFFFF0, s9;
	s0 =	sadd.s32 s3, s6;
	s5 =	spop (v2sf)  }
0x3a: {  	(v2sf) =	vpush v1, $0xB;
	[tilespmem:s30], [sflag:s15] =	stream.linear.gather [hbm4b:s0+s2], $0x80, $0x38;
	[tilespmem:$0xDF80] =	vst v63  }
0x3b: {  	s12 =	sadd.s32 $0x180, s21;
	s6 =	sadd.s32 s3, s9;
	s7 =	sand.u32 $0x1FFFFFF0, s7  }
0x3c: {  	(v2sf) =	vpush v1, $0xC;
	[tilespmem:s1], [sflag:s15] =	stream.linear.gather [hbm4b:s6+s2], $0x80, $0x38;
	[tilespmem:$0xDF80] =	vst v63  }
0x3d: {  	s5 =	sand.u32 $0x1FFFFFF0, s5;
	s30 =	sadd.s32 s3, s7;
	s6 =	spop (v2sf)  }
0x3e: {  	(v2sf) =	vpush v1, $0xD;
	[tilespmem:s12], [sflag:s15] =	stream.linear.gather [hbm4b:s30+s2], $0x80, $0x38;
	[tilespmem:$0xDF80] =	vst v63  }
0x3f: {  	s7 =	sadd.s32 s3, s5;
	s12 =	sand.u32 $0x1FFFFFF0, s6;
	s30 =	spop (v2sf)  }
0x40: {  	(v2sf) =	vpush v1, $0xE;
	[tilespmem:s4], [sflag:s15] =	stream.linear.gather [hbm4b:s7+s2], $0x80, $0x38;
	[tilespmem:$0xDF80] =	vst v63  }
0x41: {  	s6 =	sadd.s32 s3, s12;
	s9 =	spop (v2sf);
	s7 =	sand.u32 $0x1FFFFFF0, s30  }
0x42: {  	(v2sf) =	vpush v1, $0xF;
	[tilespmem:s10], [sflag:s15] =	stream.linear.gather [hbm4b:s6+s2], $0x80, $0x38;
	[tilespmem:$0xDF80] =	vst v63  }
0x43: {  	s12 =	sand.u32 $0x1FFFFFF0, s9;
	s10 =	sadd.s32 s3, s7;
	s30 =	spop (v2sf)  }
0x44: {  	[tilespmem:s31], [sflag:s15] =	stream.linear.gather [hbm4b:s10+s2], $0x80, $0x38;
	[tilespmem:$0xDF80] =	vst v63  }
0x45: {  	s5 =	sadd.s32 s3, s12;
	s6 =	sand.u32 $0x1FFFFFF0, s30;
	s7 =	spop (v2sf)  }
0x46: {  	[tilespmem:s29], [sflag:s15] =	stream.linear.gather [hbm4b:s5+s2], $0x80, $0x38;
	[tilespmem:$0xDF80] =	vst v63  }
0x47: {  	s9 =	sadd.s32 s3, s6;
	s10 =	sand.u32 $0x1FFFFFF0, s7;
	s12 =	spop (v2sf)  }
0x48: {  	[tilespmem:s28], [sflag:s15] =	stream.linear.gather [hbm4b:s9+s2], $0x80, $0x38;
	[tilespmem:$0xDF80] =	vst v63  }
0x49: {  	s29 =	sadd.s32 s3, s10;
	s30 =	sand.u32 $0x1FFFFFF0, s12;
	s31 =	spop (v2sf)  }
0x4a: {  	[tilespmem:s26], [sflag:s15] =	stream.linear.gather [hbm4b:s29+s2], $0x80, $0x38;
	[tilespmem:$0xDF80] =	vst v63  }
0x4b: {  	s1 =	sadd.s32 s3, s30;
	s4 =	sand.u32 $0x1FFFFFF0, s31;
	s5 =	spop (v2sf)  }
0x4c: {  	[tilespmem:s25], [sflag:s15] =	stream.linear.gather [hbm4b:s1+s2], $0x80, $0x38;
	[tilespmem:$0xDF80] =	vst v63  }
0x4d: {  	s6 =	sadd.s32 s3, s4;
	s7 =	sand.u32 $0x1FFFFFF0, s5;
	s9 =	spop (v2sf)  }
0x4e: {  	[tilespmem:s24], [sflag:s15] =	stream.linear.gather [hbm4b:s6+s2], $0x80, $0x38;
	[tilespmem:$0xDF80] =	vst v63  }
0x4f: {  	s10 =	sadd.s32 s3, s7;
	s12 =	sand.u32 $0x1FFFFFF0, s9;
	s24 =	spop (v2sf)  }
0x50: {  	[tilespmem:s23], [sflag:s15] =	stream.linear.gather [hbm4b:s10+s2], $0x80, $0x38;
	[tilespmem:$0xDF80] =	vst v63  }
0x51: {  	s25 =	sadd.s32 s3, s12;
	s26 =	sand.u32 $0x1FFFFFF0, s24;
	s28 =	spop (v2sf)  }
0x52: {  	[tilespmem:s22], [sflag:s15] =	stream.linear.gather [hbm4b:s25+s2], $0x80, $0x38;
	[tilespmem:$0xDF80] =	vst v63  }
0x53: {  	s29 =	sadd.s32 $0x700, s21;
	s1 =	sadd.s32 s3, s26;
	s4 =	sand.u32 $0x1FFFFFF0, s28  }
0x54: {  	[tilespmem:s29], [sflag:s15] =	stream.linear.gather [hbm4b:s1+s2], $0x80, $0x38;
	[tilespmem:$0xDF80] =	vst v63  }
0x55: {  	s30 =	sadd.s32 $0x780, s21;
	s31 =	sadd.s32 s3, s4  }
0x56: {  	[tilespmem:s30], [sflag:s15] =	stream.linear.gather [hbm4b:s31+s2], $0x80, $0x38;
	[tilespmem:$0xDF80] =	vst v63  }
0x57: {  	v1 =	vld [tilespmem:s17+$0x0];
	_ =	sdelay $0x4  }
0x58: {  	p0 =	sne.s32 s20, $0x18000;
	v1 =	vshll.u32 v1, $0x4  }
.Ltmp2:
0x59: {  	(v2sf) =	vpush v1, $0x0;
	(pc) =	sbr.rel @p0 .LBB2_3-.Ltmp2, $4  }
0x5a: {  	(v2sf) =	vpush v1, $0x2  }
0x5b: {  	(v2sf) =	vpush v1, $0x1  }
0x5c: {  	s19 =	sadd.s32 $0x10, s19;
	(v2sf) =	vpush v1, $0x3  }
0x5d: {  	s20 =	sadd.s32 $0x2000, s20;
	s21 =	rddreg [dreg:$0x3];
	s17 =	smov.u32 s19;
	(v2sf) =	vpush v1, $0x4  }
0x5e: {  	_ =	sdelay $0x3  }
0x5f: {  	(v2sf) =	vpush v1, $0x5  }
0x60: {  	s0 =	sshra.s32 s18, $0x2  }
0x61: {  	s18 =	sadd.s32 s0, s21;
	(v2sf) =	vpush v1, $0x6  }
0x62: {  	s0 =	sadd.s32 $0x80, s18  }
0x63: {  	s21 =	sadd.s32 $0x580, s18;
	s20 =	sadd.s32 $0x600, s18;
	s19 =	sadd.s32 $0x680, s18;
	(v2sf) =	vpush v1, $0x7  }
0x64: {  	s1 =	sadd.s32 $0x400, s18;
	s4 =	sadd.s32 $0x480, s18;
	s5 =	sadd.s32 $0x500, s18  }
0x65: {  	s9 =	sadd.s32 $0x300, s18;
	s10 =	sadd.s32 $0x380, s18;
	s12 =	spop (v2sf);
	(v2sf) =	vpush v1, $0x8  }
0x66: {  	s22 =	sadd.s32 $0x100, s18;
	s12 =	sand.u32 $0x1FFFFFF0, s12;
	s23 =	spop (v2sf)  }
0x67: {  	s24 =	sadd.s32 $0x280, s18;
	s12 =	sadd.s32 s3, s12;
	s25 =	spop (v2sf);
	(v2sf) =	vpush v1, $0x9  }
0x68: {  	[tilespmem:s18], [sflag:s15] =	stream.linear.gather [hbm4b:s12+s2], $0x80, $0x38;
	[tilespmem:$0xDF80] =	vst v63  }
0x69: {  	s26 =	sadd.s32 $0x200, s18;
	s6 =	sand.u32 $0x1FFFFFF0, s25;
	s7 =	spop (v2sf);
	(v2sf) =	vpush v1, $0xA  }
0x6a: {  	s23 =	sand.u32 $0x1FFFFFF0, s23;
	s12 =	sadd.s32 s3, s6;
	s28 =	spop (v2sf)  }
0x6b: {  	(v2sf) =	vpush v1, $0xB;
	[tilespmem:s0], [sflag:s15] =	stream.linear.gather [hbm4b:s12+s2], $0x80, $0x38;
	[tilespmem:$0xDF80] =	vst v63  }
0x6c: {  	s29 =	sadd.s32 $0x180, s18;
	s23 =	sadd.s32 s3, s23;
	s25 =	sand.u32 $0x1FFFFFF0, s7  }
0x6d: {  	(v2sf) =	vpush v1, $0xC;
	[tilespmem:s22], [sflag:s15] =	stream.linear.gather [hbm4b:s23+s2], $0x80, $0x38;
	[tilespmem:$0xDF80] =	vst v63  }
0x6e: {  	s28 =	sand.u32 $0x1FFFFFF0, s28;
	s12 =	sadd.s32 s3, s25;
	s30 =	spop (v2sf)  }
0x6f: {  	(v2sf) =	vpush v1, $0xD;
	[tilespmem:s29], [sflag:s15] =	stream.linear.gather [hbm4b:s12+s2], $0x80, $0x38;
	[tilespmem:$0xDF80] =	vst v63  }
0x70: {  	s31 =	sadd.s32 s3, s28;
	s6 =	sand.u32 $0x1FFFFFF0, s30;
	s7 =	spop (v2sf)  }
0x71: {  	(v2sf) =	vpush v1, $0xE;
	[tilespmem:s26], [sflag:s15] =	stream.linear.gather [hbm4b:s31+s2], $0x80, $0x38;
	[tilespmem:$0xDF80] =	vst v63  }
0x72: {  	s23 =	sadd.s32 s3, s6;
	s25 =	sand.u32 $0x1FFFFFF0, s7;
	s26 =	spop (v2sf)  }
0x73: {  	(v2sf) =	vpush v1, $0xF;
	[tilespmem:s24], [sflag:s15] =	stream.linear.gather [hbm4b:s23+s2], $0x80, $0x38;
	[tilespmem:$0xDF80] =	vst v63  }
0x74: {  	s28 =	sadd.s32 s3, s25;
	s29 =	sand.u32 $0x1FFFFFF0, s26;
	s30 =	spop (v2sf)  }
0x75: {  	[tilespmem:s9], [sflag:s15] =	stream.linear.gather [hbm4b:s28+s2], $0x80, $0x38;
	[tilespmem:$0xDF80] =	vst v63  }
0x76: {  	s31 =	sadd.s32 s3, s29;
	s6 =	sand.u32 $0x1FFFFFF0, s30;
	s7 =	spop (v2sf)  }
0x77: {  	[tilespmem:s10], [sflag:s15] =	stream.linear.gather [hbm4b:s31+s2], $0x80, $0x38;
	[tilespmem:$0xDF80] =	vst v63  }
0x78: {  	s9 =	sadd.s32 s3, s6;
	s10 =	sand.u32 $0x1FFFFFF0, s7;
	s12 =	spop (v2sf)  }
0x79: {  	[tilespmem:s1], [sflag:s15] =	stream.linear.gather [hbm4b:s9+s2], $0x80, $0x38;
	[tilespmem:$0xDF80] =	vst v63  }
0x7a: {  	s22 =	sadd.s32 s3, s10;
	s23 =	sand.u32 $0x1FFFFFF0, s12;
	s24 =	spop (v2sf)  }
0x7b: {  	[tilespmem:s4], [sflag:s15] =	stream.linear.gather [hbm4b:s22+s2], $0x80, $0x38;
	[tilespmem:$0xDF80] =	vst v63  }
0x7c: {  	s25 =	sadd.s32 s3, s23;
	s26 =	sand.u32 $0x1FFFFFF0, s24;
	s28 =	spop (v2sf)  }
0x7d: {  	[tilespmem:s5], [sflag:s15] =	stream.linear.gather [hbm4b:s25+s2], $0x80, $0x38;
	[tilespmem:$0xDF80] =	vst v63  }
0x7e: {  	s29 =	sadd.s32 s3, s26;
	s30 =	sand.u32 $0x1FFFFFF0, s28;
	s31 =	spop (v2sf)  }
0x7f: {  	[tilespmem:s21], [sflag:s15] =	stream.linear.gather [hbm4b:s29+s2], $0x80, $0x38;
	[tilespmem:$0xDF80] =	vst v63  }
0x80: {  	s6 =	sand.u32 $0x1FFFFFF0, s31;
	s7 =	spop (v2sf);
	s5 =	sadd.s32 s3, s30  }
0x81: {  	[tilespmem:s20], [sflag:s15] =	stream.linear.gather [hbm4b:s5+s2], $0x80, $0x38;
	[tilespmem:$0xDF80] =	vst v63  }
0x82: {  	s9 =	sadd.s32 s3, s6;
	s10 =	sand.u32 $0x1FFFFFF0, s7;
	s12 =	spop (v2sf)  }
0x83: {  	[tilespmem:s19], [sflag:s15] =	stream.linear.gather [hbm4b:s9+s2], $0x80, $0x38;
	[tilespmem:$0xDF80] =	vst v63  }
0x84: {  	s1 =	sadd.s32 s3, s10;
	s20 =	sadd.s32 $0x700, s18;
	s4 =	sand.u32 $0x1FFFFFF0, s12  }
0x85: {  	[tilespmem:s20], [sflag:s15] =	stream.linear.gather [hbm4b:s1+s2], $0x80, $0x38;
	[tilespmem:$0xDF80] =	vst v63  }
0x86: {  	s21 =	sadd.s32 $0x780, s18;
	s22 =	sadd.s32 s3, s4  }
0x87: {  	[tilespmem:s21], [sflag:s15] =	stream.linear.gather [hbm4b:s22+s2], $0x80, $0x38;
	[tilespmem:$0xDF80] =	vst v63  }
0x88: {  	v1 =	vld [tilespmem:s17+$0x0];
	_ =	sdelay $0x4  }
0x89: {  	v1 =	vshll.u32 v1, $0x4  }
0x8a: {  	(v2sf) =	vpush v1, $0x0  }
0x8b: {  	(v2sf) =	vpush v1, $0x2  }
0x8c: {  	(v2sf) =	vpush v1, $0x1;
	_ =	sdelay $0x2  }
0x8d: {  	(v2sf) =	vpush v1, $0x3;
	_ =	sdelay $0x1  }
0x8e: {  	(v2sf) =	vpush v1, $0x4;
	_ =	sdelay $0x1  }
0x8f: {  	(v2sf) =	vpush v1, $0x5;
	_ =	sdelay $0x1  }
0x90: {  	s23 =	rddreg [dreg:$0x3];
	s24 =	sshra.s32 s16, $0x2;
	(v2sf) =	vpush v1, $0x6  }
0x91: {  	s16 =	sadd.s32 s24, s23  }
0x92: {  	s0 =	sadd.s32 $0x80, s16;
	s26 =	sadd.s32 $0x100, s16;
	s6 =	sadd.s32 $0x200, s16;
	(v2sf) =	vpush v1, $0x7  }
0x93: {  	s10 =	sadd.s32 $0x380, s16;
	s18 =	sadd.s32 $0x600, s16;
	s5 =	sadd.s32 $0x500, s16  }
0x94: {  	s4 =	sadd.s32 $0x480, s16;
	s19 =	sadd.s32 $0x580, s16;
	s25 =	spop (v2sf);
	(v2sf) =	vpush v1, $0x8  }
0x95: {  	s9 =	sadd.s32 $0x300, s16;
	s12 =	sand.u32 $0x1FFFFFF0, s25;
	s28 =	spop (v2sf)  }
0x96: {  	s1 =	sadd.s32 $0x400, s16;
	(v2sf) =	vpush v1, $0x9;
	s12 =	sadd.s32 s3, s12;
	s29 =	spop (v2sf)  }
0x97: {  	[tilespmem:s16], [sflag:s15] =	stream.linear.gather [hbm4b:s12+s2], $0x80, $0x38;
	[tilespmem:$0xDF80] =	vst v63  }
0x98: {  	s22 =	sadd.s32 $0x280, s16;
	s25 =	sadd.s32 $0x180, s16;
	(v2sf) =	vpush v1, $0xA;
	s30 =	sand.u32 $0x1FFFFFF0, s29  }
0x99: {  	s21 =	sand.u32 $0x1FFFFFF0, s28;
	s31 =	spop (v2sf);
	s12 =	sadd.s32 s3, s30  }
0x9a: {  	(v2sf) =	vpush v1, $0xB;
	[tilespmem:s0], [sflag:s15] =	stream.linear.gather [hbm4b:s12+s2], $0x80, $0x38;
	[tilespmem:$0xDF80] =	vst v63  }
0x9b: {  	s7 =	spop (v2sf);
	s12 =	sadd.s32 s3, s21;
	s21 =	sand.u32 $0x1FFFFFF0, s31  }
0x9c: {  	(v2sf) =	vpush v1, $0xC;
	[tilespmem:s26], [sflag:s15] =	stream.linear.gather [hbm4b:s12+s2], $0x80, $0x38;
	[tilespmem:$0xDF80] =	vst v63  }
0x9d: {  	s23 =	sand.u32 $0x1FFFFFF0, s7;
	s12 =	sadd.s32 s3, s21;
	s26 =	spop (v2sf)  }
0x9e: {  	(v2sf) =	vpush v1, $0xD;
	[tilespmem:s25], [sflag:s15] =	stream.linear.gather [hbm4b:s12+s2], $0x80, $0x38;
	[tilespmem:$0xDF80] =	vst v63  }
0x9f: {  	s28 =	sadd.s32 s3, s23;
	s29 =	sand.u32 $0x1FFFFFF0, s26;
	s30 =	spop (v2sf)  }
0xa0: {  	(v2sf) =	vpush v1, $0xE;
	[tilespmem:s6], [sflag:s15] =	stream.linear.gather [hbm4b:s28+s2], $0x80, $0x38;
	[tilespmem:$0xDF80] =	vst v63  }
0xa1: {  	s31 =	sadd.s32 s3, s29;
	s7 =	spop (v2sf);
	s6 =	sand.u32 $0x1FFFFFF0, s30  }
0xa2: {  	[tilespmem:s22], [sflag:s15] =	stream.linear.gather [hbm4b:s31+s2], $0x80, $0x38;
	[tilespmem:$0xDF80] =	vst v63  }
0xa3: {  	s21 =	sand.u32 $0x1FFFFFF0, s7;
	s12 =	sadd.s32 s3, s6;
	s22 =	spop (v2sf)  }
0xa4: {  	[tilespmem:s9], [sflag:s15] =	stream.linear.gather [hbm4b:s12+s2], $0x80, $0x38;
	[tilespmem:$0xDF80] =	vst v63  }
0xa5: {  	s23 =	sadd.s32 s3, s21;
	s24 =	sand.u32 $0x1FFFFFF0, s22;
	s25 =	spop (v2sf)  }
0xa6: {  	(v2sf) =	vpush v1, $0xF;
	[tilespmem:s10], [sflag:s15] =	stream.linear.gather [hbm4b:s23+s2], $0x80, $0x38;
	[tilespmem:$0xDF80] =	vst v63  }
0xa7: {  	s26 =	sadd.s32 s3, s24;
	s28 =	sand.u32 $0x1FFFFFF0, s25;
	s29 =	spop (v2sf)  }
0xa8: {  	[tilespmem:s1], [sflag:s15] =	stream.linear.gather [hbm4b:s26+s2], $0x80, $0x38;
	[tilespmem:$0xDF80] =	vst v63  }
0xa9: {  	s30 =	sadd.s32 s3, s28;
	s31 =	sand.u32 $0x1FFFFFF0, s29;
	s6 =	spop (v2sf)  }
0xaa: {  	[tilespmem:s4], [sflag:s15] =	stream.linear.gather [hbm4b:s30+s2], $0x80, $0x38;
	[tilespmem:$0xDF80] =	vst v63  }
0xab: {  	s7 =	sadd.s32 s3, s31;
	s9 =	sand.u32 $0x1FFFFFF0, s6;
	s10 =	spop (v2sf)  }
0xac: {  	[tilespmem:s5], [sflag:s15] =	stream.linear.gather [hbm4b:s7+s2], $0x80, $0x38;
	[tilespmem:$0xDF80] =	vst v63  }
0xad: {  	s12 =	sadd.s32 s3, s9;
	s20 =	sand.u32 $0x1FFFFFF0, s10;
	s21 =	spop (v2sf)  }
0xae: {  	[tilespmem:s19], [sflag:s15] =	stream.linear.gather [hbm4b:s12+s2], $0x80, $0x38;
	[tilespmem:$0xDF80] =	vst v63  }
0xaf: {  	s22 =	sadd.s32 s3, s20;
	s23 =	sand.u32 $0x1FFFFFF0, s21;
	s24 =	spop (v2sf)  }
0xb0: {  	[tilespmem:s18], [sflag:s15] =	stream.linear.gather [hbm4b:s22+s2], $0x80, $0x38;
	[tilespmem:$0xDF80] =	vst v63  }
0xb1: {  	s17 =	sadd.s32 $0x680, s16;
	s25 =	sadd.s32 s3, s23;
	s26 =	sand.u32 $0x1FFFFFF0, s24  }
0xb2: {  	[tilespmem:s17], [sflag:s15] =	stream.linear.gather [hbm4b:s25+s2], $0x80, $0x38;
	[tilespmem:$0xDF80] =	vst v63  }
0xb3: {  	s29 =	sadd.s32 $0x700, s16;
	s1 =	sadd.s32 s3, s26  }
0xb4: {  	[tilespmem:s29], [sflag:s15] =	stream.linear.gather [hbm4b:s1+s2], $0x80, $0x38;
	[tilespmem:$0xDF80] =	vst v63  }
.Ltmp3:
0xb5: {  	s28 =	spop (v2sf);
	(pc) =	sbr.rel @p1 .LBB2_2-.Ltmp3, $4  }
.Ltmp4:
0xb6: {  	s4 =	sand.u32 $0x1FFFFFF0, s28;
	(pc) =	sbr.rel @!p1 .LBB2_5-.Ltmp4, $4  }
0xb7: {  	p0 =	por $0x0, $0x0;
	s30 =	sadd.s32 $0x780, s16;
	s31 =	sadd.s32 s3, s4  }
0xb8: {  	[tilespmem:s30], [sflag:s15] =	stream.linear.gather [hbm4b:s31+s2], $0x80, $0x38;
	[tilespmem:$0xDF80] =	vst v63  }
0xb9: {  	s16 =	simm.s32 $0x1A0;
	s17 =	simm.s32 $0x1;
	s15 =	simm.s32 $0x0  }
0xba: {  	_ = 	snop  }
.LBB2_11:
0xbb: {  	s15 =	sadd.s32 $0x1, s15  }
0xbc: {  	p1 =	sne.s32 s15, $0x10  }
.Ltmp5:
0xbd: {  	_ = 	snop;
	(pc) =	sbr.rel @!p1 .LBB2_12-.Ltmp5, $2  }
0xbe: {  	_ =	sdelay $0x2  }
0xbf: {  	p0 =	por !p0, !p0;
	s16 =	sadd.s32 $0xD0, s16  }
.LBB2_5:
0xc0: {  	s0 =	simm.s32 $0x1  }
0xc1: {  	s0 =	simm.s32 @!p0 $0x0  }
0xc2: {  	s1 =	smul.u32 $0x1A000, s0;
	_ =	sdelay $0x1  }
0xc3: {  	s1 =	sshrl.u32 s1, $0x2  }
0xc4: {  	s18 =	sand.u32 $0x1, s15;
	s4 =	sadd.s32 $0xD00, s1  }
0xc5: {  	s17 =	sor.u32 $0x2, s18;
	[dreg:$0x4] =	wrdreg s4  }
0xc6: {  	_ =	swait.ge [sflag:s17], $0x6800  }
0xc7: {  	[sflag:s17] =	ssyncset.done $0x0  }
0xc8: {  	s0 =	sshll.u32 s0, $0x7;
	s20 =	sadd.s32 $0x1380, s1;
	[sflag:s17] =	ssyncadd.s32 $0xFFFF9800  }
0xc9: {  	s0 =	sadd.s32 $0xDD80, s0;
	v2 =	vld [tilespmem:s20+$0xFFFFF990]  }
0xca: {  	s21 =	simm.s32 $0x40;
	s19 =	simm.s32 $0x0;
	v1 =	vmov s0;
	v3 =	vld [tilespmem:s20+$0xFFFFF980]  }
.LBB2_6:
0xcb: {  	p1 =	sne.s32 s21, $0x1C0;
	v4 =	vld [tilespmem:s20+$0xFFFFFA10]  }
0xcc: {  	v5 =	vld [tilespmem:s20+$0xFFFFFA00]  }
0xcd: {  	v6 =	vld [tilespmem:s20+$0xFFFFFA90]  }
0xce: {  	v7 =	vadd.f32 $0.0e+00, v2;
	v8 =	vld [tilespmem:s20+$0xFFFFFA80]  }
0xcf: {  	v9 =	vadd.f32 $0.0e+00, v3;
	v10 =	vld [tilespmem:s20+$0xFFFFFB10]  }
0xd0: {  	v7 =	vadd.f32 v4, v7;
	v11 =	vld [tilespmem:s20+$0xFFFFFB00]  }
0xd1: {  	v9 =	vadd.f32 v5, v9;
	v12 =	vld [tilespmem:s20+$0xFFFFFB90]  }
0xd2: {  	v7 =	vadd.f32 v6, v7;
	v13 =	vld [tilespmem:s20+$0xFFFFFB80]  }
0xd3: {  	v3 =	vmul.f32 v3, v3;
	v5 =	vmul.f32 v5, v5;
	v9 =	vadd.f32 v8, v9;
	v14 =	vld [tilespmem:s20+$0xFFFFFC10]  }
0xd4: {  	v2 =	vmul.f32 v2, v2;
	v4 =	vmul.f32 v4, v4;
	v7 =	vadd.f32 v10, v7;
	v15 =	vld [tilespmem:s20+$0xFFFFFC00]  }
0xd5: {  	v3 =	vadd.f32 v5, v3;
	v5 =	vmul.f32 v8, v8;
	v8 =	vadd.f32 v11, v9;
	v9 =	vld [tilespmem:s20+$0xFFFFFC90]  }
0xd6: {  	v2 =	vadd.f32 v4, v2;
	v4 =	vmul.f32 v6, v6;
	v6 =	vadd.f32 v12, v7;
	v7 =	vld [tilespmem:s20+$0xFFFFFC80]  }
0xd7: {  	v3 =	vadd.f32 v5, v3;
	v5 =	vmul.f32 v11, v11;
	v8 =	vadd.f32 v13, v8;
	v11 =	vld [tilespmem:s20+$0xFFFFFD10]  }
0xd8: {  	v2 =	vadd.f32 v4, v2;
	v4 =	vmul.f32 v10, v10;
	v6 =	vadd.f32 v14, v6;
	v10 =	vld [tilespmem:s20+$0xFFFFFD00]  }
0xd9: {  	v3 =	vadd.f32 v5, v3;
	v5 =	vmul.f32 v13, v13;
	v8 =	vadd.f32 v15, v8;
	v13 =	vld [tilespmem:s20+$0xFFFFFD90]  }
0xda: {  	v2 =	vadd.f32 v4, v2;
	v4 =	vmul.f32 v12, v12;
	v6 =	vadd.f32 v9, v6;
	v12 =	vld [tilespmem:s20+$0xFFFFFD80]  }
0xdb: {  	v3 =	vadd.f32 v5, v3;
	v5 =	vmul.f32 v15, v15;
	v8 =	vadd.f32 v7, v8;
	v15 =	vld [tilespmem:s20+$0xFFFFFE10]  }
0xdc: {  	v2 =	vadd.f32 v4, v2;
	v4 =	vmul.f32 v14, v14;
	v6 =	vadd.f32 v11, v6;
	v14 =	vld [tilespmem:s20+$0xFFFFFE00]  }
0xdd: {  	v3 =	vadd.f32 v5, v3;
	v5 =	vmul.f32 v7, v7;
	v7 =	vadd.f32 v10, v8;
	v8 =	vld [tilespmem:s20+$0xFFFFFE90]  }
0xde: {  	v2 =	vadd.f32 v4, v2;
	v4 =	vmul.f32 v9, v9;
	v6 =	vadd.f32 v13, v6;
	v9 =	vld [tilespmem:s20+$0xFFFFFE80]  }
0xdf: {  	v3 =	vadd.f32 v5, v3;
	v5 =	vmul.f32 v10, v10;
	v7 =	vadd.f32 v12, v7;
	v10 =	vld [tilespmem:s20+$0xFFFFFF10]  }
0xe0: {  	v2 =	vadd.f32 v4, v2;
	v4 =	vmul.f32 v11, v11;
	v6 =	vadd.f32 v15, v6;
	v11 =	vld [tilespmem:s20+$0xFFFFFF00]  }
0xe1: {  	v3 =	vadd.f32 v5, v3;
	v5 =	vmul.f32 v12, v12;
	v7 =	vadd.f32 v14, v7;
	v12 =	vld [tilespmem:s20+$0xFFFFFF90]  }
0xe2: {  	v2 =	vadd.f32 v4, v2;
	v4 =	vmul.f32 v13, v13;
	v6 =	vadd.f32 v8, v6;
	v13 =	vld [tilespmem:s20+$0xFFFFFF80]  }
0xe3: {  	v3 =	vadd.f32 v5, v3;
	v5 =	vmul.f32 v14, v14;
	v7 =	vadd.f32 v9, v7;
	v14 =	vld [tilespmem:s20+$0x10]  }
0xe4: {  	v2 =	vadd.f32 v4, v2;
	v4 =	vmul.f32 v15, v15;
	v6 =	vadd.f32 v10, v6;
	v15 =	vld [tilespmem:s20+$0x0]  }
0xe5: {  	v3 =	vadd.f32 v5, v3;
	v5 =	vmul.f32 v9, v9;
	v7 =	vadd.f32 v11, v7;
	v9 =	vld [tilespmem:s20+$0x90]  }
0xe6: {  	v2 =	vadd.f32 v4, v2;
	v4 =	vmul.f32 v8, v8;
	v6 =	vadd.f32 v12, v6;
	v8 =	vld [tilespmem:s20+$0x80]  }
0xe7: {  	v3 =	vadd.f32 v5, v3;
	v5 =	vmul.f32 v11, v11;
	v7 =	vadd.f32 v13, v7;
	v11 =	vld [tilespmem:s20+$0x110]  }
0xe8: {  	v2 =	vadd.f32 v4, v2;
	v4 =	vmul.f32 v10, v10;
	v6 =	vadd.f32 v14, v6;
	v10 =	vld [tilespmem:s20+$0x100]  }
0xe9: {  	v3 =	vadd.f32 v5, v3;
	v5 =	vmul.f32 v13, v13;
	v7 =	vadd.f32 v15, v7;
	v13 =	vld [tilespmem:s20+$0x190]  }
0xea: {  	v2 =	vadd.f32 v4, v2;
	v4 =	vmul.f32 v12, v12;
	v6 =	vadd.f32 v9, v6;
	v12 =	vld [tilespmem:s20+$0x180]  }
0xeb: {  	v3 =	vadd.f32 v5, v3;
	v5 =	vmul.f32 v15, v15;
	v7 =	vadd.f32 v8, v7;
	v15 =	vld [tilespmem:s20+$0x210]  }
0xec: {  	v2 =	vadd.f32 v4, v2;
	v4 =	vmul.f32 v14, v14;
	v6 =	vadd.f32 v11, v6;
	v14 =	vld [tilespmem:s20+$0x200]  }
0xed: {  	v3 =	vadd.f32 v5, v3;
	v5 =	vmul.f32 v8, v8;
	v7 =	vadd.f32 v10, v7;
	v8 =	vld [tilespmem:s20+$0x290]  }
0xee: {  	v2 =	vadd.f32 v4, v2;
	v4 =	vmul.f32 v9, v9;
	v6 =	vadd.f32 v13, v6;
	v9 =	vld [tilespmem:s20+$0x280]  }
0xef: {  	v3 =	vadd.f32 v5, v3;
	v5 =	vmul.f32 v10, v10;
	v7 =	vadd.f32 v12, v7;
	v10 =	vld [tilespmem:s20+$0x310]  }
0xf0: {  	v2 =	vadd.f32 v4, v2;
	v4 =	vmul.f32 v11, v11;
	v6 =	vadd.f32 v15, v6;
	v11 =	vld [tilespmem:s20+$0x300]  }
0xf1: {  	v3 =	vadd.f32 v5, v3;
	v5 =	vmul.f32 v12, v12;
	v7 =	vadd.f32 v14, v7;
	v12 =	vld [tilespmem:s20+$0x390]  }
0xf2: {  	v2 =	vadd.f32 v4, v2;
	v4 =	vmul.f32 v13, v13;
	v6 =	vadd.f32 v8, v6;
	v13 =	vld [tilespmem:s20+$0x380]  }
0xf3: {  	v3 =	vadd.f32 v5, v3;
	v5 =	vmul.f32 v14, v14;
	v7 =	vadd.f32 v9, v7;
	v14 =	vld [tilespmem:s20+$0x410]  }
0xf4: {  	v2 =	vadd.f32 v4, v2;
	v4 =	vmul.f32 v15, v15;
	v6 =	vadd.f32 v10, v6;
	v15 =	vld [tilespmem:s20+$0x400]  }
0xf5: {  	v3 =	vadd.f32 v5, v3;
	v5 =	vmul.f32 v9, v9;
	v7 =	vadd.f32 v11, v7;
	v9 =	vld [tilespmem:s20+$0x490]  }
0xf6: {  	v2 =	vadd.f32 v4, v2;
	v4 =	vmul.f32 v8, v8;
	v6 =	vadd.f32 v12, v6;
	v8 =	vld [tilespmem:s20+$0x480]  }
0xf7: {  	v3 =	vadd.f32 v5, v3;
	v5 =	vmul.f32 v11, v11;
	v7 =	vadd.f32 v13, v7;
	v11 =	vld [tilespmem:s20+$0x510]  }
0xf8: {  	v2 =	vadd.f32 v4, v2;
	v4 =	vmul.f32 v10, v10;
	v6 =	vadd.f32 v14, v6;
	v10 =	vld [tilespmem:s20+$0x500]  }
0xf9: {  	v3 =	vadd.f32 v5, v3;
	v5 =	vmul.f32 v13, v13;
	v7 =	vadd.f32 v15, v7;
	v13 =	vld [tilespmem:s20+$0x590]  }
0xfa: {  	v2 =	vadd.f32 v4, v2;
	v4 =	vmul.f32 v12, v12;
	v6 =	vadd.f32 v9, v6;
	v12 =	vld [tilespmem:s20+$0x580]  }
0xfb: {  	v3 =	vadd.f32 v5, v3;
	v5 =	vmul.f32 v15, v15;
	v7 =	vadd.f32 v8, v7;
	v15 =	vld [tilespmem:s20+$0x610]  }
0xfc: {  	v2 =	vadd.f32 v4, v2;
	v4 =	vmul.f32 v14, v14;
	v6 =	vadd.f32 v11, v6;
	v14 =	vld [tilespmem:s20+$0x600]  }
0xfd: {  	v3 =	vadd.f32 v5, v3;
	v5 =	vmul.f32 v8, v8;
	v7 =	vadd.f32 v10, v7  }
0xfe: {  	v2 =	vadd.f32 v4, v2;
	v4 =	vmul.f32 v9, v9;
	v6 =	vadd.f32 v13, v6  }
0xff: {  	v3 =	vadd.f32 v5, v3;
	v5 =	vmul.f32 v10, v10;
	v7 =	vadd.f32 v12, v7  }
0x100: {  	v2 =	vadd.f32 v4, v2;
	v4 =	vmul.f32 v11, v11;
	v6 =	vadd.f32 v15, v6  }
0x101: {  	v3 =	vadd.f32 v5, v3;
	v5 =	vmul.f32 v12, v12;
	v7 =	vadd.f32 v14, v7  }
0x102: {  	v2 =	vadd.f32 v4, v2;
	v4 =	vmul.f32 v13, v13;
	v8 =	vmul.f32 v14, v14  }
0x103: {  	v3 =	vadd.f32 v5, v3;
	v6 =	vmul.f32 v6, v6;
	v5 =	vmul.f32 v7, v7  }
0x104: {  	v2 =	vadd.f32 v4, v2  }
0x105: {  	v4 =	vmul.f32 v15, v15;
	v3 =	vadd.f32 v8, v3;
	v5 =	vadd.f32 v6, v5;
	_ =	sdelay $0x1  }
0x106: {  	v2 =	vadd.f32 v4, v2;
	v3 =	vsub.f32 v5, v3;
	_ =	sdelay $0x1  }
.Ltmp6:
0x107: {  	v2 =	vsub.f32 v3, v2;
	(pc) =	sbr.rel @p1 .LBB2_6-.Ltmp6, $4  }
0x108: {  	s0 =	sshra.s32 s19, $0x2;
	s19 =	smov.u32 s21  }
0x109: {  	s20 =	sadd.s32 $0xD00, s20;
	[tilespmem:v1+s0+$0x0 ss:$0x1] =	vst.idx.msk $0xffff, v2  }
0x10a: {  	v2 =	vld [tilespmem:s20+$0xFFFFF990]  }
0x10b: {  	s21 =	sadd.s32 $0x40, s21;
	v3 =	vld [tilespmem:s20+$0xFFFFF980]  }
0x10c: {  	v4 =	vld [tilespmem:s20+$0xFFFFFA10]  }
0x10d: {  	v5 =	vld [tilespmem:s20+$0xFFFFFA00]  }
0x10e: {  	v6 =	vld [tilespmem:s20+$0xFFFFFA90]  }
0x10f: {  	v8 =	vld [tilespmem:s20+$0xFFFFFA80]  }
0x110: {  	v10 =	vld [tilespmem:s20+$0xFFFFFB10];
	v7 =	vadd.f32 $0.0e+00, v2;
	v9 =	vadd.f32 $0.0e+00, v3  }
0x111: {  	v11 =	vld [tilespmem:s20+$0xFFFFFB00]  }
0x112: {  	v12 =	vld [tilespmem:s20+$0xFFFFFB90];
	v7 =	vadd.f32 v4, v7;
	v9 =	vadd.f32 v5, v9  }
0x113: {  	v13 =	vld [tilespmem:s20+$0xFFFFFB80];
	v3 =	vmul.f32 v3, v3;
	v5 =	vmul.f32 v5, v5  }
0x114: {  	v14 =	vld [tilespmem:s20+$0xFFFFFC10];
	v2 =	vmul.f32 v2, v2;
	v7 =	vadd.f32 v6, v7;
	v9 =	vadd.f32 v8, v9  }
0x115: {  	v15 =	vld [tilespmem:s20+$0xFFFFFC00];
	v4 =	vmul.f32 v4, v4;
	v18 =	vmul.f32 v8, v8;
	v3 =	vadd.f32 v5, v3  }
0x116: {  	v20 =	vld [tilespmem:s20+$0xFFFFFC90];
	v21 =	vmul.f32 v6, v6;
	v7 =	vadd.f32 v10, v7;
	v19 =	vadd.f32 v11, v9  }
0x117: {  	v23 =	vld [tilespmem:s20+$0xFFFFFC80];
	v24 =	vmul.f32 v11, v11;
	v2 =	vadd.f32 v4, v2;
	v3 =	vadd.f32 v18, v3  }
0x118: {  	v25 =	vld [tilespmem:s20+$0xFFFFFD10];
	v26 =	vmul.f32 v10, v10;
	v22 =	vadd.f32 v12, v7;
	v8 =	vadd.f32 v13, v19  }
0x119: {  	v27 =	vld [tilespmem:s20+$0xFFFFFD00];
	v28 =	vmul.f32 v13, v13;
	v2 =	vadd.f32 v21, v2;
	v3 =	vadd.f32 v24, v3  }
0x11a: {  	v29 =	vld [tilespmem:s20+$0xFFFFFD90];
	v30 =	vmul.f32 v12, v12;
	v6 =	vadd.f32 v14, v22;
	v8 =	vadd.f32 v15, v8  }
0x11b: {  	v31 =	vld [tilespmem:s20+$0xFFFFFD80];
	v32 =	vmul.f32 v15, v15;
	v2 =	vadd.f32 v26, v2;
	v3 =	vadd.f32 v28, v3  }
0x11c: {  	v33 =	vld [tilespmem:s20+$0xFFFFFE10];
	v34 =	vmul.f32 v14, v14;
	v6 =	vadd.f32 v20, v6;
	v8 =	vadd.f32 v23, v8  }
0x11d: {  	v35 =	vld [tilespmem:s20+$0xFFFFFE00];
	v36 =	vmul.f32 v23, v23;
	v2 =	vadd.f32 v30, v2;
	v3 =	vadd.f32 v32, v3  }
0x11e: {  	v38 =	vld [tilespmem:s20+$0xFFFFFE90];
	v39 =	vmul.f32 v20, v20;
	v6 =	vadd.f32 v25, v6;
	v37 =	vadd.f32 v27, v8  }
0x11f: {  	v40 =	vld [tilespmem:s20+$0xFFFFFE80];
	v41 =	vmul.f32 v27, v27;
	v2 =	vadd.f32 v34, v2;
	v3 =	vadd.f32 v36, v3  }
0x120: {  	v42 =	vld [tilespmem:s20+$0xFFFFFF10];
	v43 =	vmul.f32 v25, v25;
	v6 =	vadd.f32 v29, v6;
	v7 =	vadd.f32 v31, v37  }
0x121: {  	v44 =	vld [tilespmem:s20+$0xFFFFFF00];
	v45 =	vmul.f32 v31, v31;
	v2 =	vadd.f32 v39, v2;
	v3 =	vadd.f32 v41, v3  }
0x122: {  	v46 =	vld [tilespmem:s20+$0xFFFFFF90];
	v47 =	vmul.f32 v29, v29;
	v6 =	vadd.f32 v33, v6;
	v7 =	vadd.f32 v35, v7  }
0x123: {  	v48 =	vld [tilespmem:s20+$0xFFFFFF80];
	v49 =	vmul.f32 v35, v35;
	v2 =	vadd.f32 v43, v2;
	v3 =	vadd.f32 v45, v3  }
0x124: {  	v50 =	vld [tilespmem:s20+$0x10];
	v51 =	vmul.f32 v33, v33;
	v6 =	vadd.f32 v38, v6;
	v7 =	vadd.f32 v40, v7  }
0x125: {  	v52 =	vld [tilespmem:s20+$0x0];
	v53 =	vmul.f32 v40, v40;
	v2 =	vadd.f32 v47, v2;
	v3 =	vadd.f32 v49, v3  }
0x126: {  	v54 =	vld [tilespmem:s20+$0x90];
	v55 =	vmul.f32 v38, v38;
	v6 =	vadd.f32 v42, v6;
	v7 =	vadd.f32 v44, v7  }
0x127: {  	v56 =	vld [tilespmem:s20+$0x80];
	v57 =	vmul.f32 v44, v44;
	v2 =	vadd.f32 v51, v2;
	v3 =	vadd.f32 v53, v3  }
0x128: {  	v58 =	vld [tilespmem:s20+$0x110];
	v59 =	vmul.f32 v42, v42;
	v6 =	vadd.f32 v46, v6;
	v7 =	vadd.f32 v48, v7  }
0x129: {  	v60 =	vld [tilespmem:s20+$0x100];
	v61 =	vmul.f32 v48, v48;
	v2 =	vadd.f32 v55, v2;
	v3 =	vadd.f32 v57, v3  }
0x12a: {  	v62 =	vld [tilespmem:s20+$0x190];
	v63 =	vmul.f32 v46, v46;
	v6 =	vadd.f32 v50, v6;
	v7 =	vadd.f32 v52, v7  }
0x12b: {  	v18 =	vld [tilespmem:s20+$0x180];
	v19 =	vmul.f32 v52, v52;
	v2 =	vadd.f32 v59, v2;
	v3 =	vadd.f32 v61, v3  }
0x12c: {  	v21 =	vmul.f32 v50, v50;
	v22 =	vld [tilespmem:s20+$0x200];
	v6 =	vadd.f32 v54, v6;
	v7 =	vadd.f32 v56, v7  }
0x12d: {  	v20 =	vld [tilespmem:s20+$0x210];
	v23 =	vmul.f32 v56, v56;
	v2 =	vadd.f32 v63, v2;
	v3 =	vadd.f32 v19, v3  }
0x12e: {  	v26 =	vld [tilespmem:s20+$0x280];
	v25 =	vmul.f32 v54, v54;
	v6 =	vadd.f32 v58, v6;
	v7 =	vadd.f32 v60, v7  }
0x12f: {  	v24 =	vld [tilespmem:s20+$0x290];
	v27 =	vmul.f32 v60, v60;
	v2 =	vadd.f32 v21, v2;
	v3 =	vadd.f32 v23, v3  }
0x130: {  	v30 =	vld [tilespmem:s20+$0x300];
	v29 =	vmul.f32 v58, v58;
	v6 =	vadd.f32 v62, v6;
	v7 =	vadd.f32 v18, v7  }
0x131: {  	v28 =	vld [tilespmem:s20+$0x310];
	v31 =	vmul.f32 v18, v18;
	v2 =	vadd.f32 v25, v2;
	v3 =	vadd.f32 v27, v3  }
0x132: {  	v34 =	vld [tilespmem:s20+$0x380];
	v33 =	vmul.f32 v62, v62;
	v6 =	vadd.f32 v20, v6;
	v7 =	vadd.f32 v22, v7  }
0x133: {  	v32 =	vld [tilespmem:s20+$0x390];
	v35 =	vmul.f32 v22, v22;
	v2 =	vadd.f32 v29, v2;
	v3 =	vadd.f32 v31, v3  }
0x134: {  	v39 =	vmul.f32 v26, v26;
	v36 =	vld [tilespmem:s20+$0x410];
	v6 =	vadd.f32 v24, v6;
	v7 =	vadd.f32 v26, v7  }
0x135: {  	v37 =	vmul.f32 v20, v20;
	v38 =	vld [tilespmem:s20+$0x400];
	v2 =	vadd.f32 v33, v2;
	v3 =	vadd.f32 v35, v3  }
0x136: {  	v43 =	vmul.f32 v30, v30;
	v40 =	vld [tilespmem:s20+$0x490];
	v6 =	vadd.f32 v28, v6;
	v7 =	vadd.f32 v30, v7  }
0x137: {  	v41 =	vmul.f32 v24, v24;
	v42 =	vld [tilespmem:s20+$0x480];
	v2 =	vadd.f32 v37, v2;
	v3 =	vadd.f32 v39, v3  }
0x138: {  	v47 =	vmul.f32 v34, v34;
	v44 =	vld [tilespmem:s20+$0x510];
	v6 =	vadd.f32 v32, v6;
	v7 =	vadd.f32 v34, v7  }
0x139: {  	v45 =	vmul.f32 v28, v28;
	v46 =	vld [tilespmem:s20+$0x500];
	v2 =	vadd.f32 v41, v2;
	v3 =	vadd.f32 v43, v3  }
0x13a: {  	v49 =	vmul.f32 v32, v32;
	v48 =	vld [tilespmem:s20+$0x590];
	v6 =	vadd.f32 v36, v6;
	v7 =	vadd.f32 v38, v7  }
0x13b: {  	v51 =	vmul.f32 v38, v38;
	v50 =	vld [tilespmem:s20+$0x580];
	v2 =	vadd.f32 v45, v2;
	v3 =	vadd.f32 v47, v3  }
0x13c: {  	v53 =	vmul.f32 v36, v36;
	v52 =	vld [tilespmem:s20+$0x610];
	v6 =	vadd.f32 v40, v6;
	v7 =	vadd.f32 v42, v7  }
0x13d: {  	v55 =	vmul.f32 v42, v42;
	v54 =	vld [tilespmem:s20+$0x600];
	v2 =	vadd.f32 v49, v2;
	v3 =	vadd.f32 v51, v3  }
0x13e: {  	v56 =	vmul.f32 v40, v40;
	v6 =	vadd.f32 v44, v6;
	v7 =	vadd.f32 v46, v7  }
0x13f: {  	v57 =	vmul.f32 v46, v46;
	v2 =	vadd.f32 v53, v2;
	v3 =	vadd.f32 v55, v3  }
0x140: {  	v6 =	vadd.f32 v48, v6;
	v7 =	vadd.f32 v50, v7  }
0x141: {  	v58 =	vmul.f32 v44, v44;
	v2 =	vadd.f32 v56, v2;
	v3 =	vadd.f32 v57, v3  }
0x142: {  	v59 =	vmul.f32 v50, v50;
	v6 =	vadd.f32 v52, v6;
	v7 =	vadd.f32 v54, v7  }
0x143: {  	v60 =	vmul.f32 v48, v48;
	v61 =	vmul.f32 v54, v54;
	v2 =	vadd.f32 v58, v2  }
0x144: {  	v3 =	vadd.f32 v59, v3;
	v6 =	vmul.f32 v6, v6;
	v62 =	vmul.f32 v7, v7  }
0x145: {  	p1 =	seq.s32 s18, $0x0;
	v63 =	vmul.f32 v52, v52;
	v2 =	vadd.f32 v60, v2  }
0x146: {  	v3 =	vadd.f32 v61, v3;
	v5 =	vadd.f32 v6, v62;
	v6 =	vlaneseq.u32 @!p1  }
0x147: {  	v6 =	vmul.u32 @!p1 $0x10, v6  }
0x148: {  	v2 =	vadd.f32 v63, v2;
	v3 =	vsub.f32 v5, v3;
	_ =	sdelay $0x1  }
0x149: {  	v2 =	vsub.f32 v3, v2;
	v3 =	vor.u32 @!p1 $0x1, v6  }
0x14a: {  	s0 =	sshra.s32 s19, $0x2  }
0x14b: {  	[tilespmem:v1+s0+$0x0 ss:$0x1] =	vst.idx.msk $0xffff, v2;
	s0 =	simm.s32 @!p1 $0xDD80;
	v1 =	vor.u32 @!p1 $0x2, v6  }
0x14c: {  	v2 =	vld.idx.msk @!p1 [tilespmem:v6+s0+$0x0], $0xffff  }
0x14d: {  	v4 =	vor.u32 @!p1 $0x3, v6  }
0x14e: {  	v3 =	vld.idx.msk @!p1 [tilespmem:v3+s0+$0x0], $0xffff  }
0x14f: {  	v5 =	vor.u32 @!p1 $0x4, v6  }
0x150: {  	v1 =	vld.idx.msk @!p1 [tilespmem:v1+s0+$0x0], $0xffff  }
0x151: {  	v7 =	vor.u32 @!p1 $0x5, v6;
	v2 =	vadd.f32 @!p1 $0.0e+00, v2  }
0x152: {  	v4 =	vld.idx.msk @!p1 [tilespmem:v4+s0+$0x0], $0xffff  }
0x153: {  	v2 =	vadd.f32 @!p1 v3, v2;
	v3 =	vor.u32 @!p1 $0x6, v6  }
0x154: {  	v5 =	vld.idx.msk @!p1 [tilespmem:v5+s0+$0x0], $0xffff  }
0x155: {  	v1 =	vadd.f32 @!p1 v1, v2;
	v2 =	vor.u32 @!p1 $0x7, v6  }
0x156: {  	v7 =	vld.idx.msk @!p1 [tilespmem:v7+s0+$0x0], $0xffff  }
0x157: {  	v1 =	vadd.f32 @!p1 v4, v1;
	v4 =	vor.u32 @!p1 $0x8, v6  }
0x158: {  	v3 =	vld.idx.msk @!p1 [tilespmem:v3+s0+$0x0], $0xffff  }
0x159: {  	v1 =	vadd.f32 @!p1 v5, v1;
	v5 =	vor.u32 @!p1 $0x9, v6  }
0x15a: {  	v2 =	vld.idx.msk @!p1 [tilespmem:v2+s0+$0x0], $0xffff  }
0x15b: {  	v1 =	vadd.f32 @!p1 v7, v1;
	v7 =	vor.u32 @!p1 $0xA, v6  }
0x15c: {  	v4 =	vld.idx.msk @!p1 [tilespmem:v4+s0+$0x0], $0xffff  }
0x15d: {  	v1 =	vadd.f32 @!p1 v3, v1;
	v3 =	vor.u32 @!p1 $0xB, v6  }
0x15e: {  	v5 =	vld.idx.msk @!p1 [tilespmem:v5+s0+$0x0], $0xffff  }
0x15f: {  	v1 =	vadd.f32 @!p1 v2, v1;
	v2 =	vor.u32 @!p1 $0xC, v6  }
0x160: {  	v7 =	vld.idx.msk @!p1 [tilespmem:v7+s0+$0x0], $0xffff  }
0x161: {  	v1 =	vadd.f32 @!p1 v4, v1;
	v4 =	vor.u32 @!p1 $0xD, v6  }
0x162: {  	v3 =	vld.idx.msk @!p1 [tilespmem:v3+s0+$0x0], $0xffff  }
0x163: {  	v1 =	vadd.f32 @!p1 v5, v1;
	v5 =	vor.u32 @!p1 $0xE, v6  }
0x164: {  	v2 =	vld.idx.msk @!p1 [tilespmem:v2+s0+$0x0], $0xffff  }
0x165: {  	v6 =	vor.u32 @!p1 $0xF, v6;
	v1 =	vadd.f32 @!p1 v7, v1  }
0x166: {  	v4 =	vld.idx.msk @!p1 [tilespmem:v4+s0+$0x0], $0xffff  }
0x167: {  	v1 =	vadd.f32 @!p1 v3, v1  }
0x168: {  	v3 =	vld.idx.msk @!p1 [tilespmem:v5+s0+$0x0], $0xffff  }
0x169: {  	v1 =	vadd.f32 @!p1 v2, v1  }
0x16a: {  	v2 =	vld.idx.msk @!p1 [tilespmem:v6+s0+$0x0], $0xffff;
	s0 =	sshll.u32 @!p1 s15, $0x3  }
0x16b: {  	s0 =	sand.u32 @!p1 $0x70, s0;
	v1 =	vadd.f32 @!p1 v4, v1  }
0x16c: {  	v4 =	vld @!p1 [tilespmem:s0+$0xDD00]  }
0x16d: {  	v1 =	vadd.f32 @!p1 v3, v1;
	_ =	sdelay $0x1  }
0x16e: {  	v1 =	vadd.f32 @!p1 v2, v1;
	_ =	sdelay $0x1  }
0x16f: {  	v2 =	vadd.f32 @!p1 v4, v0;
	v1 =	vmul.f32 @!p1 $5.000000000e-01, v1;
	_ =	sdelay $0x1  }
0x170: {  	v1 =	vadd.f32 @!p1 v1, v2;
	_ =	sdelay $0x1  }
0x171: {  	v1 =	vsub.f32 @!p1 $0.0e+00, v1;
	_ =	sdelay $0x1  }
0x172: {  	v1 =	vmul.f32 @!p1 $1.442695020e+00, v1;
	_ =	sdelay $0x1  }
0x173: {  	(erf) = vpow2.f32 @!p1 v1;
	_ =	sdelay $0x8  }
0x174: {  	v1 =	vpop @!p1 (erf)  }
0x175: {  	v1 =	vadd.f32 @!p1 $1.000000000e+00, v1;
	_ =	sdelay $0x1  }
0x176: {  	(erf) = vrcp.f32 @!p1 v1;
	_ =	sdelay $0x4  }
0x177: {  	p2 =	sgt.u32 s15, $0xD  }
.Ltmp7:
0x178: {  	_ = 	snop;
	(pc) =	sbr.rel @p2 .LBB2_11-.Ltmp7, $3  }
0x179: {  	_ =	sdelay $0x1  }
0x17a: {  	v1 =	vpop @!p1 (erf)  }
0x17b: {  	s20 =	simm.s32 $0x0;
	[tilespmem:s0+$0xDE80] =	vst @!p1 v1  }
0x17c: {  	v1 =	vld [tilespmem:s16+$0x0];
	_ =	sdelay $0x4  }
0x17d: {  	v1 =	vshll.u32 v1, $0x4  }
0x17e: {  	(v2sf) =	vpush v1, $0x0  }
0x17f: {  	(v2sf) =	vpush v1, $0x2  }
0x180: {  	(v2sf) =	vpush v1, $0x1  }
0x181: {  	s21 =	sadd.s32 $0x10, s16;
	s18 =	simm.s32 $0x2000;
	(v2sf) =	vpush v1, $0x3  }
0x182: {  	s22 =	simm.s32 $0x4000;
	s23 =	rddreg [dreg:$0x4];
	s19 =	smov.u32 s21;
	(v2sf) =	vpush v1, $0x4  }
.LBB2_9:
0x183: {  	_ =	sdelay $0x3  }
0x184: {  	(v2sf) =	vpush v1, $0x5  }
0x185: {  	s1 =	sshra.s32 s20, $0x2  }
0x186: {  	s0 =	smov.u32 s22;
	s23 =	sadd.s32 s1, s23;
	(v2sf) =	vpush v1, $0x6  }
0x187: {  	s20 =	smov.u32 s18;
	s18 =	smov.u32 s0;
	s0 =	sadd.s32 $0x80, s23  }
0x188: {  	s26 =	sadd.s32 $0x580, s23;
	s25 =	sadd.s32 $0x600, s23;
	s24 =	sadd.s32 $0x680, s23;
	(v2sf) =	vpush v1, $0x7  }
0x189: {  	s30 =	sadd.s32 $0x400, s23;
	s29 =	sadd.s32 $0x480, s23;
	s28 =	sadd.s32 $0x500, s23  }
0x18a: {  	s1 =	sadd.s32 $0x300, s23;
	s31 =	sadd.s32 $0x380, s23;
	s4 =	spop (v2sf);
	(v2sf) =	vpush v1, $0x8  }
0x18b: {  	s5 =	sadd.s32 $0x100, s23;
	s4 =	sand.u32 $0x1FFFFFF0, s4;
	s9 =	spop (v2sf)  }
0x18c: {  	s10 =	sadd.s32 $0x280, s23;
	s4 =	sadd.s32 s3, s4;
	s12 =	spop (v2sf);
	(v2sf) =	vpush v1, $0x9  }
0x18d: {  	[tilespmem:s23], [sflag:s17] =	stream.linear.gather [hbm4b:s4+s2], $0x80, $0x38;
	[tilespmem:$0xDF80] =	vst v63  }
0x18e: {  	s6 =	sadd.s32 $0x200, s23;
	s7 =	sand.u32 $0x1FFFFFF0, s12;
	s12 =	spop (v2sf);
	(v2sf) =	vpush v1, $0xA  }
0x18f: {  	s9 =	sand.u32 $0x1FFFFFF0, s9;
	s4 =	sadd.s32 s3, s7;
	s7 =	spop (v2sf)  }
0x190: {  	(v2sf) =	vpush v1, $0xB;
	[tilespmem:s0], [sflag:s17] =	stream.linear.gather [hbm4b:s4+s2], $0x80, $0x38;
	[tilespmem:$0xDF80] =	vst v63  }
0x191: {  	s9 =	sadd.s32 s3, s9;
	s12 =	sand.u32 $0x1FFFFFF0, s12;
	s7 =	sand.u32 $0x1FFFFFF0, s7  }
0x192: {  	(v2sf) =	vpush v1, $0xC;
	[tilespmem:s5], [sflag:s17] =	stream.linear.gather [hbm4b:s9+s2], $0x80, $0x38;
	[tilespmem:$0xDF80] =	vst v63  }
0x193: {  	s4 =	sadd.s32 s3, s12;
	s12 =	spop (v2sf);
	s9 =	sadd.s32 $0x180, s23  }
0x194: {  	(v2sf) =	vpush v1, $0xD;
	[tilespmem:s9], [sflag:s17] =	stream.linear.gather [hbm4b:s4+s2], $0x80, $0x38;
	[tilespmem:$0xDF80] =	vst v63  }
0x195: {  	s7 =	sadd.s32 s3, s7;
	s9 =	sand.u32 $0x1FFFFFF0, s12;
	s12 =	spop (v2sf)  }
0x196: {  	(v2sf) =	vpush v1, $0xE;
	[tilespmem:s6], [sflag:s17] =	stream.linear.gather [hbm4b:s7+s2], $0x80, $0x38;
	[tilespmem:$0xDF80] =	vst v63  }
0x197: {  	s7 =	sadd.s32 s3, s9;
	s9 =	sand.u32 $0x1FFFFFF0, s12;
	s12 =	spop (v2sf)  }
0x198: {  	(v2sf) =	vpush v1, $0xF;
	[tilespmem:s10], [sflag:s17] =	stream.linear.gather [hbm4b:s7+s2], $0x80, $0x38;
	[tilespmem:$0xDF80] =	vst v63  }
0x199: {  	s4 =	sadd.s32 s3, s9;
	s6 =	sand.u32 $0x1FFFFFF0, s12;
	s7 =	spop (v2sf)  }
0x19a: {  	[tilespmem:s1], [sflag:s17] =	stream.linear.gather [hbm4b:s4+s2], $0x80, $0x38;
	[tilespmem:$0xDF80] =	vst v63  }
0x19b: {  	s9 =	sadd.s32 s3, s6;
	s10 =	sand.u32 $0x1FFFFFF0, s7;
	s12 =	spop (v2sf)  }
0x19c: {  	[tilespmem:s31], [sflag:s17] =	stream.linear.gather [hbm4b:s9+s2], $0x80, $0x38;
	[tilespmem:$0xDF80] =	vst v63  }
0x19d: {  	s5 =	sadd.s32 s3, s10;
	s6 =	sand.u32 $0x1FFFFFF0, s12;
	s7 =	spop (v2sf)  }
0x19e: {  	[tilespmem:s30], [sflag:s17] =	stream.linear.gather [hbm4b:s5+s2], $0x80, $0x38;
	[tilespmem:$0xDF80] =	vst v63  }
0x19f: {  	s9 =	sadd.s32 s3, s6;
	s10 =	sand.u32 $0x1FFFFFF0, s7;
	s12 =	spop (v2sf)  }
0x1a0: {  	[tilespmem:s29], [sflag:s17] =	stream.linear.gather [hbm4b:s9+s2], $0x80, $0x38;
	[tilespmem:$0xDF80] =	vst v63  }
0x1a1: {  	s30 =	sand.u32 $0x1FFFFFF0, s12;
	s31 =	spop (v2sf);
	s29 =	sadd.s32 s3, s10  }
0x1a2: {  	[tilespmem:s28], [sflag:s17] =	stream.linear.gather [hbm4b:s29+s2], $0x80, $0x38;
	[tilespmem:$0xDF80] =	vst v63  }
0x1a3: {  	s5 =	sadd.s32 s3, s30;
	s6 =	sand.u32 $0x1FFFFFF0, s31;
	s7 =	spop (v2sf)  }
0x1a4: {  	[tilespmem:s26], [sflag:s17] =	stream.linear.gather [hbm4b:s5+s2], $0x80, $0x38;
	[tilespmem:$0xDF80] =	vst v63  }
0x1a5: {  	s9 =	sadd.s32 s3, s6;
	s10 =	sand.u32 $0x1FFFFFF0, s7;
	s12 =	spop (v2sf)  }
0x1a6: {  	[tilespmem:s25], [sflag:s17] =	stream.linear.gather [hbm4b:s9+s2], $0x80, $0x38;
	[tilespmem:$0xDF80] =	vst v63  }
0x1a7: {  	s26 =	sand.u32 $0x1FFFFFF0, s12;
	s28 =	spop (v2sf);
	s25 =	sadd.s32 s3, s10  }
0x1a8: {  	[tilespmem:s24], [sflag:s17] =	stream.linear.gather [hbm4b:s25+s2], $0x80, $0x38;
	[tilespmem:$0xDF80] =	vst v63  }
0x1a9: {  	s29 =	sadd.s32 $0x700, s23;
	s1 =	sadd.s32 s3, s26;
	s4 =	sand.u32 $0x1FFFFFF0, s28  }
0x1aa: {  	[tilespmem:s29], [sflag:s17] =	stream.linear.gather [hbm4b:s1+s2], $0x80, $0x38;
	[tilespmem:$0xDF80] =	vst v63  }
0x1ab: {  	s30 =	sadd.s32 $0x780, s23;
	s31 =	sadd.s32 s3, s4  }
0x1ac: {  	[tilespmem:s30], [sflag:s17] =	stream.linear.gather [hbm4b:s31+s2], $0x80, $0x38;
	[tilespmem:$0xDF80] =	vst v63  }
0x1ad: {  	v1 =	vld [tilespmem:s19+$0x0];
	_ =	sdelay $0x4  }
0x1ae: {  	p1 =	sne.s32 s22, $0x18000;
	v1 =	vshll.u32 v1, $0x4  }
.Ltmp8:
0x1af: {  	(v2sf) =	vpush v1, $0x0;
	(pc) =	sbr.rel @p1 .LBB2_9-.Ltmp8, $4  }
0x1b0: {  	(v2sf) =	vpush v1, $0x2  }
0x1b1: {  	(v2sf) =	vpush v1, $0x1  }
0x1b2: {  	s21 =	sadd.s32 $0x10, s21;
	(v2sf) =	vpush v1, $0x3  }
0x1b3: {  	s22 =	sadd.s32 $0x2000, s22;
	s23 =	rddreg [dreg:$0x4];
	s19 =	smov.u32 s21;
	(v2sf) =	vpush v1, $0x4  }
0x1b4: {  	_ =	sdelay $0x3  }
0x1b5: {  	(v2sf) =	vpush v1, $0x5  }
0x1b6: {  	s0 =	sshra.s32 s20, $0x2  }
0x1b7: {  	s20 =	sadd.s32 s0, s23;
	(v2sf) =	vpush v1, $0x6  }
0x1b8: {  	s0 =	sadd.s32 $0x80, s20  }
0x1b9: {  	s23 =	sadd.s32 $0x580, s20;
	s22 =	sadd.s32 $0x600, s20;
	s21 =	sadd.s32 $0x680, s20;
	(v2sf) =	vpush v1, $0x7  }
0x1ba: {  	s1 =	sadd.s32 $0x400, s20;
	s4 =	sadd.s32 $0x480, s20;
	s5 =	sadd.s32 $0x500, s20  }
0x1bb: {  	s6 =	sadd.s32 $0x300, s20;
	s7 =	sadd.s32 $0x380, s20;
	s9 =	spop (v2sf);
	(v2sf) =	vpush v1, $0x8  }
0x1bc: {  	s10 =	sadd.s32 $0x100, s20;
	s9 =	sand.u32 $0x1FFFFFF0, s9;
	s12 =	spop (v2sf)  }
0x1bd: {  	s24 =	sadd.s32 $0x280, s20;
	s9 =	sadd.s32 s3, s9;
	s25 =	spop (v2sf);
	(v2sf) =	vpush v1, $0x9  }
0x1be: {  	[tilespmem:s20], [sflag:s17] =	stream.linear.gather [hbm4b:s9+s2], $0x80, $0x38;
	[tilespmem:$0xDF80] =	vst v63  }
0x1bf: {  	s26 =	sadd.s32 $0x200, s20;
	s30 =	sand.u32 $0x1FFFFFF0, s25;
	s31 =	spop (v2sf);
	(v2sf) =	vpush v1, $0xA  }
0x1c0: {  	s12 =	sand.u32 $0x1FFFFFF0, s12;
	s9 =	sadd.s32 s3, s30;
	s28 =	spop (v2sf)  }
0x1c1: {  	(v2sf) =	vpush v1, $0xB;
	[tilespmem:s0], [sflag:s17] =	stream.linear.gather [hbm4b:s9+s2], $0x80, $0x38;
	[tilespmem:$0xDF80] =	vst v63  }
0x1c2: {  	s29 =	sadd.s32 s3, s12;
	s25 =	sadd.s32 $0x180, s20;
	s30 =	sand.u32 $0x1FFFFFF0, s31  }
0x1c3: {  	(v2sf) =	vpush v1, $0xC;
	[tilespmem:s10], [sflag:s17] =	stream.linear.gather [hbm4b:s29+s2], $0x80, $0x38;
	[tilespmem:$0xDF80] =	vst v63  }
0x1c4: {  	s31 =	sand.u32 $0x1FFFFFF0, s28;
	s9 =	sadd.s32 s3, s30;
	s28 =	spop (v2sf)  }
0x1c5: {  	(v2sf) =	vpush v1, $0xD;
	[tilespmem:s25], [sflag:s17] =	stream.linear.gather [hbm4b:s9+s2], $0x80, $0x38;
	[tilespmem:$0xDF80] =	vst v63  }
0x1c6: {  	s30 =	sand.u32 $0x1FFFFFF0, s28;
	s29 =	sadd.s32 s3, s31;
	s31 =	spop (v2sf)  }
0x1c7: {  	(v2sf) =	vpush v1, $0xE;
	[tilespmem:s26], [sflag:s17] =	stream.linear.gather [hbm4b:s29+s2], $0x80, $0x38;
	[tilespmem:$0xDF80] =	vst v63  }
0x1c8: {  	s10 =	sand.u32 $0x1FFFFFF0, s31;
	s12 =	spop (v2sf);
	s9 =	sadd.s32 s3, s30  }
0x1c9: {  	(v2sf) =	vpush v1, $0xF;
	[tilespmem:s24], [sflag:s17] =	stream.linear.gather [hbm4b:s9+s2], $0x80, $0x38;
	[tilespmem:$0xDF80] =	vst v63  }
0x1ca: {  	s25 =	sadd.s32 s3, s10;
	s26 =	sand.u32 $0x1FFFFFF0, s12;
	s28 =	spop (v2sf)  }
0x1cb: {  	[tilespmem:s6], [sflag:s17] =	stream.linear.gather [hbm4b:s25+s2], $0x80, $0x38;
	[tilespmem:$0xDF80] =	vst v63  }
0x1cc: {  	s29 =	sadd.s32 s3, s26;
	s30 =	sand.u32 $0x1FFFFFF0, s28;
	s31 =	spop (v2sf)  }
0x1cd: {  	[tilespmem:s7], [sflag:s17] =	stream.linear.gather [hbm4b:s29+s2], $0x80, $0x38;
	[tilespmem:$0xDF80] =	vst v63  }
0x1ce: {  	s10 =	sadd.s32 s3, s30;
	s12 =	sand.u32 $0x1FFFFFF0, s31;
	s24 =	spop (v2sf)  }
0x1cf: {  	[tilespmem:s1], [sflag:s17] =	stream.linear.gather [hbm4b:s10+s2], $0x80, $0x38;
	[tilespmem:$0xDF80] =	vst v63  }
0x1d0: {  	s25 =	sadd.s32 s3, s12;
	s26 =	sand.u32 $0x1FFFFFF0, s24;
	s28 =	spop (v2sf)  }
0x1d1: {  	[tilespmem:s4], [sflag:s17] =	stream.linear.gather [hbm4b:s25+s2], $0x80, $0x38;
	[tilespmem:$0xDF80] =	vst v63  }
0x1d2: {  	s29 =	sadd.s32 s3, s26;
	s30 =	sand.u32 $0x1FFFFFF0, s28;
	s31 =	spop (v2sf)  }
0x1d3: {  	[tilespmem:s5], [sflag:s17] =	stream.linear.gather [hbm4b:s29+s2], $0x80, $0x38;
	[tilespmem:$0xDF80] =	vst v63  }
0x1d4: {  	s1 =	sadd.s32 s3, s30;
	s6 =	spop (v2sf);
	s5 =	sand.u32 $0x1FFFFFF0, s31  }
0x1d5: {  	[tilespmem:s23], [sflag:s17] =	stream.linear.gather [hbm4b:s1+s2], $0x80, $0x38;
	[tilespmem:$0xDF80] =	vst v63  }
0x1d6: {  	s9 =	sand.u32 $0x1FFFFFF0, s6;
	s10 =	spop (v2sf);
	s7 =	sadd.s32 s3, s5  }
0x1d7: {  	[tilespmem:s22], [sflag:s17] =	stream.linear.gather [hbm4b:s7+s2], $0x80, $0x38;
	[tilespmem:$0xDF80] =	vst v63  }
0x1d8: {  	s12 =	sadd.s32 s3, s9;
	s23 =	spop (v2sf);
	s22 =	sand.u32 $0x1FFFFFF0, s10  }
0x1d9: {  	[tilespmem:s21], [sflag:s17] =	stream.linear.gather [hbm4b:s12+s2], $0x80, $0x38;
	[tilespmem:$0xDF80] =	vst v63  }
0x1da: {  	s24 =	sadd.s32 $0x700, s20;
	s4 =	sand.u32 $0x1FFFFFF0, s23;
	s1 =	sadd.s32 s3, s22  }
0x1db: {  	[tilespmem:s24], [sflag:s17] =	stream.linear.gather [hbm4b:s1+s2], $0x80, $0x38;
	[tilespmem:$0xDF80] =	vst v63  }
0x1dc: {  	s25 =	sadd.s32 $0x780, s20;
	s26 =	sadd.s32 s3, s4  }
0x1dd: {  	[tilespmem:s25], [sflag:s17] =	stream.linear.gather [hbm4b:s26+s2], $0x80, $0x38;
	[tilespmem:$0xDF80] =	vst v63  }
0x1de: {  	v1 =	vld [tilespmem:s19+$0x0];
	_ =	sdelay $0x4  }
0x1df: {  	v1 =	vshll.u32 v1, $0x4  }
0x1e0: {  	(v2sf) =	vpush v1, $0x0  }
0x1e1: {  	(v2sf) =	vpush v1, $0x2  }
0x1e2: {  	(v2sf) =	vpush v1, $0x1;
	_ =	sdelay $0x1  }
0x1e3: {  	(v2sf) =	vpush v1, $0x3  }
0x1e4: {  	(v2sf) =	vpush v1, $0x4;
	_ =	sdelay $0x3  }
0x1e5: {  	(v2sf) =	vpush v1, $0x5;
	_ =	sdelay $0x1  }
0x1e6: {  	s28 =	rddreg [dreg:$0x4];
	s29 =	sshra.s32 s18, $0x2;
	(v2sf) =	vpush v1, $0x6  }
0x1e7: {  	s18 =	sadd.s32 s29, s28  }
0x1e8: {  	s0 =	sadd.s32 $0x80, s18;
	s5 =	sadd.s32 $0x500, s18;
	(v2sf) =	vpush v1, $0x7  }
0x1e9: {  	s6 =	sadd.s32 $0x300, s18;
	s4 =	sadd.s32 $0x480, s18;
	s7 =	sadd.s32 $0x380, s18  }
0x1ea: {  	s10 =	sadd.s32 $0x100, s18;
	s22 =	sadd.s32 $0x280, s18;
	s30 =	spop (v2sf);
	(v2sf) =	vpush v1, $0x8  }
0x1eb: {  	s21 =	sadd.s32 $0x580, s18;
	s9 =	sand.u32 $0x1FFFFFF0, s30;
	s31 =	spop (v2sf)  }
0x1ec: {  	s1 =	sadd.s32 $0x400, s18;
	(v2sf) =	vpush v1, $0x9;
	s9 =	sadd.s32 s3, s9;
	s24 =	spop (v2sf)  }
0x1ed: {  	[tilespmem:s18], [sflag:s17] =	stream.linear.gather [hbm4b:s9+s2], $0x80, $0x38;
	[tilespmem:$0xDF80] =	vst v63  }
0x1ee: {  	s12 =	sand.u32 $0x1FFFFFF0, s31;
	(v2sf) =	vpush v1, $0xA;
	s25 =	sand.u32 $0x1FFFFFF0, s24;
	s26 =	spop (v2sf)  }
0x1ef: {  	s24 =	sadd.s32 $0x200, s18;
	s9 =	sadd.s32 s3, s25;
	s28 =	spop (v2sf)  }
0x1f0: {  	(v2sf) =	vpush v1, $0xB;
	[tilespmem:s0], [sflag:s17] =	stream.linear.gather [hbm4b:s9+s2], $0x80, $0x38;
	[tilespmem:$0xDF80] =	vst v63  }
0x1f1: {  	s29 =	sadd.s32 s3, s12;
	s30 =	sand.u32 $0x1FFFFFF0, s26;
	s31 =	sand.u32 $0x1FFFFFF0, s28  }
0x1f2: {  	(v2sf) =	vpush v1, $0xC;
	[tilespmem:s10], [sflag:s17] =	stream.linear.gather [hbm4b:s29+s2], $0x80, $0x38;
	[tilespmem:$0xDF80] =	vst v63  }
0x1f3: {  	s9 =	sadd.s32 s3, s30;
	s23 =	spop (v2sf);
	s10 =	sadd.s32 $0x180, s18  }
0x1f4: {  	(v2sf) =	vpush v1, $0xD;
	[tilespmem:s10], [sflag:s17] =	stream.linear.gather [hbm4b:s9+s2], $0x80, $0x38;
	[tilespmem:$0xDF80] =	vst v63  }
0x1f5: {  	s25 =	sadd.s32 s3, s31;
	s26 =	sand.u32 $0x1FFFFFF0, s23;
	s28 =	spop (v2sf)  }
0x1f6: {  	[tilespmem:s24], [sflag:s17] =	stream.linear.gather [hbm4b:s25+s2], $0x80, $0x38;
	[tilespmem:$0xDF80] =	vst v63  }
0x1f7: {  	s29 =	sadd.s32 s3, s26;
	s30 =	sand.u32 $0x1FFFFFF0, s28;
	s31 =	spop (v2sf)  }
0x1f8: {  	(v2sf) =	vpush v1, $0xE;
	[tilespmem:s22], [sflag:s17] =	stream.linear.gather [hbm4b:s29+s2], $0x80, $0x38;
	[tilespmem:$0xDF80] =	vst v63  }
0x1f9: {  	s9 =	sadd.s32 s3, s30;
	s10 =	sand.u32 $0x1FFFFFF0, s31;
	s12 =	spop (v2sf)  }
0x1fa: {  	(v2sf) =	vpush v1, $0xF;
	[tilespmem:s6], [sflag:s17] =	stream.linear.gather [hbm4b:s9+s2], $0x80, $0x38;
	[tilespmem:$0xDF80] =	vst v63  }
0x1fb: {  	s22 =	sadd.s32 s3, s10;
	s23 =	sand.u32 $0x1FFFFFF0, s12;
	s24 =	spop (v2sf)  }
0x1fc: {  	[tilespmem:s7], [sflag:s17] =	stream.linear.gather [hbm4b:s22+s2], $0x80, $0x38;
	[tilespmem:$0xDF80] =	vst v63  }
0x1fd: {  	s25 =	sadd.s32 s3, s23;
	s26 =	sand.u32 $0x1FFFFFF0, s24;
	s28 =	spop (v2sf)  }
0x1fe: {  	[tilespmem:s1], [sflag:s17] =	stream.linear.gather [hbm4b:s25+s2], $0x80, $0x38;
	[tilespmem:$0xDF80] =	vst v63  }
0x1ff: {  	s29 =	sadd.s32 s3, s26;
	s30 =	sand.u32 $0x1FFFFFF0, s28;
	s31 =	spop (v2sf)  }
0x200: {  	[tilespmem:s4], [sflag:s17] =	stream.linear.gather [hbm4b:s29+s2], $0x80, $0x38;
	[tilespmem:$0xDF80] =	vst v63  }
0x201: {  	s6 =	sand.u32 $0x1FFFFFF0, s31;
	s7 =	spop (v2sf);
	s4 =	sadd.s32 s3, s30  }
0x202: {  	[tilespmem:s5], [sflag:s17] =	stream.linear.gather [hbm4b:s4+s2], $0x80, $0x38;
	[tilespmem:$0xDF80] =	vst v63  }
0x203: {  	s9 =	sadd.s32 s3, s6;
	s10 =	sand.u32 $0x1FFFFFF0, s7;
	s12 =	spop (v2sf)  }
0x204: {  	[tilespmem:s21], [sflag:s17] =	stream.linear.gather [hbm4b:s9+s2], $0x80, $0x38;
	[tilespmem:$0xDF80] =	vst v63  }
0x205: {  	s20 =	sadd.s32 $0x600, s18;
	s22 =	sadd.s32 s3, s10;
	s23 =	sand.u32 $0x1FFFFFF0, s12  }
0x206: {  	[tilespmem:s20], [sflag:s17] =	stream.linear.gather [hbm4b:s22+s2], $0x80, $0x38;
	[tilespmem:$0xDF80] =	vst v63  }
0x207: {  	s19 =	sadd.s32 $0x680, s18;
	s24 =	spop (v2sf);
	s25 =	sadd.s32 s3, s23  }
0x208: {  	[tilespmem:s19], [sflag:s17] =	stream.linear.gather [hbm4b:s25+s2], $0x80, $0x38;
	[tilespmem:$0xDF80] =	vst v63  }
.Ltmp9:
0x209: {  	s26 =	sand.u32 $0x1FFFFFF0, s24;
	s28 =	spop (v2sf);
	(pc) =	sbr.rel .LBB2_11-.Ltmp9, $4  }
0x20a: {  	s29 =	sadd.s32 $0x700, s18;
	s1 =	sadd.s32 s3, s26;
	s4 =	sand.u32 $0x1FFFFFF0, s28  }
0x20b: {  	[tilespmem:s29], [sflag:s17] =	stream.linear.gather [hbm4b:s1+s2], $0x80, $0x38;
	[tilespmem:$0xDF80] =	vst v63  }
0x20c: {  	s30 =	sadd.s32 $0x780, s18;
	s31 =	sadd.s32 s3, s4  }
0x20d: {  	[tilespmem:s30], [sflag:s17] =	stream.linear.gather [hbm4b:s31+s2], $0x80, $0x38;
	[tilespmem:$0xDF80] =	vst v63  }
.LBB2_13:
0x20e: {  	_ =	sfence.sel $0x180000  }
0x20f: {  	[bflag:$0x0] =	sbarrier.arrive $0xFFFF  }
0x210: {  	_ =	strace $0x9000004A  }
0x211: {  	s0 =	stileid.u32;
	[bflag:$0x2] =	sbarrier.arrive $0xFFFF  }
0x212: {  	p0 =	sne.s32 s0, $0x0;
	s0 =	rddreg [dreg:$0x2]  }
0x213: {  	s0 =	sadd.s32 @!p0 $0x100000, s0  }
0x214: {  	[sflag:s0] =	ssyncadd.tile.s32 @!p0 $0x1;
	_ =	shalt  }
.Lfunc_end2:
_tile_overlayer_lowered:
.L_overlay_start_2:
0x215: {  	(tag) =	ssettag $0x2  }
0x216: {  	s0 =	rddreg [dreg:$0x0];
	s2 =	stileid.u32  }
0x217: {  	s1 =	rddreg [dreg:$0x1];
	p0 =	sne.s32 s2, $0x0  }
0x218: {  	s3 =	rddreg [dreg:$0x2];
	[bflag:$0x3] =	sbarrier.arrive $0xFFFF;
	s2 =	simm.s32 @!p0 $0x1C04  }
0x219: {  	[timem:s3], [sflag:s2] =	dma.local @!p0 [hbm:s0], s1  }
0x21a: {  	s0 =	simm.s32 @!p0 $0x4  }
0x21b: {  	_ =	swait.ge @!p0 [sflag:s0], s1  }
0x21c: {  	s1 =	ssub.s32 @!p0 $0x0, s1;
	[sflag:s0] =	ssyncset.done @!p0 $0x0  }
0x21d: {  	[sflag:s0] =	ssyncadd.s32 @!p0 s1  }
0x21e: {  	[bflag:$0x3] =	sbarrier.arrive $0xFFFF  }
0x21f: {  	_ =	shalt  }

</sc_bundles>
